<compile_context>
chip_gen: v7x
topology: tpu7x:2x2x1
jax: 0.10.2.dev20260603
libtpu: 0.0.44.dev20260713+nightly
codegen_flags: <defaults>
</compile_context>

<pallas_src>
import functools
import math

import jax
import jax.numpy as jnp
from jax import lax
from jax.experimental import pallas as pl
from jax.experimental.pallas import tpu as pltpu
from jax.experimental.pallas import tpu_sc as plsc

_D = 64
_SCALE = 8.0
_LANES = 16
_NC = 2
_NS = 16
_NW = _NC * _NS
_C = 128
_NBUF = 5
_LOOK = 3


@jax.jit
def _gather_scale(idx1d, lut3):
    B = 4096
    S = idx1d.shape[0] // B
    nchunk = S
    ngroup = nchunk // _NBUF
    mesh = plsc.VectorSubcoreMesh(core_axis_name="c", subcore_axis_name="s")

    @functools.partial(
        pl.kernel,
        out_type=jax.ShapeDtypeStruct((S * B, _D), jnp.float32),
        mesh=mesh,
        scratch_types=[
            pltpu.VMEM((_NBUF, _C), jnp.int32),
            pltpu.VMEM((_NBUF, _C, _D), jnp.float32),
            pltpu.SemaphoreType.DMA((_NBUF,)),
            pltpu.SemaphoreType.DMA((_NBUF,)),
            pltpu.SemaphoreType.DMA((_NBUF,)),
        ],
        compiler_params=pltpu.CompilerParams(use_tc_tiling_on_sc=True),
    )
    def body(idx_hbm, lut_hbm, out_hbm, idx_v, bufs, isem, gsem, ssem):
        wid = lax.axis_index("s") * _NC + lax.axis_index("c")
        col0 = wid * _C

        def fire_idx(g, b):
            pltpu.async_copy(
                idx_hbm.at[pl.ds(g * B + col0, _C)], idx_v.at[b], isem.at[b]
            )

        def wait_idx(b):
            pltpu.make_async_copy(
                idx_hbm.at[pl.ds(0, _C)], idx_v.at[b], isem.at[b]
            ).wait()

        def fire_gather(b):
            def grp(t, carry):
                vec = idx_v[b, pl.ds(t * _LANES, _LANES)]
                for i2 in range(_LANES):
                    r = vec[i2]
                    pltpu.async_copy(
                        lut_hbm.at[r >> 3, r & 7],
                        bufs.at[b, t * _LANES + i2],
                        gsem.at[b],
                    )
                return carry

            lax.fori_loop(0, _C // _LANES, grp, 0)

        def wait_gather(b):
            pltpu.make_async_copy(
                out_hbm.at[pl.ds(0, _C)], bufs.at[b], gsem.at[b]
            ).wait()

        def fire_scatter(g, b):
            pltpu.async_copy(
                bufs.at[b],
                out_hbm.at[pl.ds((g * (B // _C) + wid) * _C, _C)],
                ssem.at[b],
            )

        def wait_scatter(b):
            pltpu.make_async_copy(
                bufs.at[b], out_hbm.at[pl.ds(0, _C)], ssem.at[b]
            ).wait()

        for b in range(_LOOK):
            fire_idx(b, b)
        wait_idx(0)
        fire_gather(0)

        def group(go, carry):
            for b in range(_NBUF):
                g = go * _NBUF + b
                p = g + _LOOK
                pbi = (b + _LOOK) % _NBUF
                c = g + 1
                bc = (b + 1) % _NBUF

                @pl.when(p < nchunk)
                def _():
                    fire_idx(p, pbi)

                @pl.when(jnp.logical_and(c >= _NBUF, c < nchunk))
                def _():
                    wait_scatter(bc)

                @pl.when(c < nchunk)
                def _():
                    wait_idx(bc)
                    fire_gather(bc)

                wait_gather(b)

                def row(i, c2):
                    for j in range(_D // _LANES):
                        sl = bufs[b, i, pl.ds(j * _LANES, _LANES)]
                        bufs[b, i, pl.ds(j * _LANES, _LANES)] = sl * _SCALE
                    return c2

                lax.fori_loop(0, _C, row, 0)
                fire_scatter(g, b)
            return carry

        lax.fori_loop(0, ngroup, group, 0)

        for b in range(_NBUF):
            wait_scatter(b)

    return body(idx1d, lut3)


def kernel(x, lut):
    r, s = x.shape
    idx1d = x.T.reshape(r * s).astype(jnp.int32)
    lut3 = lut.reshape(lut.shape[0] // 8, 8, _D)
    out2 = _gather_scale(idx1d, lut3)
    return jnp.transpose(out2.reshape(s, r, _D), (1, 0, 2))

# --- scband reference (transcript-rebuilt; emitter-appended) ---
"""Pipeline reference for scband-embeddings-13134009991348 (READ-ONLY COPY).

The authoritative reference and input builder live on the scoring server;
editing this copy changes nothing except your own understanding.
"""

import jax, jax.numpy as jnp
import numpy as np
import math

D_MODEL = 64
VOCAB = 1000000

def setup_inputs(seed: int = 0) -> dict:
    key = jax.random.key(seed)
    k1, k2 = jax.random.split(key)
    x = jax.random.randint(k1, (4096, 50), 0, VOCAB, dtype=jnp.int64 if jax.config.jax_enable_x64 else jnp.int32)
    lut = jax.random.normal(k2, (VOCAB, D_MODEL), dtype=jnp.float32)
    return {"x": x, "lut": lut}

def reference(x, lut):
    # Embedding lookup followed by scale by sqrt(d_model)
    emb = jnp.take(lut, x, axis=0)
    return emb * math.sqrt(D_MODEL)

if __name__ == "__main__":
    import jax
    _d = setup_inputs()
    print(jax.jit(kernel)(*tuple(_d.values())))

</pallas_src>

<mosaic_0001>
#map = affine_map<(d0, d1) -> (0)>
#map1 = affine_map<(d0, d1) -> (0, 0, 0)>
#map2 = affine_map<(d0, d1) -> (0, 0)>
module attributes {stable_mosaic.version = 14 : i64} {
  func.func @body(%arg0: i32, %arg1: i32, %arg2: memref<204800xi32, #tpu.memory_space<hbm>>, %arg3: memref<125000x8x64xf32, #tpu.memory_space<hbm>>, %arg4: memref<204800x64xf32, #tpu.memory_space<hbm>>, %arg5: memref<5x128xi32, #tpu.memory_space<vmem>>, %arg6: memref<5x128x64xf32, #tpu.memory_space<vmem>>, %arg7: memref<5x!tpu.dma_semaphore, #tpu.memory_space<semaphore_mem>>, %arg8: memref<5x!tpu.dma_semaphore, #tpu.memory_space<semaphore_mem>>, %arg9: memref<5x!tpu.dma_semaphore, #tpu.memory_space<semaphore_mem>>) attributes {dimension_semantics = [#tpu.dimension_semantics<core_parallel>, #tpu.dimension_semantics<subcore_parallel>], iteration_bounds = array<i64: 2, 16>, scalar_prefetch = 0 : i64, scratch_operands = 5 : i64, tpu.core_type = #tpu.core_type<sc_vector_subcore>, window_params = [{transform_indices = #map}, {transform_indices = #map1}, {transform_indices = #map2}]} {
    %mul3A = arith.constant 2 : i32
    %mul3A_0 = arith.muli %arg1, %mul3A : i32
    %add3A = arith.addi %mul3A_0, %arg0 : i32
    %mul3A_1 = arith.constant 128 : i32
    %mul3A_2 = arith.muli %add3A, %mul3A_1 : i32
    %add3A_3 = arith.constant 0 : i32
    %add3A_4 = arith.addi %add3A_3, %mul3A_2 : i32
    %dma_start3A = arith.constant 0 : i32
    %dma_start3A_5 = arith.constant 0 : i32
    %dma_start3A_6 = arith.constant 0 : i32
    %dma_start3A_7 = tpu.memref_slice %arg5[%dma_start3A, %dma_start3A_6] : memref<5x128xi32, #tpu.memory_space<vmem>> -> memref<1x128xi32, #tpu.memory_space<vmem>>
    %dma_start3A_8 = tpu.memref_squeeze %dma_start3A_7 : memref<1x128xi32, #tpu.memory_space<vmem>> -> memref<128xi32, #tpu.memory_space<vmem>>
    %dma_start3A_9 = tpu.memref_slice %arg2[%add3A_4] : memref<204800xi32, #tpu.memory_space<hbm>> -> memref<128xi32, #tpu.memory_space<hbm>>
    %dma_start3A_10 = tpu.memref_slice %arg7[%dma_start3A_5] : memref<5x!tpu.dma_semaphore, #tpu.memory_space<semaphore_mem>> -> memref<1x!tpu.dma_semaphore, #tpu.memory_space<semaphore_mem>>
    %dma_start3A_11 = tpu.memref_squeeze %dma_start3A_10 : memref<1x!tpu.dma_semaphore, #tpu.memory_space<semaphore_mem>> -> memref<!tpu.dma_semaphore, #tpu.memory_space<semaphore_mem>>
    %dma_start3A_12 = arith.constant 0 : i32
    %dma_start3A_13 = tpu.memref_slice %arg5[%dma_start3A, %dma_start3A_12] : memref<5x128xi32, #tpu.memory_space<vmem>> -> memref<1x128xi32, #tpu.memory_space<vmem>>
    %dma_start3A_14 = tpu.memref_squeeze %dma_start3A_13 : memref<1x128xi32, #tpu.memory_space<vmem>> -> memref<128xi32, #tpu.memory_space<vmem>>
    %dma_start3A_15 = tpu.memref_slice %arg2[%add3A_4] : memref<204800xi32, #tpu.memory_space<hbm>> -> memref<128xi32, #tpu.memory_space<hbm>>
    tpu.enqueue_dma source(%dma_start3A_15 : memref<128xi32, #tpu.memory_space<hbm>>) target(%dma_start3A_14 : memref<128xi32, #tpu.memory_space<vmem>>) target_semaphore(%dma_start3A_11 : memref<!tpu.dma_semaphore, #tpu.memory_space<semaphore_mem>>)
    %add3A_16 = arith.constant 4096 : i32
    %add3A_17 = arith.addi %add3A_16, %mul3A_2 : i32
    %dma_start3A_18 = arith.constant 1 : i32
    %dma_start3A_19 = arith.constant 1 : i32
    %dma_start3A_20 = arith.constant 0 : i32
    %dma_start3A_21 = tpu.memref_slice %arg5[%dma_start3A_18, %dma_start3A_20] : memref<5x128xi32, #tpu.memory_space<vmem>> -> memref<1x128xi32, #tpu.memory_space<vmem>>
    %dma_start3A_22 = tpu.memref_squeeze %dma_start3A_21 : memref<1x128xi32, #tpu.memory_space<vmem>> -> memref<128xi32, #tpu.memory_space<vmem>>
    %dma_start3A_23 = tpu.memref_slice %arg2[%add3A_17] : memref<204800xi32, #tpu.memory_space<hbm>> -> memref<128xi32, #tpu.memory_space<hbm>>
    %dma_start3A_24 = tpu.memref_slice %arg7[%dma_start3A_19] : memref<5x!tpu.dma_semaphore, #tpu.memory_space<semaphore_mem>> -> memref<1x!tpu.dma_semaphore, #tpu.memory_space<semaphore_mem>>
    %dma_start3A_25 = tpu.memref_squeeze %dma_start3A_24 : memref<1x!tpu.dma_semaphore, #tpu.memory_space<semaphore_mem>> -> memref<!tpu.dma_semaphore, #tpu.memory_space<semaphore_mem>>
    %dma_start3A_26 = arith.constant 0 : i32
    %dma_start3A_27 = tpu.memref_slice %arg5[%dma_start3A_18, %dma_start3A_26] : memref<5x128xi32, #tpu.memory_space<vmem>> -> memref<1x128xi32, #tpu.memory_space<vmem>>
    %dma_start3A_28 = tpu.memref_squeeze %dma_start3A_27 : memref<1x128xi32, #tpu.memory_space<vmem>> -> memref<128xi32, #tpu.memory_space<vmem>>
    %dma_start3A_29 = tpu.memref_slice %arg2[%add3A_17] : memref<204800xi32, #tpu.memory_space<hbm>> -> memref<128xi32, #tpu.memory_space<hbm>>
    tpu.enqueue_dma source(%dma_start3A_29 : memref<128xi32, #tpu.memory_space<hbm>>) target(%dma_start3A_28 : memref<128xi32, #tpu.memory_space<vmem>>) target_semaphore(%dma_start3A_25 : memref<!tpu.dma_semaphore, #tpu.memory_space<semaphore_mem>>)
    %add3A_30 = arith.constant 8192 : i32
    %add3A_31 = arith.addi %add3A_30, %mul3A_2 : i32
    %dma_start3A_32 = arith.constant 2 : i32
    %dma_start3A_33 = arith.constant 2 : i32
    %dma_start3A_34 = arith.constant 0 : i32
    %dma_start3A_35 = tpu.memref_slice %arg5[%dma_start3A_32, %dma_start3A_34] : memref<5x128xi32, #tpu.memory_space<vmem>> -> memref<1x128xi32, #tpu.memory_space<vmem>>
    %dma_start3A_36 = tpu.memref_squeeze %dma_start3A_35 : memref<1x128xi32, #tpu.memory_space<vmem>> -> memref<128xi32, #tpu.memory_space<vmem>>
    %dma_start3A_37 = tpu.memref_slice %arg2[%add3A_31] : memref<204800xi32, #tpu.memory_space<hbm>> -> memref<128xi32, #tpu.memory_space<hbm>>
    %dma_start3A_38 = tpu.memref_slice %arg7[%dma_start3A_33] : memref<5x!tpu.dma_semaphore, #tpu.memory_space<semaphore_mem>> -> memref<1x!tpu.dma_semaphore, #tpu.memory_space<semaphore_mem>>
    %dma_start3A_39 = tpu.memref_squeeze %dma_start3A_38 : memref<1x!tpu.dma_semaphore, #tpu.memory_space<semaphore_mem>> -> memref<!tpu.dma_semaphore, #tpu.memory_space<semaphore_mem>>
    %dma_start3A_40 = arith.constant 0 : i32
    %dma_start3A_41 = tpu.memref_slice %arg5[%dma_start3A_32, %dma_start3A_40] : memref<5x128xi32, #tpu.memory_space<vmem>> -> memref<1x128xi32, #tpu.memory_space<vmem>>
    %dma_start3A_42 = tpu.memref_squeeze %dma_start3A_41 : memref<1x128xi32, #tpu.memory_space<vmem>> -> memref<128xi32, #tpu.memory_space<vmem>>
    %dma_start3A_43 = tpu.memref_slice %arg2[%add3A_31] : memref<204800xi32, #tpu.memory_space<hbm>> -> memref<128xi32, #tpu.memory_space<hbm>>
    tpu.enqueue_dma source(%dma_start3A_43 : memref<128xi32, #tpu.memory_space<hbm>>) target(%dma_start3A_42 : memref<128xi32, #tpu.memory_space<vmem>>) target_semaphore(%dma_start3A_39 : memref<!tpu.dma_semaphore, #tpu.memory_space<semaphore_mem>>)
    %dma_wait3A = arith.constant 0 : i32
    %dma_wait3A_44 = arith.constant 0 : i32
    %dma_wait3A_45 = arith.constant 0 : i32
    %dma_wait3A_46 = tpu.memref_slice %arg5[%dma_wait3A, %dma_wait3A_45] : memref<5x128xi32, #tpu.memory_space<vmem>> -> memref<1x128xi32, #tpu.memory_space<vmem>>
    %dma_wait3A_47 = tpu.memref_squeeze %dma_wait3A_46 : memref<1x128xi32, #tpu.memory_space<vmem>> -> memref<128xi32, #tpu.memory_space<vmem>>
    %dma_wait3A_48 = arith.constant 0 : i32
    %dma_wait3A_49 = tpu.memref_slice %arg2[%dma_wait3A_48] : memref<204800xi32, #tpu.memory_space<hbm>> -> memref<128xi32, #tpu.memory_space<hbm>>
    %dma_wait3A_50 = tpu.memref_slice %arg7[%dma_wait3A_44] : memref<5x!tpu.dma_semaphore, #tpu.memory_space<semaphore_mem>> -> memref<1x!tpu.dma_semaphore, #tpu.memory_space<semaphore_mem>>
    %dma_wait3A_51 = tpu.memref_squeeze %dma_wait3A_50 : memref<1x!tpu.dma_semaphore, #tpu.memory_space<semaphore_mem>> -> memref<!tpu.dma_semaphore, #tpu.memory_space<semaphore_mem>>
    %dma_wait3A_52 = arith.constant 0 : i32
    %dma_wait3A_53 = tpu.memref_slice %arg5[%dma_wait3A, %dma_wait3A_52] : memref<5x128xi32, #tpu.memory_space<vmem>> -> memref<1x128xi32, #tpu.memory_space<vmem>>
    %dma_wait3A_54 = tpu.memref_squeeze %dma_wait3A_53 : memref<1x128xi32, #tpu.memory_space<vmem>> -> memref<128xi32, #tpu.memory_space<vmem>>
    %dma_wait3A_55 = arith.constant 0 : i32
    %dma_wait3A_56 = tpu.memref_slice %arg2[%dma_wait3A_55] : memref<204800xi32, #tpu.memory_space<hbm>> -> memref<128xi32, #tpu.memory_space<hbm>>
    tpu.wait_dma2 semaphore(%dma_wait3A_51 : memref<!tpu.dma_semaphore, #tpu.memory_space<semaphore_mem>>) src(%dma_wait3A_56 : memref<128xi32, #tpu.memory_space<hbm>>) dst(%dma_wait3A_54 : memref<128xi32, #tpu.memory_space<vmem>>)
    %scan3A = arith.constant 0 : i32
    %scan3A_57 = arith.constant 0 : i32
    %scan3A_58 = arith.constant 8 : i32
    %scan3A_59 = arith.addi %scan3A_57, %scan3A_58 : i32
    %scan3A_60 = arith.constant 1 : i32
    scf.for %scan3A_158 = %scan3A_57 to %scan3A_59 step %scan3A_60  : i32 {
      %mul3A_159 = arith.constant 16 : i32
      %mul3A_160 = arith.muli %scan3A_158, %mul3A_159 : i32
      %get3A = arith.constant 0 : i32
      %get3A_161 = arith.index_cast %get3A : i32 to index
      %get3A_162 = arith.index_cast %mul3A_160 : i32 to index
      %get3A_163 = tpu.vector_load %arg5[%get3A_161, %get3A_162] {strides = array<i32>} : memref<5x128xi32, #tpu.memory_space<vmem>>, vector<1x16xi32>,
      %get3A_164 = vector.shape_cast %get3A_163 : vector<1x16xi32> to vector<16xi32>
      %slice3A = vector.extract_strided_slice %get3A_164 {offsets = [0], sizes = [1], strides = [1]} : vector<16xi32> to vector<1xi32>
      %squeeze3A = vector.extract %slice3A[0] : i32 from vector<1xi32>
      %shift_right_arithmetic3A = arith.constant 3 : i32
      %shift_right_arithmetic3A_165 = arith.shrsi %squeeze3A, %shift_right_arithmetic3A : i32
      %and3A = arith.constant 7 : i32
      %and3A_166 = arith.andi %squeeze3A, %and3A : i32
      %mul3A_167 = arith.constant 16 : i32
      %mul3A_168 = arith.muli %scan3A_158, %mul3A_167 : i32
      %add3A_169 = arith.constant 0 : i32
      %add3A_170 = arith.addi %mul3A_168, %add3A_169 : i32
      %dma_start3A_171 = arith.constant 0 : i32
      %dma_start3A_172 = arith.constant 0 : i32
      %dma_start3A_173 = arith.constant 0 : i32
      %dma_start3A_174 = tpu.memref_slice %arg6[%dma_start3A_171, %add3A_170, %dma_start3A_173] : memref<5x128x64xf32, #tpu.memory_space<vmem>> -> memref<1x1x64xf32, #tpu.memory_space<vmem>>
      %dma_start3A_175 = tpu.memref_squeeze %dma_start3A_174 : memref<1x1x64xf32, #tpu.memory_space<vmem>> -> memref<64xf32, #tpu.memory_space<vmem>>
      %dma_start3A_176 = arith.constant 0 : i32
      %dma_start3A_177 = tpu.memref_slice %arg3[%shift_right_arithmetic3A_165, %and3A_166, %dma_start3A_176] : memref<125000x8x64xf32, #tpu.memory_space<hbm>> -> memref<1x1x64xf32, #tpu.memory_space<hbm>>
      %dma_start3A_178 = tpu.memref_squeeze %dma_start3A_177 : memref<1x1x64xf32, #tpu.memory_space<hbm>> -> memref<64xf32, #tpu.memory_space<hbm>>
      %dma_start3A_179 = tpu.memref_slice %arg8[%dma_start3A_172] : memref<5x!tpu.dma_semaphore, #tpu.memory_space<semaphore_mem>> -> memref<1x!tpu.dma_semaphore, #tpu.memory_space<semaphore_mem>>
      %dma_start3A_180 = tpu.memref_squeeze %dma_start3A_179 : memref<1x!tpu.dma_semaphore, #tpu.memory_space<semaphore_mem>> -> memref<!tpu.dma_semaphore, #tpu.memory_space<semaphore_mem>>
      %dma_start3A_181 = arith.constant 0 : i32
      %dma_start3A_182 = tpu.memref_slice %arg6[%dma_start3A_171, %add3A_170, %dma_start3A_181] : memref<5x128x64xf32, #tpu.memory_space<vmem>> -> memref<1x1x64xf32, #tpu.memory_space<vmem>>
      %dma_start3A_183 = tpu.memref_squeeze %dma_start3A_182 : memref<1x1x64xf32, #tpu.memory_space<vmem>> -> memref<64xf32, #tpu.memory_space<vmem>>
      %dma_start3A_184 = arith.constant 0 : i32
      %dma_start3A_185 = tpu.memref_slice %arg3[%shift_right_arithmetic3A_165, %and3A_166, %dma_start3A_184] : memref<125000x8x64xf32, #tpu.memory_space<hbm>> -> memref<1x1x64xf32, #tpu.memory_space<hbm>>
      %dma_start3A_186 = tpu.memref_squeeze %dma_start3A_185 : memref<1x1x64xf32, #tpu.memory_space<hbm>> -> memref<64xf32, #tpu.memory_space<hbm>>
      tpu.enqueue_dma source(%dma_start3A_186 : memref<64xf32, #tpu.memory_space<hbm>>) target(%dma_start3A_183 : memref<64xf32, #tpu.memory_space<vmem>>) target_semaphore(%dma_start3A_180 : memref<!tpu.dma_semaphore, #tpu.memory_space<semaphore_mem>>)
      %slice3A_187 = vector.extract_strided_slice %get3A_164 {offsets = [1], sizes = [1], strides = [1]} : vector<16xi32> to vector<1xi32>
      %squeeze3A_188 = vector.extract %slice3A_187[0] : i32 from vector<1xi32>
      %shift_right_arithmetic3A_189 = arith.constant 3 : i32
      %shift_right_arithmetic3A_190 = arith.shrsi %squeeze3A_188, %shift_right_arithmetic3A_189 : i32
      %and3A_191 = arith.constant 7 : i32
      %and3A_192 = arith.andi %squeeze3A_188, %and3A_191 : i32
      %mul3A_193 = arith.constant 16 : i32
      %mul3A_194 = arith.muli %scan3A_158, %mul3A_193 : i32
      %add3A_195 = arith.constant 1 : i32
      %add3A_196 = arith.addi %mul3A_194, %add3A_195 : i32
      %dma_start3A_197 = arith.constant 0 : i32
      %dma_start3A_198 = arith.constant 0 : i32
      %dma_start3A_199 = arith.constant 0 : i32
      %dma_start3A_200 = tpu.memref_slice %arg6[%dma_start3A_197, %add3A_196, %dma_start3A_199] : memref<5x128x64xf32, #tpu.memory_space<vmem>> -> memref<1x1x64xf32, #tpu.memory_space<vmem>>
      %dma_start3A_201 = tpu.memref_squeeze %dma_start3A_200 : memref<1x1x64xf32, #tpu.memory_space<vmem>> -> memref<64xf32, #tpu.memory_space<vmem>>
      %dma_start3A_202 = arith.constant 0 : i32
      %dma_start3A_203 = tpu.memref_slice %arg3[%shift_right_arithmetic3A_190, %and3A_192, %dma_start3A_202] : memref<125000x8x64xf32, #tpu.memory_space<hbm>> -> memref<1x1x64xf32, #tpu.memory_space<hbm>>
      %dma_start3A_204 = tpu.memref_squeeze %dma_start3A_203 : memref<1x1x64xf32, #tpu.memory_space<hbm>> -> memref<64xf32, #tpu.memory_space<hbm>>
      %dma_start3A_205 = tpu.memref_slice %arg8[%dma_start3A_198] : memref<5x!tpu.dma_semaphore, #tpu.memory_space<semaphore_mem>> -> memref<1x!tpu.dma_semaphore, #tpu.memory_space<semaphore_mem>>
      %dma_start3A_206 = tpu.memref_squeeze %dma_start3A_205 : memref<1x!tpu.dma_semaphore, #tpu.memory_space<semaphore_mem>> -> memref<!tpu.dma_semaphore, #tpu.memory_space<semaphore_mem>>
      %dma_start3A_207 = arith.constant 0 : i32
      %dma_start3A_208 = tpu.memref_slice %arg6[%dma_start3A_197, %add3A_196, %dma_start3A_207] : memref<5x128x64xf32, #tpu.memory_space<vmem>> -> memref<1x1x64xf32, #tpu.memory_space<vmem>>
      %dma_start3A_209 = tpu.memref_squeeze %dma_start3A_208 : memref<1x1x64xf32, #tpu.memory_space<vmem>> -> memref<64xf32, #tpu.memory_space<vmem>>
      %dma_start3A_210 = arith.constant 0 : i32
      %dma_start3A_211 = tpu.memref_slice %arg3[%shift_right_arithmetic3A_190, %and3A_192, %dma_start3A_210] : memref<125000x8x64xf32, #tpu.memory_space<hbm>> -> memref<1x1x64xf32, #tpu.memory_space<hbm>>
      %dma_start3A_212 = tpu.memref_squeeze %dma_start3A_211 : memref<1x1x64xf32, #tpu.memory_space<hbm>> -> memref<64xf32, #tpu.memory_space<hbm>>
      tpu.enqueue_dma source(%dma_start3A_212 : memref<64xf32, #tpu.memory_space<hbm>>) target(%dma_start3A_209 : memref<64xf32, #tpu.memory_space<vmem>>) target_semaphore(%dma_start3A_206 : memref<!tpu.dma_semaphore, #tpu.memory_space<semaphore_mem>>)
      %slice3A_213 = vector.extract_strided_slice %get3A_164 {offsets = [2], sizes = [1], strides = [1]} : vector<16xi32> to vector<1xi32>
      %squeeze3A_214 = vector.extract %slice3A_213[0] : i32 from vector<1xi32>
      %shift_right_arithmetic3A_215 = arith.constant 3 : i32
      %shift_right_arithmetic3A_216 = arith.shrsi %squeeze3A_214, %shift_right_arithmetic3A_215 : i32
      %and3A_217 = arith.constant 7 : i32
      %and3A_218 = arith.andi %squeeze3A_214, %and3A_217 : i32
      %mul3A_219 = arith.constant 16 : i32
      %mul3A_220 = arith.muli %scan3A_158, %mul3A_219 : i32
      %add3A_221 = arith.constant 2 : i32
      %add3A_222 = arith.addi %mul3A_220, %add3A_221 : i32
      %dma_start3A_223 = arith.constant 0 : i32
      %dma_start3A_224 = arith.constant 0 : i32
      %dma_start3A_225 = arith.constant 0 : i32
      %dma_start3A_226 = tpu.memref_slice %arg6[%dma_start3A_223, %add3A_222, %dma_start3A_225] : memref<5x128x64xf32, #tpu.memory_space<vmem>> -> memref<1x1x64xf32, #tpu.memory_space<vmem>>
      %dma_start3A_227 = tpu.memref_squeeze %dma_start3A_226 : memref<1x1x64xf32, #tpu.memory_space<vmem>> -> memref<64xf32, #tpu.memory_space<vmem>>
      %dma_start3A_228 = arith.constant 0 : i32
      %dma_start3A_229 = tpu.memref_slice %arg3[%shift_right_arithmetic3A_216, %and3A_218, %dma_start3A_228] : memref<125000x8x64xf32, #tpu.memory_space<hbm>> -> memref<1x1x64xf32, #tpu.memory_space<hbm>>
      %dma_start3A_230 = tpu.memref_squeeze %dma_start3A_229 : memref<1x1x64xf32, #tpu.memory_space<hbm>> -> memref<64xf32, #tpu.memory_space<hbm>>
      %dma_start3A_231 = tpu.memref_slice %arg8[%dma_start3A_224] : memref<5x!tpu.dma_semaphore, #tpu.memory_space<semaphore_mem>> -> memref<1x!tpu.dma_semaphore, #tpu.memory_space<semaphore_mem>>
      %dma_start3A_232 = tpu.memref_squeeze %dma_start3A_231 : memref<1x!tpu.dma_semaphore, #tpu.memory_space<semaphore_mem>> -> memref<!tpu.dma_semaphore, #tpu.memory_space<semaphore_mem>>
      %dma_start3A_233 = arith.constant 0 : i32
      %dma_start3A_234 = tpu.memref_slice %arg6[%dma_start3A_223, %add3A_222, %dma_start3A_233] : memref<5x128x64xf32, #tpu.memory_space<vmem>> -> memref<1x1x64xf32, #tpu.memory_space<vmem>>
      %dma_start3A_235 = tpu.memref_squeeze %dma_start3A_234 : memref<1x1x64xf32, #tpu.memory_space<vmem>> -> memref<64xf32, #tpu.memory_space<vmem>>
      %dma_start3A_236 = arith.constant 0 : i32
      %dma_start3A_237 = tpu.memref_slice %arg3[%shift_right_arithmetic3A_216, %and3A_218, %dma_start3A_236] : memref<125000x8x64xf32, #tpu.memory_space<hbm>> -> memref<1x1x64xf32, #tpu.memory_space<hbm>>
      %dma_start3A_238 = tpu.memref_squeeze %dma_start3A_237 : memref<1x1x64xf32, #tpu.memory_space<hbm>> -> memref<64xf32, #tpu.memory_space<hbm>>
      tpu.enqueue_dma source(%dma_start3A_238 : memref<64xf32, #tpu.memory_space<hbm>>) target(%dma_start3A_235 : memref<64xf32, #tpu.memory_space<vmem>>) target_semaphore(%dma_start3A_232 : memref<!tpu.dma_semaphore, #tpu.memory_space<semaphore_mem>>)
      %slice3A_239 = vector.extract_strided_slice %get3A_164 {offsets = [3], sizes = [1], strides = [1]} : vector<16xi32> to vector<1xi32>
      %squeeze3A_240 = vector.extract %slice3A_239[0] : i32 from vector<1xi32>
      %shift_right_arithmetic3A_241 = arith.constant 3 : i32
      %shift_right_arithmetic3A_242 = arith.shrsi %squeeze3A_240, %shift_right_arithmetic3A_241 : i32
      %and3A_243 = arith.constant 7 : i32
      %and3A_244 = arith.andi %squeeze3A_240, %and3A_243 : i32
      %mul3A_245 = arith.constant 16 : i32
      %mul3A_246 = arith.muli %scan3A_158, %mul3A_245 : i32
      %add3A_247 = arith.constant 3 : i32
      %add3A_248 = arith.addi %mul3A_246, %add3A_247 : i32
      %dma_start3A_249 = arith.constant 0 : i32
      %dma_start3A_250 = arith.constant 0 : i32
      %dma_start3A_251 = arith.constant 0 : i32
      %dma_start3A_252 = tpu.memref_slice %arg6[%dma_start3A_249, %add3A_248, %dma_start3A_251] : memref<5x128x64xf32, #tpu.memory_space<vmem>> -> memref<1x1x64xf32, #tpu.memory_space<vmem>>
      %dma_start3A_253 = tpu.memref_squeeze %dma_start3A_252 : memref<1x1x64xf32, #tpu.memory_space<vmem>> -> memref<64xf32, #tpu.memory_space<vmem>>
      %dma_start3A_254 = arith.constant 0 : i32
      %dma_start3A_255 = tpu.memref_slice %arg3[%shift_right_arithmetic3A_242, %and3A_244, %dma_start3A_254] : memref<125000x8x64xf32, #tpu.memory_space<hbm>> -> memref<1x1x64xf32, #tpu.memory_space<hbm>>
      %dma_start3A_256 = tpu.memref_squeeze %dma_start3A_255 : memref<1x1x64xf32, #tpu.memory_space<hbm>> -> memref<64xf32, #tpu.memory_space<hbm>>
      %dma_start3A_257 = tpu.memref_slice %arg8[%dma_start3A_250] : memref<5x!tpu.dma_semaphore, #tpu.memory_space<semaphore_mem>> -> memref<1x!tpu.dma_semaphore, #tpu.memory_space<semaphore_mem>>
      %dma_start3A_258 = tpu.memref_squeeze %dma_start3A_257 : memref<1x!tpu.dma_semaphore, #tpu.memory_space<semaphore_mem>> -> memref<!tpu.dma_semaphore, #tpu.memory_space<semaphore_mem>>
      %dma_start3A_259 = arith.constant 0 : i32
      %dma_start3A_260 = tpu.memref_slice %arg6[%dma_start3A_249, %add3A_248, %dma_start3A_259] : memref<5x128x64xf32, #tpu.memory_space<vmem>> -> memref<1x1x64xf32, #tpu.memory_space<vmem>>
      %dma_start3A_261 = tpu.memref_squeeze %dma_start3A_260 : memref<1x1x64xf32, #tpu.memory_space<vmem>> -> memref<64xf32, #tpu.memory_space<vmem>>
      %dma_start3A_262 = arith.constant 0 : i32
      %dma_start3A_263 = tpu.memref_slice %arg3[%shift_right_arithmetic3A_242, %and3A_244, %dma_start3A_262] : memref<125000x8x64xf32, #tpu.memory_space<hbm>> -> memref<1x1x64xf32, #tpu.memory_space<hbm>>
      %dma_start3A_264 = tpu.memref_squeeze %dma_start3A_263 : memref<1x1x64xf32, #tpu.memory_space<hbm>> -> memref<64xf32, #tpu.memory_space<hbm>>
      tpu.enqueue_dma source(%dma_start3A_264 : memref<64xf32, #tpu.memory_space<hbm>>) target(%dma_start3A_261 : memref<64xf32, #tpu.memory_space<vmem>>) target_semaphore(%dma_start3A_258 : memref<!tpu.dma_semaphore, #tpu.memory_space<semaphore_mem>>)
      %slice3A_265 = vector.extract_strided_slice %get3A_164 {offsets = [4], sizes = [1], strides = [1]} : vector<16xi32> to vector<1xi32>
      %squeeze3A_266 = vector.extract %slice3A_265[0] : i32 from vector<1xi32>
      %shift_right_arithmetic3A_267 = arith.constant 3 : i32
      %shift_right_arithmetic3A_268 = arith.shrsi %squeeze3A_266, %shift_right_arithmetic3A_267 : i32
      %and3A_269 = arith.constant 7 : i32
      %and3A_270 = arith.andi %squeeze3A_266, %and3A_269 : i32
      %mul3A_271 = arith.constant 16 : i32
      %mul3A_272 = arith.muli %scan3A_158, %mul3A_271 : i32
      %add3A_273 = arith.constant 4 : i32
      %add3A_274 = arith.addi %mul3A_272, %add3A_273 : i32
      %dma_start3A_275 = arith.constant 0 : i32
      %dma_start3A_276 = arith.constant 0 : i32
      %dma_start3A_277 = arith.constant 0 : i32
      %dma_start3A_278 = tpu.memref_slice %arg6[%dma_start3A_275, %add3A_274, %dma_start3A_277] : memref<5x128x64xf32, #tpu.memory_space<vmem>> -> memref<1x1x64xf32, #tpu.memory_space<vmem>>
      %dma_start3A_279 = tpu.memref_squeeze %dma_start3A_278 : memref<1x1x64xf32, #tpu.memory_space<vmem>> -> memref<64xf32, #tpu.memory_space<vmem>>
      %dma_start3A_280 = arith.constant 0 : i32
      %dma_start3A_281 = tpu.memref_slice %arg3[%shift_right_arithmetic3A_268, %and3A_270, %dma_start3A_280] : memref<125000x8x64xf32, #tpu.memory_space<hbm>> -> memref<1x1x64xf32, #tpu.memory_space<hbm>>
      %dma_start3A_282 = tpu.memref_squeeze %dma_start3A_281 : memref<1x1x64xf32, #tpu.memory_space<hbm>> -> memref<64xf32, #tpu.memory_space<hbm>>
      %dma_start3A_283 = tpu.memref_slice %arg8[%dma_start3A_276] : memref<5x!tpu.dma_semaphore, #tpu.memory_space<semaphore_mem>> -> memref<1x!tpu.dma_semaphore, #tpu.memory_space<semaphore_mem>>
      %dma_start3A_284 = tpu.memref_squeeze %dma_start3A_283 : memref<1x!tpu.dma_semaphore, #tpu.memory_space<semaphore_mem>> -> memref<!tpu.dma_semaphore, #tpu.memory_space<semaphore_mem>>
      %dma_start3A_285 = arith.constant 0 : i32
      %dma_start3A_286 = tpu.memref_slice %arg6[%dma_start3A_275, %add3A_274, %dma_start3A_285] : memref<5x128x64xf32, #tpu.memory_space<vmem>> -> memref<1x1x64xf32, #tpu.memory_space<vmem>>
      %dma_start3A_287 = tpu.memref_squeeze %dma_start3A_286 : memref<1x1x64xf32, #tpu.memory_space<vmem>> -> memref<64xf32, #tpu.memory_space<vmem>>
      %dma_start3A_288 = arith.constant 0 : i32
      %dma_start3A_289 = tpu.memref_slice %arg3[%shift_right_arithmetic3A_268, %and3A_270, %dma_start3A_288] : memref<125000x8x64xf32, #tpu.memory_space<hbm>> -> memref<1x1x64xf32, #tpu.memory_space<hbm>>
      %dma_start3A_290 = tpu.memref_squeeze %dma_start3A_289 : memref<1x1x64xf32, #tpu.memory_space<hbm>> -> memref<64xf32, #tpu.memory_space<hbm>>
      tpu.enqueue_dma source(%dma_start3A_290 : memref<64xf32, #tpu.memory_space<hbm>>) target(%dma_start3A_287 : memref<64xf32, #tpu.memory_space<vmem>>) target_semaphore(%dma_start3A_284 : memref<!tpu.dma_semaphore, #tpu.memory_space<semaphore_mem>>)
      %slice3A_291 = vector.extract_strided_slice %get3A_164 {offsets = [5], sizes = [1], strides = [1]} : vector<16xi32> to vector<1xi32>
      %squeeze3A_292 = vector.extract %slice3A_291[0] : i32 from vector<1xi32>
      %shift_right_arithmetic3A_293 = arith.constant 3 : i32
      %shift_right_arithmetic3A_294 = arith.shrsi %squeeze3A_292, %shift_right_arithmetic3A_293 : i32
      %and3A_295 = arith.constant 7 : i32
      %and3A_296 = arith.andi %squeeze3A_292, %and3A_295 : i32
      %mul3A_297 = arith.constant 16 : i32
      %mul3A_298 = arith.muli %scan3A_158, %mul3A_297 : i32
      %add3A_299 = arith.constant 5 : i32
      %add3A_300 = arith.addi %mul3A_298, %add3A_299 : i32
      %dma_start3A_301 = arith.constant 0 : i32
      %dma_start3A_302 = arith.constant 0 : i32
      %dma_start3A_303 = arith.constant 0 : i32
      %dma_start3A_304 = tpu.memref_slice %arg6[%dma_start3A_301, %add3A_300, %dma_start3A_303] : memref<5x128x64xf32, #tpu.memory_space<vmem>> -> memref<1x1x64xf32, #tpu.memory_space<vmem>>
      %dma_start3A_305 = tpu.memref_squeeze %dma_start3A_304 : memref<1x1x64xf32, #tpu.memory_space<vmem>> -> memref<64xf32, #tpu.memory_space<vmem>>
      %dma_start3A_306 = arith.constant 0 : i32
      %dma_start3A_307 = tpu.memref_slice %arg3[%shift_right_arithmetic3A_294, %and3A_296, %dma_start3A_306] : memref<125000x8x64xf32, #tpu.memory_space<hbm>> -> memref<1x1x64xf32, #tpu.memory_space<hbm>>
      %dma_start3A_308 = tpu.memref_squeeze %dma_start3A_307 : memref<1x1x64xf32, #tpu.memory_space<hbm>> -> memref<64xf32, #tpu.memory_space<hbm>>
      %dma_start3A_309 = tpu.memref_slice %arg8[%dma_start3A_302] : memref<5x!tpu.dma_semaphore, #tpu.memory_space<semaphore_mem>> -> memref<1x!tpu.dma_semaphore, #tpu.memory_space<semaphore_mem>>
      %dma_start3A_310 = tpu.memref_squeeze %dma_start3A_309 : memref<1x!tpu.dma_semaphore, #tpu.memory_space<semaphore_mem>> -> memref<!tpu.dma_semaphore, #tpu.memory_space<semaphore_mem>>
      %dma_start3A_311 = arith.constant 0 : i32
      %dma_start3A_312 = tpu.memref_slice %arg6[%dma_start3A_301, %add3A_300, %dma_start3A_311] : memref<5x128x64xf32, #tpu.memory_space<vmem>> -> memref<1x1x64xf32, #tpu.memory_space<vmem>>
      %dma_start3A_313 = tpu.memref_squeeze %dma_start3A_312 : memref<1x1x64xf32, #tpu.memory_space<vmem>> -> memref<64xf32, #tpu.memory_space<vmem>>
      %dma_start3A_314 = arith.constant 0 : i32
      %dma_start3A_315 = tpu.memref_slice %arg3[%shift_right_arithmetic3A_294, %and3A_296, %dma_start3A_314] : memref<125000x8x64xf32, #tpu.memory_space<hbm>> -> memref<1x1x64xf32, #tpu.memory_space<hbm>>
      %dma_start3A_316 = tpu.memref_squeeze %dma_start3A_315 : memref<1x1x64xf32, #tpu.memory_space<hbm>> -> memref<64xf32, #tpu.memory_space<hbm>>
      tpu.enqueue_dma source(%dma_start3A_316 : memref<64xf32, #tpu.memory_space<hbm>>) target(%dma_start3A_313 : memref<64xf32, #tpu.memory_space<vmem>>) target_semaphore(%dma_start3A_310 : memref<!tpu.dma_semaphore, #tpu.memory_space<semaphore_mem>>)
      %slice3A_317 = vector.extract_strided_slice %get3A_164 {offsets = [6], sizes = [1], strides = [1]} : vector<16xi32> to vector<1xi32>
      %squeeze3A_318 = vector.extract %slice3A_317[0] : i32 from vector<1xi32>
      %shift_right_arithmetic3A_319 = arith.constant 3 : i32
      %shift_right_arithmetic3A_320 = arith.shrsi %squeeze3A_318, %shift_right_arithmetic3A_319 : i32
      %and3A_321 = arith.constant 7 : i32
      %and3A_322 = arith.andi %squeeze3A_318, %and3A_321 : i32
      %mul3A_323 = arith.constant 16 : i32
      %mul3A_324 = arith.muli %scan3A_158, %mul3A_323 : i32
      %add3A_325 = arith.constant 6 : i32
      %add3A_326 = arith.addi %mul3A_324, %add3A_325 : i32
      %dma_start3A_327 = arith.constant 0 : i32
      %dma_start3A_328 = arith.constant 0 : i32
      %dma_start3A_329 = arith.constant 0 : i32
      %dma_start3A_330 = tpu.memref_slice %arg6[%dma_start3A_327, %add3A_326, %dma_start3A_329] : memref<5x128x64xf32, #tpu.memory_space<vmem>> -> memref<1x1x64xf32, #tpu.memory_space<vmem>>
      %dma_start3A_331 = tpu.memref_squeeze %dma_start3A_330 : memref<1x1x64xf32, #tpu.memory_space<vmem>> -> memref<64xf32, #tpu.memory_space<vmem>>
      %dma_start3A_332 = arith.constant 0 : i32
      %dma_start3A_333 = tpu.memref_slice %arg3[%shift_right_arithmetic3A_320, %and3A_322, %dma_start3A_332] : memref<125000x8x64xf32, #tpu.memory_space<hbm>> -> memref<1x1x64xf32, #tpu.memory_space<hbm>>
      %dma_start3A_334 = tpu.memref_squeeze %dma_start3A_333 : memref<1x1x64xf32, #tpu.memory_space<hbm>> -> memref<64xf32, #tpu.memory_space<hbm>>
      %dma_start3A_335 = tpu.memref_slice %arg8[%dma_start3A_328] : memref<5x!tpu.dma_semaphore, #tpu.memory_space<semaphore_mem>> -> memref<1x!tpu.dma_semaphore, #tpu.memory_space<semaphore_mem>>
      %dma_start3A_336 = tpu.memref_squeeze %dma_start3A_335 : memref<1x!tpu.dma_semaphore, #tpu.memory_space<semaphore_mem>> -> memref<!tpu.dma_semaphore, #tpu.memory_space<semaphore_mem>>
      %dma_start3A_337 = arith.constant 0 : i32
      %dma_start3A_338 = tpu.memref_slice %arg6[%dma_start3A_327, %add3A_326, %dma_start3A_337] : memref<5x128x64xf32, #tpu.memory_space<vmem>> -> memref<1x1x64xf32, #tpu.memory_space<vmem>>
      %dma_start3A_339 = tpu.memref_squeeze %dma_start3A_338 : memref<1x1x64xf32, #tpu.memory_space<vmem>> -> memref<64xf32, #tpu.memory_space<vmem>>
      %dma_start3A_340 = arith.constant 0 : i32
      %dma_start3A_341 = tpu.memref_slice %arg3[%shift_right_arithmetic3A_320, %and3A_322, %dma_start3A_340] : memref<125000x8x64xf32, #tpu.memory_space<hbm>> -> memref<1x1x64xf32, #tpu.memory_space<hbm>>
      %dma_start3A_342 = tpu.memref_squeeze %dma_start3A_341 : memref<1x1x64xf32, #tpu.memory_space<hbm>> -> memref<64xf32, #tpu.memory_space<hbm>>
      tpu.enqueue_dma source(%dma_start3A_342 : memref<64xf32, #tpu.memory_space<hbm>>) target(%dma_start3A_339 : memref<64xf32, #tpu.memory_space<vmem>>) target_semaphore(%dma_start3A_336 : memref<!tpu.dma_semaphore, #tpu.memory_space<semaphore_mem>>)
      %slice3A_343 = vector.extract_strided_slice %get3A_164 {offsets = [7], sizes = [1], strides = [1]} : vector<16xi32> to vector<1xi32>
      %squeeze3A_344 = vector.extract %slice3A_343[0] : i32 from vector<1xi32>
      %shift_right_arithmetic3A_345 = arith.constant 3 : i32
      %shift_right_arithmetic3A_346 = arith.shrsi %squeeze3A_344, %shift_right_arithmetic3A_345 : i32
      %and3A_347 = arith.constant 7 : i32
      %and3A_348 = arith.andi %squeeze3A_344, %and3A_347 : i32
      %mul3A_349 = arith.constant 16 : i32
      %mul3A_350 = arith.muli %scan3A_158, %mul3A_349 : i32
      %add3A_351 = arith.constant 7 : i32
      %add3A_352 = arith.addi %mul3A_350, %add3A_351 : i32
      %dma_start3A_353 = arith.constant 0 : i32
      %dma_start3A_354 = arith.constant 0 : i32
      %dma_start3A_355 = arith.constant 0 : i32
      %dma_start3A_356 = tpu.memref_slice %arg6[%dma_start3A_353, %add3A_352, %dma_start3A_355] : memref<5x128x64xf32, #tpu.memory_space<vmem>> -> memref<1x1x64xf32, #tpu.memory_space<vmem>>
      %dma_start3A_357 = tpu.memref_squeeze %dma_start3A_356 : memref<1x1x64xf32, #tpu.memory_space<vmem>> -> memref<64xf32, #tpu.memory_space<vmem>>
      %dma_start3A_358 = arith.constant 0 : i32
      %dma_start3A_359 = tpu.memref_slice %arg3[%shift_right_arithmetic3A_346, %and3A_348, %dma_start3A_358] : memref<125000x8x64xf32, #tpu.memory_space<hbm>> -> memref<1x1x64xf32, #tpu.memory_space<hbm>>
      %dma_start3A_360 = tpu.memref_squeeze %dma_start3A_359 : memref<1x1x64xf32, #tpu.memory_space<hbm>> -> memref<64xf32, #tpu.memory_space<hbm>>
      %dma_start3A_361 = tpu.memref_slice %arg8[%dma_start3A_354] : memref<5x!tpu.dma_semaphore, #tpu.memory_space<semaphore_mem>> -> memref<1x!tpu.dma_semaphore, #tpu.memory_space<semaphore_mem>>
      %dma_start3A_362 = tpu.memref_squeeze %dma_start3A_361 : memref<1x!tpu.dma_semaphore, #tpu.memory_space<semaphore_mem>> -> memref<!tpu.dma_semaphore, #tpu.memory_space<semaphore_mem>>
      %dma_start3A_363 = arith.constant 0 : i32
      %dma_start3A_364 = tpu.memref_slice %arg6[%dma_start3A_353, %add3A_352, %dma_start3A_363] : memref<5x128x64xf32, #tpu.memory_space<vmem>> -> memref<1x1x64xf32, #tpu.memory_space<vmem>>
      %dma_start3A_365 = tpu.memref_squeeze %dma_start3A_364 : memref<1x1x64xf32, #tpu.memory_space<vmem>> -> memref<64xf32, #tpu.memory_space<vmem>>
      %dma_start3A_366 = arith.constant 0 : i32
      %dma_start3A_367 = tpu.memref_slice %arg3[%shift_right_arithmetic3A_346, %and3A_348, %dma_start3A_366] : memref<125000x8x64xf32, #tpu.memory_space<hbm>> -> memref<1x1x64xf32, #tpu.memory_space<hbm>>
      %dma_start3A_368 = tpu.memref_squeeze %dma_start3A_367 : memref<1x1x64xf32, #tpu.memory_space<hbm>> -> memref<64xf32, #tpu.memory_space<hbm>>
      tpu.enqueue_dma source(%dma_start3A_368 : memref<64xf32, #tpu.memory_space<hbm>>) target(%dma_start3A_365 : memref<64xf32, #tpu.memory_space<vmem>>) target_semaphore(%dma_start3A_362 : memref<!tpu.dma_semaphore, #tpu.memory_space<semaphore_mem>>)
      %slice3A_369 = vector.extract_strided_slice %get3A_164 {offsets = [8], sizes = [1], strides = [1]} : vector<16xi32> to vector<1xi32>
      %squeeze3A_370 = vector.extract %slice3A_369[0] : i32 from vector<1xi32>
      %shift_right_arithmetic3A_371 = arith.constant 3 : i32
      %shift_right_arithmetic3A_372 = arith.shrsi %squeeze3A_370, %shift_right_arithmetic3A_371 : i32
      %and3A_373 = arith.constant 7 : i32
      %and3A_374 = arith.andi %squeeze3A_370, %and3A_373 : i32
      %mul3A_375 = arith.constant 16 : i32
      %mul3A_376 = arith.muli %scan3A_158, %mul3A_375 : i32
      %add3A_377 = arith.constant 8 : i32
      %add3A_378 = arith.addi %mul3A_376, %add3A_377 : i32
      %dma_start3A_379 = arith.constant 0 : i32
      %dma_start3A_380 = arith.constant 0 : i32
      %dma_start3A_381 = arith.constant 0 : i32
      %dma_start3A_382 = tpu.memref_slice %arg6[%dma_start3A_379, %add3A_378, %dma_start3A_381] : memref<5x128x64xf32, #tpu.memory_space<vmem>> -> memref<1x1x64xf32, #tpu.memory_space<vmem>>
      %dma_start3A_383 = tpu.memref_squeeze %dma_start3A_382 : memref<1x1x64xf32, #tpu.memory_space<vmem>> -> memref<64xf32, #tpu.memory_space<vmem>>
      %dma_start3A_384 = arith.constant 0 : i32
      %dma_start3A_385 = tpu.memref_slice %arg3[%shift_right_arithmetic3A_372, %and3A_374, %dma_start3A_384] : memref<125000x8x64xf32, #tpu.memory_space<hbm>> -> memref<1x1x64xf32, #tpu.memory_space<hbm>>
      %dma_start3A_386 = tpu.memref_squeeze %dma_start3A_385 : memref<1x1x64xf32, #tpu.memory_space<hbm>> -> memref<64xf32, #tpu.memory_space<hbm>>
      %dma_start3A_387 = tpu.memref_slice %arg8[%dma_start3A_380] : memref<5x!tpu.dma_semaphore, #tpu.memory_space<semaphore_mem>> -> memref<1x!tpu.dma_semaphore, #tpu.memory_space<semaphore_mem>>
      %dma_start3A_388 = tpu.memref_squeeze %dma_start3A_387 : memref<1x!tpu.dma_semaphore, #tpu.memory_space<semaphore_mem>> -> memref<!tpu.dma_semaphore, #tpu.memory_space<semaphore_mem>>
      %dma_start3A_389 = arith.constant 0 : i32
      %dma_start3A_390 = tpu.memref_slice %arg6[%dma_start3A_379, %add3A_378, %dma_start3A_389] : memref<5x128x64xf32, #tpu.memory_space<vmem>> -> memref<1x1x64xf32, #tpu.memory_space<vmem>>
      %dma_start3A_391 = tpu.memref_squeeze %dma_start3A_390 : memref<1x1x64xf32, #tpu.memory_space<vmem>> -> memref<64xf32, #tpu.memory_space<vmem>>
      %dma_start3A_392 = arith.constant 0 : i32
      %dma_start3A_393 = tpu.memref_slice %arg3[%shift_right_arithmetic3A_372, %and3A_374, %dma_start3A_392] : memref<125000x8x64xf32, #tpu.memory_space<hbm>> -> memref<1x1x64xf32, #tpu.memory_space<hbm>>
      %dma_start3A_394 = tpu.memref_squeeze %dma_start3A_393 : memref<1x1x64xf32, #tpu.memory_space<hbm>> -> memref<64xf32, #tpu.memory_space<hbm>>
      tpu.enqueue_dma source(%dma_start3A_394 : memref<64xf32, #tpu.memory_space<hbm>>) target(%dma_start3A_391 : memref<64xf32, #tpu.memory_space<vmem>>) target_semaphore(%dma_start3A_388 : memref<!tpu.dma_semaphore, #tpu.memory_space<semaphore_mem>>)
      %slice3A_395 = vector.extract_strided_slice %get3A_164 {offsets = [9], sizes = [1], strides = [1]} : vector<16xi32> to vector<1xi32>
      %squeeze3A_396 = vector.extract %slice3A_395[0] : i32 from vector<1xi32>
      %shift_right_arithmetic3A_397 = arith.constant 3 : i32
      %shift_right_arithmetic3A_398 = arith.shrsi %squeeze3A_396, %shift_right_arithmetic3A_397 : i32
      %and3A_399 = arith.constant 7 : i32
      %and3A_400 = arith.andi %squeeze3A_396, %and3A_399 : i32
      %mul3A_401 = arith.constant 16 : i32
      %mul3A_402 = arith.muli %scan3A_158, %mul3A_401 : i32
      %add3A_403 = arith.constant 9 : i32
      %add3A_404 = arith.addi %mul3A_402, %add3A_403 : i32
      %dma_start3A_405 = arith.constant 0 : i32
      %dma_start3A_406 = arith.constant 0 : i32
      %dma_start3A_407 = arith.constant 0 : i32
      %dma_start3A_408 = tpu.memref_slice %arg6[%dma_start3A_405, %add3A_404, %dma_start3A_407] : memref<5x128x64xf32, #tpu.memory_space<vmem>> -> memref<1x1x64xf32, #tpu.memory_space<vmem>>
      %dma_start3A_409 = tpu.memref_squeeze %dma_start3A_408 : memref<1x1x64xf32, #tpu.memory_space<vmem>> -> memref<64xf32, #tpu.memory_space<vmem>>
      %dma_start3A_410 = arith.constant 0 : i32
      %dma_start3A_411 = tpu.memref_slice %arg3[%shift_right_arithmetic3A_398, %and3A_400, %dma_start3A_410] : memref<125000x8x64xf32, #tpu.memory_space<hbm>> -> memref<1x1x64xf32, #tpu.memory_space<hbm>>
      %dma_start3A_412 = tpu.memref_squeeze %dma_start3A_411 : memref<1x1x64xf32, #tpu.memory_space<hbm>> -> memref<64xf32, #tpu.memory_space<hbm>>
      %dma_start3A_413 = tpu.memref_slice %arg8[%dma_start3A_406] : memref<5x!tpu.dma_semaphore, #tpu.memory_space<semaphore_mem>> -> memref<1x!tpu.dma_semaphore, #tpu.memory_space<semaphore_mem>>
      %dma_start3A_414 = tpu.memref_squeeze %dma_start3A_413 : memref<1x!tpu.dma_semaphore, #tpu.memory_space<semaphore_mem>> -> memref<!tpu.dma_semaphore, #tpu.memory_space<semaphore_mem>>
      %dma_start3A_415 = arith.constant 0 : i32
      %dma_start3A_416 = tpu.memref_slice %arg6[%dma_start3A_405, %add3A_404, %dma_start3A_415] : memref<5x128x64xf32, #tpu.memory_space<vmem>> -> memref<1x1x64xf32, #tpu.memory_space<vmem>>
      %dma_start3A_417 = tpu.memref_squeeze %dma_start3A_416 : memref<1x1x64xf32, #tpu.memory_space<vmem>> -> memref<64xf32, #tpu.memory_space<vmem>>
      %dma_start3A_418 = arith.constant 0 : i32
      %dma_start3A_419 = tpu.memref_slice %arg3[%shift_right_arithmetic3A_398, %and3A_400, %dma_start3A_418] : memref<125000x8x64xf32, #tpu.memory_space<hbm>> -> memref<1x1x64xf32, #tpu.memory_space<hbm>>
      %dma_start3A_420 = tpu.memref_squeeze %dma_start3A_419 : memref<1x1x64xf32, #tpu.memory_space<hbm>> -> memref<64xf32, #tpu.memory_space<hbm>>
      tpu.enqueue_dma source(%dma_start3A_420 : memref<64xf32, #tpu.memory_space<hbm>>) target(%dma_start3A_417 : memref<64xf32, #tpu.memory_space<vmem>>) target_semaphore(%dma_start3A_414 : memref<!tpu.dma_semaphore, #tpu.memory_space<semaphore_mem>>)
      %slice3A_421 = vector.extract_strided_slice %get3A_164 {offsets = [10], sizes = [1], strides = [1]} : vector<16xi32> to vector<1xi32>
      %squeeze3A_422 = vector.extract %slice3A_421[0] : i32 from vector<1xi32>
      %shift_right_arithmetic3A_423 = arith.constant 3 : i32
      %shift_right_arithmetic3A_424 = arith.shrsi %squeeze3A_422, %shift_right_arithmetic3A_423 : i32
      %and3A_425 = arith.constant 7 : i32
      %and3A_426 = arith.andi %squeeze3A_422, %and3A_425 : i32
      %mul3A_427 = arith.constant 16 : i32
      %mul3A_428 = arith.muli %scan3A_158, %mul3A_427 : i32
      %add3A_429 = arith.constant 10 : i32
      %add3A_430 = arith.addi %mul3A_428, %add3A_429 : i32
      %dma_start3A_431 = arith.constant 0 : i32
      %dma_start3A_432 = arith.constant 0 : i32
      %dma_start3A_433 = arith.constant 0 : i32
      %dma_start3A_434 = tpu.memref_slice %arg6[%dma_start3A_431, %add3A_430, %dma_start3A_433] : memref<5x128x64xf32, #tpu.memory_space<vmem>> -> memref<1x1x64xf32, #tpu.memory_space<vmem>>
      %dma_start3A_435 = tpu.memref_squeeze %dma_start3A_434 : memref<1x1x64xf32, #tpu.memory_space<vmem>> -> memref<64xf32, #tpu.memory_space<vmem>>
      %dma_start3A_436 = arith.constant 0 : i32
      %dma_start3A_437 = tpu.memref_slice %arg3[%shift_right_arithmetic3A_424, %and3A_426, %dma_start3A_436] : memref<125000x8x64xf32, #tpu.memory_space<hbm>> -> memref<1x1x64xf32, #tpu.memory_space<hbm>>
      %dma_start3A_438 = tpu.memref_squeeze %dma_start3A_437 : memref<1x1x64xf32, #tpu.memory_space<hbm>> -> memref<64xf32, #tpu.memory_space<hbm>>
      %dma_start3A_439 = tpu.memref_slice %arg8[%dma_start3A_432] : memref<5x!tpu.dma_semaphore, #tpu.memory_space<semaphore_mem>> -> memref<1x!tpu.dma_semaphore, #tpu.memory_space<semaphore_mem>>
      %dma_start3A_440 = tpu.memref_squeeze %dma_start3A_439 : memref<1x!tpu.dma_semaphore, #tpu.memory_space<semaphore_mem>> -> memref<!tpu.dma_semaphore, #tpu.memory_space<semaphore_mem>>
      %dma_start3A_441 = arith.constant 0 : i32
      %dma_start3A_442 = tpu.memref_slice %arg6[%dma_start3A_431, %add3A_430, %dma_start3A_441] : memref<5x128x64xf32, #tpu.memory_space<vmem>> -> memref<1x1x64xf32, #tpu.memory_space<vmem>>
      %dma_start3A_443 = tpu.memref_squeeze %dma_start3A_442 : memref<1x1x64xf32, #tpu.memory_space<vmem>> -> memref<64xf32, #tpu.memory_space<vmem>>
      %dma_start3A_444 = arith.constant 0 : i32
      %dma_start3A_445 = tpu.memref_slice %arg3[%shift_right_arithmetic3A_424, %and3A_426, %dma_start3A_444] : memref<125000x8x64xf32, #tpu.memory_space<hbm>> -> memref<1x1x64xf32, #tpu.memory_space<hbm>>
      %dma_start3A_446 = tpu.memref_squeeze %dma_start3A_445 : memref<1x1x64xf32, #tpu.memory_space<hbm>> -> memref<64xf32, #tpu.memory_space<hbm>>
      tpu.enqueue_dma source(%dma_start3A_446 : memref<64xf32, #tpu.memory_space<hbm>>) target(%dma_start3A_443 : memref<64xf32, #tpu.memory_space<vmem>>) target_semaphore(%dma_start3A_440 : memref<!tpu.dma_semaphore, #tpu.memory_space<semaphore_mem>>)
      %slice3A_447 = vector.extract_strided_slice %get3A_164 {offsets = [11], sizes = [1], strides = [1]} : vector<16xi32> to vector<1xi32>
      %squeeze3A_448 = vector.extract %slice3A_447[0] : i32 from vector<1xi32>
      %shift_right_arithmetic3A_449 = arith.constant 3 : i32
      %shift_right_arithmetic3A_450 = arith.shrsi %squeeze3A_448, %shift_right_arithmetic3A_449 : i32
      %and3A_451 = arith.constant 7 : i32
      %and3A_452 = arith.andi %squeeze3A_448, %and3A_451 : i32
      %mul3A_453 = arith.constant 16 : i32
      %mul3A_454 = arith.muli %scan3A_158, %mul3A_453 : i32
      %add3A_455 = arith.constant 11 : i32
      %add3A_456 = arith.addi %mul3A_454, %add3A_455 : i32
      %dma_start3A_457 = arith.constant 0 : i32
      %dma_start3A_458 = arith.constant 0 : i32
      %dma_start3A_459 = arith.constant 0 : i32
      %dma_start3A_460 = tpu.memref_slice %arg6[%dma_start3A_457, %add3A_456, %dma_start3A_459] : memref<5x128x64xf32, #tpu.memory_space<vmem>> -> memref<1x1x64xf32, #tpu.memory_space<vmem>>
      %dma_start3A_461 = tpu.memref_squeeze %dma_start3A_460 : memref<1x1x64xf32, #tpu.memory_space<vmem>> -> memref<64xf32, #tpu.memory_space<vmem>>
      %dma_start3A_462 = arith.constant 0 : i32
      %dma_start3A_463 = tpu.memref_slice %arg3[%shift_right_arithmetic3A_450, %and3A_452, %dma_start3A_462] : memref<125000x8x64xf32, #tpu.memory_space<hbm>> -> memref<1x1x64xf32, #tpu.memory_space<hbm>>
      %dma_start3A_464 = tpu.memref_squeeze %dma_start3A_463 : memref<1x1x64xf32, #tpu.memory_space<hbm>> -> memref<64xf32, #tpu.memory_space<hbm>>
      %dma_start3A_465 = tpu.memref_slice %arg8[%dma_start3A_458] : memref<5x!tpu.dma_semaphore, #tpu.memory_space<semaphore_mem>> -> memref<1x!tpu.dma_semaphore, #tpu.memory_space<semaphore_mem>>
      %dma_start3A_466 = tpu.memref_squeeze %dma_start3A_465 : memref<1x!tpu.dma_semaphore, #tpu.memory_space<semaphore_mem>> -> memref<!tpu.dma_semaphore, #tpu.memory_space<semaphore_mem>>
      %dma_start3A_467 = arith.constant 0 : i32
      %dma_start3A_468 = tpu.memref_slice %arg6[%dma_start3A_457, %add3A_456, %dma_start3A_467] : memref<5x128x64xf32, #tpu.memory_space<vmem>> -> memref<1x1x64xf32, #tpu.memory_space<vmem>>
      %dma_start3A_469 = tpu.memref_squeeze %dma_start3A_468 : memref<1x1x64xf32, #tpu.memory_space<vmem>> -> memref<64xf32, #tpu.memory_space<vmem>>
      %dma_start3A_470 = arith.constant 0 : i32
      %dma_start3A_471 = tpu.memref_slice %arg3[%shift_right_arithmetic3A_450, %and3A_452, %dma_start3A_470] : memref<125000x8x64xf32, #tpu.memory_space<hbm>> -> memref<1x1x64xf32, #tpu.memory_space<hbm>>
      %dma_start3A_472 = tpu.memref_squeeze %dma_start3A_471 : memref<1x1x64xf32, #tpu.memory_space<hbm>> -> memref<64xf32, #tpu.memory_space<hbm>>
      tpu.enqueue_dma source(%dma_start3A_472 : memref<64xf32, #tpu.memory_space<hbm>>) target(%dma_start3A_469 : memref<64xf32, #tpu.memory_space<vmem>>) target_semaphore(%dma_start3A_466 : memref<!tpu.dma_semaphore, #tpu.memory_space<semaphore_mem>>)
      %slice3A_473 = vector.extract_strided_slice %get3A_164 {offsets = [12], sizes = [1], strides = [1]} : vector<16xi32> to vector<1xi32>
      %squeeze3A_474 = vector.extract %slice3A_473[0] : i32 from vector<1xi32>
      %shift_right_arithmetic3A_475 = arith.constant 3 : i32
      %shift_right_arithmetic3A_476 = arith.shrsi %squeeze3A_474, %shift_right_arithmetic3A_475 : i32
      %and3A_477 = arith.constant 7 : i32
      %and3A_478 = arith.andi %squeeze3A_474, %and3A_477 : i32
      %mul3A_479 = arith.constant 16 : i32
      %mul3A_480 = arith.muli %scan3A_158, %mul3A_479 : i32
      %add3A_481 = arith.constant 12 : i32
      %add3A_482 = arith.addi %mul3A_480, %add3A_481 : i32
      %dma_start3A_483 = arith.constant 0 : i32
      %dma_start3A_484 = arith.constant 0 : i32
      %dma_start3A_485 = arith.constant 0 : i32
      %dma_start3A_486 = tpu.memref_slice %arg6[%dma_start3A_483, %add3A_482, %dma_start3A_485] : memref<5x128x64xf32, #tpu.memory_space<vmem>> -> memref<1x1x64xf32, #tpu.memory_space<vmem>>
      %dma_start3A_487 = tpu.memref_squeeze %dma_start3A_486 : memref<1x1x64xf32, #tpu.memory_space<vmem>> -> memref<64xf32, #tpu.memory_space<vmem>>
      %dma_start3A_488 = arith.constant 0 : i32
      %dma_start3A_489 = tpu.memref_slice %arg3[%shift_right_arithmetic3A_476, %and3A_478, %dma_start3A_488] : memref<125000x8x64xf32, #tpu.memory_space<hbm>> -> memref<1x1x64xf32, #tpu.memory_space<hbm>>
      %dma_start3A_490 = tpu.memref_squeeze %dma_start3A_489 : memref<1x1x64xf32, #tpu.memory_space<hbm>> -> memref<64xf32, #tpu.memory_space<hbm>>
      %dma_start3A_491 = tpu.memref_slice %arg8[%dma_start3A_484] : memref<5x!tpu.dma_semaphore, #tpu.memory_space<semaphore_mem>> -> memref<1x!tpu.dma_semaphore, #tpu.memory_space<semaphore_mem>>
      %dma_start3A_492 = tpu.memref_squeeze %dma_start3A_491 : memref<1x!tpu.dma_semaphore, #tpu.memory_space<semaphore_mem>> -> memref<!tpu.dma_semaphore, #tpu.memory_space<semaphore_mem>>
      %dma_start3A_493 = arith.constant 0 : i32
      %dma_start3A_494 = tpu.memref_slice %arg6[%dma_start3A_483, %add3A_482, %dma_start3A_493] : memref<5x128x64xf32, #tpu.memory_space<vmem>> -> memref<1x1x64xf32, #tpu.memory_space<vmem>>
      %dma_start3A_495 = tpu.memref_squeeze %dma_start3A_494 : memref<1x1x64xf32, #tpu.memory_space<vmem>> -> memref<64xf32, #tpu.memory_space<vmem>>
      %dma_start3A_496 = arith.constant 0 : i32
      %dma_start3A_497 = tpu.memref_slice %arg3[%shift_right_arithmetic3A_476, %and3A_478, %dma_start3A_496] : memref<125000x8x64xf32, #tpu.memory_space<hbm>> -> memref<1x1x64xf32, #tpu.memory_space<hbm>>
      %dma_start3A_498 = tpu.memref_squeeze %dma_start3A_497 : memref<1x1x64xf32, #tpu.memory_space<hbm>> -> memref<64xf32, #tpu.memory_space<hbm>>
      tpu.enqueue_dma source(%dma_start3A_498 : memref<64xf32, #tpu.memory_space<hbm>>) target(%dma_start3A_495 : memref<64xf32, #tpu.memory_space<vmem>>) target_semaphore(%dma_start3A_492 : memref<!tpu.dma_semaphore, #tpu.memory_space<semaphore_mem>>)
      %slice3A_499 = vector.extract_strided_slice %get3A_164 {offsets = [13], sizes = [1], strides = [1]} : vector<16xi32> to vector<1xi32>
      %squeeze3A_500 = vector.extract %slice3A_499[0] : i32 from vector<1xi32>
      %shift_right_arithmetic3A_501 = arith.constant 3 : i32
      %shift_right_arithmetic3A_502 = arith.shrsi %squeeze3A_500, %shift_right_arithmetic3A_501 : i32
      %and3A_503 = arith.constant 7 : i32
      %and3A_504 = arith.andi %squeeze3A_500, %and3A_503 : i32
      %mul3A_505 = arith.constant 16 : i32
      %mul3A_506 = arith.muli %scan3A_158, %mul3A_505 : i32
      %add3A_507 = arith.constant 13 : i32
      %add3A_508 = arith.addi %mul3A_506, %add3A_507 : i32
      %dma_start3A_509 = arith.constant 0 : i32
      %dma_start3A_510 = arith.constant 0 : i32
      %dma_start3A_511 = arith.constant 0 : i32
      %dma_start3A_512 = tpu.memref_slice %arg6[%dma_start3A_509, %add3A_508, %dma_start3A_511] : memref<5x128x64xf32, #tpu.memory_space<vmem>> -> memref<1x1x64xf32, #tpu.memory_space<vmem>>
      %dma_start3A_513 = tpu.memref_squeeze %dma_start3A_512 : memref<1x1x64xf32, #tpu.memory_space<vmem>> -> memref<64xf32, #tpu.memory_space<vmem>>
      %dma_start3A_514 = arith.constant 0 : i32
      %dma_start3A_515 = tpu.memref_slice %arg3[%shift_right_arithmetic3A_502, %and3A_504, %dma_start3A_514] : memref<125000x8x64xf32, #tpu.memory_space<hbm>> -> memref<1x1x64xf32, #tpu.memory_space<hbm>>
      %dma_start3A_516 = tpu.memref_squeeze %dma_start3A_515 : memref<1x1x64xf32, #tpu.memory_space<hbm>> -> memref<64xf32, #tpu.memory_space<hbm>>
      %dma_start3A_517 = tpu.memref_slice %arg8[%dma_start3A_510] : memref<5x!tpu.dma_semaphore, #tpu.memory_space<semaphore_mem>> -> memref<1x!tpu.dma_semaphore, #tpu.memory_space<semaphore_mem>>
      %dma_start3A_518 = tpu.memref_squeeze %dma_start3A_517 : memref<1x!tpu.dma_semaphore, #tpu.memory_space<semaphore_mem>> -> memref<!tpu.dma_semaphore, #tpu.memory_space<semaphore_mem>>
      %dma_start3A_519 = arith.constant 0 : i32
      %dma_start3A_520 = tpu.memref_slice %arg6[%dma_start3A_509, %add3A_508, %dma_start3A_519] : memref<5x128x64xf32, #tpu.memory_space<vmem>> -> memref<1x1x64xf32, #tpu.memory_space<vmem>>
      %dma_start3A_521 = tpu.memref_squeeze %dma_start3A_520 : memref<1x1x64xf32, #tpu.memory_space<vmem>> -> memref<64xf32, #tpu.memory_space<vmem>>
      %dma_start3A_522 = arith.constant 0 : i32
      %dma_start3A_523 = tpu.memref_slice %arg3[%shift_right_arithmetic3A_502, %and3A_504, %dma_start3A_522] : memref<125000x8x64xf32, #tpu.memory_space<hbm>> -> memref<1x1x64xf32, #tpu.memory_space<hbm>>
      %dma_start3A_524 = tpu.memref_squeeze %dma_start3A_523 : memref<1x1x64xf32, #tpu.memory_space<hbm>> -> memref<64xf32, #tpu.memory_space<hbm>>
      tpu.enqueue_dma source(%dma_start3A_524 : memref<64xf32, #tpu.memory_space<hbm>>) target(%dma_start3A_521 : memref<64xf32, #tpu.memory_space<vmem>>) target_semaphore(%dma_start3A_518 : memref<!tpu.dma_semaphore, #tpu.memory_space<semaphore_mem>>)
      %slice3A_525 = vector.extract_strided_slice %get3A_164 {offsets = [14], sizes = [1], strides = [1]} : vector<16xi32> to vector<1xi32>
      %squeeze3A_526 = vector.extract %slice3A_525[0] : i32 from vector<1xi32>
      %shift_right_arithmetic3A_527 = arith.constant 3 : i32
      %shift_right_arithmetic3A_528 = arith.shrsi %squeeze3A_526, %shift_right_arithmetic3A_527 : i32
      %and3A_529 = arith.constant 7 : i32
      %and3A_530 = arith.andi %squeeze3A_526, %and3A_529 : i32
      %mul3A_531 = arith.constant 16 : i32
      %mul3A_532 = arith.muli %scan3A_158, %mul3A_531 : i32
      %add3A_533 = arith.constant 14 : i32
      %add3A_534 = arith.addi %mul3A_532, %add3A_533 : i32
      %dma_start3A_535 = arith.constant 0 : i32
      %dma_start3A_536 = arith.constant 0 : i32
      %dma_start3A_537 = arith.constant 0 : i32
      %dma_start3A_538 = tpu.memref_slice %arg6[%dma_start3A_535, %add3A_534, %dma_start3A_537] : memref<5x128x64xf32, #tpu.memory_space<vmem>> -> memref<1x1x64xf32, #tpu.memory_space<vmem>>
      %dma_start3A_539 = tpu.memref_squeeze %dma_start3A_538 : memref<1x1x64xf32, #tpu.memory_space<vmem>> -> memref<64xf32, #tpu.memory_space<vmem>>
      %dma_start3A_540 = arith.constant 0 : i32
      %dma_start3A_541 = tpu.memref_slice %arg3[%shift_right_arithmetic3A_528, %and3A_530, %dma_start3A_540] : memref<125000x8x64xf32, #tpu.memory_space<hbm>> -> memref<1x1x64xf32, #tpu.memory_space<hbm>>
      %dma_start3A_542 = tpu.memref_squeeze %dma_start3A_541 : memref<1x1x64xf32, #tpu.memory_space<hbm>> -> memref<64xf32, #tpu.memory_space<hbm>>
      %dma_start3A_543 = tpu.memref_slice %arg8[%dma_start3A_536] : memref<5x!tpu.dma_semaphore, #tpu.memory_space<semaphore_mem>> -> memref<1x!tpu.dma_semaphore, #tpu.memory_space<semaphore_mem>>
      %dma_start3A_544 = tpu.memref_squeeze %dma_start3A_543 : memref<1x!tpu.dma_semaphore, #tpu.memory_space<semaphore_mem>> -> memref<!tpu.dma_semaphore, #tpu.memory_space<semaphore_mem>>
      %dma_start3A_545 = arith.constant 0 : i32
      %dma_start3A_546 = tpu.memref_slice %arg6[%dma_start3A_535, %add3A_534, %dma_start3A_545] : memref<5x128x64xf32, #tpu.memory_space<vmem>> -> memref<1x1x64xf32, #tpu.memory_space<vmem>>
      %dma_start3A_547 = tpu.memref_squeeze %dma_start3A_546 : memref<1x1x64xf32, #tpu.memory_space<vmem>> -> memref<64xf32, #tpu.memory_space<vmem>>
      %dma_start3A_548 = arith.constant 0 : i32
      %dma_start3A_549 = tpu.memref_slice %arg3[%shift_right_arithmetic3A_528, %and3A_530, %dma_start3A_548] : memref<125000x8x64xf32, #tpu.memory_space<hbm>> -> memref<1x1x64xf32, #tpu.memory_space<hbm>>
      %dma_start3A_550 = tpu.memref_squeeze %dma_start3A_549 : memref<1x1x64xf32, #tpu.memory_space<hbm>> -> memref<64xf32, #tpu.memory_space<hbm>>
      tpu.enqueue_dma source(%dma_start3A_550 : memref<64xf32, #tpu.memory_space<hbm>>) target(%dma_start3A_547 : memref<64xf32, #tpu.memory_space<vmem>>) target_semaphore(%dma_start3A_544 : memref<!tpu.dma_semaphore, #tpu.memory_space<semaphore_mem>>)
      %slice3A_551 = vector.extract_strided_slice %get3A_164 {offsets = [15], sizes = [1], strides = [1]} : vector<16xi32> to vector<1xi32>
      %squeeze3A_552 = vector.extract %slice3A_551[0] : i32 from vector<1xi32>
      %shift_right_arithmetic3A_553 = arith.constant 3 : i32
      %shift_right_arithmetic3A_554 = arith.shrsi %squeeze3A_552, %shift_right_arithmetic3A_553 : i32
      %and3A_555 = arith.constant 7 : i32
      %and3A_556 = arith.andi %squeeze3A_552, %and3A_555 : i32
      %mul3A_557 = arith.constant 16 : i32
      %mul3A_558 = arith.muli %scan3A_158, %mul3A_557 : i32
      %add3A_559 = arith.constant 15 : i32
      %add3A_560 = arith.addi %mul3A_558, %add3A_559 : i32
      %dma_start3A_561 = arith.constant 0 : i32
      %dma_start3A_562 = arith.constant 0 : i32
      %dma_start3A_563 = arith.constant 0 : i32
      %dma_start3A_564 = tpu.memref_slice %arg6[%dma_start3A_561, %add3A_560, %dma_start3A_563] : memref<5x128x64xf32, #tpu.memory_space<vmem>> -> memref<1x1x64xf32, #tpu.memory_space<vmem>>
      %dma_start3A_565 = tpu.memref_squeeze %dma_start3A_564 : memref<1x1x64xf32, #tpu.memory_space<vmem>> -> memref<64xf32, #tpu.memory_space<vmem>>
      %dma_start3A_566 = arith.constant 0 : i32
      %dma_start3A_567 = tpu.memref_slice %arg3[%shift_right_arithmetic3A_554, %and3A_556, %dma_start3A_566] : memref<125000x8x64xf32, #tpu.memory_space<hbm>> -> memref<1x1x64xf32, #tpu.memory_space<hbm>>
      %dma_start3A_568 = tpu.memref_squeeze %dma_start3A_567 : memref<1x1x64xf32, #tpu.memory_space<hbm>> -> memref<64xf32, #tpu.memory_space<hbm>>
      %dma_start3A_569 = tpu.memref_slice %arg8[%dma_start3A_562] : memref<5x!tpu.dma_semaphore, #tpu.memory_space<semaphore_mem>> -> memref<1x!tpu.dma_semaphore, #tpu.memory_space<semaphore_mem>>
      %dma_start3A_570 = tpu.memref_squeeze %dma_start3A_569 : memref<1x!tpu.dma_semaphore, #tpu.memory_space<semaphore_mem>> -> memref<!tpu.dma_semaphore, #tpu.memory_space<semaphore_mem>>
      %dma_start3A_571 = arith.constant 0 : i32
      %dma_start3A_572 = tpu.memref_slice %arg6[%dma_start3A_561, %add3A_560, %dma_start3A_571] : memref<5x128x64xf32, #tpu.memory_space<vmem>> -> memref<1x1x64xf32, #tpu.memory_space<vmem>>
      %dma_start3A_573 = tpu.memref_squeeze %dma_start3A_572 : memref<1x1x64xf32, #tpu.memory_space<vmem>> -> memref<64xf32, #tpu.memory_space<vmem>>
      %dma_start3A_574 = arith.constant 0 : i32
      %dma_start3A_575 = tpu.memref_slice %arg3[%shift_right_arithmetic3A_554, %and3A_556, %dma_start3A_574] : memref<125000x8x64xf32, #tpu.memory_space<hbm>> -> memref<1x1x64xf32, #tpu.memory_space<hbm>>
      %dma_start3A_576 = tpu.memref_squeeze %dma_start3A_575 : memref<1x1x64xf32, #tpu.memory_space<hbm>> -> memref<64xf32, #tpu.memory_space<hbm>>
      tpu.enqueue_dma source(%dma_start3A_576 : memref<64xf32, #tpu.memory_space<hbm>>) target(%dma_start3A_573 : memref<64xf32, #tpu.memory_space<vmem>>) target_semaphore(%dma_start3A_570 : memref<!tpu.dma_semaphore, #tpu.memory_space<semaphore_mem>>)
    }
    %scan3A_61 = arith.constant 8 : i32
    %scan3A_62 = arith.constant 0 : i32
    %scan3A_63 = arith.constant 0 : i32
    %scan3A_64 = arith.constant 10 : i32
    %scan3A_65 = arith.addi %scan3A_63, %scan3A_64 : i32
    %scan3A_66 = arith.constant 1 : i32
    scf.for %scan3A_158 = %scan3A_63 to %scan3A_65 step %scan3A_66  : i32 {
      %mul3A_159 = arith.constant 5 : i32
      %mul3A_160 = arith.muli %scan3A_158, %mul3A_159 : i32
      %add3A_161 = arith.constant 0 : i32
      %add3A_162 = arith.addi %mul3A_160, %add3A_161 : i32
      %add3A_163 = arith.constant 3 : i32
      %add3A_164 = arith.addi %add3A_162, %add3A_163 : i32
      %add3A_165 = arith.constant 1 : i32
      %add3A_166 = arith.addi %add3A_162, %add3A_165 : i32
      %lt3A = arith.constant 50 : i32
      %lt3A_167 = arith.cmpi slt, %add3A_164, %lt3A : i32
      %convert_element_type3A = arith.extui %lt3A_167 : i1 to i32
      %cond3A = arith.constant 0 : i32
      %cond3A_168 = arith.cmpi ne, %convert_element_type3A, %cond3A : i32
      scf.if %cond3A_168 {
        %mul3A_509 = arith.constant 4096 : i32
        %mul3A_510 = arith.muli %add3A_164, %mul3A_509 : i32
        %add3A_511 = arith.addi %mul3A_510, %mul3A_2 : i32
        %dma_start3A_512 = arith.constant 3 : i32
        %dma_start3A_513 = arith.constant 3 : i32
        %dma_start3A_514 = arith.constant 0 : i32
        %dma_start3A_515 = tpu.memref_slice %arg5[%dma_start3A_512, %dma_start3A_514] : memref<5x128xi32, #tpu.memory_space<vmem>> -> memref<1x128xi32, #tpu.memory_space<vmem>>
        %dma_start3A_516 = tpu.memref_squeeze %dma_start3A_515 : memref<1x128xi32, #tpu.memory_space<vmem>> -> memref<128xi32, #tpu.memory_space<vmem>>
        %dma_start3A_517 = tpu.memref_slice %arg2[%add3A_511] : memref<204800xi32, #tpu.memory_space<hbm>> -> memref<128xi32, #tpu.memory_space<hbm>>
        %dma_start3A_518 = tpu.memref_slice %arg7[%dma_start3A_513] : memref<5x!tpu.dma_semaphore, #tpu.memory_space<semaphore_mem>> -> memref<1x!tpu.dma_semaphore, #tpu.memory_space<semaphore_mem>>
        %dma_start3A_519 = tpu.memref_squeeze %dma_start3A_518 : memref<1x!tpu.dma_semaphore, #tpu.memory_space<semaphore_mem>> -> memref<!tpu.dma_semaphore, #tpu.memory_space<semaphore_mem>>
        %dma_start3A_520 = arith.constant 0 : i32
        %dma_start3A_521 = tpu.memref_slice %arg5[%dma_start3A_512, %dma_start3A_520] : memref<5x128xi32, #tpu.memory_space<vmem>> -> memref<1x128xi32, #tpu.memory_space<vmem>>
        %dma_start3A_522 = tpu.memref_squeeze %dma_start3A_521 : memref<1x128xi32, #tpu.memory_space<vmem>> -> memref<128xi32, #tpu.memory_space<vmem>>
        %dma_start3A_523 = tpu.memref_slice %arg2[%add3A_511] : memref<204800xi32, #tpu.memory_space<hbm>> -> memref<128xi32, #tpu.memory_space<hbm>>
        tpu.enqueue_dma source(%dma_start3A_523 : memref<128xi32, #tpu.memory_space<hbm>>) target(%dma_start3A_522 : memref<128xi32, #tpu.memory_space<vmem>>) target_semaphore(%dma_start3A_519 : memref<!tpu.dma_semaphore, #tpu.memory_space<semaphore_mem>>)
      } else {
      }
      %ge3A = arith.constant 5 : i32
      %ge3A_169 = arith.cmpi sge, %add3A_166, %ge3A : i32
      %lt3A_170 = arith.constant 50 : i32
      %lt3A_171 = arith.cmpi slt, %add3A_166, %lt3A_170 : i32
      %and3A = arith.andi %ge3A_169, %lt3A_171 : i1
      %convert_element_type3A_172 = arith.extui %and3A : i1 to i32
      %cond3A_173 = arith.constant 0 : i32
      %cond3A_174 = arith.cmpi ne, %convert_element_type3A_172, %cond3A_173 : i32
      scf.if %cond3A_174 {
        %dma_wait3A_509 = arith.constant 1 : i32
        %dma_wait3A_510 = arith.constant 1 : i32
        %dma_wait3A_511 = arith.constant 0 : i32
        %dma_wait3A_512 = arith.constant 0 : i32
        %dma_wait3A_513 = tpu.memref_slice %arg6[%dma_wait3A_509, %dma_wait3A_511, %dma_wait3A_512] : memref<5x128x64xf32, #tpu.memory_space<vmem>> -> memref<1x128x64xf32, #tpu.memory_space<vmem>>
        %dma_wait3A_514 = tpu.memref_squeeze %dma_wait3A_513 : memref<1x128x64xf32, #tpu.memory_space<vmem>> -> memref<128x64xf32, #tpu.memory_space<vmem>>
        %dma_wait3A_515 = arith.constant 0 : i32
        %dma_wait3A_516 = arith.constant 0 : i32
        %dma_wait3A_517 = tpu.memref_slice %arg4[%dma_wait3A_515, %dma_wait3A_516] : memref<204800x64xf32, #tpu.memory_space<hbm>> -> memref<128x64xf32, #tpu.memory_space<hbm>>
        %dma_wait3A_518 = tpu.memref_slice %arg9[%dma_wait3A_510] : memref<5x!tpu.dma_semaphore, #tpu.memory_space<semaphore_mem>> -> memref<1x!tpu.dma_semaphore, #tpu.memory_space<semaphore_mem>>
        %dma_wait3A_519 = tpu.memref_squeeze %dma_wait3A_518 : memref<1x!tpu.dma_semaphore, #tpu.memory_space<semaphore_mem>> -> memref<!tpu.dma_semaphore, #tpu.memory_space<semaphore_mem>>
        %dma_wait3A_520 = arith.constant 0 : i32
        %dma_wait3A_521 = arith.constant 0 : i32
        %dma_wait3A_522 = tpu.memref_slice %arg4[%dma_wait3A_520, %dma_wait3A_521] : memref<204800x64xf32, #tpu.memory_space<hbm>> -> memref<128x64xf32, #tpu.memory_space<hbm>>
        %dma_wait3A_523 = arith.constant 0 : i32
        %dma_wait3A_524 = arith.constant 0 : i32
        %dma_wait3A_525 = tpu.memref_slice %arg6[%dma_wait3A_509, %dma_wait3A_523, %dma_wait3A_524] : memref<5x128x64xf32, #tpu.memory_space<vmem>> -> memref<1x128x64xf32, #tpu.memory_space<vmem>>
        %dma_wait3A_526 = tpu.memref_squeeze %dma_wait3A_525 : memref<1x128x64xf32, #tpu.memory_space<vmem>> -> memref<128x64xf32, #tpu.memory_space<vmem>>
        tpu.wait_dma2 semaphore(%dma_wait3A_519 : memref<!tpu.dma_semaphore, #tpu.memory_space<semaphore_mem>>) src(%dma_wait3A_526 : memref<128x64xf32, #tpu.memory_space<vmem>>) dst(%dma_wait3A_522 : memref<128x64xf32, #tpu.memory_space<hbm>>)
      } else {
      }
      %lt3A_175 = arith.constant 50 : i32
      %lt3A_176 = arith.cmpi slt, %add3A_166, %lt3A_175 : i32
      %convert_element_type3A_177 = arith.extui %lt3A_176 : i1 to i32
      %cond3A_178 = arith.constant 0 : i32
      %cond3A_179 = arith.cmpi ne, %convert_element_type3A_177, %cond3A_178 : i32
      scf.if %cond3A_179 {
        %dma_wait3A_509 = arith.constant 1 : i32
        %dma_wait3A_510 = arith.constant 1 : i32
        %dma_wait3A_511 = arith.constant 0 : i32
        %dma_wait3A_512 = tpu.memref_slice %arg5[%dma_wait3A_509, %dma_wait3A_511] : memref<5x128xi32, #tpu.memory_space<vmem>> -> memref<1x128xi32, #tpu.memory_space<vmem>>
        %dma_wait3A_513 = tpu.memref_squeeze %dma_wait3A_512 : memref<1x128xi32, #tpu.memory_space<vmem>> -> memref<128xi32, #tpu.memory_space<vmem>>
        %dma_wait3A_514 = arith.constant 0 : i32
        %dma_wait3A_515 = tpu.memref_slice %arg2[%dma_wait3A_514] : memref<204800xi32, #tpu.memory_space<hbm>> -> memref<128xi32, #tpu.memory_space<hbm>>
        %dma_wait3A_516 = tpu.memref_slice %arg7[%dma_wait3A_510] : memref<5x!tpu.dma_semaphore, #tpu.memory_space<semaphore_mem>> -> memref<1x!tpu.dma_semaphore, #tpu.memory_space<semaphore_mem>>
        %dma_wait3A_517 = tpu.memref_squeeze %dma_wait3A_516 : memref<1x!tpu.dma_semaphore, #tpu.memory_space<semaphore_mem>> -> memref<!tpu.dma_semaphore, #tpu.memory_space<semaphore_mem>>
        %dma_wait3A_518 = arith.constant 0 : i32
        %dma_wait3A_519 = tpu.memref_slice %arg5[%dma_wait3A_509, %dma_wait3A_518] : memref<5x128xi32, #tpu.memory_space<vmem>> -> memref<1x128xi32, #tpu.memory_space<vmem>>
        %dma_wait3A_520 = tpu.memref_squeeze %dma_wait3A_519 : memref<1x128xi32, #tpu.memory_space<vmem>> -> memref<128xi32, #tpu.memory_space<vmem>>
        %dma_wait3A_521 = arith.constant 0 : i32
        %dma_wait3A_522 = tpu.memref_slice %arg2[%dma_wait3A_521] : memref<204800xi32, #tpu.memory_space<hbm>> -> memref<128xi32, #tpu.memory_space<hbm>>
        tpu.wait_dma2 semaphore(%dma_wait3A_517 : memref<!tpu.dma_semaphore, #tpu.memory_space<semaphore_mem>>) src(%dma_wait3A_522 : memref<128xi32, #tpu.memory_space<hbm>>) dst(%dma_wait3A_520 : memref<128xi32, #tpu.memory_space<vmem>>)
        %scan3A_523 = arith.constant 0 : i32
        %scan3A_524 = arith.constant 0 : i32
        %scan3A_525 = arith.constant 8 : i32
        %scan3A_526 = arith.addi %scan3A_524, %scan3A_525 : i32
        %scan3A_527 = arith.constant 1 : i32
        scf.for %scan3A_529 = %scan3A_524 to %scan3A_526 step %scan3A_527  : i32 {
          %mul3A_530 = arith.constant 16 : i32
          %mul3A_531 = arith.muli %scan3A_529, %mul3A_530 : i32
          %get3A = arith.constant 1 : i32
          %get3A_532 = arith.index_cast %get3A : i32 to index
          %get3A_533 = arith.index_cast %mul3A_531 : i32 to index
          %get3A_534 = tpu.vector_load %arg5[%get3A_532, %get3A_533] {strides = array<i32>} : memref<5x128xi32, #tpu.memory_space<vmem>>, vector<1x16xi32>,
          %get3A_535 = vector.shape_cast %get3A_534 : vector<1x16xi32> to vector<16xi32>
          %slice3A = vector.extract_strided_slice %get3A_535 {offsets = [0], sizes = [1], strides = [1]} : vector<16xi32> to vector<1xi32>
          %squeeze3A = vector.extract %slice3A[0] : i32 from vector<1xi32>
          %shift_right_arithmetic3A = arith.constant 3 : i32
          %shift_right_arithmetic3A_536 = arith.shrsi %squeeze3A, %shift_right_arithmetic3A : i32
          %and3A_537 = arith.constant 7 : i32
          %and3A_538 = arith.andi %squeeze3A, %and3A_537 : i32
          %mul3A_539 = arith.constant 16 : i32
          %mul3A_540 = arith.muli %scan3A_529, %mul3A_539 : i32
          %add3A_541 = arith.constant 0 : i32
          %add3A_542 = arith.addi %mul3A_540, %add3A_541 : i32
          %dma_start3A_543 = arith.constant 1 : i32
          %dma_start3A_544 = arith.constant 1 : i32
          %dma_start3A_545 = arith.constant 0 : i32
          %dma_start3A_546 = tpu.memref_slice %arg6[%dma_start3A_543, %add3A_542, %dma_start3A_545] : memref<5x128x64xf32, #tpu.memory_space<vmem>> -> memref<1x1x64xf32, #tpu.memory_space<vmem>>
          %dma_start3A_547 = tpu.memref_squeeze %dma_start3A_546 : memref<1x1x64xf32, #tpu.memory_space<vmem>> -> memref<64xf32, #tpu.memory_space<vmem>>
          %dma_start3A_548 = arith.constant 0 : i32
          %dma_start3A_549 = tpu.memref_slice %arg3[%shift_right_arithmetic3A_536, %and3A_538, %dma_start3A_548] : memref<125000x8x64xf32, #tpu.memory_space<hbm>> -> memref<1x1x64xf32, #tpu.memory_space<hbm>>
          %dma_start3A_550 = tpu.memref_squeeze %dma_start3A_549 : memref<1x1x64xf32, #tpu.memory_space<hbm>> -> memref<64xf32, #tpu.memory_space<hbm>>
          %dma_start3A_551 = tpu.memref_slice %arg8[%dma_start3A_544] : memref<5x!tpu.dma_semaphore, #tpu.memory_space<semaphore_mem>> -> memref<1x!tpu.dma_semaphore, #tpu.memory_space<semaphore_mem>>
          %dma_start3A_552 = tpu.memref_squeeze %dma_start3A_551 : memref<1x!tpu.dma_semaphore, #tpu.memory_space<semaphore_mem>> -> memref<!tpu.dma_semaphore, #tpu.memory_space<semaphore_mem>>
          %dma_start3A_553 = arith.constant 0 : i32
          %dma_start3A_554 = tpu.memref_slice %arg6[%dma_start3A_543, %add3A_542, %dma_start3A_553] : memref<5x128x64xf32, #tpu.memory_space<vmem>> -> memref<1x1x64xf32, #tpu.memory_space<vmem>>
          %dma_start3A_555 = tpu.memref_squeeze %dma_start3A_554 : memref<1x1x64xf32, #tpu.memory_space<vmem>> -> memref<64xf32, #tpu.memory_space<vmem>>
          %dma_start3A_556 = arith.constant 0 : i32
          %dma_start3A_557 = tpu.memref_slice %arg3[%shift_right_arithmetic3A_536, %and3A_538, %dma_start3A_556] : memref<125000x8x64xf32, #tpu.memory_space<hbm>> -> memref<1x1x64xf32, #tpu.memory_space<hbm>>
          %dma_start3A_558 = tpu.memref_squeeze %dma_start3A_557 : memref<1x1x64xf32, #tpu.memory_space<hbm>> -> memref<64xf32, #tpu.memory_space<hbm>>
          tpu.enqueue_dma source(%dma_start3A_558 : memref<64xf32, #tpu.memory_space<hbm>>) target(%dma_start3A_555 : memref<64xf32, #tpu.memory_space<vmem>>) target_semaphore(%dma_start3A_552 : memref<!tpu.dma_semaphore, #tpu.memory_space<semaphore_mem>>)
          %slice3A_559 = vector.extract_strided_slice %get3A_535 {offsets = [1], sizes = [1], strides = [1]} : vector<16xi32> to vector<1xi32>
          %squeeze3A_560 = vector.extract %slice3A_559[0] : i32 from vector<1xi32>
          %shift_right_arithmetic3A_561 = arith.constant 3 : i32
          %shift_right_arithmetic3A_562 = arith.shrsi %squeeze3A_560, %shift_right_arithmetic3A_561 : i32
          %and3A_563 = arith.constant 7 : i32
          %and3A_564 = arith.andi %squeeze3A_560, %and3A_563 : i32
          %mul3A_565 = arith.constant 16 : i32
          %mul3A_566 = arith.muli %scan3A_529, %mul3A_565 : i32
          %add3A_567 = arith.constant 1 : i32
          %add3A_568 = arith.addi %mul3A_566, %add3A_567 : i32
          %dma_start3A_569 = arith.constant 1 : i32
          %dma_start3A_570 = arith.constant 1 : i32
          %dma_start3A_571 = arith.constant 0 : i32
          %dma_start3A_572 = tpu.memref_slice %arg6[%dma_start3A_569, %add3A_568, %dma_start3A_571] : memref<5x128x64xf32, #tpu.memory_space<vmem>> -> memref<1x1x64xf32, #tpu.memory_space<vmem>>
          %dma_start3A_573 = tpu.memref_squeeze %dma_start3A_572 : memref<1x1x64xf32, #tpu.memory_space<vmem>> -> memref<64xf32, #tpu.memory_space<vmem>>
          %dma_start3A_574 = arith.constant 0 : i32
          %dma_start3A_575 = tpu.memref_slice %arg3[%shift_right_arithmetic3A_562, %and3A_564, %dma_start3A_574] : memref<125000x8x64xf32, #tpu.memory_space<hbm>> -> memref<1x1x64xf32, #tpu.memory_space<hbm>>
          %dma_start3A_576 = tpu.memref_squeeze %dma_start3A_575 : memref<1x1x64xf32, #tpu.memory_space<hbm>> -> memref<64xf32, #tpu.memory_space<hbm>>
          %dma_start3A_577 = tpu.memref_slice %arg8[%dma_start3A_570] : memref<5x!tpu.dma_semaphore, #tpu.memory_space<semaphore_mem>> -> memref<1x!tpu.dma_semaphore, #tpu.memory_space<semaphore_mem>>
          %dma_start3A_578 = tpu.memref_squeeze %dma_start3A_577 : memref<1x!tpu.dma_semaphore, #tpu.memory_space<semaphore_mem>> -> memref<!tpu.dma_semaphore, #tpu.memory_space<semaphore_mem>>
          %dma_start3A_579 = arith.constant 0 : i32
          %dma_start3A_580 = tpu.memref_slice %arg6[%dma_start3A_569, %add3A_568, %dma_start3A_579] : memref<5x128x64xf32, #tpu.memory_space<vmem>> -> memref<1x1x64xf32, #tpu.memory_space<vmem>>
          %dma_start3A_581 = tpu.memref_squeeze %dma_start3A_580 : memref<1x1x64xf32, #tpu.memory_space<vmem>> -> memref<64xf32, #tpu.memory_space<vmem>>
          %dma_start3A_582 = arith.constant 0 : i32
          %dma_start3A_583 = tpu.memref_slice %arg3[%shift_right_arithmetic3A_562, %and3A_564, %dma_start3A_582] : memref<125000x8x64xf32, #tpu.memory_space<hbm>> -> memref<1x1x64xf32, #tpu.memory_space<hbm>>
          %dma_start3A_584 = tpu.memref_squeeze %dma_start3A_583 : memref<1x1x64xf32, #tpu.memory_space<hbm>> -> memref<64xf32, #tpu.memory_space<hbm>>
          tpu.enqueue_dma source(%dma_start3A_584 : memref<64xf32, #tpu.memory_space<hbm>>) target(%dma_start3A_581 : memref<64xf32, #tpu.memory_space<vmem>>) target_semaphore(%dma_start3A_578 : memref<!tpu.dma_semaphore, #tpu.memory_space<semaphore_mem>>)
          %slice3A_585 = vector.extract_strided_slice %get3A_535 {offsets = [2], sizes = [1], strides = [1]} : vector<16xi32> to vector<1xi32>
          %squeeze3A_586 = vector.extract %slice3A_585[0] : i32 from vector<1xi32>
          %shift_right_arithmetic3A_587 = arith.constant 3 : i32
          %shift_right_arithmetic3A_588 = arith.shrsi %squeeze3A_586, %shift_right_arithmetic3A_587 : i32
          %and3A_589 = arith.constant 7 : i32
          %and3A_590 = arith.andi %squeeze3A_586, %and3A_589 : i32
          %mul3A_591 = arith.constant 16 : i32
          %mul3A_592 = arith.muli %scan3A_529, %mul3A_591 : i32
          %add3A_593 = arith.constant 2 : i32
          %add3A_594 = arith.addi %mul3A_592, %add3A_593 : i32
          %dma_start3A_595 = arith.constant 1 : i32
          %dma_start3A_596 = arith.constant 1 : i32
          %dma_start3A_597 = arith.constant 0 : i32
          %dma_start3A_598 = tpu.memref_slice %arg6[%dma_start3A_595, %add3A_594, %dma_start3A_597] : memref<5x128x64xf32, #tpu.memory_space<vmem>> -> memref<1x1x64xf32, #tpu.memory_space<vmem>>
          %dma_start3A_599 = tpu.memref_squeeze %dma_start3A_598 : memref<1x1x64xf32, #tpu.memory_space<vmem>> -> memref<64xf32, #tpu.memory_space<vmem>>
          %dma_start3A_600 = arith.constant 0 : i32
          %dma_start3A_601 = tpu.memref_slice %arg3[%shift_right_arithmetic3A_588, %and3A_590, %dma_start3A_600] : memref<125000x8x64xf32, #tpu.memory_space<hbm>> -> memref<1x1x64xf32, #tpu.memory_space<hbm>>
          %dma_start3A_602 = tpu.memref_squeeze %dma_start3A_601 : memref<1x1x64xf32, #tpu.memory_space<hbm>> -> memref<64xf32, #tpu.memory_space<hbm>>
          %dma_start3A_603 = tpu.memref_slice %arg8[%dma_start3A_596] : memref<5x!tpu.dma_semaphore, #tpu.memory_space<semaphore_mem>> -> memref<1x!tpu.dma_semaphore, #tpu.memory_space<semaphore_mem>>
          %dma_start3A_604 = tpu.memref_squeeze %dma_start3A_603 : memref<1x!tpu.dma_semaphore, #tpu.memory_space<semaphore_mem>> -> memref<!tpu.dma_semaphore, #tpu.memory_space<semaphore_mem>>
          %dma_start3A_605 = arith.constant 0 : i32
          %dma_start3A_606 = tpu.memref_slice %arg6[%dma_start3A_595, %add3A_594, %dma_start3A_605] : memref<5x128x64xf32, #tpu.memory_space<vmem>> -> memref<1x1x64xf32, #tpu.memory_space<vmem>>
          %dma_start3A_607 = tpu.memref_squeeze %dma_start3A_606 : memref<1x1x64xf32, #tpu.memory_space<vmem>> -> memref<64xf32, #tpu.memory_space<vmem>>
          %dma_start3A_608 = arith.constant 0 : i32
          %dma_start3A_609 = tpu.memref_slice %arg3[%shift_right_arithmetic3A_588, %and3A_590, %dma_start3A_608] : memref<125000x8x64xf32, #tpu.memory_space<hbm>> -> memref<1x1x64xf32, #tpu.memory_space<hbm>>
          %dma_start3A_610 = tpu.memref_squeeze %dma_start3A_609 : memref<1x1x64xf32, #tpu.memory_space<hbm>> -> memref<64xf32, #tpu.memory_space<hbm>>
          tpu.enqueue_dma source(%dma_start3A_610 : memref<64xf32, #tpu.memory_space<hbm>>) target(%dma_start3A_607 : memref<64xf32, #tpu.memory_space<vmem>>) target_semaphore(%dma_start3A_604 : memref<!tpu.dma_semaphore, #tpu.memory_space<semaphore_mem>>)
          %slice3A_611 = vector.extract_strided_slice %get3A_535 {offsets = [3], sizes = [1], strides = [1]} : vector<16xi32> to vector<1xi32>
          %squeeze3A_612 = vector.extract %slice3A_611[0] : i32 from vector<1xi32>
          %shift_right_arithmetic3A_613 = arith.constant 3 : i32
          %shift_right_arithmetic3A_614 = arith.shrsi %squeeze3A_612, %shift_right_arithmetic3A_613 : i32
          %and3A_615 = arith.constant 7 : i32
          %and3A_616 = arith.andi %squeeze3A_612, %and3A_615 : i32
          %mul3A_617 = arith.constant 16 : i32
          %mul3A_618 = arith.muli %scan3A_529, %mul3A_617 : i32
          %add3A_619 = arith.constant 3 : i32
          %add3A_620 = arith.addi %mul3A_618, %add3A_619 : i32
          %dma_start3A_621 = arith.constant 1 : i32
          %dma_start3A_622 = arith.constant 1 : i32
          %dma_start3A_623 = arith.constant 0 : i32
          %dma_start3A_624 = tpu.memref_slice %arg6[%dma_start3A_621, %add3A_620, %dma_start3A_623] : memref<5x128x64xf32, #tpu.memory_space<vmem>> -> memref<1x1x64xf32, #tpu.memory_space<vmem>>
          %dma_start3A_625 = tpu.memref_squeeze %dma_start3A_624 : memref<1x1x64xf32, #tpu.memory_space<vmem>> -> memref<64xf32, #tpu.memory_space<vmem>>
          %dma_start3A_626 = arith.constant 0 : i32
          %dma_start3A_627 = tpu.memref_slice %arg3[%shift_right_arithmetic3A_614, %and3A_616, %dma_start3A_626] : memref<125000x8x64xf32, #tpu.memory_space<hbm>> -> memref<1x1x64xf32, #tpu.memory_space<hbm>>
          %dma_start3A_628 = tpu.memref_squeeze %dma_start3A_627 : memref<1x1x64xf32, #tpu.memory_space<hbm>> -> memref<64xf32, #tpu.memory_space<hbm>>
          %dma_start3A_629 = tpu.memref_slice %arg8[%dma_start3A_622] : memref<5x!tpu.dma_semaphore, #tpu.memory_space<semaphore_mem>> -> memref<1x!tpu.dma_semaphore, #tpu.memory_space<semaphore_mem>>
          %dma_start3A_630 = tpu.memref_squeeze %dma_start3A_629 : memref<1x!tpu.dma_semaphore, #tpu.memory_space<semaphore_mem>> -> memref<!tpu.dma_semaphore, #tpu.memory_space<semaphore_mem>>
          %dma_start3A_631 = arith.constant 0 : i32
          %dma_start3A_632 = tpu.memref_slice %arg6[%dma_start3A_621, %add3A_620, %dma_start3A_631] : memref<5x128x64xf32, #tpu.memory_space<vmem>> -> memref<1x1x64xf32, #tpu.memory_space<vmem>>
          %dma_start3A_633 = tpu.memref_squeeze %dma_start3A_632 : memref<1x1x64xf32, #tpu.memory_space<vmem>> -> memref<64xf32, #tpu.memory_space<vmem>>
          %dma_start3A_634 = arith.constant 0 : i32
          %dma_start3A_635 = tpu.memref_slice %arg3[%shift_right_arithmetic3A_614, %and3A_616, %dma_start3A_634] : memref<125000x8x64xf32, #tpu.memory_space<hbm>> -> memref<1x1x64xf32, #tpu.memory_space<hbm>>
          %dma_start3A_636 = tpu.memref_squeeze %dma_start3A_635 : memref<1x1x64xf32, #tpu.memory_space<hbm>> -> memref<64xf32, #tpu.memory_space<hbm>>
          tpu.enqueue_dma source(%dma_start3A_636 : memref<64xf32, #tpu.memory_space<hbm>>) target(%dma_start3A_633 : memref<64xf32, #tpu.memory_space<vmem>>) target_semaphore(%dma_start3A_630 : memref<!tpu.dma_semaphore, #tpu.memory_space<semaphore_mem>>)
          %slice3A_637 = vector.extract_strided_slice %get3A_535 {offsets = [4], sizes = [1], strides = [1]} : vector<16xi32> to vector<1xi32>
          %squeeze3A_638 = vector.extract %slice3A_637[0] : i32 from vector<1xi32>
          %shift_right_arithmetic3A_639 = arith.constant 3 : i32
          %shift_right_arithmetic3A_640 = arith.shrsi %squeeze3A_638, %shift_right_arithmetic3A_639 : i32
          %and3A_641 = arith.constant 7 : i32
          %and3A_642 = arith.andi %squeeze3A_638, %and3A_641 : i32
          %mul3A_643 = arith.constant 16 : i32
          %mul3A_644 = arith.muli %scan3A_529, %mul3A_643 : i32
          %add3A_645 = arith.constant 4 : i32
          %add3A_646 = arith.addi %mul3A_644, %add3A_645 : i32
          %dma_start3A_647 = arith.constant 1 : i32
          %dma_start3A_648 = arith.constant 1 : i32
          %dma_start3A_649 = arith.constant 0 : i32
          %dma_start3A_650 = tpu.memref_slice %arg6[%dma_start3A_647, %add3A_646, %dma_start3A_649] : memref<5x128x64xf32, #tpu.memory_space<vmem>> -> memref<1x1x64xf32, #tpu.memory_space<vmem>>
          %dma_start3A_651 = tpu.memref_squeeze %dma_start3A_650 : memref<1x1x64xf32, #tpu.memory_space<vmem>> -> memref<64xf32, #tpu.memory_space<vmem>>
          %dma_start3A_652 = arith.constant 0 : i32
          %dma_start3A_653 = tpu.memref_slice %arg3[%shift_right_arithmetic3A_640, %and3A_642, %dma_start3A_652] : memref<125000x8x64xf32, #tpu.memory_space<hbm>> -> memref<1x1x64xf32, #tpu.memory_space<hbm>>
          %dma_start3A_654 = tpu.memref_squeeze %dma_start3A_653 : memref<1x1x64xf32, #tpu.memory_space<hbm>> -> memref<64xf32, #tpu.memory_space<hbm>>
          %dma_start3A_655 = tpu.memref_slice %arg8[%dma_start3A_648] : memref<5x!tpu.dma_semaphore, #tpu.memory_space<semaphore_mem>> -> memref<1x!tpu.dma_semaphore, #tpu.memory_space<semaphore_mem>>
          %dma_start3A_656 = tpu.memref_squeeze %dma_start3A_655 : memref<1x!tpu.dma_semaphore, #tpu.memory_space<semaphore_mem>> -> memref<!tpu.dma_semaphore, #tpu.memory_space<semaphore_mem>>
          %dma_start3A_657 = arith.constant 0 : i32
          %dma_start3A_658 = tpu.memref_slice %arg6[%dma_start3A_647, %add3A_646, %dma_start3A_657] : memref<5x128x64xf32, #tpu.memory_space<vmem>> -> memref<1x1x64xf32, #tpu.memory_space<vmem>>
          %dma_start3A_659 = tpu.memref_squeeze %dma_start3A_658 : memref<1x1x64xf32, #tpu.memory_space<vmem>> -> memref<64xf32, #tpu.memory_space<vmem>>
          %dma_start3A_660 = arith.constant 0 : i32
          %dma_start3A_661 = tpu.memref_slice %arg3[%shift_right_arithmetic3A_640, %and3A_642, %dma_start3A_660] : memref<125000x8x64xf32, #tpu.memory_space<hbm>> -> memref<1x1x64xf32, #tpu.memory_space<hbm>>
          %dma_start3A_662 = tpu.memref_squeeze %dma_start3A_661 : memref<1x1x64xf32, #tpu.memory_space<hbm>> -> memref<64xf32, #tpu.memory_space<hbm>>
          tpu.enqueue_dma source(%dma_start3A_662 : memref<64xf32, #tpu.memory_space<hbm>>) target(%dma_start3A_659 : memref<64xf32, #tpu.memory_space<vmem>>) target_semaphore(%dma_start3A_656 : memref<!tpu.dma_semaphore, #tpu.memory_space<semaphore_mem>>)
          %slice3A_663 = vector.extract_strided_slice %get3A_535 {offsets = [5], sizes = [1], strides = [1]} : vector<16xi32> to vector<1xi32>
          %squeeze3A_664 = vector.extract %slice3A_663[0] : i32 from vector<1xi32>
          %shift_right_arithmetic3A_665 = arith.constant 3 : i32
          %shift_right_arithmetic3A_666 = arith.shrsi %squeeze3A_664, %shift_right_arithmetic3A_665 : i32
          %and3A_667 = arith.constant 7 : i32
          %and3A_668 = arith.andi %squeeze3A_664, %and3A_667 : i32
          %mul3A_669 = arith.constant 16 : i32
          %mul3A_670 = arith.muli %scan3A_529, %mul3A_669 : i32
          %add3A_671 = arith.constant 5 : i32
          %add3A_672 = arith.addi %mul3A_670, %add3A_671 : i32
          %dma_start3A_673 = arith.constant 1 : i32
          %dma_start3A_674 = arith.constant 1 : i32
          %dma_start3A_675 = arith.constant 0 : i32
          %dma_start3A_676 = tpu.memref_slice %arg6[%dma_start3A_673, %add3A_672, %dma_start3A_675] : memref<5x128x64xf32, #tpu.memory_space<vmem>> -> memref<1x1x64xf32, #tpu.memory_space<vmem>>
          %dma_start3A_677 = tpu.memref_squeeze %dma_start3A_676 : memref<1x1x64xf32, #tpu.memory_space<vmem>> -> memref<64xf32, #tpu.memory_space<vmem>>
          %dma_start3A_678 = arith.constant 0 : i32
          %dma_start3A_679 = tpu.memref_slice %arg3[%shift_right_arithmetic3A_666, %and3A_668, %dma_start3A_678] : memref<125000x8x64xf32, #tpu.memory_space<hbm>> -> memref<1x1x64xf32, #tpu.memory_space<hbm>>
          %dma_start3A_680 = tpu.memref_squeeze %dma_start3A_679 : memref<1x1x64xf32, #tpu.memory_space<hbm>> -> memref<64xf32, #tpu.memory_space<hbm>>
          %dma_start3A_681 = tpu.memref_slice %arg8[%dma_start3A_674] : memref<5x!tpu.dma_semaphore, #tpu.memory_space<semaphore_mem>> -> memref<1x!tpu.dma_semaphore, #tpu.memory_space<semaphore_mem>>
          %dma_start3A_682 = tpu.memref_squeeze %dma_start3A_681 : memref<1x!tpu.dma_semaphore, #tpu.memory_space<semaphore_mem>> -> memref<!tpu.dma_semaphore, #tpu.memory_space<semaphore_mem>>
          %dma_start3A_683 = arith.constant 0 : i32
          %dma_start3A_684 = tpu.memref_slice %arg6[%dma_start3A_673, %add3A_672, %dma_start3A_683] : memref<5x128x64xf32, #tpu.memory_space<vmem>> -> memref<1x1x64xf32, #tpu.memory_space<vmem>>
          %dma_start3A_685 = tpu.memref_squeeze %dma_start3A_684 : memref<1x1x64xf32, #tpu.memory_space<vmem>> -> memref<64xf32, #tpu.memory_space<vmem>>
          %dma_start3A_686 = arith.constant 0 : i32
          %dma_start3A_687 = tpu.memref_slice %arg3[%shift_right_arithmetic3A_666, %and3A_668, %dma_start3A_686] : memref<125000x8x64xf32, #tpu.memory_space<hbm>> -> memref<1x1x64xf32, #tpu.memory_space<hbm>>
          %dma_start3A_688 = tpu.memref_squeeze %dma_start3A_687 : memref<1x1x64xf32, #tpu.memory_space<hbm>> -> memref<64xf32, #tpu.memory_space<hbm>>
          tpu.enqueue_dma source(%dma_start3A_688 : memref<64xf32, #tpu.memory_space<hbm>>) target(%dma_start3A_685 : memref<64xf32, #tpu.memory_space<vmem>>) target_semaphore(%dma_start3A_682 : memref<!tpu.dma_semaphore, #tpu.memory_space<semaphore_mem>>)
          %slice3A_689 = vector.extract_strided_slice %get3A_535 {offsets = [6], sizes = [1], strides = [1]} : vector<16xi32> to vector<1xi32>
          %squeeze3A_690 = vector.extract %slice3A_689[0] : i32 from vector<1xi32>
          %shift_right_arithmetic3A_691 = arith.constant 3 : i32
          %shift_right_arithmetic3A_692 = arith.shrsi %squeeze3A_690, %shift_right_arithmetic3A_691 : i32
          %and3A_693 = arith.constant 7 : i32
          %and3A_694 = arith.andi %squeeze3A_690, %and3A_693 : i32
          %mul3A_695 = arith.constant 16 : i32
          %mul3A_696 = arith.muli %scan3A_529, %mul3A_695 : i32
          %add3A_697 = arith.constant 6 : i32
          %add3A_698 = arith.addi %mul3A_696, %add3A_697 : i32
          %dma_start3A_699 = arith.constant 1 : i32
          %dma_start3A_700 = arith.constant 1 : i32
          %dma_start3A_701 = arith.constant 0 : i32
          %dma_start3A_702 = tpu.memref_slice %arg6[%dma_start3A_699, %add3A_698, %dma_start3A_701] : memref<5x128x64xf32, #tpu.memory_space<vmem>> -> memref<1x1x64xf32, #tpu.memory_space<vmem>>
          %dma_start3A_703 = tpu.memref_squeeze %dma_start3A_702 : memref<1x1x64xf32, #tpu.memory_space<vmem>> -> memref<64xf32, #tpu.memory_space<vmem>>
          %dma_start3A_704 = arith.constant 0 : i32
          %dma_start3A_705 = tpu.memref_slice %arg3[%shift_right_arithmetic3A_692, %and3A_694, %dma_start3A_704] : memref<125000x8x64xf32, #tpu.memory_space<hbm>> -> memref<1x1x64xf32, #tpu.memory_space<hbm>>
          %dma_start3A_706 = tpu.memref_squeeze %dma_start3A_705 : memref<1x1x64xf32, #tpu.memory_space<hbm>> -> memref<64xf32, #tpu.memory_space<hbm>>
          %dma_start3A_707 = tpu.memref_slice %arg8[%dma_start3A_700] : memref<5x!tpu.dma_semaphore, #tpu.memory_space<semaphore_mem>> -> memref<1x!tpu.dma_semaphore, #tpu.memory_space<semaphore_mem>>
          %dma_start3A_708 = tpu.memref_squeeze %dma_start3A_707 : memref<1x!tpu.dma_semaphore, #tpu.memory_space<semaphore_mem>> -> memref<!tpu.dma_semaphore, #tpu.memory_space<semaphore_mem>>
          %dma_start3A_709 = arith.constant 0 : i32
          %dma_start3A_710 = tpu.memref_slice %arg6[%dma_start3A_699, %add3A_698, %dma_start3A_709] : memref<5x128x64xf32, #tpu.memory_space<vmem>> -> memref<1x1x64xf32, #tpu.memory_space<vmem>>
          %dma_start3A_711 = tpu.memref_squeeze %dma_start3A_710 : memref<1x1x64xf32, #tpu.memory_space<vmem>> -> memref<64xf32, #tpu.memory_space<vmem>>
          %dma_start3A_712 = arith.constant 0 : i32
          %dma_start3A_713 = tpu.memref_slice %arg3[%shift_right_arithmetic3A_692, %and3A_694, %dma_start3A_712] : memref<125000x8x64xf32, #tpu.memory_space<hbm>> -> memref<1x1x64xf32, #tpu.memory_space<hbm>>
          %dma_start3A_714 = tpu.memref_squeeze %dma_start3A_713 : memref<1x1x64xf32, #tpu.memory_space<hbm>> -> memref<64xf32, #tpu.memory_space<hbm>>
          tpu.enqueue_dma source(%dma_start3A_714 : memref<64xf32, #tpu.memory_space<hbm>>) target(%dma_start3A_711 : memref<64xf32, #tpu.memory_space<vmem>>) target_semaphore(%dma_start3A_708 : memref<!tpu.dma_semaphore, #tpu.memory_space<semaphore_mem>>)
          %slice3A_715 = vector.extract_strided_slice %get3A_535 {offsets = [7], sizes = [1], strides = [1]} : vector<16xi32> to vector<1xi32>
          %squeeze3A_716 = vector.extract %slice3A_715[0] : i32 from vector<1xi32>
          %shift_right_arithmetic3A_717 = arith.constant 3 : i32
          %shift_right_arithmetic3A_718 = arith.shrsi %squeeze3A_716, %shift_right_arithmetic3A_717 : i32
          %and3A_719 = arith.constant 7 : i32
          %and3A_720 = arith.andi %squeeze3A_716, %and3A_719 : i32
          %mul3A_721 = arith.constant 16 : i32
          %mul3A_722 = arith.muli %scan3A_529, %mul3A_721 : i32
          %add3A_723 = arith.constant 7 : i32
          %add3A_724 = arith.addi %mul3A_722, %add3A_723 : i32
          %dma_start3A_725 = arith.constant 1 : i32
          %dma_start3A_726 = arith.constant 1 : i32
          %dma_start3A_727 = arith.constant 0 : i32
          %dma_start3A_728 = tpu.memref_slice %arg6[%dma_start3A_725, %add3A_724, %dma_start3A_727] : memref<5x128x64xf32, #tpu.memory_space<vmem>> -> memref<1x1x64xf32, #tpu.memory_space<vmem>>
          %dma_start3A_729 = tpu.memref_squeeze %dma_start3A_728 : memref<1x1x64xf32, #tpu.memory_space<vmem>> -> memref<64xf32, #tpu.memory_space<vmem>>
          %dma_start3A_730 = arith.constant 0 : i32
          %dma_start3A_731 = tpu.memref_slice %arg3[%shift_right_arithmetic3A_718, %and3A_720, %dma_start3A_730] : memref<125000x8x64xf32, #tpu.memory_space<hbm>> -> memref<1x1x64xf32, #tpu.memory_space<hbm>>
          %dma_start3A_732 = tpu.memref_squeeze %dma_start3A_731 : memref<1x1x64xf32, #tpu.memory_space<hbm>> -> memref<64xf32, #tpu.memory_space<hbm>>
          %dma_start3A_733 = tpu.memref_slice %arg8[%dma_start3A_726] : memref<5x!tpu.dma_semaphore, #tpu.memory_space<semaphore_mem>> -> memref<1x!tpu.dma_semaphore, #tpu.memory_space<semaphore_mem>>
          %dma_start3A_734 = tpu.memref_squeeze %dma_start3A_733 : memref<1x!tpu.dma_semaphore, #tpu.memory_space<semaphore_mem>> -> memref<!tpu.dma_semaphore, #tpu.memory_space<semaphore_mem>>
          %dma_start3A_735 = arith.constant 0 : i32
          %dma_start3A_736 = tpu.memref_slice %arg6[%dma_start3A_725, %add3A_724, %dma_start3A_735] : memref<5x128x64xf32, #tpu.memory_space<vmem>> -> memref<1x1x64xf32, #tpu.memory_space<vmem>>
          %dma_start3A_737 = tpu.memref_squeeze %dma_start3A_736 : memref<1x1x64xf32, #tpu.memory_space<vmem>> -> memref<64xf32, #tpu.memory_space<vmem>>
          %dma_start3A_738 = arith.constant 0 : i32
          %dma_start3A_739 = tpu.memref_slice %arg3[%shift_right_arithmetic3A_718, %and3A_720, %dma_start3A_738] : memref<125000x8x64xf32, #tpu.memory_space<hbm>> -> memref<1x1x64xf32, #tpu.memory_space<hbm>>
          %dma_start3A_740 = tpu.memref_squeeze %dma_start3A_739 : memref<1x1x64xf32, #tpu.memory_space<hbm>> -> memref<64xf32, #tpu.memory_space<hbm>>
          tpu.enqueue_dma source(%dma_start3A_740 : memref<64xf32, #tpu.memory_space<hbm>>) target(%dma_start3A_737 : memref<64xf32, #tpu.memory_space<vmem>>) target_semaphore(%dma_start3A_734 : memref<!tpu.dma_semaphore, #tpu.memory_space<semaphore_mem>>)
          %slice3A_741 = vector.extract_strided_slice %get3A_535 {offsets = [8], sizes = [1], strides = [1]} : vector<16xi32> to vector<1xi32>
          %squeeze3A_742 = vector.extract %slice3A_741[0] : i32 from vector<1xi32>
          %shift_right_arithmetic3A_743 = arith.constant 3 : i32
          %shift_right_arithmetic3A_744 = arith.shrsi %squeeze3A_742, %shift_right_arithmetic3A_743 : i32
          %and3A_745 = arith.constant 7 : i32
          %and3A_746 = arith.andi %squeeze3A_742, %and3A_745 : i32
          %mul3A_747 = arith.constant 16 : i32
          %mul3A_748 = arith.muli %scan3A_529, %mul3A_747 : i32
          %add3A_749 = arith.constant 8 : i32
          %add3A_750 = arith.addi %mul3A_748, %add3A_749 : i32
          %dma_start3A_751 = arith.constant 1 : i32
          %dma_start3A_752 = arith.constant 1 : i32
          %dma_start3A_753 = arith.constant 0 : i32
          %dma_start3A_754 = tpu.memref_slice %arg6[%dma_start3A_751, %add3A_750, %dma_start3A_753] : memref<5x128x64xf32, #tpu.memory_space<vmem>> -> memref<1x1x64xf32, #tpu.memory_space<vmem>>
          %dma_start3A_755 = tpu.memref_squeeze %dma_start3A_754 : memref<1x1x64xf32, #tpu.memory_space<vmem>> -> memref<64xf32, #tpu.memory_space<vmem>>
          %dma_start3A_756 = arith.constant 0 : i32
          %dma_start3A_757 = tpu.memref_slice %arg3[%shift_right_arithmetic3A_744, %and3A_746, %dma_start3A_756] : memref<125000x8x64xf32, #tpu.memory_space<hbm>> -> memref<1x1x64xf32, #tpu.memory_space<hbm>>
          %dma_start3A_758 = tpu.memref_squeeze %dma_start3A_757 : memref<1x1x64xf32, #tpu.memory_space<hbm>> -> memref<64xf32, #tpu.memory_space<hbm>>
          %dma_start3A_759 = tpu.memref_slice %arg8[%dma_start3A_752] : memref<5x!tpu.dma_semaphore, #tpu.memory_space<semaphore_mem>> -> memref<1x!tpu.dma_semaphore, #tpu.memory_space<semaphore_mem>>
          %dma_start3A_760 = tpu.memref_squeeze %dma_start3A_759 : memref<1x!tpu.dma_semaphore, #tpu.memory_space<semaphore_mem>> -> memref<!tpu.dma_semaphore, #tpu.memory_space<semaphore_mem>>
          %dma_start3A_761 = arith.constant 0 : i32
          %dma_start3A_762 = tpu.memref_slice %arg6[%dma_start3A_751, %add3A_750, %dma_start3A_761] : memref<5x128x64xf32, #tpu.memory_space<vmem>> -> memref<1x1x64xf32, #tpu.memory_space<vmem>>
          %dma_start3A_763 = tpu.memref_squeeze %dma_start3A_762 : memref<1x1x64xf32, #tpu.memory_space<vmem>> -> memref<64xf32, #tpu.memory_space<vmem>>
          %dma_start3A_764 = arith.constant 0 : i32
          %dma_start3A_765 = tpu.memref_slice %arg3[%shift_right_arithmetic3A_744, %and3A_746, %dma_start3A_764] : memref<125000x8x64xf32, #tpu.memory_space<hbm>> -> memref<1x1x64xf32, #tpu.memory_space<hbm>>
          %dma_start3A_766 = tpu.memref_squeeze %dma_start3A_765 : memref<1x1x64xf32, #tpu.memory_space<hbm>> -> memref<64xf32, #tpu.memory_space<hbm>>
          tpu.enqueue_dma source(%dma_start3A_766 : memref<64xf32, #tpu.memory_space<hbm>>) target(%dma_start3A_763 : memref<64xf32, #tpu.memory_space<vmem>>) target_semaphore(%dma_start3A_760 : memref<!tpu.dma_semaphore, #tpu.memory_space<semaphore_mem>>)
          %slice3A_767 = vector.extract_strided_slice %get3A_535 {offsets = [9], sizes = [1], strides = [1]} : vector<16xi32> to vector<1xi32>
          %squeeze3A_768 = vector.extract %slice3A_767[0] : i32 from vector<1xi32>
          %shift_right_arithmetic3A_769 = arith.constant 3 : i32
          %shift_right_arithmetic3A_770 = arith.shrsi %squeeze3A_768, %shift_right_arithmetic3A_769 : i32
          %and3A_771 = arith.constant 7 : i32
          %and3A_772 = arith.andi %squeeze3A_768, %and3A_771 : i32
          %mul3A_773 = arith.constant 16 : i32
          %mul3A_774 = arith.muli %scan3A_529, %mul3A_773 : i32
          %add3A_775 = arith.constant 9 : i32
          %add3A_776 = arith.addi %mul3A_774, %add3A_775 : i32
          %dma_start3A_777 = arith.constant 1 : i32
          %dma_start3A_778 = arith.constant 1 : i32
          %dma_start3A_779 = arith.constant 0 : i32
          %dma_start3A_780 = tpu.memref_slice %arg6[%dma_start3A_777, %add3A_776, %dma_start3A_779] : memref<5x128x64xf32, #tpu.memory_space<vmem>> -> memref<1x1x64xf32, #tpu.memory_space<vmem>>
          %dma_start3A_781 = tpu.memref_squeeze %dma_start3A_780 : memref<1x1x64xf32, #tpu.memory_space<vmem>> -> memref<64xf32, #tpu.memory_space<vmem>>
          %dma_start3A_782 = arith.constant 0 : i32
          %dma_start3A_783 = tpu.memref_slice %arg3[%shift_right_arithmetic3A_770, %and3A_772, %dma_start3A_782] : memref<125000x8x64xf32, #tpu.memory_space<hbm>> -> memref<1x1x64xf32, #tpu.memory_space<hbm>>
          %dma_start3A_784 = tpu.memref_squeeze %dma_start3A_783 : memref<1x1x64xf32, #tpu.memory_space<hbm>> -> memref<64xf32, #tpu.memory_space<hbm>>
          %dma_start3A_785 = tpu.memref_slice %arg8[%dma_start3A_778] : memref<5x!tpu.dma_semaphore, #tpu.memory_space<semaphore_mem>> -> memref<1x!tpu.dma_semaphore, #tpu.memory_space<semaphore_mem>>
          %dma_start3A_786 = tpu.memref_squeeze %dma_start3A_785 : memref<1x!tpu.dma_semaphore, #tpu.memory_space<semaphore_mem>> -> memref<!tpu.dma_semaphore, #tpu.memory_space<semaphore_mem>>
          %dma_start3A_787 = arith.constant 0 : i32
          %dma_start3A_788 = tpu.memref_slice %arg6[%dma_start3A_777, %add3A_776, %dma_start3A_787] : memref<5x128x64xf32, #tpu.memory_space<vmem>> -> memref<1x1x64xf32, #tpu.memory_space<vmem>>
          %dma_start3A_789 = tpu.memref_squeeze %dma_start3A_788 : memref<1x1x64xf32, #tpu.memory_space<vmem>> -> memref<64xf32, #tpu.memory_space<vmem>>
          %dma_start3A_790 = arith.constant 0 : i32
          %dma_start3A_791 = tpu.memref_slice %arg3[%shift_right_arithmetic3A_770, %and3A_772, %dma_start3A_790] : memref<125000x8x64xf32, #tpu.memory_space<hbm>> -> memref<1x1x64xf32, #tpu.memory_space<hbm>>
          %dma_start3A_792 = tpu.memref_squeeze %dma_start3A_791 : memref<1x1x64xf32, #tpu.memory_space<hbm>> -> memref<64xf32, #tpu.memory_space<hbm>>
          tpu.enqueue_dma source(%dma_start3A_792 : memref<64xf32, #tpu.memory_space<hbm>>) target(%dma_start3A_789 : memref<64xf32, #tpu.memory_space<vmem>>) target_semaphore(%dma_start3A_786 : memref<!tpu.dma_semaphore, #tpu.memory_space<semaphore_mem>>)
          %slice3A_793 = vector.extract_strided_slice %get3A_535 {offsets = [10], sizes = [1], strides = [1]} : vector<16xi32> to vector<1xi32>
          %squeeze3A_794 = vector.extract %slice3A_793[0] : i32 from vector<1xi32>
          %shift_right_arithmetic3A_795 = arith.constant 3 : i32
          %shift_right_arithmetic3A_796 = arith.shrsi %squeeze3A_794, %shift_right_arithmetic3A_795 : i32
          %and3A_797 = arith.constant 7 : i32
          %and3A_798 = arith.andi %squeeze3A_794, %and3A_797 : i32
          %mul3A_799 = arith.constant 16 : i32
          %mul3A_800 = arith.muli %scan3A_529, %mul3A_799 : i32
          %add3A_801 = arith.constant 10 : i32
          %add3A_802 = arith.addi %mul3A_800, %add3A_801 : i32
          %dma_start3A_803 = arith.constant 1 : i32
          %dma_start3A_804 = arith.constant 1 : i32
          %dma_start3A_805 = arith.constant 0 : i32
          %dma_start3A_806 = tpu.memref_slice %arg6[%dma_start3A_803, %add3A_802, %dma_start3A_805] : memref<5x128x64xf32, #tpu.memory_space<vmem>> -> memref<1x1x64xf32, #tpu.memory_space<vmem>>
          %dma_start3A_807 = tpu.memref_squeeze %dma_start3A_806 : memref<1x1x64xf32, #tpu.memory_space<vmem>> -> memref<64xf32, #tpu.memory_space<vmem>>
          %dma_start3A_808 = arith.constant 0 : i32
          %dma_start3A_809 = tpu.memref_slice %arg3[%shift_right_arithmetic3A_796, %and3A_798, %dma_start3A_808] : memref<125000x8x64xf32, #tpu.memory_space<hbm>> -> memref<1x1x64xf32, #tpu.memory_space<hbm>>
          %dma_start3A_810 = tpu.memref_squeeze %dma_start3A_809 : memref<1x1x64xf32, #tpu.memory_space<hbm>> -> memref<64xf32, #tpu.memory_space<hbm>>
          %dma_start3A_811 = tpu.memref_slice %arg8[%dma_start3A_804] : memref<5x!tpu.dma_semaphore, #tpu.memory_space<semaphore_mem>> -> memref<1x!tpu.dma_semaphore, #tpu.memory_space<semaphore_mem>>
          %dma_start3A_812 = tpu.memref_squeeze %dma_start3A_811 : memref<1x!tpu.dma_semaphore, #tpu.memory_space<semaphore_mem>> -> memref<!tpu.dma_semaphore, #tpu.memory_space<semaphore_mem>>
          %dma_start3A_813 = arith.constant 0 : i32
          %dma_start3A_814 = tpu.memref_slice %arg6[%dma_start3A_803, %add3A_802, %dma_start3A_813] : memref<5x128x64xf32, #tpu.memory_space<vmem>> -> memref<1x1x64xf32, #tpu.memory_space<vmem>>
          %dma_start3A_815 = tpu.memref_squeeze %dma_start3A_814 : memref<1x1x64xf32, #tpu.memory_space<vmem>> -> memref<64xf32, #tpu.memory_space<vmem>>
          %dma_start3A_816 = arith.constant 0 : i32
          %dma_start3A_817 = tpu.memref_slice %arg3[%shift_right_arithmetic3A_796, %and3A_798, %dma_start3A_816] : memref<125000x8x64xf32, #tpu.memory_space<hbm>> -> memref<1x1x64xf32, #tpu.memory_space<hbm>>
          %dma_start3A_818 = tpu.memref_squeeze %dma_start3A_817 : memref<1x1x64xf32, #tpu.memory_space<hbm>> -> memref<64xf32, #tpu.memory_space<hbm>>
          tpu.enqueue_dma source(%dma_start3A_818 : memref<64xf32, #tpu.memory_space<hbm>>) target(%dma_start3A_815 : memref<64xf32, #tpu.memory_space<vmem>>) target_semaphore(%dma_start3A_812 : memref<!tpu.dma_semaphore, #tpu.memory_space<semaphore_mem>>)
          %slice3A_819 = vector.extract_strided_slice %get3A_535 {offsets = [11], sizes = [1], strides = [1]} : vector<16xi32> to vector<1xi32>
          %squeeze3A_820 = vector.extract %slice3A_819[0] : i32 from vector<1xi32>
          %shift_right_arithmetic3A_821 = arith.constant 3 : i32
          %shift_right_arithmetic3A_822 = arith.shrsi %squeeze3A_820, %shift_right_arithmetic3A_821 : i32
          %and3A_823 = arith.constant 7 : i32
          %and3A_824 = arith.andi %squeeze3A_820, %and3A_823 : i32
          %mul3A_825 = arith.constant 16 : i32
          %mul3A_826 = arith.muli %scan3A_529, %mul3A_825 : i32
          %add3A_827 = arith.constant 11 : i32
          %add3A_828 = arith.addi %mul3A_826, %add3A_827 : i32
          %dma_start3A_829 = arith.constant 1 : i32
          %dma_start3A_830 = arith.constant 1 : i32
          %dma_start3A_831 = arith.constant 0 : i32
          %dma_start3A_832 = tpu.memref_slice %arg6[%dma_start3A_829, %add3A_828, %dma_start3A_831] : memref<5x128x64xf32, #tpu.memory_space<vmem>> -> memref<1x1x64xf32, #tpu.memory_space<vmem>>
          %dma_start3A_833 = tpu.memref_squeeze %dma_start3A_832 : memref<1x1x64xf32, #tpu.memory_space<vmem>> -> memref<64xf32, #tpu.memory_space<vmem>>
          %dma_start3A_834 = arith.constant 0 : i32
          %dma_start3A_835 = tpu.memref_slice %arg3[%shift_right_arithmetic3A_822, %and3A_824, %dma_start3A_834] : memref<125000x8x64xf32, #tpu.memory_space<hbm>> -> memref<1x1x64xf32, #tpu.memory_space<hbm>>
          %dma_start3A_836 = tpu.memref_squeeze %dma_start3A_835 : memref<1x1x64xf32, #tpu.memory_space<hbm>> -> memref<64xf32, #tpu.memory_space<hbm>>
          %dma_start3A_837 = tpu.memref_slice %arg8[%dma_start3A_830] : memref<5x!tpu.dma_semaphore, #tpu.memory_space<semaphore_mem>> -> memref<1x!tpu.dma_semaphore, #tpu.memory_space<semaphore_mem>>
          %dma_start3A_838 = tpu.memref_squeeze %dma_start3A_837 : memref<1x!tpu.dma_semaphore, #tpu.memory_space<semaphore_mem>> -> memref<!tpu.dma_semaphore, #tpu.memory_space<semaphore_mem>>
          %dma_start3A_839 = arith.constant 0 : i32
          %dma_start3A_840 = tpu.memref_slice %arg6[%dma_start3A_829, %add3A_828, %dma_start3A_839] : memref<5x128x64xf32, #tpu.memory_space<vmem>> -> memref<1x1x64xf32, #tpu.memory_space<vmem>>
          %dma_start3A_841 = tpu.memref_squeeze %dma_start3A_840 : memref<1x1x64xf32, #tpu.memory_space<vmem>> -> memref<64xf32, #tpu.memory_space<vmem>>
          %dma_start3A_842 = arith.constant 0 : i32
          %dma_start3A_843 = tpu.memref_slice %arg3[%shift_right_arithmetic3A_822, %and3A_824, %dma_start3A_842] : memref<125000x8x64xf32, #tpu.memory_space<hbm>> -> memref<1x1x64xf32, #tpu.memory_space<hbm>>
          %dma_start3A_844 = tpu.memref_squeeze %dma_start3A_843 : memref<1x1x64xf32, #tpu.memory_space<hbm>> -> memref<64xf32, #tpu.memory_space<hbm>>
          tpu.enqueue_dma source(%dma_start3A_844 : memref<64xf32, #tpu.memory_space<hbm>>) target(%dma_start3A_841 : memref<64xf32, #tpu.memory_space<vmem>>) target_semaphore(%dma_start3A_838 : memref<!tpu.dma_semaphore, #tpu.memory_space<semaphore_mem>>)
          %slice3A_845 = vector.extract_strided_slice %get3A_535 {offsets = [12], sizes = [1], strides = [1]} : vector<16xi32> to vector<1xi32>
          %squeeze3A_846 = vector.extract %slice3A_845[0] : i32 from vector<1xi32>
          %shift_right_arithmetic3A_847 = arith.constant 3 : i32
          %shift_right_arithmetic3A_848 = arith.shrsi %squeeze3A_846, %shift_right_arithmetic3A_847 : i32
          %and3A_849 = arith.constant 7 : i32
          %and3A_850 = arith.andi %squeeze3A_846, %and3A_849 : i32
          %mul3A_851 = arith.constant 16 : i32
          %mul3A_852 = arith.muli %scan3A_529, %mul3A_851 : i32
          %add3A_853 = arith.constant 12 : i32
          %add3A_854 = arith.addi %mul3A_852, %add3A_853 : i32
          %dma_start3A_855 = arith.constant 1 : i32
          %dma_start3A_856 = arith.constant 1 : i32
          %dma_start3A_857 = arith.constant 0 : i32
          %dma_start3A_858 = tpu.memref_slice %arg6[%dma_start3A_855, %add3A_854, %dma_start3A_857] : memref<5x128x64xf32, #tpu.memory_space<vmem>> -> memref<1x1x64xf32, #tpu.memory_space<vmem>>
          %dma_start3A_859 = tpu.memref_squeeze %dma_start3A_858 : memref<1x1x64xf32, #tpu.memory_space<vmem>> -> memref<64xf32, #tpu.memory_space<vmem>>
          %dma_start3A_860 = arith.constant 0 : i32
          %dma_start3A_861 = tpu.memref_slice %arg3[%shift_right_arithmetic3A_848, %and3A_850, %dma_start3A_860] : memref<125000x8x64xf32, #tpu.memory_space<hbm>> -> memref<1x1x64xf32, #tpu.memory_space<hbm>>
          %dma_start3A_862 = tpu.memref_squeeze %dma_start3A_861 : memref<1x1x64xf32, #tpu.memory_space<hbm>> -> memref<64xf32, #tpu.memory_space<hbm>>
          %dma_start3A_863 = tpu.memref_slice %arg8[%dma_start3A_856] : memref<5x!tpu.dma_semaphore, #tpu.memory_space<semaphore_mem>> -> memref<1x!tpu.dma_semaphore, #tpu.memory_space<semaphore_mem>>
          %dma_start3A_864 = tpu.memref_squeeze %dma_start3A_863 : memref<1x!tpu.dma_semaphore, #tpu.memory_space<semaphore_mem>> -> memref<!tpu.dma_semaphore, #tpu.memory_space<semaphore_mem>>
          %dma_start3A_865 = arith.constant 0 : i32
          %dma_start3A_866 = tpu.memref_slice %arg6[%dma_start3A_855, %add3A_854, %dma_start3A_865] : memref<5x128x64xf32, #tpu.memory_space<vmem>> -> memref<1x1x64xf32, #tpu.memory_space<vmem>>
          %dma_start3A_867 = tpu.memref_squeeze %dma_start3A_866 : memref<1x1x64xf32, #tpu.memory_space<vmem>> -> memref<64xf32, #tpu.memory_space<vmem>>
          %dma_start3A_868 = arith.constant 0 : i32
          %dma_start3A_869 = tpu.memref_slice %arg3[%shift_right_arithmetic3A_848, %and3A_850, %dma_start3A_868] : memref<125000x8x64xf32, #tpu.memory_space<hbm>> -> memref<1x1x64xf32, #tpu.memory_space<hbm>>
          %dma_start3A_870 = tpu.memref_squeeze %dma_start3A_869 : memref<1x1x64xf32, #tpu.memory_space<hbm>> -> memref<64xf32, #tpu.memory_space<hbm>>
          tpu.enqueue_dma source(%dma_start3A_870 : memref<64xf32, #tpu.memory_space<hbm>>) target(%dma_start3A_867 : memref<64xf32, #tpu.memory_space<vmem>>) target_semaphore(%dma_start3A_864 : memref<!tpu.dma_semaphore, #tpu.memory_space<semaphore_mem>>)
          %slice3A_871 = vector.extract_strided_slice %get3A_535 {offsets = [13], sizes = [1], strides = [1]} : vector<16xi32> to vector<1xi32>
          %squeeze3A_872 = vector.extract %slice3A_871[0] : i32 from vector<1xi32>
          %shift_right_arithmetic3A_873 = arith.constant 3 : i32
          %shift_right_arithmetic3A_874 = arith.shrsi %squeeze3A_872, %shift_right_arithmetic3A_873 : i32
          %and3A_875 = arith.constant 7 : i32
          %and3A_876 = arith.andi %squeeze3A_872, %and3A_875 : i32
          %mul3A_877 = arith.constant 16 : i32
          %mul3A_878 = arith.muli %scan3A_529, %mul3A_877 : i32
          %add3A_879 = arith.constant 13 : i32
          %add3A_880 = arith.addi %mul3A_878, %add3A_879 : i32
          %dma_start3A_881 = arith.constant 1 : i32
          %dma_start3A_882 = arith.constant 1 : i32
          %dma_start3A_883 = arith.constant 0 : i32
          %dma_start3A_884 = tpu.memref_slice %arg6[%dma_start3A_881, %add3A_880, %dma_start3A_883] : memref<5x128x64xf32, #tpu.memory_space<vmem>> -> memref<1x1x64xf32, #tpu.memory_space<vmem>>
          %dma_start3A_885 = tpu.memref_squeeze %dma_start3A_884 : memref<1x1x64xf32, #tpu.memory_space<vmem>> -> memref<64xf32, #tpu.memory_space<vmem>>
          %dma_start3A_886 = arith.constant 0 : i32
          %dma_start3A_887 = tpu.memref_slice %arg3[%shift_right_arithmetic3A_874, %and3A_876, %dma_start3A_886] : memref<125000x8x64xf32, #tpu.memory_space<hbm>> -> memref<1x1x64xf32, #tpu.memory_space<hbm>>
          %dma_start3A_888 = tpu.memref_squeeze %dma_start3A_887 : memref<1x1x64xf32, #tpu.memory_space<hbm>> -> memref<64xf32, #tpu.memory_space<hbm>>
          %dma_start3A_889 = tpu.memref_slice %arg8[%dma_start3A_882] : memref<5x!tpu.dma_semaphore, #tpu.memory_space<semaphore_mem>> -> memref<1x!tpu.dma_semaphore, #tpu.memory_space<semaphore_mem>>
          %dma_start3A_890 = tpu.memref_squeeze %dma_start3A_889 : memref<1x!tpu.dma_semaphore, #tpu.memory_space<semaphore_mem>> -> memref<!tpu.dma_semaphore, #tpu.memory_space<semaphore_mem>>
          %dma_start3A_891 = arith.constant 0 : i32
          %dma_start3A_892 = tpu.memref_slice %arg6[%dma_start3A_881, %add3A_880, %dma_start3A_891] : memref<5x128x64xf32, #tpu.memory_space<vmem>> -> memref<1x1x64xf32, #tpu.memory_space<vmem>>
          %dma_start3A_893 = tpu.memref_squeeze %dma_start3A_892 : memref<1x1x64xf32, #tpu.memory_space<vmem>> -> memref<64xf32, #tpu.memory_space<vmem>>
          %dma_start3A_894 = arith.constant 0 : i32
          %dma_start3A_895 = tpu.memref_slice %arg3[%shift_right_arithmetic3A_874, %and3A_876, %dma_start3A_894] : memref<125000x8x64xf32, #tpu.memory_space<hbm>> -> memref<1x1x64xf32, #tpu.memory_space<hbm>>
          %dma_start3A_896 = tpu.memref_squeeze %dma_start3A_895 : memref<1x1x64xf32, #tpu.memory_space<hbm>> -> memref<64xf32, #tpu.memory_space<hbm>>
          tpu.enqueue_dma source(%dma_start3A_896 : memref<64xf32, #tpu.memory_space<hbm>>) target(%dma_start3A_893 : memref<64xf32, #tpu.memory_space<vmem>>) target_semaphore(%dma_start3A_890 : memref<!tpu.dma_semaphore, #tpu.memory_space<semaphore_mem>>)
          %slice3A_897 = vector.extract_strided_slice %get3A_535 {offsets = [14], sizes = [1], strides = [1]} : vector<16xi32> to vector<1xi32>
          %squeeze3A_898 = vector.extract %slice3A_897[0] : i32 from vector<1xi32>
          %shift_right_arithmetic3A_899 = arith.constant 3 : i32
          %shift_right_arithmetic3A_900 = arith.shrsi %squeeze3A_898, %shift_right_arithmetic3A_899 : i32
          %and3A_901 = arith.constant 7 : i32
          %and3A_902 = arith.andi %squeeze3A_898, %and3A_901 : i32
          %mul3A_903 = arith.constant 16 : i32
          %mul3A_904 = arith.muli %scan3A_529, %mul3A_903 : i32
          %add3A_905 = arith.constant 14 : i32
          %add3A_906 = arith.addi %mul3A_904, %add3A_905 : i32
          %dma_start3A_907 = arith.constant 1 : i32
          %dma_start3A_908 = arith.constant 1 : i32
          %dma_start3A_909 = arith.constant 0 : i32
          %dma_start3A_910 = tpu.memref_slice %arg6[%dma_start3A_907, %add3A_906, %dma_start3A_909] : memref<5x128x64xf32, #tpu.memory_space<vmem>> -> memref<1x1x64xf32, #tpu.memory_space<vmem>>
          %dma_start3A_911 = tpu.memref_squeeze %dma_start3A_910 : memref<1x1x64xf32, #tpu.memory_space<vmem>> -> memref<64xf32, #tpu.memory_space<vmem>>
          %dma_start3A_912 = arith.constant 0 : i32
          %dma_start3A_913 = tpu.memref_slice %arg3[%shift_right_arithmetic3A_900, %and3A_902, %dma_start3A_912] : memref<125000x8x64xf32, #tpu.memory_space<hbm>> -> memref<1x1x64xf32, #tpu.memory_space<hbm>>
          %dma_start3A_914 = tpu.memref_squeeze %dma_start3A_913 : memref<1x1x64xf32, #tpu.memory_space<hbm>> -> memref<64xf32, #tpu.memory_space<hbm>>
          %dma_start3A_915 = tpu.memref_slice %arg8[%dma_start3A_908] : memref<5x!tpu.dma_semaphore, #tpu.memory_space<semaphore_mem>> -> memref<1x!tpu.dma_semaphore, #tpu.memory_space<semaphore_mem>>
          %dma_start3A_916 = tpu.memref_squeeze %dma_start3A_915 : memref<1x!tpu.dma_semaphore, #tpu.memory_space<semaphore_mem>> -> memref<!tpu.dma_semaphore, #tpu.memory_space<semaphore_mem>>
          %dma_start3A_917 = arith.constant 0 : i32
          %dma_start3A_918 = tpu.memref_slice %arg6[%dma_start3A_907, %add3A_906, %dma_start3A_917] : memref<5x128x64xf32, #tpu.memory_space<vmem>> -> memref<1x1x64xf32, #tpu.memory_space<vmem>>
          %dma_start3A_919 = tpu.memref_squeeze %dma_start3A_918 : memref<1x1x64xf32, #tpu.memory_space<vmem>> -> memref<64xf32, #tpu.memory_space<vmem>>
          %dma_start3A_920 = arith.constant 0 : i32
          %dma_start3A_921 = tpu.memref_slice %arg3[%shift_right_arithmetic3A_900, %and3A_902, %dma_start3A_920] : memref<125000x8x64xf32, #tpu.memory_space<hbm>> -> memref<1x1x64xf32, #tpu.memory_space<hbm>>
          %dma_start3A_922 = tpu.memref_squeeze %dma_start3A_921 : memref<1x1x64xf32, #tpu.memory_space<hbm>> -> memref<64xf32, #tpu.memory_space<hbm>>
          tpu.enqueue_dma source(%dma_start3A_922 : memref<64xf32, #tpu.memory_space<hbm>>) target(%dma_start3A_919 : memref<64xf32, #tpu.memory_space<vmem>>) target_semaphore(%dma_start3A_916 : memref<!tpu.dma_semaphore, #tpu.memory_space<semaphore_mem>>)
          %slice3A_923 = vector.extract_strided_slice %get3A_535 {offsets = [15], sizes = [1], strides = [1]} : vector<16xi32> to vector<1xi32>
          %squeeze3A_924 = vector.extract %slice3A_923[0] : i32 from vector<1xi32>
          %shift_right_arithmetic3A_925 = arith.constant 3 : i32
          %shift_right_arithmetic3A_926 = arith.shrsi %squeeze3A_924, %shift_right_arithmetic3A_925 : i32
          %and3A_927 = arith.constant 7 : i32
          %and3A_928 = arith.andi %squeeze3A_924, %and3A_927 : i32
          %mul3A_929 = arith.constant 16 : i32
          %mul3A_930 = arith.muli %scan3A_529, %mul3A_929 : i32
          %add3A_931 = arith.constant 15 : i32
          %add3A_932 = arith.addi %mul3A_930, %add3A_931 : i32
          %dma_start3A_933 = arith.constant 1 : i32
          %dma_start3A_934 = arith.constant 1 : i32
          %dma_start3A_935 = arith.constant 0 : i32
          %dma_start3A_936 = tpu.memref_slice %arg6[%dma_start3A_933, %add3A_932, %dma_start3A_935] : memref<5x128x64xf32, #tpu.memory_space<vmem>> -> memref<1x1x64xf32, #tpu.memory_space<vmem>>
          %dma_start3A_937 = tpu.memref_squeeze %dma_start3A_936 : memref<1x1x64xf32, #tpu.memory_space<vmem>> -> memref<64xf32, #tpu.memory_space<vmem>>
          %dma_start3A_938 = arith.constant 0 : i32
          %dma_start3A_939 = tpu.memref_slice %arg3[%shift_right_arithmetic3A_926, %and3A_928, %dma_start3A_938] : memref<125000x8x64xf32, #tpu.memory_space<hbm>> -> memref<1x1x64xf32, #tpu.memory_space<hbm>>
          %dma_start3A_940 = tpu.memref_squeeze %dma_start3A_939 : memref<1x1x64xf32, #tpu.memory_space<hbm>> -> memref<64xf32, #tpu.memory_space<hbm>>
          %dma_start3A_941 = tpu.memref_slice %arg8[%dma_start3A_934] : memref<5x!tpu.dma_semaphore, #tpu.memory_space<semaphore_mem>> -> memref<1x!tpu.dma_semaphore, #tpu.memory_space<semaphore_mem>>
          %dma_start3A_942 = tpu.memref_squeeze %dma_start3A_941 : memref<1x!tpu.dma_semaphore, #tpu.memory_space<semaphore_mem>> -> memref<!tpu.dma_semaphore, #tpu.memory_space<semaphore_mem>>
          %dma_start3A_943 = arith.constant 0 : i32
          %dma_start3A_944 = tpu.memref_slice %arg6[%dma_start3A_933, %add3A_932, %dma_start3A_943] : memref<5x128x64xf32, #tpu.memory_space<vmem>> -> memref<1x1x64xf32, #tpu.memory_space<vmem>>
          %dma_start3A_945 = tpu.memref_squeeze %dma_start3A_944 : memref<1x1x64xf32, #tpu.memory_space<vmem>> -> memref<64xf32, #tpu.memory_space<vmem>>
          %dma_start3A_946 = arith.constant 0 : i32
          %dma_start3A_947 = tpu.memref_slice %arg3[%shift_right_arithmetic3A_926, %and3A_928, %dma_start3A_946] : memref<125000x8x64xf32, #tpu.memory_space<hbm>> -> memref<1x1x64xf32, #tpu.memory_space<hbm>>
          %dma_start3A_948 = tpu.memref_squeeze %dma_start3A_947 : memref<1x1x64xf32, #tpu.memory_space<hbm>> -> memref<64xf32, #tpu.memory_space<hbm>>
          tpu.enqueue_dma source(%dma_start3A_948 : memref<64xf32, #tpu.memory_space<hbm>>) target(%dma_start3A_945 : memref<64xf32, #tpu.memory_space<vmem>>) target_semaphore(%dma_start3A_942 : memref<!tpu.dma_semaphore, #tpu.memory_space<semaphore_mem>>)
        }
        %scan3A_528 = arith.constant 8 : i32
      } else {
      }
      %dma_wait3A_180 = arith.constant 0 : i32
      %dma_wait3A_181 = arith.constant 0 : i32
      %dma_wait3A_182 = arith.constant 0 : i32
      %dma_wait3A_183 = arith.constant 0 : i32
      %dma_wait3A_184 = tpu.memref_slice %arg6[%dma_wait3A_180, %dma_wait3A_182, %dma_wait3A_183] : memref<5x128x64xf32, #tpu.memory_space<vmem>> -> memref<1x128x64xf32, #tpu.memory_space<vmem>>
      %dma_wait3A_185 = tpu.memref_squeeze %dma_wait3A_184 : memref<1x128x64xf32, #tpu.memory_space<vmem>> -> memref<128x64xf32, #tpu.memory_space<vmem>>
      %dma_wait3A_186 = arith.constant 0 : i32
      %dma_wait3A_187 = arith.constant 0 : i32
      %dma_wait3A_188 = tpu.memref_slice %arg4[%dma_wait3A_186, %dma_wait3A_187] : memref<204800x64xf32, #tpu.memory_space<hbm>> -> memref<128x64xf32, #tpu.memory_space<hbm>>
      %dma_wait3A_189 = tpu.memref_slice %arg8[%dma_wait3A_181] : memref<5x!tpu.dma_semaphore, #tpu.memory_space<semaphore_mem>> -> memref<1x!tpu.dma_semaphore, #tpu.memory_space<semaphore_mem>>
      %dma_wait3A_190 = tpu.memref_squeeze %dma_wait3A_189 : memref<1x!tpu.dma_semaphore, #tpu.memory_space<semaphore_mem>> -> memref<!tpu.dma_semaphore, #tpu.memory_space<semaphore_mem>>
      %dma_wait3A_191 = arith.constant 0 : i32
      %dma_wait3A_192 = arith.constant 0 : i32
      %dma_wait3A_193 = tpu.memref_slice %arg6[%dma_wait3A_180, %dma_wait3A_191, %dma_wait3A_192] : memref<5x128x64xf32, #tpu.memory_space<vmem>> -> memref<1x128x64xf32, #tpu.memory_space<vmem>>
      %dma_wait3A_194 = tpu.memref_squeeze %dma_wait3A_193 : memref<1x128x64xf32, #tpu.memory_space<vmem>> -> memref<128x64xf32, #tpu.memory_space<vmem>>
      %dma_wait3A_195 = arith.constant 0 : i32
      %dma_wait3A_196 = arith.constant 0 : i32
      %dma_wait3A_197 = tpu.memref_slice %arg4[%dma_wait3A_195, %dma_wait3A_196] : memref<204800x64xf32, #tpu.memory_space<hbm>> -> memref<128x64xf32, #tpu.memory_space<hbm>>
      tpu.wait_dma2 semaphore(%dma_wait3A_190 : memref<!tpu.dma_semaphore, #tpu.memory_space<semaphore_mem>>) src(%dma_wait3A_197 : memref<128x64xf32, #tpu.memory_space<hbm>>) dst(%dma_wait3A_194 : memref<128x64xf32, #tpu.memory_space<vmem>>)
      %scan3A_198 = arith.constant 0 : i32
      %scan3A_199 = arith.constant 0 : i32
      %scan3A_200 = arith.constant 128 : i32
      %scan3A_201 = arith.addi %scan3A_199, %scan3A_200 : i32
      %scan3A_202 = arith.constant 1 : i32
      scf.for %scan3A_509 = %scan3A_199 to %scan3A_201 step %scan3A_202  : i32 {
        %get3A = arith.constant 0 : i32
        %get3A_510 = arith.index_cast %get3A : i32 to index
        %get3A_511 = arith.index_cast %scan3A_509 : i32 to index
        %get3A_512 = arith.constant 0 : index
        %get3A_513 = tpu.vector_load %arg6[%get3A_510, %get3A_511, %get3A_512] {strides = array<i32>} : memref<5x128x64xf32, #tpu.memory_space<vmem>>, vector<1x1x16xf32>,
        %get3A_514 = vector.shape_cast %get3A_513 : vector<1x1x16xf32> to vector<16xf32>
        %mul3A_515 = arith.constant 8.000000e+00 : f32
        %mul3A_516 = vector.broadcast %mul3A_515 : f32 to vector<16xf32>
        %mul3A_517 = arith.mulf %get3A_514, %mul3A_516 : vector<16xf32>
        %swap3A = arith.constant 0 : i32
        %swap3A_518 = arith.index_cast %swap3A : i32 to index
        %swap3A_519 = arith.index_cast %scan3A_509 : i32 to index
        %swap3A_520 = arith.constant 0 : index
        %swap3A_521 = tpu.vector_load %arg6[%swap3A_518, %swap3A_519, %swap3A_520] {strides = array<i32>} : memref<5x128x64xf32, #tpu.memory_space<vmem>>, vector<1x1x16xf32>,
        %swap3A_522 = vector.shape_cast %swap3A_521 : vector<1x1x16xf32> to vector<16xf32>
        %swap3A_523 = vector.shape_cast %mul3A_517 : vector<16xf32> to vector<1x1x16xf32>
        tpu.vector_store %arg6[%swap3A_518, %swap3A_519, %swap3A_520], %swap3A_523 {strides = array<i32>} : memref<5x128x64xf32, #tpu.memory_space<vmem>>, vector<1x1x16xf32>,
        %get3A_524 = arith.constant 0 : i32
        %get3A_525 = arith.index_cast %get3A_524 : i32 to index
        %get3A_526 = arith.index_cast %scan3A_509 : i32 to index
        %get3A_527 = arith.constant 16 : index
        %get3A_528 = tpu.vector_load %arg6[%get3A_525, %get3A_526, %get3A_527] {strides = array<i32>} : memref<5x128x64xf32, #tpu.memory_space<vmem>>, vector<1x1x16xf32>,
        %get3A_529 = vector.shape_cast %get3A_528 : vector<1x1x16xf32> to vector<16xf32>
        %mul3A_530 = arith.constant 8.000000e+00 : f32
        %mul3A_531 = vector.broadcast %mul3A_530 : f32 to vector<16xf32>
        %mul3A_532 = arith.mulf %get3A_529, %mul3A_531 : vector<16xf32>
        %swap3A_533 = arith.constant 0 : i32
        %swap3A_534 = arith.index_cast %swap3A_533 : i32 to index
        %swap3A_535 = arith.index_cast %scan3A_509 : i32 to index
        %swap3A_536 = arith.constant 16 : index
        %swap3A_537 = tpu.vector_load %arg6[%swap3A_534, %swap3A_535, %swap3A_536] {strides = array<i32>} : memref<5x128x64xf32, #tpu.memory_space<vmem>>, vector<1x1x16xf32>,
        %swap3A_538 = vector.shape_cast %swap3A_537 : vector<1x1x16xf32> to vector<16xf32>
        %swap3A_539 = vector.shape_cast %mul3A_532 : vector<16xf32> to vector<1x1x16xf32>
        tpu.vector_store %arg6[%swap3A_534, %swap3A_535, %swap3A_536], %swap3A_539 {strides = array<i32>} : memref<5x128x64xf32, #tpu.memory_space<vmem>>, vector<1x1x16xf32>,
        %get3A_540 = arith.constant 0 : i32
        %get3A_541 = arith.index_cast %get3A_540 : i32 to index
        %get3A_542 = arith.index_cast %scan3A_509 : i32 to index
        %get3A_543 = arith.constant 32 : index
        %get3A_544 = tpu.vector_load %arg6[%get3A_541, %get3A_542, %get3A_543] {strides = array<i32>} : memref<5x128x64xf32, #tpu.memory_space<vmem>>, vector<1x1x16xf32>,
        %get3A_545 = vector.shape_cast %get3A_544 : vector<1x1x16xf32> to vector<16xf32>
        %mul3A_546 = arith.constant 8.000000e+00 : f32
        %mul3A_547 = vector.broadcast %mul3A_546 : f32 to vector<16xf32>
        %mul3A_548 = arith.mulf %get3A_545, %mul3A_547 : vector<16xf32>
        %swap3A_549 = arith.constant 0 : i32
        %swap3A_550 = arith.index_cast %swap3A_549 : i32 to index
        %swap3A_551 = arith.index_cast %scan3A_509 : i32 to index
        %swap3A_552 = arith.constant 32 : index
        %swap3A_553 = tpu.vector_load %arg6[%swap3A_550, %swap3A_551, %swap3A_552] {strides = array<i32>} : memref<5x128x64xf32, #tpu.memory_space<vmem>>, vector<1x1x16xf32>,
        %swap3A_554 = vector.shape_cast %swap3A_553 : vector<1x1x16xf32> to vector<16xf32>
        %swap3A_555 = vector.shape_cast %mul3A_548 : vector<16xf32> to vector<1x1x16xf32>
        tpu.vector_store %arg6[%swap3A_550, %swap3A_551, %swap3A_552], %swap3A_555 {strides = array<i32>} : memref<5x128x64xf32, #tpu.memory_space<vmem>>, vector<1x1x16xf32>,
        %get3A_556 = arith.constant 0 : i32
        %get3A_557 = arith.index_cast %get3A_556 : i32 to index
        %get3A_558 = arith.index_cast %scan3A_509 : i32 to index
        %get3A_559 = arith.constant 48 : index
        %get3A_560 = tpu.vector_load %arg6[%get3A_557, %get3A_558, %get3A_559] {strides = array<i32>} : memref<5x128x64xf32, #tpu.memory_space<vmem>>, vector<1x1x16xf32>,
        %get3A_561 = vector.shape_cast %get3A_560 : vector<1x1x16xf32> to vector<16xf32>
        %mul3A_562 = arith.constant 8.000000e+00 : f32
        %mul3A_563 = vector.broadcast %mul3A_562 : f32 to vector<16xf32>
        %mul3A_564 = arith.mulf %get3A_561, %mul3A_563 : vector<16xf32>
        %swap3A_565 = arith.constant 0 : i32
        %swap3A_566 = arith.index_cast %swap3A_565 : i32 to index
        %swap3A_567 = arith.index_cast %scan3A_509 : i32 to index
        %swap3A_568 = arith.constant 48 : index
        %swap3A_569 = tpu.vector_load %arg6[%swap3A_566, %swap3A_567, %swap3A_568] {strides = array<i32>} : memref<5x128x64xf32, #tpu.memory_space<vmem>>, vector<1x1x16xf32>,
        %swap3A_570 = vector.shape_cast %swap3A_569 : vector<1x1x16xf32> to vector<16xf32>
        %swap3A_571 = vector.shape_cast %mul3A_564 : vector<16xf32> to vector<1x1x16xf32>
        tpu.vector_store %arg6[%swap3A_566, %swap3A_567, %swap3A_568], %swap3A_571 {strides = array<i32>} : memref<5x128x64xf32, #tpu.memory_space<vmem>>, vector<1x1x16xf32>,
      }
      %scan3A_203 = arith.constant 128 : i32
      %mul3A_204 = arith.constant 32 : i32
      %mul3A_205 = arith.muli %add3A_162, %mul3A_204 : i32
      %add3A_206 = arith.addi %mul3A_205, %add3A : i32
      %mul3A_207 = arith.constant 128 : i32
      %mul3A_208 = arith.muli %add3A_206, %mul3A_207 : i32
      %dma_start3A_209 = arith.constant 0 : i32
      %dma_start3A_210 = arith.constant 0 : i32
      %dma_start3A_211 = arith.constant 0 : i32
      %dma_start3A_212 = arith.constant 0 : i32
      %dma_start3A_213 = tpu.memref_slice %arg6[%dma_start3A_209, %dma_start3A_211, %dma_start3A_212] : memref<5x128x64xf32, #tpu.memory_space<vmem>> -> memref<1x128x64xf32, #tpu.memory_space<vmem>>
      %dma_start3A_214 = tpu.memref_squeeze %dma_start3A_213 : memref<1x128x64xf32, #tpu.memory_space<vmem>> -> memref<128x64xf32, #tpu.memory_space<vmem>>
      %dma_start3A_215 = arith.constant 0 : i32
      %dma_start3A_216 = tpu.memref_slice %arg4[%mul3A_208, %dma_start3A_215] : memref<204800x64xf32, #tpu.memory_space<hbm>> -> memref<128x64xf32, #tpu.memory_space<hbm>>
      %dma_start3A_217 = tpu.memref_slice %arg9[%dma_start3A_210] : memref<5x!tpu.dma_semaphore, #tpu.memory_space<semaphore_mem>> -> memref<1x!tpu.dma_semaphore, #tpu.memory_space<semaphore_mem>>
      %dma_start3A_218 = tpu.memref_squeeze %dma_start3A_217 : memref<1x!tpu.dma_semaphore, #tpu.memory_space<semaphore_mem>> -> memref<!tpu.dma_semaphore, #tpu.memory_space<semaphore_mem>>
      %dma_start3A_219 = arith.constant 0 : i32
      %dma_start3A_220 = tpu.memref_slice %arg4[%mul3A_208, %dma_start3A_219] : memref<204800x64xf32, #tpu.memory_space<hbm>> -> memref<128x64xf32, #tpu.memory_space<hbm>>
      %dma_start3A_221 = arith.constant 0 : i32
      %dma_start3A_222 = arith.constant 0 : i32
      %dma_start3A_223 = tpu.memref_slice %arg6[%dma_start3A_209, %dma_start3A_221, %dma_start3A_222] : memref<5x128x64xf32, #tpu.memory_space<vmem>> -> memref<1x128x64xf32, #tpu.memory_space<vmem>>
      %dma_start3A_224 = tpu.memref_squeeze %dma_start3A_223 : memref<1x128x64xf32, #tpu.memory_space<vmem>> -> memref<128x64xf32, #tpu.memory_space<vmem>>
      tpu.enqueue_dma source(%dma_start3A_224 : memref<128x64xf32, #tpu.memory_space<vmem>>) target(%dma_start3A_220 : memref<128x64xf32, #tpu.memory_space<hbm>>) target_semaphore(%dma_start3A_218 : memref<!tpu.dma_semaphore, #tpu.memory_space<semaphore_mem>>)
      %mul3A_225 = arith.constant 5 : i32
      %mul3A_226 = arith.muli %scan3A_158, %mul3A_225 : i32
      %add3A_227 = arith.constant 1 : i32
      %add3A_228 = arith.addi %mul3A_226, %add3A_227 : i32
      %add3A_229 = arith.constant 3 : i32
      %add3A_230 = arith.addi %add3A_228, %add3A_229 : i32
      %add3A_231 = arith.constant 1 : i32
      %add3A_232 = arith.addi %add3A_228, %add3A_231 : i32
      %lt3A_233 = arith.constant 50 : i32
      %lt3A_234 = arith.cmpi slt, %add3A_230, %lt3A_233 : i32
      %convert_element_type3A_235 = arith.extui %lt3A_234 : i1 to i32
      %cond3A_236 = arith.constant 0 : i32
      %cond3A_237 = arith.cmpi ne, %convert_element_type3A_235, %cond3A_236 : i32
      scf.if %cond3A_237 {
        %mul3A_509 = arith.constant 4096 : i32
        %mul3A_510 = arith.muli %add3A_230, %mul3A_509 : i32
        %add3A_511 = arith.addi %mul3A_510, %mul3A_2 : i32
        %dma_start3A_512 = arith.constant 4 : i32
        %dma_start3A_513 = arith.constant 4 : i32
        %dma_start3A_514 = arith.constant 0 : i32
        %dma_start3A_515 = tpu.memref_slice %arg5[%dma_start3A_512, %dma_start3A_514] : memref<5x128xi32, #tpu.memory_space<vmem>> -> memref<1x128xi32, #tpu.memory_space<vmem>>
        %dma_start3A_516 = tpu.memref_squeeze %dma_start3A_515 : memref<1x128xi32, #tpu.memory_space<vmem>> -> memref<128xi32, #tpu.memory_space<vmem>>
        %dma_start3A_517 = tpu.memref_slice %arg2[%add3A_511] : memref<204800xi32, #tpu.memory_space<hbm>> -> memref<128xi32, #tpu.memory_space<hbm>>
        %dma_start3A_518 = tpu.memref_slice %arg7[%dma_start3A_513] : memref<5x!tpu.dma_semaphore, #tpu.memory_space<semaphore_mem>> -> memref<1x!tpu.dma_semaphore, #tpu.memory_space<semaphore_mem>>
        %dma_start3A_519 = tpu.memref_squeeze %dma_start3A_518 : memref<1x!tpu.dma_semaphore, #tpu.memory_space<semaphore_mem>> -> memref<!tpu.dma_semaphore, #tpu.memory_space<semaphore_mem>>
        %dma_start3A_520 = arith.constant 0 : i32
        %dma_start3A_521 = tpu.memref_slice %arg5[%dma_start3A_512, %dma_start3A_520] : memref<5x128xi32, #tpu.memory_space<vmem>> -> memref<1x128xi32, #tpu.memory_space<vmem>>
        %dma_start3A_522 = tpu.memref_squeeze %dma_start3A_521 : memref<1x128xi32, #tpu.memory_space<vmem>> -> memref<128xi32, #tpu.memory_space<vmem>>
        %dma_start3A_523 = tpu.memref_slice %arg2[%add3A_511] : memref<204800xi32, #tpu.memory_space<hbm>> -> memref<128xi32, #tpu.memory_space<hbm>>
        tpu.enqueue_dma source(%dma_start3A_523 : memref<128xi32, #tpu.memory_space<hbm>>) target(%dma_start3A_522 : memref<128xi32, #tpu.memory_space<vmem>>) target_semaphore(%dma_start3A_519 : memref<!tpu.dma_semaphore, #tpu.memory_space<semaphore_mem>>)
      } else {
      }
      %ge3A_238 = arith.constant 5 : i32
      %ge3A_239 = arith.cmpi sge, %add3A_232, %ge3A_238 : i32
      %lt3A_240 = arith.constant 50 : i32
      %lt3A_241 = arith.cmpi slt, %add3A_232, %lt3A_240 : i32
      %and3A_242 = arith.andi %ge3A_239, %lt3A_241 : i1
      %convert_element_type3A_243 = arith.extui %and3A_242 : i1 to i32
      %cond3A_244 = arith.constant 0 : i32
      %cond3A_245 = arith.cmpi ne, %convert_element_type3A_243, %cond3A_244 : i32
      scf.if %cond3A_245 {
        %dma_wait3A_509 = arith.constant 2 : i32
        %dma_wait3A_510 = arith.constant 2 : i32
        %dma_wait3A_511 = arith.constant 0 : i32
        %dma_wait3A_512 = arith.constant 0 : i32
        %dma_wait3A_513 = tpu.memref_slice %arg6[%dma_wait3A_509, %dma_wait3A_511, %dma_wait3A_512] : memref<5x128x64xf32, #tpu.memory_space<vmem>> -> memref<1x128x64xf32, #tpu.memory_space<vmem>>
        %dma_wait3A_514 = tpu.memref_squeeze %dma_wait3A_513 : memref<1x128x64xf32, #tpu.memory_space<vmem>> -> memref<128x64xf32, #tpu.memory_space<vmem>>
        %dma_wait3A_515 = arith.constant 0 : i32
        %dma_wait3A_516 = arith.constant 0 : i32
        %dma_wait3A_517 = tpu.memref_slice %arg4[%dma_wait3A_515, %dma_wait3A_516] : memref<204800x64xf32, #tpu.memory_space<hbm>> -> memref<128x64xf32, #tpu.memory_space<hbm>>
        %dma_wait3A_518 = tpu.memref_slice %arg9[%dma_wait3A_510] : memref<5x!tpu.dma_semaphore, #tpu.memory_space<semaphore_mem>> -> memref<1x!tpu.dma_semaphore, #tpu.memory_space<semaphore_mem>>
        %dma_wait3A_519 = tpu.memref_squeeze %dma_wait3A_518 : memref<1x!tpu.dma_semaphore, #tpu.memory_space<semaphore_mem>> -> memref<!tpu.dma_semaphore, #tpu.memory_space<semaphore_mem>>
        %dma_wait3A_520 = arith.constant 0 : i32
        %dma_wait3A_521 = arith.constant 0 : i32
        %dma_wait3A_522 = tpu.memref_slice %arg4[%dma_wait3A_520, %dma_wait3A_521] : memref<204800x64xf32, #tpu.memory_space<hbm>> -> memref<128x64xf32, #tpu.memory_space<hbm>>
        %dma_wait3A_523 = arith.constant 0 : i32
        %dma_wait3A_524 = arith.constant 0 : i32
        %dma_wait3A_525 = tpu.memref_slice %arg6[%dma_wait3A_509, %dma_wait3A_523, %dma_wait3A_524] : memref<5x128x64xf32, #tpu.memory_space<vmem>> -> memref<1x128x64xf32, #tpu.memory_space<vmem>>
        %dma_wait3A_526 = tpu.memref_squeeze %dma_wait3A_525 : memref<1x128x64xf32, #tpu.memory_space<vmem>> -> memref<128x64xf32, #tpu.memory_space<vmem>>
        tpu.wait_dma2 semaphore(%dma_wait3A_519 : memref<!tpu.dma_semaphore, #tpu.memory_space<semaphore_mem>>) src(%dma_wait3A_526 : memref<128x64xf32, #tpu.memory_space<vmem>>) dst(%dma_wait3A_522 : memref<128x64xf32, #tpu.memory_space<hbm>>)
      } else {
      }
      %lt3A_246 = arith.constant 50 : i32
      %lt3A_247 = arith.cmpi slt, %add3A_232, %lt3A_246 : i32
      %convert_element_type3A_248 = arith.extui %lt3A_247 : i1 to i32
      %cond3A_249 = arith.constant 0 : i32
      %cond3A_250 = arith.cmpi ne, %convert_element_type3A_248, %cond3A_249 : i32
      scf.if %cond3A_250 {
        %dma_wait3A_509 = arith.constant 2 : i32
        %dma_wait3A_510 = arith.constant 2 : i32
        %dma_wait3A_511 = arith.constant 0 : i32
        %dma_wait3A_512 = tpu.memref_slice %arg5[%dma_wait3A_509, %dma_wait3A_511] : memref<5x128xi32, #tpu.memory_space<vmem>> -> memref<1x128xi32, #tpu.memory_space<vmem>>
        %dma_wait3A_513 = tpu.memref_squeeze %dma_wait3A_512 : memref<1x128xi32, #tpu.memory_space<vmem>> -> memref<128xi32, #tpu.memory_space<vmem>>
        %dma_wait3A_514 = arith.constant 0 : i32
        %dma_wait3A_515 = tpu.memref_slice %arg2[%dma_wait3A_514] : memref<204800xi32, #tpu.memory_space<hbm>> -> memref<128xi32, #tpu.memory_space<hbm>>
        %dma_wait3A_516 = tpu.memref_slice %arg7[%dma_wait3A_510] : memref<5x!tpu.dma_semaphore, #tpu.memory_space<semaphore_mem>> -> memref<1x!tpu.dma_semaphore, #tpu.memory_space<semaphore_mem>>
        %dma_wait3A_517 = tpu.memref_squeeze %dma_wait3A_516 : memref<1x!tpu.dma_semaphore, #tpu.memory_space<semaphore_mem>> -> memref<!tpu.dma_semaphore, #tpu.memory_space<semaphore_mem>>
        %dma_wait3A_518 = arith.constant 0 : i32
        %dma_wait3A_519 = tpu.memref_slice %arg5[%dma_wait3A_509, %dma_wait3A_518] : memref<5x128xi32, #tpu.memory_space<vmem>> -> memref<1x128xi32, #tpu.memory_space<vmem>>
        %dma_wait3A_520 = tpu.memref_squeeze %dma_wait3A_519 : memref<1x128xi32, #tpu.memory_space<vmem>> -> memref<128xi32, #tpu.memory_space<vmem>>
        %dma_wait3A_521 = arith.constant 0 : i32
        %dma_wait3A_522 = tpu.memref_slice %arg2[%dma_wait3A_521] : memref<204800xi32, #tpu.memory_space<hbm>> -> memref<128xi32, #tpu.memory_space<hbm>>
        tpu.wait_dma2 semaphore(%dma_wait3A_517 : memref<!tpu.dma_semaphore, #tpu.memory_space<semaphore_mem>>) src(%dma_wait3A_522 : memref<128xi32, #tpu.memory_space<hbm>>) dst(%dma_wait3A_520 : memref<128xi32, #tpu.memory_space<vmem>>)
        %scan3A_523 = arith.constant 0 : i32
        %scan3A_524 = arith.constant 0 : i32
        %scan3A_525 = arith.constant 8 : i32
        %scan3A_526 = arith.addi %scan3A_524, %scan3A_525 : i32
        %scan3A_527 = arith.constant 1 : i32
        scf.for %scan3A_529 = %scan3A_524 to %scan3A_526 step %scan3A_527  : i32 {
          %mul3A_530 = arith.constant 16 : i32
          %mul3A_531 = arith.muli %scan3A_529, %mul3A_530 : i32
          %get3A = arith.constant 2 : i32
          %get3A_532 = arith.index_cast %get3A : i32 to index
          %get3A_533 = arith.index_cast %mul3A_531 : i32 to index
          %get3A_534 = tpu.vector_load %arg5[%get3A_532, %get3A_533] {strides = array<i32>} : memref<5x128xi32, #tpu.memory_space<vmem>>, vector<1x16xi32>,
          %get3A_535 = vector.shape_cast %get3A_534 : vector<1x16xi32> to vector<16xi32>
          %slice3A = vector.extract_strided_slice %get3A_535 {offsets = [0], sizes = [1], strides = [1]} : vector<16xi32> to vector<1xi32>
          %squeeze3A = vector.extract %slice3A[0] : i32 from vector<1xi32>
          %shift_right_arithmetic3A = arith.constant 3 : i32
          %shift_right_arithmetic3A_536 = arith.shrsi %squeeze3A, %shift_right_arithmetic3A : i32
          %and3A_537 = arith.constant 7 : i32
          %and3A_538 = arith.andi %squeeze3A, %and3A_537 : i32
          %mul3A_539 = arith.constant 16 : i32
          %mul3A_540 = arith.muli %scan3A_529, %mul3A_539 : i32
          %add3A_541 = arith.constant 0 : i32
          %add3A_542 = arith.addi %mul3A_540, %add3A_541 : i32
          %dma_start3A_543 = arith.constant 2 : i32
          %dma_start3A_544 = arith.constant 2 : i32
          %dma_start3A_545 = arith.constant 0 : i32
          %dma_start3A_546 = tpu.memref_slice %arg6[%dma_start3A_543, %add3A_542, %dma_start3A_545] : memref<5x128x64xf32, #tpu.memory_space<vmem>> -> memref<1x1x64xf32, #tpu.memory_space<vmem>>
          %dma_start3A_547 = tpu.memref_squeeze %dma_start3A_546 : memref<1x1x64xf32, #tpu.memory_space<vmem>> -> memref<64xf32, #tpu.memory_space<vmem>>
          %dma_start3A_548 = arith.constant 0 : i32
          %dma_start3A_549 = tpu.memref_slice %arg3[%shift_right_arithmetic3A_536, %and3A_538, %dma_start3A_548] : memref<125000x8x64xf32, #tpu.memory_space<hbm>> -> memref<1x1x64xf32, #tpu.memory_space<hbm>>
          %dma_start3A_550 = tpu.memref_squeeze %dma_start3A_549 : memref<1x1x64xf32, #tpu.memory_space<hbm>> -> memref<64xf32, #tpu.memory_space<hbm>>
          %dma_start3A_551 = tpu.memref_slice %arg8[%dma_start3A_544] : memref<5x!tpu.dma_semaphore, #tpu.memory_space<semaphore_mem>> -> memref<1x!tpu.dma_semaphore, #tpu.memory_space<semaphore_mem>>
          %dma_start3A_552 = tpu.memref_squeeze %dma_start3A_551 : memref<1x!tpu.dma_semaphore, #tpu.memory_space<semaphore_mem>> -> memref<!tpu.dma_semaphore, #tpu.memory_space<semaphore_mem>>
          %dma_start3A_553 = arith.constant 0 : i32
          %dma_start3A_554 = tpu.memref_slice %arg6[%dma_start3A_543, %add3A_542, %dma_start3A_553] : memref<5x128x64xf32, #tpu.memory_space<vmem>> -> memref<1x1x64xf32, #tpu.memory_space<vmem>>
          %dma_start3A_555 = tpu.memref_squeeze %dma_start3A_554 : memref<1x1x64xf32, #tpu.memory_space<vmem>> -> memref<64xf32, #tpu.memory_space<vmem>>
          %dma_start3A_556 = arith.constant 0 : i32
          %dma_start3A_557 = tpu.memref_slice %arg3[%shift_right_arithmetic3A_536, %and3A_538, %dma_start3A_556] : memref<125000x8x64xf32, #tpu.memory_space<hbm>> -> memref<1x1x64xf32, #tpu.memory_space<hbm>>
          %dma_start3A_558 = tpu.memref_squeeze %dma_start3A_557 : memref<1x1x64xf32, #tpu.memory_space<hbm>> -> memref<64xf32, #tpu.memory_space<hbm>>
          tpu.enqueue_dma source(%dma_start3A_558 : memref<64xf32, #tpu.memory_space<hbm>>) target(%dma_start3A_555 : memref<64xf32, #tpu.memory_space<vmem>>) target_semaphore(%dma_start3A_552 : memref<!tpu.dma_semaphore, #tpu.memory_space<semaphore_mem>>)
          %slice3A_559 = vector.extract_strided_slice %get3A_535 {offsets = [1], sizes = [1], strides = [1]} : vector<16xi32> to vector<1xi32>
          %squeeze3A_560 = vector.extract %slice3A_559[0] : i32 from vector<1xi32>
          %shift_right_arithmetic3A_561 = arith.constant 3 : i32
          %shift_right_arithmetic3A_562 = arith.shrsi %squeeze3A_560, %shift_right_arithmetic3A_561 : i32
          %and3A_563 = arith.constant 7 : i32
          %and3A_564 = arith.andi %squeeze3A_560, %and3A_563 : i32
          %mul3A_565 = arith.constant 16 : i32
          %mul3A_566 = arith.muli %scan3A_529, %mul3A_565 : i32
          %add3A_567 = arith.constant 1 : i32
          %add3A_568 = arith.addi %mul3A_566, %add3A_567 : i32
          %dma_start3A_569 = arith.constant 2 : i32
          %dma_start3A_570 = arith.constant 2 : i32
          %dma_start3A_571 = arith.constant 0 : i32
          %dma_start3A_572 = tpu.memref_slice %arg6[%dma_start3A_569, %add3A_568, %dma_start3A_571] : memref<5x128x64xf32, #tpu.memory_space<vmem>> -> memref<1x1x64xf32, #tpu.memory_space<vmem>>
          %dma_start3A_573 = tpu.memref_squeeze %dma_start3A_572 : memref<1x1x64xf32, #tpu.memory_space<vmem>> -> memref<64xf32, #tpu.memory_space<vmem>>
          %dma_start3A_574 = arith.constant 0 : i32
          %dma_start3A_575 = tpu.memref_slice %arg3[%shift_right_arithmetic3A_562, %and3A_564, %dma_start3A_574] : memref<125000x8x64xf32, #tpu.memory_space<hbm>> -> memref<1x1x64xf32, #tpu.memory_space<hbm>>
          %dma_start3A_576 = tpu.memref_squeeze %dma_start3A_575 : memref<1x1x64xf32, #tpu.memory_space<hbm>> -> memref<64xf32, #tpu.memory_space<hbm>>
          %dma_start3A_577 = tpu.memref_slice %arg8[%dma_start3A_570] : memref<5x!tpu.dma_semaphore, #tpu.memory_space<semaphore_mem>> -> memref<1x!tpu.dma_semaphore, #tpu.memory_space<semaphore_mem>>
          %dma_start3A_578 = tpu.memref_squeeze %dma_start3A_577 : memref<1x!tpu.dma_semaphore, #tpu.memory_space<semaphore_mem>> -> memref<!tpu.dma_semaphore, #tpu.memory_space<semaphore_mem>>
          %dma_start3A_579 = arith.constant 0 : i32
          %dma_start3A_580 = tpu.memref_slice %arg6[%dma_start3A_569, %add3A_568, %dma_start3A_579] : memref<5x128x64xf32, #tpu.memory_space<vmem>> -> memref<1x1x64xf32, #tpu.memory_space<vmem>>
          %dma_start3A_581 = tpu.memref_squeeze %dma_start3A_580 : memref<1x1x64xf32, #tpu.memory_space<vmem>> -> memref<64xf32, #tpu.memory_space<vmem>>
          %dma_start3A_582 = arith.constant 0 : i32
          %dma_start3A_583 = tpu.memref_slice %arg3[%shift_right_arithmetic3A_562, %and3A_564, %dma_start3A_582] : memref<125000x8x64xf32, #tpu.memory_space<hbm>> -> memref<1x1x64xf32, #tpu.memory_space<hbm>>
          %dma_start3A_584 = tpu.memref_squeeze %dma_start3A_583 : memref<1x1x64xf32, #tpu.memory_space<hbm>> -> memref<64xf32, #tpu.memory_space<hbm>>
          tpu.enqueue_dma source(%dma_start3A_584 : memref<64xf32, #tpu.memory_space<hbm>>) target(%dma_start3A_581 : memref<64xf32, #tpu.memory_space<vmem>>) target_semaphore(%dma_start3A_578 : memref<!tpu.dma_semaphore, #tpu.memory_space<semaphore_mem>>)
          %slice3A_585 = vector.extract_strided_slice %get3A_535 {offsets = [2], sizes = [1], strides = [1]} : vector<16xi32> to vector<1xi32>
          %squeeze3A_586 = vector.extract %slice3A_585[0] : i32 from vector<1xi32>
          %shift_right_arithmetic3A_587 = arith.constant 3 : i32
          %shift_right_arithmetic3A_588 = arith.shrsi %squeeze3A_586, %shift_right_arithmetic3A_587 : i32
          %and3A_589 = arith.constant 7 : i32
          %and3A_590 = arith.andi %squeeze3A_586, %and3A_589 : i32
          %mul3A_591 = arith.constant 16 : i32
          %mul3A_592 = arith.muli %scan3A_529, %mul3A_591 : i32
          %add3A_593 = arith.constant 2 : i32
          %add3A_594 = arith.addi %mul3A_592, %add3A_593 : i32
          %dma_start3A_595 = arith.constant 2 : i32
          %dma_start3A_596 = arith.constant 2 : i32
          %dma_start3A_597 = arith.constant 0 : i32
          %dma_start3A_598 = tpu.memref_slice %arg6[%dma_start3A_595, %add3A_594, %dma_start3A_597] : memref<5x128x64xf32, #tpu.memory_space<vmem>> -> memref<1x1x64xf32, #tpu.memory_space<vmem>>
          %dma_start3A_599 = tpu.memref_squeeze %dma_start3A_598 : memref<1x1x64xf32, #tpu.memory_space<vmem>> -> memref<64xf32, #tpu.memory_space<vmem>>
          %dma_start3A_600 = arith.constant 0 : i32
          %dma_start3A_601 = tpu.memref_slice %arg3[%shift_right_arithmetic3A_588, %and3A_590, %dma_start3A_600] : memref<125000x8x64xf32, #tpu.memory_space<hbm>> -> memref<1x1x64xf32, #tpu.memory_space<hbm>>
          %dma_start3A_602 = tpu.memref_squeeze %dma_start3A_601 : memref<1x1x64xf32, #tpu.memory_space<hbm>> -> memref<64xf32, #tpu.memory_space<hbm>>
          %dma_start3A_603 = tpu.memref_slice %arg8[%dma_start3A_596] : memref<5x!tpu.dma_semaphore, #tpu.memory_space<semaphore_mem>> -> memref<1x!tpu.dma_semaphore, #tpu.memory_space<semaphore_mem>>
          %dma_start3A_604 = tpu.memref_squeeze %dma_start3A_603 : memref<1x!tpu.dma_semaphore, #tpu.memory_space<semaphore_mem>> -> memref<!tpu.dma_semaphore, #tpu.memory_space<semaphore_mem>>
          %dma_start3A_605 = arith.constant 0 : i32
          %dma_start3A_606 = tpu.memref_slice %arg6[%dma_start3A_595, %add3A_594, %dma_start3A_605] : memref<5x128x64xf32, #tpu.memory_space<vmem>> -> memref<1x1x64xf32, #tpu.memory_space<vmem>>
          %dma_start3A_607 = tpu.memref_squeeze %dma_start3A_606 : memref<1x1x64xf32, #tpu.memory_space<vmem>> -> memref<64xf32, #tpu.memory_space<vmem>>
          %dma_start3A_608 = arith.constant 0 : i32
          %dma_start3A_609 = tpu.memref_slice %arg3[%shift_right_arithmetic3A_588, %and3A_590, %dma_start3A_608] : memref<125000x8x64xf32, #tpu.memory_space<hbm>> -> memref<1x1x64xf32, #tpu.memory_space<hbm>>
          %dma_start3A_610 = tpu.memref_squeeze %dma_start3A_609 : memref<1x1x64xf32, #tpu.memory_space<hbm>> -> memref<64xf32, #tpu.memory_space<hbm>>
          tpu.enqueue_dma source(%dma_start3A_610 : memref<64xf32, #tpu.memory_space<hbm>>) target(%dma_start3A_607 : memref<64xf32, #tpu.memory_space<vmem>>) target_semaphore(%dma_start3A_604 : memref<!tpu.dma_semaphore, #tpu.memory_space<semaphore_mem>>)
          %slice3A_611 = vector.extract_strided_slice %get3A_535 {offsets = [3], sizes = [1], strides = [1]} : vector<16xi32> to vector<1xi32>
          %squeeze3A_612 = vector.extract %slice3A_611[0] : i32 from vector<1xi32>
          %shift_right_arithmetic3A_613 = arith.constant 3 : i32
          %shift_right_arithmetic3A_614 = arith.shrsi %squeeze3A_612, %shift_right_arithmetic3A_613 : i32
          %and3A_615 = arith.constant 7 : i32
          %and3A_616 = arith.andi %squeeze3A_612, %and3A_615 : i32
          %mul3A_617 = arith.constant 16 : i32
          %mul3A_618 = arith.muli %scan3A_529, %mul3A_617 : i32
          %add3A_619 = arith.constant 3 : i32
          %add3A_620 = arith.addi %mul3A_618, %add3A_619 : i32
          %dma_start3A_621 = arith.constant 2 : i32
          %dma_start3A_622 = arith.constant 2 : i32
          %dma_start3A_623 = arith.constant 0 : i32
          %dma_start3A_624 = tpu.memref_slice %arg6[%dma_start3A_621, %add3A_620, %dma_start3A_623] : memref<5x128x64xf32, #tpu.memory_space<vmem>> -> memref<1x1x64xf32, #tpu.memory_space<vmem>>
          %dma_start3A_625 = tpu.memref_squeeze %dma_start3A_624 : memref<1x1x64xf32, #tpu.memory_space<vmem>> -> memref<64xf32, #tpu.memory_space<vmem>>
          %dma_start3A_626 = arith.constant 0 : i32
          %dma_start3A_627 = tpu.memref_slice %arg3[%shift_right_arithmetic3A_614, %and3A_616, %dma_start3A_626] : memref<125000x8x64xf32, #tpu.memory_space<hbm>> -> memref<1x1x64xf32, #tpu.memory_space<hbm>>
          %dma_start3A_628 = tpu.memref_squeeze %dma_start3A_627 : memref<1x1x64xf32, #tpu.memory_space<hbm>> -> memref<64xf32, #tpu.memory_space<hbm>>
          %dma_start3A_629 = tpu.memref_slice %arg8[%dma_start3A_622] : memref<5x!tpu.dma_semaphore, #tpu.memory_space<semaphore_mem>> -> memref<1x!tpu.dma_semaphore, #tpu.memory_space<semaphore_mem>>
          %dma_start3A_630 = tpu.memref_squeeze %dma_start3A_629 : memref<1x!tpu.dma_semaphore, #tpu.memory_space<semaphore_mem>> -> memref<!tpu.dma_semaphore, #tpu.memory_space<semaphore_mem>>
          %dma_start3A_631 = arith.constant 0 : i32
          %dma_start3A_632 = tpu.memref_slice %arg6[%dma_start3A_621, %add3A_620, %dma_start3A_631] : memref<5x128x64xf32, #tpu.memory_space<vmem>> -> memref<1x1x64xf32, #tpu.memory_space<vmem>>
          %dma_start3A_633 = tpu.memref_squeeze %dma_start3A_632 : memref<1x1x64xf32, #tpu.memory_space<vmem>> -> memref<64xf32, #tpu.memory_space<vmem>>
          %dma_start3A_634 = arith.constant 0 : i32
          %dma_start3A_635 = tpu.memref_slice %arg3[%shift_right_arithmetic3A_614, %and3A_616, %dma_start3A_634] : memref<125000x8x64xf32, #tpu.memory_space<hbm>> -> memref<1x1x64xf32, #tpu.memory_space<hbm>>
          %dma_start3A_636 = tpu.memref_squeeze %dma_start3A_635 : memref<1x1x64xf32, #tpu.memory_space<hbm>> -> memref<64xf32, #tpu.memory_space<hbm>>
          tpu.enqueue_dma source(%dma_start3A_636 : memref<64xf32, #tpu.memory_space<hbm>>) target(%dma_start3A_633 : memref<64xf32, #tpu.memory_space<vmem>>) target_semaphore(%dma_start3A_630 : memref<!tpu.dma_semaphore, #tpu.memory_space<semaphore_mem>>)
          %slice3A_637 = vector.extract_strided_slice %get3A_535 {offsets = [4], sizes = [1], strides = [1]} : vector<16xi32> to vector<1xi32>
          %squeeze3A_638 = vector.extract %slice3A_637[0] : i32 from vector<1xi32>
          %shift_right_arithmetic3A_639 = arith.constant 3 : i32
          %shift_right_arithmetic3A_640 = arith.shrsi %squeeze3A_638, %shift_right_arithmetic3A_639 : i32
          %and3A_641 = arith.constant 7 : i32
          %and3A_642 = arith.andi %squeeze3A_638, %and3A_641 : i32
          %mul3A_643 = arith.constant 16 : i32
          %mul3A_644 = arith.muli %scan3A_529, %mul3A_643 : i32
          %add3A_645 = arith.constant 4 : i32
          %add3A_646 = arith.addi %mul3A_644, %add3A_645 : i32
          %dma_start3A_647 = arith.constant 2 : i32
          %dma_start3A_648 = arith.constant 2 : i32
          %dma_start3A_649 = arith.constant 0 : i32
          %dma_start3A_650 = tpu.memref_slice %arg6[%dma_start3A_647, %add3A_646, %dma_start3A_649] : memref<5x128x64xf32, #tpu.memory_space<vmem>> -> memref<1x1x64xf32, #tpu.memory_space<vmem>>
          %dma_start3A_651 = tpu.memref_squeeze %dma_start3A_650 : memref<1x1x64xf32, #tpu.memory_space<vmem>> -> memref<64xf32, #tpu.memory_space<vmem>>
          %dma_start3A_652 = arith.constant 0 : i32
          %dma_start3A_653 = tpu.memref_slice %arg3[%shift_right_arithmetic3A_640, %and3A_642, %dma_start3A_652] : memref<125000x8x64xf32, #tpu.memory_space<hbm>> -> memref<1x1x64xf32, #tpu.memory_space<hbm>>
          %dma_start3A_654 = tpu.memref_squeeze %dma_start3A_653 : memref<1x1x64xf32, #tpu.memory_space<hbm>> -> memref<64xf32, #tpu.memory_space<hbm>>
          %dma_start3A_655 = tpu.memref_slice %arg8[%dma_start3A_648] : memref<5x!tpu.dma_semaphore, #tpu.memory_space<semaphore_mem>> -> memref<1x!tpu.dma_semaphore, #tpu.memory_space<semaphore_mem>>
          %dma_start3A_656 = tpu.memref_squeeze %dma_start3A_655 : memref<1x!tpu.dma_semaphore, #tpu.memory_space<semaphore_mem>> -> memref<!tpu.dma_semaphore, #tpu.memory_space<semaphore_mem>>
          %dma_start3A_657 = arith.constant 0 : i32
          %dma_start3A_658 = tpu.memref_slice %arg6[%dma_start3A_647, %add3A_646, %dma_start3A_657] : memref<5x128x64xf32, #tpu.memory_space<vmem>> -> memref<1x1x64xf32, #tpu.memory_space<vmem>>
          %dma_start3A_659 = tpu.memref_squeeze %dma_start3A_658 : memref<1x1x64xf32, #tpu.memory_space<vmem>> -> memref<64xf32, #tpu.memory_space<vmem>>
          %dma_start3A_660 = arith.constant 0 : i32
          %dma_start3A_661 = tpu.memref_slice %arg3[%shift_right_arithmetic3A_640, %and3A_642, %dma_start3A_660] : memref<125000x8x64xf32, #tpu.memory_space<hbm>> -> memref<1x1x64xf32, #tpu.memory_space<hbm>>
          %dma_start3A_662 = tpu.memref_squeeze %dma_start3A_661 : memref<1x1x64xf32, #tpu.memory_space<hbm>> -> memref<64xf32, #tpu.memory_space<hbm>>
          tpu.enqueue_dma source(%dma_start3A_662 : memref<64xf32, #tpu.memory_space<hbm>>) target(%dma_start3A_659 : memref<64xf32, #tpu.memory_space<vmem>>) target_semaphore(%dma_start3A_656 : memref<!tpu.dma_semaphore, #tpu.memory_space<semaphore_mem>>)
          %slice3A_663 = vector.extract_strided_slice %get3A_535 {offsets = [5], sizes = [1], strides = [1]} : vector<16xi32> to vector<1xi32>
          %squeeze3A_664 = vector.extract %slice3A_663[0] : i32 from vector<1xi32>
          %shift_right_arithmetic3A_665 = arith.constant 3 : i32
          %shift_right_arithmetic3A_666 = arith.shrsi %squeeze3A_664, %shift_right_arithmetic3A_665 : i32
          %and3A_667 = arith.constant 7 : i32
          %and3A_668 = arith.andi %squeeze3A_664, %and3A_667 : i32
          %mul3A_669 = arith.constant 16 : i32
          %mul3A_670 = arith.muli %scan3A_529, %mul3A_669 : i32
          %add3A_671 = arith.constant 5 : i32
          %add3A_672 = arith.addi %mul3A_670, %add3A_671 : i32
          %dma_start3A_673 = arith.constant 2 : i32
          %dma_start3A_674 = arith.constant 2 : i32
          %dma_start3A_675 = arith.constant 0 : i32
          %dma_start3A_676 = tpu.memref_slice %arg6[%dma_start3A_673, %add3A_672, %dma_start3A_675] : memref<5x128x64xf32, #tpu.memory_space<vmem>> -> memref<1x1x64xf32, #tpu.memory_space<vmem>>
          %dma_start3A_677 = tpu.memref_squeeze %dma_start3A_676 : memref<1x1x64xf32, #tpu.memory_space<vmem>> -> memref<64xf32, #tpu.memory_space<vmem>>
          %dma_start3A_678 = arith.constant 0 : i32
          %dma_start3A_679 = tpu.memref_slice %arg3[%shift_right_arithmetic3A_666, %and3A_668, %dma_start3A_678] : memref<125000x8x64xf32, #tpu.memory_space<hbm>> -> memref<1x1x64xf32, #tpu.memory_space<hbm>>
          %dma_start3A_680 = tpu.memref_squeeze %dma_start3A_679 : memref<1x1x64xf32, #tpu.memory_space<hbm>> -> memref<64xf32, #tpu.memory_space<hbm>>
          %dma_start3A_681 = tpu.memref_slice %arg8[%dma_start3A_674] : memref<5x!tpu.dma_semaphore, #tpu.memory_space<semaphore_mem>> -> memref<1x!tpu.dma_semaphore, #tpu.memory_space<semaphore_mem>>
          %dma_start3A_682 = tpu.memref_squeeze %dma_start3A_681 : memref<1x!tpu.dma_semaphore, #tpu.memory_space<semaphore_mem>> -> memref<!tpu.dma_semaphore, #tpu.memory_space<semaphore_mem>>
          %dma_start3A_683 = arith.constant 0 : i32
          %dma_start3A_684 = tpu.memref_slice %arg6[%dma_start3A_673, %add3A_672, %dma_start3A_683] : memref<5x128x64xf32, #tpu.memory_space<vmem>> -> memref<1x1x64xf32, #tpu.memory_space<vmem>>
          %dma_start3A_685 = tpu.memref_squeeze %dma_start3A_684 : memref<1x1x64xf32, #tpu.memory_space<vmem>> -> memref<64xf32, #tpu.memory_space<vmem>>
          %dma_start3A_686 = arith.constant 0 : i32
          %dma_start3A_687 = tpu.memref_slice %arg3[%shift_right_arithmetic3A_666, %and3A_668, %dma_start3A_686] : memref<125000x8x64xf32, #tpu.memory_space<hbm>> -> memref<1x1x64xf32, #tpu.memory_space<hbm>>
          %dma_start3A_688 = tpu.memref_squeeze %dma_start3A_687 : memref<1x1x64xf32, #tpu.memory_space<hbm>> -> memref<64xf32, #tpu.memory_space<hbm>>
          tpu.enqueue_dma source(%dma_start3A_688 : memref<64xf32, #tpu.memory_space<hbm>>) target(%dma_start3A_685 : memref<64xf32, #tpu.memory_space<vmem>>) target_semaphore(%dma_start3A_682 : memref<!tpu.dma_semaphore, #tpu.memory_space<semaphore_mem>>)
          %slice3A_689 = vector.extract_strided_slice %get3A_535 {offsets = [6], sizes = [1], strides = [1]} : vector<16xi32> to vector<1xi32>
          %squeeze3A_690 = vector.extract %slice3A_689[0] : i32 from vector<1xi32>
          %shift_right_arithmetic3A_691 = arith.constant 3 : i32
          %shift_right_arithmetic3A_692 = arith.shrsi %squeeze3A_690, %shift_right_arithmetic3A_691 : i32
          %and3A_693 = arith.constant 7 : i32
          %and3A_694 = arith.andi %squeeze3A_690, %and3A_693 : i32
          %mul3A_695 = arith.constant 16 : i32
          %mul3A_696 = arith.muli %scan3A_529, %mul3A_695 : i32
          %add3A_697 = arith.constant 6 : i32
          %add3A_698 = arith.addi %mul3A_696, %add3A_697 : i32
          %dma_start3A_699 = arith.constant 2 : i32
          %dma_start3A_700 = arith.constant 2 : i32
          %dma_start3A_701 = arith.constant 0 : i32
          %dma_start3A_702 = tpu.memref_slice %arg6[%dma_start3A_699, %add3A_698, %dma_start3A_701] : memref<5x128x64xf32, #tpu.memory_space<vmem>> -> memref<1x1x64xf32, #tpu.memory_space<vmem>>
          %dma_start3A_703 = tpu.memref_squeeze %dma_start3A_702 : memref<1x1x64xf32, #tpu.memory_space<vmem>> -> memref<64xf32, #tpu.memory_space<vmem>>
          %dma_start3A_704 = arith.constant 0 : i32
          %dma_start3A_705 = tpu.memref_slice %arg3[%shift_right_arithmetic3A_692, %and3A_694, %dma_start3A_704] : memref<125000x8x64xf32, #tpu.memory_space<hbm>> -> memref<1x1x64xf32, #tpu.memory_space<hbm>>
          %dma_start3A_706 = tpu.memref_squeeze %dma_start3A_705 : memref<1x1x64xf32, #tpu.memory_space<hbm>> -> memref<64xf32, #tpu.memory_space<hbm>>
          %dma_start3A_707 = tpu.memref_slice %arg8[%dma_start3A_700] : memref<5x!tpu.dma_semaphore, #tpu.memory_space<semaphore_mem>> -> memref<1x!tpu.dma_semaphore, #tpu.memory_space<semaphore_mem>>
          %dma_start3A_708 = tpu.memref_squeeze %dma_start3A_707 : memref<1x!tpu.dma_semaphore, #tpu.memory_space<semaphore_mem>> -> memref<!tpu.dma_semaphore, #tpu.memory_space<semaphore_mem>>
          %dma_start3A_709 = arith.constant 0 : i32
          %dma_start3A_710 = tpu.memref_slice %arg6[%dma_start3A_699, %add3A_698, %dma_start3A_709] : memref<5x128x64xf32, #tpu.memory_space<vmem>> -> memref<1x1x64xf32, #tpu.memory_space<vmem>>
          %dma_start3A_711 = tpu.memref_squeeze %dma_start3A_710 : memref<1x1x64xf32, #tpu.memory_space<vmem>> -> memref<64xf32, #tpu.memory_space<vmem>>
          %dma_start3A_712 = arith.constant 0 : i32
          %dma_start3A_713 = tpu.memref_slice %arg3[%shift_right_arithmetic3A_692, %and3A_694, %dma_start3A_712] : memref<125000x8x64xf32, #tpu.memory_space<hbm>> -> memref<1x1x64xf32, #tpu.memory_space<hbm>>
          %dma_start3A_714 = tpu.memref_squeeze %dma_start3A_713 : memref<1x1x64xf32, #tpu.memory_space<hbm>> -> memref<64xf32, #tpu.memory_space<hbm>>
          tpu.enqueue_dma source(%dma_start3A_714 : memref<64xf32, #tpu.memory_space<hbm>>) target(%dma_start3A_711 : memref<64xf32, #tpu.memory_space<vmem>>) target_semaphore(%dma_start3A_708 : memref<!tpu.dma_semaphore, #tpu.memory_space<semaphore_mem>>)
          %slice3A_715 = vector.extract_strided_slice %get3A_535 {offsets = [7], sizes = [1], strides = [1]} : vector<16xi32> to vector<1xi32>
          %squeeze3A_716 = vector.extract %slice3A_715[0] : i32 from vector<1xi32>
          %shift_right_arithmetic3A_717 = arith.constant 3 : i32
          %shift_right_arithmetic3A_718 = arith.shrsi %squeeze3A_716, %shift_right_arithmetic3A_717 : i32
          %and3A_719 = arith.constant 7 : i32
          %and3A_720 = arith.andi %squeeze3A_716, %and3A_719 : i32
          %mul3A_721 = arith.constant 16 : i32
          %mul3A_722 = arith.muli %scan3A_529, %mul3A_721 : i32
          %add3A_723 = arith.constant 7 : i32
          %add3A_724 = arith.addi %mul3A_722, %add3A_723 : i32
          %dma_start3A_725 = arith.constant 2 : i32
          %dma_start3A_726 = arith.constant 2 : i32
          %dma_start3A_727 = arith.constant 0 : i32
          %dma_start3A_728 = tpu.memref_slice %arg6[%dma_start3A_725, %add3A_724, %dma_start3A_727] : memref<5x128x64xf32, #tpu.memory_space<vmem>> -> memref<1x1x64xf32, #tpu.memory_space<vmem>>
          %dma_start3A_729 = tpu.memref_squeeze %dma_start3A_728 : memref<1x1x64xf32, #tpu.memory_space<vmem>> -> memref<64xf32, #tpu.memory_space<vmem>>
          %dma_start3A_730 = arith.constant 0 : i32
          %dma_start3A_731 = tpu.memref_slice %arg3[%shift_right_arithmetic3A_718, %and3A_720, %dma_start3A_730] : memref<125000x8x64xf32, #tpu.memory_space<hbm>> -> memref<1x1x64xf32, #tpu.memory_space<hbm>>
          %dma_start3A_732 = tpu.memref_squeeze %dma_start3A_731 : memref<1x1x64xf32, #tpu.memory_space<hbm>> -> memref<64xf32, #tpu.memory_space<hbm>>
          %dma_start3A_733 = tpu.memref_slice %arg8[%dma_start3A_726] : memref<5x!tpu.dma_semaphore, #tpu.memory_space<semaphore_mem>> -> memref<1x!tpu.dma_semaphore, #tpu.memory_space<semaphore_mem>>
          %dma_start3A_734 = tpu.memref_squeeze %dma_start3A_733 : memref<1x!tpu.dma_semaphore, #tpu.memory_space<semaphore_mem>> -> memref<!tpu.dma_semaphore, #tpu.memory_space<semaphore_mem>>
          %dma_start3A_735 = arith.constant 0 : i32
          %dma_start3A_736 = tpu.memref_slice %arg6[%dma_start3A_725, %add3A_724, %dma_start3A_735] : memref<5x128x64xf32, #tpu.memory_space<vmem>> -> memref<1x1x64xf32, #tpu.memory_space<vmem>>
          %dma_start3A_737 = tpu.memref_squeeze %dma_start3A_736 : memref<1x1x64xf32, #tpu.memory_space<vmem>> -> memref<64xf32, #tpu.memory_space<vmem>>
          %dma_start3A_738 = arith.constant 0 : i32
          %dma_start3A_739 = tpu.memref_slice %arg3[%shift_right_arithmetic3A_718, %and3A_720, %dma_start3A_738] : memref<125000x8x64xf32, #tpu.memory_space<hbm>> -> memref<1x1x64xf32, #tpu.memory_space<hbm>>
          %dma_start3A_740 = tpu.memref_squeeze %dma_start3A_739 : memref<1x1x64xf32, #tpu.memory_space<hbm>> -> memref<64xf32, #tpu.memory_space<hbm>>
          tpu.enqueue_dma source(%dma_start3A_740 : memref<64xf32, #tpu.memory_space<hbm>>) target(%dma_start3A_737 : memref<64xf32, #tpu.memory_space<vmem>>) target_semaphore(%dma_start3A_734 : memref<!tpu.dma_semaphore, #tpu.memory_space<semaphore_mem>>)
          %slice3A_741 = vector.extract_strided_slice %get3A_535 {offsets = [8], sizes = [1], strides = [1]} : vector<16xi32> to vector<1xi32>
          %squeeze3A_742 = vector.extract %slice3A_741[0] : i32 from vector<1xi32>
          %shift_right_arithmetic3A_743 = arith.constant 3 : i32
          %shift_right_arithmetic3A_744 = arith.shrsi %squeeze3A_742, %shift_right_arithmetic3A_743 : i32
          %and3A_745 = arith.constant 7 : i32
          %and3A_746 = arith.andi %squeeze3A_742, %and3A_745 : i32
          %mul3A_747 = arith.constant 16 : i32
          %mul3A_748 = arith.muli %scan3A_529, %mul3A_747 : i32
          %add3A_749 = arith.constant 8 : i32
          %add3A_750 = arith.addi %mul3A_748, %add3A_749 : i32
          %dma_start3A_751 = arith.constant 2 : i32
          %dma_start3A_752 = arith.constant 2 : i32
          %dma_start3A_753 = arith.constant 0 : i32
          %dma_start3A_754 = tpu.memref_slice %arg6[%dma_start3A_751, %add3A_750, %dma_start3A_753] : memref<5x128x64xf32, #tpu.memory_space<vmem>> -> memref<1x1x64xf32, #tpu.memory_space<vmem>>
          %dma_start3A_755 = tpu.memref_squeeze %dma_start3A_754 : memref<1x1x64xf32, #tpu.memory_space<vmem>> -> memref<64xf32, #tpu.memory_space<vmem>>
          %dma_start3A_756 = arith.constant 0 : i32
          %dma_start3A_757 = tpu.memref_slice %arg3[%shift_right_arithmetic3A_744, %and3A_746, %dma_start3A_756] : memref<125000x8x64xf32, #tpu.memory_space<hbm>> -> memref<1x1x64xf32, #tpu.memory_space<hbm>>
          %dma_start3A_758 = tpu.memref_squeeze %dma_start3A_757 : memref<1x1x64xf32, #tpu.memory_space<hbm>> -> memref<64xf32, #tpu.memory_space<hbm>>
          %dma_start3A_759 = tpu.memref_slice %arg8[%dma_start3A_752] : memref<5x!tpu.dma_semaphore, #tpu.memory_space<semaphore_mem>> -> memref<1x!tpu.dma_semaphore, #tpu.memory_space<semaphore_mem>>
          %dma_start3A_760 = tpu.memref_squeeze %dma_start3A_759 : memref<1x!tpu.dma_semaphore, #tpu.memory_space<semaphore_mem>> -> memref<!tpu.dma_semaphore, #tpu.memory_space<semaphore_mem>>
          %dma_start3A_761 = arith.constant 0 : i32
          %dma_start3A_762 = tpu.memref_slice %arg6[%dma_start3A_751, %add3A_750, %dma_start3A_761] : memref<5x128x64xf32, #tpu.memory_space<vmem>> -> memref<1x1x64xf32, #tpu.memory_space<vmem>>
          %dma_start3A_763 = tpu.memref_squeeze %dma_start3A_762 : memref<1x1x64xf32, #tpu.memory_space<vmem>> -> memref<64xf32, #tpu.memory_space<vmem>>
          %dma_start3A_764 = arith.constant 0 : i32
          %dma_start3A_765 = tpu.memref_slice %arg3[%shift_right_arithmetic3A_744, %and3A_746, %dma_start3A_764] : memref<125000x8x64xf32, #tpu.memory_space<hbm>> -> memref<1x1x64xf32, #tpu.memory_space<hbm>>
          %dma_start3A_766 = tpu.memref_squeeze %dma_start3A_765 : memref<1x1x64xf32, #tpu.memory_space<hbm>> -> memref<64xf32, #tpu.memory_space<hbm>>
          tpu.enqueue_dma source(%dma_start3A_766 : memref<64xf32, #tpu.memory_space<hbm>>) target(%dma_start3A_763 : memref<64xf32, #tpu.memory_space<vmem>>) target_semaphore(%dma_start3A_760 : memref<!tpu.dma_semaphore, #tpu.memory_space<semaphore_mem>>)
          %slice3A_767 = vector.extract_strided_slice %get3A_535 {offsets = [9], sizes = [1], strides = [1]} : vector<16xi32> to vector<1xi32>
          %squeeze3A_768 = vector.extract %slice3A_767[0] : i32 from vector<1xi32>
          %shift_right_arithmetic3A_769 = arith.constant 3 : i32
          %shift_right_arithmetic3A_770 = arith.shrsi %squeeze3A_768, %shift_right_arithmetic3A_769 : i32
          %and3A_771 = arith.constant 7 : i32
          %and3A_772 = arith.andi %squeeze3A_768, %and3A_771 : i32
          %mul3A_773 = arith.constant 16 : i32
          %mul3A_774 = arith.muli %scan3A_529, %mul3A_773 : i32
          %add3A_775 = arith.constant 9 : i32
          %add3A_776 = arith.addi %mul3A_774, %add3A_775 : i32
          %dma_start3A_777 = arith.constant 2 : i32
          %dma_start3A_778 = arith.constant 2 : i32
          %dma_start3A_779 = arith.constant 0 : i32
          %dma_start3A_780 = tpu.memref_slice %arg6[%dma_start3A_777, %add3A_776, %dma_start3A_779] : memref<5x128x64xf32, #tpu.memory_space<vmem>> -> memref<1x1x64xf32, #tpu.memory_space<vmem>>
          %dma_start3A_781 = tpu.memref_squeeze %dma_start3A_780 : memref<1x1x64xf32, #tpu.memory_space<vmem>> -> memref<64xf32, #tpu.memory_space<vmem>>
          %dma_start3A_782 = arith.constant 0 : i32
          %dma_start3A_783 = tpu.memref_slice %arg3[%shift_right_arithmetic3A_770, %and3A_772, %dma_start3A_782] : memref<125000x8x64xf32, #tpu.memory_space<hbm>> -> memref<1x1x64xf32, #tpu.memory_space<hbm>>
          %dma_start3A_784 = tpu.memref_squeeze %dma_start3A_783 : memref<1x1x64xf32, #tpu.memory_space<hbm>> -> memref<64xf32, #tpu.memory_space<hbm>>
          %dma_start3A_785 = tpu.memref_slice %arg8[%dma_start3A_778] : memref<5x!tpu.dma_semaphore, #tpu.memory_space<semaphore_mem>> -> memref<1x!tpu.dma_semaphore, #tpu.memory_space<semaphore_mem>>
          %dma_start3A_786 = tpu.memref_squeeze %dma_start3A_785 : memref<1x!tpu.dma_semaphore, #tpu.memory_space<semaphore_mem>> -> memref<!tpu.dma_semaphore, #tpu.memory_space<semaphore_mem>>
          %dma_start3A_787 = arith.constant 0 : i32
          %dma_start3A_788 = tpu.memref_slice %arg6[%dma_start3A_777, %add3A_776, %dma_start3A_787] : memref<5x128x64xf32, #tpu.memory_space<vmem>> -> memref<1x1x64xf32, #tpu.memory_space<vmem>>
          %dma_start3A_789 = tpu.memref_squeeze %dma_start3A_788 : memref<1x1x64xf32, #tpu.memory_space<vmem>> -> memref<64xf32, #tpu.memory_space<vmem>>
          %dma_start3A_790 = arith.constant 0 : i32
          %dma_start3A_791 = tpu.memref_slice %arg3[%shift_right_arithmetic3A_770, %and3A_772, %dma_start3A_790] : memref<125000x8x64xf32, #tpu.memory_space<hbm>> -> memref<1x1x64xf32, #tpu.memory_space<hbm>>
          %dma_start3A_792 = tpu.memref_squeeze %dma_start3A_791 : memref<1x1x64xf32, #tpu.memory_space<hbm>> -> memref<64xf32, #tpu.memory_space<hbm>>
          tpu.enqueue_dma source(%dma_start3A_792 : memref<64xf32, #tpu.memory_space<hbm>>) target(%dma_start3A_789 : memref<64xf32, #tpu.memory_space<vmem>>) target_semaphore(%dma_start3A_786 : memref<!tpu.dma_semaphore, #tpu.memory_space<semaphore_mem>>)
          %slice3A_793 = vector.extract_strided_slice %get3A_535 {offsets = [10], sizes = [1], strides = [1]} : vector<16xi32> to vector<1xi32>
          %squeeze3A_794 = vector.extract %slice3A_793[0] : i32 from vector<1xi32>
          %shift_right_arithmetic3A_795 = arith.constant 3 : i32
          %shift_right_arithmetic3A_796 = arith.shrsi %squeeze3A_794, %shift_right_arithmetic3A_795 : i32
          %and3A_797 = arith.constant 7 : i32
          %and3A_798 = arith.andi %squeeze3A_794, %and3A_797 : i32
          %mul3A_799 = arith.constant 16 : i32
          %mul3A_800 = arith.muli %scan3A_529, %mul3A_799 : i32
          %add3A_801 = arith.constant 10 : i32
          %add3A_802 = arith.addi %mul3A_800, %add3A_801 : i32
          %dma_start3A_803 = arith.constant 2 : i32
          %dma_start3A_804 = arith.constant 2 : i32
          %dma_start3A_805 = arith.constant 0 : i32
          %dma_start3A_806 = tpu.memref_slice %arg6[%dma_start3A_803, %add3A_802, %dma_start3A_805] : memref<5x128x64xf32, #tpu.memory_space<vmem>> -> memref<1x1x64xf32, #tpu.memory_space<vmem>>
          %dma_start3A_807 = tpu.memref_squeeze %dma_start3A_806 : memref<1x1x64xf32, #tpu.memory_space<vmem>> -> memref<64xf32, #tpu.memory_space<vmem>>
          %dma_start3A_808 = arith.constant 0 : i32
          %dma_start3A_809 = tpu.memref_slice %arg3[%shift_right_arithmetic3A_796, %and3A_798, %dma_start3A_808] : memref<125000x8x64xf32, #tpu.memory_space<hbm>> -> memref<1x1x64xf32, #tpu.memory_space<hbm>>
          %dma_start3A_810 = tpu.memref_squeeze %dma_start3A_809 : memref<1x1x64xf32, #tpu.memory_space<hbm>> -> memref<64xf32, #tpu.memory_space<hbm>>
          %dma_start3A_811 = tpu.memref_slice %arg8[%dma_start3A_804] : memref<5x!tpu.dma_semaphore, #tpu.memory_space<semaphore_mem>> -> memref<1x!tpu.dma_semaphore, #tpu.memory_space<semaphore_mem>>
          %dma_start3A_812 = tpu.memref_squeeze %dma_start3A_811 : memref<1x!tpu.dma_semaphore, #tpu.memory_space<semaphore_mem>> -> memref<!tpu.dma_semaphore, #tpu.memory_space<semaphore_mem>>
          %dma_start3A_813 = arith.constant 0 : i32
          %dma_start3A_814 = tpu.memref_slice %arg6[%dma_start3A_803, %add3A_802, %dma_start3A_813] : memref<5x128x64xf32, #tpu.memory_space<vmem>> -> memref<1x1x64xf32, #tpu.memory_space<vmem>>
          %dma_start3A_815 = tpu.memref_squeeze %dma_start3A_814 : memref<1x1x64xf32, #tpu.memory_space<vmem>> -> memref<64xf32, #tpu.memory_space<vmem>>
          %dma_start3A_816 = arith.constant 0 : i32
          %dma_start3A_817 = tpu.memref_slice %arg3[%shift_right_arithmetic3A_796, %and3A_798, %dma_start3A_816] : memref<125000x8x64xf32, #tpu.memory_space<hbm>> -> memref<1x1x64xf32, #tpu.memory_space<hbm>>
          %dma_start3A_818 = tpu.memref_squeeze %dma_start3A_817 : memref<1x1x64xf32, #tpu.memory_space<hbm>> -> memref<64xf32, #tpu.memory_space<hbm>>
          tpu.enqueue_dma source(%dma_start3A_818 : memref<64xf32, #tpu.memory_space<hbm>>) target(%dma_start3A_815 : memref<64xf32, #tpu.memory_space<vmem>>) target_semaphore(%dma_start3A_812 : memref<!tpu.dma_semaphore, #tpu.memory_space<semaphore_mem>>)
          %slice3A_819 = vector.extract_strided_slice %get3A_535 {offsets = [11], sizes = [1], strides = [1]} : vector<16xi32> to vector<1xi32>
          %squeeze3A_820 = vector.extract %slice3A_819[0] : i32 from vector<1xi32>
          %shift_right_arithmetic3A_821 = arith.constant 3 : i32
          %shift_right_arithmetic3A_822 = arith.shrsi %squeeze3A_820, %shift_right_arithmetic3A_821 : i32
          %and3A_823 = arith.constant 7 : i32
          %and3A_824 = arith.andi %squeeze3A_820, %and3A_823 : i32
          %mul3A_825 = arith.constant 16 : i32
          %mul3A_826 = arith.muli %scan3A_529, %mul3A_825 : i32
          %add3A_827 = arith.constant 11 : i32
          %add3A_828 = arith.addi %mul3A_826, %add3A_827 : i32
          %dma_start3A_829 = arith.constant 2 : i32
          %dma_start3A_830 = arith.constant 2 : i32
          %dma_start3A_831 = arith.constant 0 : i32
          %dma_start3A_832 = tpu.memref_slice %arg6[%dma_start3A_829, %add3A_828, %dma_start3A_831] : memref<5x128x64xf32, #tpu.memory_space<vmem>> -> memref<1x1x64xf32, #tpu.memory_space<vmem>>
          %dma_start3A_833 = tpu.memref_squeeze %dma_start3A_832 : memref<1x1x64xf32, #tpu.memory_space<vmem>> -> memref<64xf32, #tpu.memory_space<vmem>>
          %dma_start3A_834 = arith.constant 0 : i32
          %dma_start3A_835 = tpu.memref_slice %arg3[%shift_right_arithmetic3A_822, %and3A_824, %dma_start3A_834] : memref<125000x8x64xf32, #tpu.memory_space<hbm>> -> memref<1x1x64xf32, #tpu.memory_space<hbm>>
          %dma_start3A_836 = tpu.memref_squeeze %dma_start3A_835 : memref<1x1x64xf32, #tpu.memory_space<hbm>> -> memref<64xf32, #tpu.memory_space<hbm>>
          %dma_start3A_837 = tpu.memref_slice %arg8[%dma_start3A_830] : memref<5x!tpu.dma_semaphore, #tpu.memory_space<semaphore_mem>> -> memref<1x!tpu.dma_semaphore, #tpu.memory_space<semaphore_mem>>
          %dma_start3A_838 = tpu.memref_squeeze %dma_start3A_837 : memref<1x!tpu.dma_semaphore, #tpu.memory_space<semaphore_mem>> -> memref<!tpu.dma_semaphore, #tpu.memory_space<semaphore_mem>>
          %dma_start3A_839 = arith.constant 0 : i32
          %dma_start3A_840 = tpu.memref_slice %arg6[%dma_start3A_829, %add3A_828, %dma_start3A_839] : memref<5x128x64xf32, #tpu.memory_space<vmem>> -> memref<1x1x64xf32, #tpu.memory_space<vmem>>
          %dma_start3A_841 = tpu.memref_squeeze %dma_start3A_840 : memref<1x1x64xf32, #tpu.memory_space<vmem>> -> memref<64xf32, #tpu.memory_space<vmem>>
          %dma_start3A_842 = arith.constant 0 : i32
          %dma_start3A_843 = tpu.memref_slice %arg3[%shift_right_arithmetic3A_822, %and3A_824, %dma_start3A_842] : memref<125000x8x64xf32, #tpu.memory_space<hbm>> -> memref<1x1x64xf32, #tpu.memory_space<hbm>>
          %dma_start3A_844 = tpu.memref_squeeze %dma_start3A_843 : memref<1x1x64xf32, #tpu.memory_space<hbm>> -> memref<64xf32, #tpu.memory_space<hbm>>
          tpu.enqueue_dma source(%dma_start3A_844 : memref<64xf32, #tpu.memory_space<hbm>>) target(%dma_start3A_841 : memref<64xf32, #tpu.memory_space<vmem>>) target_semaphore(%dma_start3A_838 : memref<!tpu.dma_semaphore, #tpu.memory_space<semaphore_mem>>)
          %slice3A_845 = vector.extract_strided_slice %get3A_535 {offsets = [12], sizes = [1], strides = [1]} : vector<16xi32> to vector<1xi32>
          %squeeze3A_846 = vector.extract %slice3A_845[0] : i32 from vector<1xi32>
          %shift_right_arithmetic3A_847 = arith.constant 3 : i32
          %shift_right_arithmetic3A_848 = arith.shrsi %squeeze3A_846, %shift_right_arithmetic3A_847 : i32
          %and3A_849 = arith.constant 7 : i32
          %and3A_850 = arith.andi %squeeze3A_846, %and3A_849 : i32
          %mul3A_851 = arith.constant 16 : i32
          %mul3A_852 = arith.muli %scan3A_529, %mul3A_851 : i32
          %add3A_853 = arith.constant 12 : i32
          %add3A_854 = arith.addi %mul3A_852, %add3A_853 : i32
          %dma_start3A_855 = arith.constant 2 : i32
          %dma_start3A_856 = arith.constant 2 : i32
          %dma_start3A_857 = arith.constant 0 : i32
          %dma_start3A_858 = tpu.memref_slice %arg6[%dma_start3A_855, %add3A_854, %dma_start3A_857] : memref<5x128x64xf32, #tpu.memory_space<vmem>> -> memref<1x1x64xf32, #tpu.memory_space<vmem>>
          %dma_start3A_859 = tpu.memref_squeeze %dma_start3A_858 : memref<1x1x64xf32, #tpu.memory_space<vmem>> -> memref<64xf32, #tpu.memory_space<vmem>>
          %dma_start3A_860 = arith.constant 0 : i32
          %dma_start3A_861 = tpu.memref_slice %arg3[%shift_right_arithmetic3A_848, %and3A_850, %dma_start3A_860] : memref<125000x8x64xf32, #tpu.memory_space<hbm>> -> memref<1x1x64xf32, #tpu.memory_space<hbm>>
          %dma_start3A_862 = tpu.memref_squeeze %dma_start3A_861 : memref<1x1x64xf32, #tpu.memory_space<hbm>> -> memref<64xf32, #tpu.memory_space<hbm>>
          %dma_start3A_863 = tpu.memref_slice %arg8[%dma_start3A_856] : memref<5x!tpu.dma_semaphore, #tpu.memory_space<semaphore_mem>> -> memref<1x!tpu.dma_semaphore, #tpu.memory_space<semaphore_mem>>
          %dma_start3A_864 = tpu.memref_squeeze %dma_start3A_863 : memref<1x!tpu.dma_semaphore, #tpu.memory_space<semaphore_mem>> -> memref<!tpu.dma_semaphore, #tpu.memory_space<semaphore_mem>>
          %dma_start3A_865 = arith.constant 0 : i32
          %dma_start3A_866 = tpu.memref_slice %arg6[%dma_start3A_855, %add3A_854, %dma_start3A_865] : memref<5x128x64xf32, #tpu.memory_space<vmem>> -> memref<1x1x64xf32, #tpu.memory_space<vmem>>
          %dma_start3A_867 = tpu.memref_squeeze %dma_start3A_866 : memref<1x1x64xf32, #tpu.memory_space<vmem>> -> memref<64xf32, #tpu.memory_space<vmem>>
          %dma_start3A_868 = arith.constant 0 : i32
          %dma_start3A_869 = tpu.memref_slice %arg3[%shift_right_arithmetic3A_848, %and3A_850, %dma_start3A_868] : memref<125000x8x64xf32, #tpu.memory_space<hbm>> -> memref<1x1x64xf32, #tpu.memory_space<hbm>>
          %dma_start3A_870 = tpu.memref_squeeze %dma_start3A_869 : memref<1x1x64xf32, #tpu.memory_space<hbm>> -> memref<64xf32, #tpu.memory_space<hbm>>
          tpu.enqueue_dma source(%dma_start3A_870 : memref<64xf32, #tpu.memory_space<hbm>>) target(%dma_start3A_867 : memref<64xf32, #tpu.memory_space<vmem>>) target_semaphore(%dma_start3A_864 : memref<!tpu.dma_semaphore, #tpu.memory_space<semaphore_mem>>)
          %slice3A_871 = vector.extract_strided_slice %get3A_535 {offsets = [13], sizes = [1], strides = [1]} : vector<16xi32> to vector<1xi32>
          %squeeze3A_872 = vector.extract %slice3A_871[0] : i32 from vector<1xi32>
          %shift_right_arithmetic3A_873 = arith.constant 3 : i32
          %shift_right_arithmetic3A_874 = arith.shrsi %squeeze3A_872, %shift_right_arithmetic3A_873 : i32
          %and3A_875 = arith.constant 7 : i32
          %and3A_876 = arith.andi %squeeze3A_872, %and3A_875 : i32
          %mul3A_877 = arith.constant 16 : i32
          %mul3A_878 = arith.muli %scan3A_529, %mul3A_877 : i32
          %add3A_879 = arith.constant 13 : i32
          %add3A_880 = arith.addi %mul3A_878, %add3A_879 : i32
          %dma_start3A_881 = arith.constant 2 : i32
          %dma_start3A_882 = arith.constant 2 : i32
          %dma_start3A_883 = arith.constant 0 : i32
          %dma_start3A_884 = tpu.memref_slice %arg6[%dma_start3A_881, %add3A_880, %dma_start3A_883] : memref<5x128x64xf32, #tpu.memory_space<vmem>> -> memref<1x1x64xf32, #tpu.memory_space<vmem>>
          %dma_start3A_885 = tpu.memref_squeeze %dma_start3A_884 : memref<1x1x64xf32, #tpu.memory_space<vmem>> -> memref<64xf32, #tpu.memory_space<vmem>>
          %dma_start3A_886 = arith.constant 0 : i32
          %dma_start3A_887 = tpu.memref_slice %arg3[%shift_right_arithmetic3A_874, %and3A_876, %dma_start3A_886] : memref<125000x8x64xf32, #tpu.memory_space<hbm>> -> memref<1x1x64xf32, #tpu.memory_space<hbm>>
          %dma_start3A_888 = tpu.memref_squeeze %dma_start3A_887 : memref<1x1x64xf32, #tpu.memory_space<hbm>> -> memref<64xf32, #tpu.memory_space<hbm>>
          %dma_start3A_889 = tpu.memref_slice %arg8[%dma_start3A_882] : memref<5x!tpu.dma_semaphore, #tpu.memory_space<semaphore_mem>> -> memref<1x!tpu.dma_semaphore, #tpu.memory_space<semaphore_mem>>
          %dma_start3A_890 = tpu.memref_squeeze %dma_start3A_889 : memref<1x!tpu.dma_semaphore, #tpu.memory_space<semaphore_mem>> -> memref<!tpu.dma_semaphore, #tpu.memory_space<semaphore_mem>>
          %dma_start3A_891 = arith.constant 0 : i32
          %dma_start3A_892 = tpu.memref_slice %arg6[%dma_start3A_881, %add3A_880, %dma_start3A_891] : memref<5x128x64xf32, #tpu.memory_space<vmem>> -> memref<1x1x64xf32, #tpu.memory_space<vmem>>
          %dma_start3A_893 = tpu.memref_squeeze %dma_start3A_892 : memref<1x1x64xf32, #tpu.memory_space<vmem>> -> memref<64xf32, #tpu.memory_space<vmem>>
          %dma_start3A_894 = arith.constant 0 : i32
          %dma_start3A_895 = tpu.memref_slice %arg3[%shift_right_arithmetic3A_874, %and3A_876, %dma_start3A_894] : memref<125000x8x64xf32, #tpu.memory_space<hbm>> -> memref<1x1x64xf32, #tpu.memory_space<hbm>>
          %dma_start3A_896 = tpu.memref_squeeze %dma_start3A_895 : memref<1x1x64xf32, #tpu.memory_space<hbm>> -> memref<64xf32, #tpu.memory_space<hbm>>
          tpu.enqueue_dma source(%dma_start3A_896 : memref<64xf32, #tpu.memory_space<hbm>>) target(%dma_start3A_893 : memref<64xf32, #tpu.memory_space<vmem>>) target_semaphore(%dma_start3A_890 : memref<!tpu.dma_semaphore, #tpu.memory_space<semaphore_mem>>)
          %slice3A_897 = vector.extract_strided_slice %get3A_535 {offsets = [14], sizes = [1], strides = [1]} : vector<16xi32> to vector<1xi32>
          %squeeze3A_898 = vector.extract %slice3A_897[0] : i32 from vector<1xi32>
          %shift_right_arithmetic3A_899 = arith.constant 3 : i32
          %shift_right_arithmetic3A_900 = arith.shrsi %squeeze3A_898, %shift_right_arithmetic3A_899 : i32
          %and3A_901 = arith.constant 7 : i32
          %and3A_902 = arith.andi %squeeze3A_898, %and3A_901 : i32
          %mul3A_903 = arith.constant 16 : i32
          %mul3A_904 = arith.muli %scan3A_529, %mul3A_903 : i32
          %add3A_905 = arith.constant 14 : i32
          %add3A_906 = arith.addi %mul3A_904, %add3A_905 : i32
          %dma_start3A_907 = arith.constant 2 : i32
          %dma_start3A_908 = arith.constant 2 : i32
          %dma_start3A_909 = arith.constant 0 : i32
          %dma_start3A_910 = tpu.memref_slice %arg6[%dma_start3A_907, %add3A_906, %dma_start3A_909] : memref<5x128x64xf32, #tpu.memory_space<vmem>> -> memref<1x1x64xf32, #tpu.memory_space<vmem>>
          %dma_start3A_911 = tpu.memref_squeeze %dma_start3A_910 : memref<1x1x64xf32, #tpu.memory_space<vmem>> -> memref<64xf32, #tpu.memory_space<vmem>>
          %dma_start3A_912 = arith.constant 0 : i32
          %dma_start3A_913 = tpu.memref_slice %arg3[%shift_right_arithmetic3A_900, %and3A_902, %dma_start3A_912] : memref<125000x8x64xf32, #tpu.memory_space<hbm>> -> memref<1x1x64xf32, #tpu.memory_space<hbm>>
          %dma_start3A_914 = tpu.memref_squeeze %dma_start3A_913 : memref<1x1x64xf32, #tpu.memory_space<hbm>> -> memref<64xf32, #tpu.memory_space<hbm>>
          %dma_start3A_915 = tpu.memref_slice %arg8[%dma_start3A_908] : memref<5x!tpu.dma_semaphore, #tpu.memory_space<semaphore_mem>> -> memref<1x!tpu.dma_semaphore, #tpu.memory_space<semaphore_mem>>
          %dma_start3A_916 = tpu.memref_squeeze %dma_start3A_915 : memref<1x!tpu.dma_semaphore, #tpu.memory_space<semaphore_mem>> -> memref<!tpu.dma_semaphore, #tpu.memory_space<semaphore_mem>>
          %dma_start3A_917 = arith.constant 0 : i32
          %dma_start3A_918 = tpu.memref_slice %arg6[%dma_start3A_907, %add3A_906, %dma_start3A_917] : memref<5x128x64xf32, #tpu.memory_space<vmem>> -> memref<1x1x64xf32, #tpu.memory_space<vmem>>
          %dma_start3A_919 = tpu.memref_squeeze %dma_start3A_918 : memref<1x1x64xf32, #tpu.memory_space<vmem>> -> memref<64xf32, #tpu.memory_space<vmem>>
          %dma_start3A_920 = arith.constant 0 : i32
          %dma_start3A_921 = tpu.memref_slice %arg3[%shift_right_arithmetic3A_900, %and3A_902, %dma_start3A_920] : memref<125000x8x64xf32, #tpu.memory_space<hbm>> -> memref<1x1x64xf32, #tpu.memory_space<hbm>>
          %dma_start3A_922 = tpu.memref_squeeze %dma_start3A_921 : memref<1x1x64xf32, #tpu.memory_space<hbm>> -> memref<64xf32, #tpu.memory_space<hbm>>
          tpu.enqueue_dma source(%dma_start3A_922 : memref<64xf32, #tpu.memory_space<hbm>>) target(%dma_start3A_919 : memref<64xf32, #tpu.memory_space<vmem>>) target_semaphore(%dma_start3A_916 : memref<!tpu.dma_semaphore, #tpu.memory_space<semaphore_mem>>)
          %slice3A_923 = vector.extract_strided_slice %get3A_535 {offsets = [15], sizes = [1], strides = [1]} : vector<16xi32> to vector<1xi32>
          %squeeze3A_924 = vector.extract %slice3A_923[0] : i32 from vector<1xi32>
          %shift_right_arithmetic3A_925 = arith.constant 3 : i32
          %shift_right_arithmetic3A_926 = arith.shrsi %squeeze3A_924, %shift_right_arithmetic3A_925 : i32
          %and3A_927 = arith.constant 7 : i32
          %and3A_928 = arith.andi %squeeze3A_924, %and3A_927 : i32
          %mul3A_929 = arith.constant 16 : i32
          %mul3A_930 = arith.muli %scan3A_529, %mul3A_929 : i32
          %add3A_931 = arith.constant 15 : i32
          %add3A_932 = arith.addi %mul3A_930, %add3A_931 : i32
          %dma_start3A_933 = arith.constant 2 : i32
          %dma_start3A_934 = arith.constant 2 : i32
          %dma_start3A_935 = arith.constant 0 : i32
          %dma_start3A_936 = tpu.memref_slice %arg6[%dma_start3A_933, %add3A_932, %dma_start3A_935] : memref<5x128x64xf32, #tpu.memory_space<vmem>> -> memref<1x1x64xf32, #tpu.memory_space<vmem>>
          %dma_start3A_937 = tpu.memref_squeeze %dma_start3A_936 : memref<1x1x64xf32, #tpu.memory_space<vmem>> -> memref<64xf32, #tpu.memory_space<vmem>>
          %dma_start3A_938 = arith.constant 0 : i32
          %dma_start3A_939 = tpu.memref_slice %arg3[%shift_right_arithmetic3A_926, %and3A_928, %dma_start3A_938] : memref<125000x8x64xf32, #tpu.memory_space<hbm>> -> memref<1x1x64xf32, #tpu.memory_space<hbm>>
          %dma_start3A_940 = tpu.memref_squeeze %dma_start3A_939 : memref<1x1x64xf32, #tpu.memory_space<hbm>> -> memref<64xf32, #tpu.memory_space<hbm>>
          %dma_start3A_941 = tpu.memref_slice %arg8[%dma_start3A_934] : memref<5x!tpu.dma_semaphore, #tpu.memory_space<semaphore_mem>> -> memref<1x!tpu.dma_semaphore, #tpu.memory_space<semaphore_mem>>
          %dma_start3A_942 = tpu.memref_squeeze %dma_start3A_941 : memref<1x!tpu.dma_semaphore, #tpu.memory_space<semaphore_mem>> -> memref<!tpu.dma_semaphore, #tpu.memory_space<semaphore_mem>>
          %dma_start3A_943 = arith.constant 0 : i32
          %dma_start3A_944 = tpu.memref_slice %arg6[%dma_start3A_933, %add3A_932, %dma_start3A_943] : memref<5x128x64xf32, #tpu.memory_space<vmem>> -> memref<1x1x64xf32, #tpu.memory_space<vmem>>
          %dma_start3A_945 = tpu.memref_squeeze %dma_start3A_944 : memref<1x1x64xf32, #tpu.memory_space<vmem>> -> memref<64xf32, #tpu.memory_space<vmem>>
          %dma_start3A_946 = arith.constant 0 : i32
          %dma_start3A_947 = tpu.memref_slice %arg3[%shift_right_arithmetic3A_926, %and3A_928, %dma_start3A_946] : memref<125000x8x64xf32, #tpu.memory_space<hbm>> -> memref<1x1x64xf32, #tpu.memory_space<hbm>>
          %dma_start3A_948 = tpu.memref_squeeze %dma_start3A_947 : memref<1x1x64xf32, #tpu.memory_space<hbm>> -> memref<64xf32, #tpu.memory_space<hbm>>
          tpu.enqueue_dma source(%dma_start3A_948 : memref<64xf32, #tpu.memory_space<hbm>>) target(%dma_start3A_945 : memref<64xf32, #tpu.memory_space<vmem>>) target_semaphore(%dma_start3A_942 : memref<!tpu.dma_semaphore, #tpu.memory_space<semaphore_mem>>)
        }
        %scan3A_528 = arith.constant 8 : i32
      } else {
      }
      %dma_wait3A_251 = arith.constant 1 : i32
      %dma_wait3A_252 = arith.constant 1 : i32
      %dma_wait3A_253 = arith.constant 0 : i32
      %dma_wait3A_254 = arith.constant 0 : i32
      %dma_wait3A_255 = tpu.memref_slice %arg6[%dma_wait3A_251, %dma_wait3A_253, %dma_wait3A_254] : memref<5x128x64xf32, #tpu.memory_space<vmem>> -> memref<1x128x64xf32, #tpu.memory_space<vmem>>
      %dma_wait3A_256 = tpu.memref_squeeze %dma_wait3A_255 : memref<1x128x64xf32, #tpu.memory_space<vmem>> -> memref<128x64xf32, #tpu.memory_space<vmem>>
      %dma_wait3A_257 = arith.constant 0 : i32
      %dma_wait3A_258 = arith.constant 0 : i32
      %dma_wait3A_259 = tpu.memref_slice %arg4[%dma_wait3A_257, %dma_wait3A_258] : memref<204800x64xf32, #tpu.memory_space<hbm>> -> memref<128x64xf32, #tpu.memory_space<hbm>>
      %dma_wait3A_260 = tpu.memref_slice %arg8[%dma_wait3A_252] : memref<5x!tpu.dma_semaphore, #tpu.memory_space<semaphore_mem>> -> memref<1x!tpu.dma_semaphore, #tpu.memory_space<semaphore_mem>>
      %dma_wait3A_261 = tpu.memref_squeeze %dma_wait3A_260 : memref<1x!tpu.dma_semaphore, #tpu.memory_space<semaphore_mem>> -> memref<!tpu.dma_semaphore, #tpu.memory_space<semaphore_mem>>
      %dma_wait3A_262 = arith.constant 0 : i32
      %dma_wait3A_263 = arith.constant 0 : i32
      %dma_wait3A_264 = tpu.memref_slice %arg6[%dma_wait3A_251, %dma_wait3A_262, %dma_wait3A_263] : memref<5x128x64xf32, #tpu.memory_space<vmem>> -> memref<1x128x64xf32, #tpu.memory_space<vmem>>
      %dma_wait3A_265 = tpu.memref_squeeze %dma_wait3A_264 : memref<1x128x64xf32, #tpu.memory_space<vmem>> -> memref<128x64xf32, #tpu.memory_space<vmem>>
      %dma_wait3A_266 = arith.constant 0 : i32
      %dma_wait3A_267 = arith.constant 0 : i32
      %dma_wait3A_268 = tpu.memref_slice %arg4[%dma_wait3A_266, %dma_wait3A_267] : memref<204800x64xf32, #tpu.memory_space<hbm>> -> memref<128x64xf32, #tpu.memory_space<hbm>>
      tpu.wait_dma2 semaphore(%dma_wait3A_261 : memref<!tpu.dma_semaphore, #tpu.memory_space<semaphore_mem>>) src(%dma_wait3A_268 : memref<128x64xf32, #tpu.memory_space<hbm>>) dst(%dma_wait3A_265 : memref<128x64xf32, #tpu.memory_space<vmem>>)
      %scan3A_269 = arith.constant 0 : i32
      %scan3A_270 = arith.constant 0 : i32
      %scan3A_271 = arith.constant 128 : i32
      %scan3A_272 = arith.addi %scan3A_270, %scan3A_271 : i32
      %scan3A_273 = arith.constant 1 : i32
      scf.for %scan3A_509 = %scan3A_270 to %scan3A_272 step %scan3A_273  : i32 {
        %get3A = arith.constant 1 : i32
        %get3A_510 = arith.index_cast %get3A : i32 to index
        %get3A_511 = arith.index_cast %scan3A_509 : i32 to index
        %get3A_512 = arith.constant 0 : index
        %get3A_513 = tpu.vector_load %arg6[%get3A_510, %get3A_511, %get3A_512] {strides = array<i32>} : memref<5x128x64xf32, #tpu.memory_space<vmem>>, vector<1x1x16xf32>,
        %get3A_514 = vector.shape_cast %get3A_513 : vector<1x1x16xf32> to vector<16xf32>
        %mul3A_515 = arith.constant 8.000000e+00 : f32
        %mul3A_516 = vector.broadcast %mul3A_515 : f32 to vector<16xf32>
        %mul3A_517 = arith.mulf %get3A_514, %mul3A_516 : vector<16xf32>
        %swap3A = arith.constant 1 : i32
        %swap3A_518 = arith.index_cast %swap3A : i32 to index
        %swap3A_519 = arith.index_cast %scan3A_509 : i32 to index
        %swap3A_520 = arith.constant 0 : index
        %swap3A_521 = tpu.vector_load %arg6[%swap3A_518, %swap3A_519, %swap3A_520] {strides = array<i32>} : memref<5x128x64xf32, #tpu.memory_space<vmem>>, vector<1x1x16xf32>,
        %swap3A_522 = vector.shape_cast %swap3A_521 : vector<1x1x16xf32> to vector<16xf32>
        %swap3A_523 = vector.shape_cast %mul3A_517 : vector<16xf32> to vector<1x1x16xf32>
        tpu.vector_store %arg6[%swap3A_518, %swap3A_519, %swap3A_520], %swap3A_523 {strides = array<i32>} : memref<5x128x64xf32, #tpu.memory_space<vmem>>, vector<1x1x16xf32>,
        %get3A_524 = arith.constant 1 : i32
        %get3A_525 = arith.index_cast %get3A_524 : i32 to index
        %get3A_526 = arith.index_cast %scan3A_509 : i32 to index
        %get3A_527 = arith.constant 16 : index
        %get3A_528 = tpu.vector_load %arg6[%get3A_525, %get3A_526, %get3A_527] {strides = array<i32>} : memref<5x128x64xf32, #tpu.memory_space<vmem>>, vector<1x1x16xf32>,
        %get3A_529 = vector.shape_cast %get3A_528 : vector<1x1x16xf32> to vector<16xf32>
        %mul3A_530 = arith.constant 8.000000e+00 : f32
        %mul3A_531 = vector.broadcast %mul3A_530 : f32 to vector<16xf32>
        %mul3A_532 = arith.mulf %get3A_529, %mul3A_531 : vector<16xf32>
        %swap3A_533 = arith.constant 1 : i32
        %swap3A_534 = arith.index_cast %swap3A_533 : i32 to index
        %swap3A_535 = arith.index_cast %scan3A_509 : i32 to index
        %swap3A_536 = arith.constant 16 : index
        %swap3A_537 = tpu.vector_load %arg6[%swap3A_534, %swap3A_535, %swap3A_536] {strides = array<i32>} : memref<5x128x64xf32, #tpu.memory_space<vmem>>, vector<1x1x16xf32>,
        %swap3A_538 = vector.shape_cast %swap3A_537 : vector<1x1x16xf32> to vector<16xf32>
        %swap3A_539 = vector.shape_cast %mul3A_532 : vector<16xf32> to vector<1x1x16xf32>
        tpu.vector_store %arg6[%swap3A_534, %swap3A_535, %swap3A_536], %swap3A_539 {strides = array<i32>} : memref<5x128x64xf32, #tpu.memory_space<vmem>>, vector<1x1x16xf32>,
        %get3A_540 = arith.constant 1 : i32
        %get3A_541 = arith.index_cast %get3A_540 : i32 to index
        %get3A_542 = arith.index_cast %scan3A_509 : i32 to index
        %get3A_543 = arith.constant 32 : index
        %get3A_544 = tpu.vector_load %arg6[%get3A_541, %get3A_542, %get3A_543] {strides = array<i32>} : memref<5x128x64xf32, #tpu.memory_space<vmem>>, vector<1x1x16xf32>,
        %get3A_545 = vector.shape_cast %get3A_544 : vector<1x1x16xf32> to vector<16xf32>
        %mul3A_546 = arith.constant 8.000000e+00 : f32
        %mul3A_547 = vector.broadcast %mul3A_546 : f32 to vector<16xf32>
        %mul3A_548 = arith.mulf %get3A_545, %mul3A_547 : vector<16xf32>
        %swap3A_549 = arith.constant 1 : i32
        %swap3A_550 = arith.index_cast %swap3A_549 : i32 to index
        %swap3A_551 = arith.index_cast %scan3A_509 : i32 to index
        %swap3A_552 = arith.constant 32 : index
        %swap3A_553 = tpu.vector_load %arg6[%swap3A_550, %swap3A_551, %swap3A_552] {strides = array<i32>} : memref<5x128x64xf32, #tpu.memory_space<vmem>>, vector<1x1x16xf32>,
        %swap3A_554 = vector.shape_cast %swap3A_553 : vector<1x1x16xf32> to vector<16xf32>
        %swap3A_555 = vector.shape_cast %mul3A_548 : vector<16xf32> to vector<1x1x16xf32>
        tpu.vector_store %arg6[%swap3A_550, %swap3A_551, %swap3A_552], %swap3A_555 {strides = array<i32>} : memref<5x128x64xf32, #tpu.memory_space<vmem>>, vector<1x1x16xf32>,
        %get3A_556 = arith.constant 1 : i32
        %get3A_557 = arith.index_cast %get3A_556 : i32 to index
        %get3A_558 = arith.index_cast %scan3A_509 : i32 to index
        %get3A_559 = arith.constant 48 : index
        %get3A_560 = tpu.vector_load %arg6[%get3A_557, %get3A_558, %get3A_559] {strides = array<i32>} : memref<5x128x64xf32, #tpu.memory_space<vmem>>, vector<1x1x16xf32>,
        %get3A_561 = vector.shape_cast %get3A_560 : vector<1x1x16xf32> to vector<16xf32>
        %mul3A_562 = arith.constant 8.000000e+00 : f32
        %mul3A_563 = vector.broadcast %mul3A_562 : f32 to vector<16xf32>
        %mul3A_564 = arith.mulf %get3A_561, %mul3A_563 : vector<16xf32>
        %swap3A_565 = arith.constant 1 : i32
        %swap3A_566 = arith.index_cast %swap3A_565 : i32 to index
        %swap3A_567 = arith.index_cast %scan3A_509 : i32 to index
        %swap3A_568 = arith.constant 48 : index
        %swap3A_569 = tpu.vector_load %arg6[%swap3A_566, %swap3A_567, %swap3A_568] {strides = array<i32>} : memref<5x128x64xf32, #tpu.memory_space<vmem>>, vector<1x1x16xf32>,
        %swap3A_570 = vector.shape_cast %swap3A_569 : vector<1x1x16xf32> to vector<16xf32>
        %swap3A_571 = vector.shape_cast %mul3A_564 : vector<16xf32> to vector<1x1x16xf32>
        tpu.vector_store %arg6[%swap3A_566, %swap3A_567, %swap3A_568], %swap3A_571 {strides = array<i32>} : memref<5x128x64xf32, #tpu.memory_space<vmem>>, vector<1x1x16xf32>,
      }
      %scan3A_274 = arith.constant 128 : i32
      %mul3A_275 = arith.constant 32 : i32
      %mul3A_276 = arith.muli %add3A_228, %mul3A_275 : i32
      %add3A_277 = arith.addi %mul3A_276, %add3A : i32
      %mul3A_278 = arith.constant 128 : i32
      %mul3A_279 = arith.muli %add3A_277, %mul3A_278 : i32
      %dma_start3A_280 = arith.constant 1 : i32
      %dma_start3A_281 = arith.constant 1 : i32
      %dma_start3A_282 = arith.constant 0 : i32
      %dma_start3A_283 = arith.constant 0 : i32
      %dma_start3A_284 = tpu.memref_slice %arg6[%dma_start3A_280, %dma_start3A_282, %dma_start3A_283] : memref<5x128x64xf32, #tpu.memory_space<vmem>> -> memref<1x128x64xf32, #tpu.memory_space<vmem>>
      %dma_start3A_285 = tpu.memref_squeeze %dma_start3A_284 : memref<1x128x64xf32, #tpu.memory_space<vmem>> -> memref<128x64xf32, #tpu.memory_space<vmem>>
      %dma_start3A_286 = arith.constant 0 : i32
      %dma_start3A_287 = tpu.memref_slice %arg4[%mul3A_279, %dma_start3A_286] : memref<204800x64xf32, #tpu.memory_space<hbm>> -> memref<128x64xf32, #tpu.memory_space<hbm>>
      %dma_start3A_288 = tpu.memref_slice %arg9[%dma_start3A_281] : memref<5x!tpu.dma_semaphore, #tpu.memory_space<semaphore_mem>> -> memref<1x!tpu.dma_semaphore, #tpu.memory_space<semaphore_mem>>
      %dma_start3A_289 = tpu.memref_squeeze %dma_start3A_288 : memref<1x!tpu.dma_semaphore, #tpu.memory_space<semaphore_mem>> -> memref<!tpu.dma_semaphore, #tpu.memory_space<semaphore_mem>>
      %dma_start3A_290 = arith.constant 0 : i32
      %dma_start3A_291 = tpu.memref_slice %arg4[%mul3A_279, %dma_start3A_290] : memref<204800x64xf32, #tpu.memory_space<hbm>> -> memref<128x64xf32, #tpu.memory_space<hbm>>
      %dma_start3A_292 = arith.constant 0 : i32
      %dma_start3A_293 = arith.constant 0 : i32
      %dma_start3A_294 = tpu.memref_slice %arg6[%dma_start3A_280, %dma_start3A_292, %dma_start3A_293] : memref<5x128x64xf32, #tpu.memory_space<vmem>> -> memref<1x128x64xf32, #tpu.memory_space<vmem>>
      %dma_start3A_295 = tpu.memref_squeeze %dma_start3A_294 : memref<1x128x64xf32, #tpu.memory_space<vmem>> -> memref<128x64xf32, #tpu.memory_space<vmem>>
      tpu.enqueue_dma source(%dma_start3A_295 : memref<128x64xf32, #tpu.memory_space<vmem>>) target(%dma_start3A_291 : memref<128x64xf32, #tpu.memory_space<hbm>>) target_semaphore(%dma_start3A_289 : memref<!tpu.dma_semaphore, #tpu.memory_space<semaphore_mem>>)
      %mul3A_296 = arith.constant 5 : i32
      %mul3A_297 = arith.muli %scan3A_158, %mul3A_296 : i32
      %add3A_298 = arith.constant 2 : i32
      %add3A_299 = arith.addi %mul3A_297, %add3A_298 : i32
      %add3A_300 = arith.constant 3 : i32
      %add3A_301 = arith.addi %add3A_299, %add3A_300 : i32
      %add3A_302 = arith.constant 1 : i32
      %add3A_303 = arith.addi %add3A_299, %add3A_302 : i32
      %lt3A_304 = arith.constant 50 : i32
      %lt3A_305 = arith.cmpi slt, %add3A_301, %lt3A_304 : i32
      %convert_element_type3A_306 = arith.extui %lt3A_305 : i1 to i32
      %cond3A_307 = arith.constant 0 : i32
      %cond3A_308 = arith.cmpi ne, %convert_element_type3A_306, %cond3A_307 : i32
      scf.if %cond3A_308 {
        %mul3A_509 = arith.constant 4096 : i32
        %mul3A_510 = arith.muli %add3A_301, %mul3A_509 : i32
        %add3A_511 = arith.addi %mul3A_510, %mul3A_2 : i32
        %dma_start3A_512 = arith.constant 0 : i32
        %dma_start3A_513 = arith.constant 0 : i32
        %dma_start3A_514 = arith.constant 0 : i32
        %dma_start3A_515 = tpu.memref_slice %arg5[%dma_start3A_512, %dma_start3A_514] : memref<5x128xi32, #tpu.memory_space<vmem>> -> memref<1x128xi32, #tpu.memory_space<vmem>>
        %dma_start3A_516 = tpu.memref_squeeze %dma_start3A_515 : memref<1x128xi32, #tpu.memory_space<vmem>> -> memref<128xi32, #tpu.memory_space<vmem>>
        %dma_start3A_517 = tpu.memref_slice %arg2[%add3A_511] : memref<204800xi32, #tpu.memory_space<hbm>> -> memref<128xi32, #tpu.memory_space<hbm>>
        %dma_start3A_518 = tpu.memref_slice %arg7[%dma_start3A_513] : memref<5x!tpu.dma_semaphore, #tpu.memory_space<semaphore_mem>> -> memref<1x!tpu.dma_semaphore, #tpu.memory_space<semaphore_mem>>
        %dma_start3A_519 = tpu.memref_squeeze %dma_start3A_518 : memref<1x!tpu.dma_semaphore, #tpu.memory_space<semaphore_mem>> -> memref<!tpu.dma_semaphore, #tpu.memory_space<semaphore_mem>>
        %dma_start3A_520 = arith.constant 0 : i32
        %dma_start3A_521 = tpu.memref_slice %arg5[%dma_start3A_512, %dma_start3A_520] : memref<5x128xi32, #tpu.memory_space<vmem>> -> memref<1x128xi32, #tpu.memory_space<vmem>>
        %dma_start3A_522 = tpu.memref_squeeze %dma_start3A_521 : memref<1x128xi32, #tpu.memory_space<vmem>> -> memref<128xi32, #tpu.memory_space<vmem>>
        %dma_start3A_523 = tpu.memref_slice %arg2[%add3A_511] : memref<204800xi32, #tpu.memory_space<hbm>> -> memref<128xi32, #tpu.memory_space<hbm>>
        tpu.enqueue_dma source(%dma_start3A_523 : memref<128xi32, #tpu.memory_space<hbm>>) target(%dma_start3A_522 : memref<128xi32, #tpu.memory_space<vmem>>) target_semaphore(%dma_start3A_519 : memref<!tpu.dma_semaphore, #tpu.memory_space<semaphore_mem>>)
      } else {
      }
      %ge3A_309 = arith.constant 5 : i32
      %ge3A_310 = arith.cmpi sge, %add3A_303, %ge3A_309 : i32
      %lt3A_311 = arith.constant 50 : i32
      %lt3A_312 = arith.cmpi slt, %add3A_303, %lt3A_311 : i32
      %and3A_313 = arith.andi %ge3A_310, %lt3A_312 : i1
      %convert_element_type3A_314 = arith.extui %and3A_313 : i1 to i32
      %cond3A_315 = arith.constant 0 : i32
      %cond3A_316 = arith.cmpi ne, %convert_element_type3A_314, %cond3A_315 : i32
      scf.if %cond3A_316 {
        %dma_wait3A_509 = arith.constant 3 : i32
        %dma_wait3A_510 = arith.constant 3 : i32
        %dma_wait3A_511 = arith.constant 0 : i32
        %dma_wait3A_512 = arith.constant 0 : i32
        %dma_wait3A_513 = tpu.memref_slice %arg6[%dma_wait3A_509, %dma_wait3A_511, %dma_wait3A_512] : memref<5x128x64xf32, #tpu.memory_space<vmem>> -> memref<1x128x64xf32, #tpu.memory_space<vmem>>
        %dma_wait3A_514 = tpu.memref_squeeze %dma_wait3A_513 : memref<1x128x64xf32, #tpu.memory_space<vmem>> -> memref<128x64xf32, #tpu.memory_space<vmem>>
        %dma_wait3A_515 = arith.constant 0 : i32
        %dma_wait3A_516 = arith.constant 0 : i32
        %dma_wait3A_517 = tpu.memref_slice %arg4[%dma_wait3A_515, %dma_wait3A_516] : memref<204800x64xf32, #tpu.memory_space<hbm>> -> memref<128x64xf32, #tpu.memory_space<hbm>>
        %dma_wait3A_518 = tpu.memref_slice %arg9[%dma_wait3A_510] : memref<5x!tpu.dma_semaphore, #tpu.memory_space<semaphore_mem>> -> memref<1x!tpu.dma_semaphore, #tpu.memory_space<semaphore_mem>>
        %dma_wait3A_519 = tpu.memref_squeeze %dma_wait3A_518 : memref<1x!tpu.dma_semaphore, #tpu.memory_space<semaphore_mem>> -> memref<!tpu.dma_semaphore, #tpu.memory_space<semaphore_mem>>
        %dma_wait3A_520 = arith.constant 0 : i32
        %dma_wait3A_521 = arith.constant 0 : i32
        %dma_wait3A_522 = tpu.memref_slice %arg4[%dma_wait3A_520, %dma_wait3A_521] : memref<204800x64xf32, #tpu.memory_space<hbm>> -> memref<128x64xf32, #tpu.memory_space<hbm>>
        %dma_wait3A_523 = arith.constant 0 : i32
        %dma_wait3A_524 = arith.constant 0 : i32
        %dma_wait3A_525 = tpu.memref_slice %arg6[%dma_wait3A_509, %dma_wait3A_523, %dma_wait3A_524] : memref<5x128x64xf32, #tpu.memory_space<vmem>> -> memref<1x128x64xf32, #tpu.memory_space<vmem>>
        %dma_wait3A_526 = tpu.memref_squeeze %dma_wait3A_525 : memref<1x128x64xf32, #tpu.memory_space<vmem>> -> memref<128x64xf32, #tpu.memory_space<vmem>>
        tpu.wait_dma2 semaphore(%dma_wait3A_519 : memref<!tpu.dma_semaphore, #tpu.memory_space<semaphore_mem>>) src(%dma_wait3A_526 : memref<128x64xf32, #tpu.memory_space<vmem>>) dst(%dma_wait3A_522 : memref<128x64xf32, #tpu.memory_space<hbm>>)
      } else {
      }
      %lt3A_317 = arith.constant 50 : i32
      %lt3A_318 = arith.cmpi slt, %add3A_303, %lt3A_317 : i32
      %convert_element_type3A_319 = arith.extui %lt3A_318 : i1 to i32
      %cond3A_320 = arith.constant 0 : i32
      %cond3A_321 = arith.cmpi ne, %convert_element_type3A_319, %cond3A_320 : i32
      scf.if %cond3A_321 {
        %dma_wait3A_509 = arith.constant 3 : i32
        %dma_wait3A_510 = arith.constant 3 : i32
        %dma_wait3A_511 = arith.constant 0 : i32
        %dma_wait3A_512 = tpu.memref_slice %arg5[%dma_wait3A_509, %dma_wait3A_511] : memref<5x128xi32, #tpu.memory_space<vmem>> -> memref<1x128xi32, #tpu.memory_space<vmem>>
        %dma_wait3A_513 = tpu.memref_squeeze %dma_wait3A_512 : memref<1x128xi32, #tpu.memory_space<vmem>> -> memref<128xi32, #tpu.memory_space<vmem>>
        %dma_wait3A_514 = arith.constant 0 : i32
        %dma_wait3A_515 = tpu.memref_slice %arg2[%dma_wait3A_514] : memref<204800xi32, #tpu.memory_space<hbm>> -> memref<128xi32, #tpu.memory_space<hbm>>
        %dma_wait3A_516 = tpu.memref_slice %arg7[%dma_wait3A_510] : memref<5x!tpu.dma_semaphore, #tpu.memory_space<semaphore_mem>> -> memref<1x!tpu.dma_semaphore, #tpu.memory_space<semaphore_mem>>
        %dma_wait3A_517 = tpu.memref_squeeze %dma_wait3A_516 : memref<1x!tpu.dma_semaphore, #tpu.memory_space<semaphore_mem>> -> memref<!tpu.dma_semaphore, #tpu.memory_space<semaphore_mem>>
        %dma_wait3A_518 = arith.constant 0 : i32
        %dma_wait3A_519 = tpu.memref_slice %arg5[%dma_wait3A_509, %dma_wait3A_518] : memref<5x128xi32, #tpu.memory_space<vmem>> -> memref<1x128xi32, #tpu.memory_space<vmem>>
        %dma_wait3A_520 = tpu.memref_squeeze %dma_wait3A_519 : memref<1x128xi32, #tpu.memory_space<vmem>> -> memref<128xi32, #tpu.memory_space<vmem>>
        %dma_wait3A_521 = arith.constant 0 : i32
        %dma_wait3A_522 = tpu.memref_slice %arg2[%dma_wait3A_521] : memref<204800xi32, #tpu.memory_space<hbm>> -> memref<128xi32, #tpu.memory_space<hbm>>
        tpu.wait_dma2 semaphore(%dma_wait3A_517 : memref<!tpu.dma_semaphore, #tpu.memory_space<semaphore_mem>>) src(%dma_wait3A_522 : memref<128xi32, #tpu.memory_space<hbm>>) dst(%dma_wait3A_520 : memref<128xi32, #tpu.memory_space<vmem>>)
        %scan3A_523 = arith.constant 0 : i32
        %scan3A_524 = arith.constant 0 : i32
        %scan3A_525 = arith.constant 8 : i32
        %scan3A_526 = arith.addi %scan3A_524, %scan3A_525 : i32
        %scan3A_527 = arith.constant 1 : i32
        scf.for %scan3A_529 = %scan3A_524 to %scan3A_526 step %scan3A_527  : i32 {
          %mul3A_530 = arith.constant 16 : i32
          %mul3A_531 = arith.muli %scan3A_529, %mul3A_530 : i32
          %get3A = arith.constant 3 : i32
          %get3A_532 = arith.index_cast %get3A : i32 to index
          %get3A_533 = arith.index_cast %mul3A_531 : i32 to index
          %get3A_534 = tpu.vector_load %arg5[%get3A_532, %get3A_533] {strides = array<i32>} : memref<5x128xi32, #tpu.memory_space<vmem>>, vector<1x16xi32>,
          %get3A_535 = vector.shape_cast %get3A_534 : vector<1x16xi32> to vector<16xi32>
          %slice3A = vector.extract_strided_slice %get3A_535 {offsets = [0], sizes = [1], strides = [1]} : vector<16xi32> to vector<1xi32>
          %squeeze3A = vector.extract %slice3A[0] : i32 from vector<1xi32>
          %shift_right_arithmetic3A = arith.constant 3 : i32
          %shift_right_arithmetic3A_536 = arith.shrsi %squeeze3A, %shift_right_arithmetic3A : i32
          %and3A_537 = arith.constant 7 : i32
          %and3A_538 = arith.andi %squeeze3A, %and3A_537 : i32
          %mul3A_539 = arith.constant 16 : i32
          %mul3A_540 = arith.muli %scan3A_529, %mul3A_539 : i32
          %add3A_541 = arith.constant 0 : i32
          %add3A_542 = arith.addi %mul3A_540, %add3A_541 : i32
          %dma_start3A_543 = arith.constant 3 : i32
          %dma_start3A_544 = arith.constant 3 : i32
          %dma_start3A_545 = arith.constant 0 : i32
          %dma_start3A_546 = tpu.memref_slice %arg6[%dma_start3A_543, %add3A_542, %dma_start3A_545] : memref<5x128x64xf32, #tpu.memory_space<vmem>> -> memref<1x1x64xf32, #tpu.memory_space<vmem>>
          %dma_start3A_547 = tpu.memref_squeeze %dma_start3A_546 : memref<1x1x64xf32, #tpu.memory_space<vmem>> -> memref<64xf32, #tpu.memory_space<vmem>>
          %dma_start3A_548 = arith.constant 0 : i32
          %dma_start3A_549 = tpu.memref_slice %arg3[%shift_right_arithmetic3A_536, %and3A_538, %dma_start3A_548] : memref<125000x8x64xf32, #tpu.memory_space<hbm>> -> memref<1x1x64xf32, #tpu.memory_space<hbm>>
          %dma_start3A_550 = tpu.memref_squeeze %dma_start3A_549 : memref<1x1x64xf32, #tpu.memory_space<hbm>> -> memref<64xf32, #tpu.memory_space<hbm>>
          %dma_start3A_551 = tpu.memref_slice %arg8[%dma_start3A_544] : memref<5x!tpu.dma_semaphore, #tpu.memory_space<semaphore_mem>> -> memref<1x!tpu.dma_semaphore, #tpu.memory_space<semaphore_mem>>
          %dma_start3A_552 = tpu.memref_squeeze %dma_start3A_551 : memref<1x!tpu.dma_semaphore, #tpu.memory_space<semaphore_mem>> -> memref<!tpu.dma_semaphore, #tpu.memory_space<semaphore_mem>>
          %dma_start3A_553 = arith.constant 0 : i32
          %dma_start3A_554 = tpu.memref_slice %arg6[%dma_start3A_543, %add3A_542, %dma_start3A_553] : memref<5x128x64xf32, #tpu.memory_space<vmem>> -> memref<1x1x64xf32, #tpu.memory_space<vmem>>
          %dma_start3A_555 = tpu.memref_squeeze %dma_start3A_554 : memref<1x1x64xf32, #tpu.memory_space<vmem>> -> memref<64xf32, #tpu.memory_space<vmem>>
          %dma_start3A_556 = arith.constant 0 : i32
          %dma_start3A_557 = tpu.memref_slice %arg3[%shift_right_arithmetic3A_536, %and3A_538, %dma_start3A_556] : memref<125000x8x64xf32, #tpu.memory_space<hbm>> -> memref<1x1x64xf32, #tpu.memory_space<hbm>>
          %dma_start3A_558 = tpu.memref_squeeze %dma_start3A_557 : memref<1x1x64xf32, #tpu.memory_space<hbm>> -> memref<64xf32, #tpu.memory_space<hbm>>
          tpu.enqueue_dma source(%dma_start3A_558 : memref<64xf32, #tpu.memory_space<hbm>>) target(%dma_start3A_555 : memref<64xf32, #tpu.memory_space<vmem>>) target_semaphore(%dma_start3A_552 : memref<!tpu.dma_semaphore, #tpu.memory_space<semaphore_mem>>)
          %slice3A_559 = vector.extract_strided_slice %get3A_535 {offsets = [1], sizes = [1], strides = [1]} : vector<16xi32> to vector<1xi32>
          %squeeze3A_560 = vector.extract %slice3A_559[0] : i32 from vector<1xi32>
          %shift_right_arithmetic3A_561 = arith.constant 3 : i32
          %shift_right_arithmetic3A_562 = arith.shrsi %squeeze3A_560, %shift_right_arithmetic3A_561 : i32
          %and3A_563 = arith.constant 7 : i32
          %and3A_564 = arith.andi %squeeze3A_560, %and3A_563 : i32
          %mul3A_565 = arith.constant 16 : i32
          %mul3A_566 = arith.muli %scan3A_529, %mul3A_565 : i32
          %add3A_567 = arith.constant 1 : i32
          %add3A_568 = arith.addi %mul3A_566, %add3A_567 : i32
          %dma_start3A_569 = arith.constant 3 : i32
          %dma_start3A_570 = arith.constant 3 : i32
          %dma_start3A_571 = arith.constant 0 : i32
          %dma_start3A_572 = tpu.memref_slice %arg6[%dma_start3A_569, %add3A_568, %dma_start3A_571] : memref<5x128x64xf32, #tpu.memory_space<vmem>> -> memref<1x1x64xf32, #tpu.memory_space<vmem>>
          %dma_start3A_573 = tpu.memref_squeeze %dma_start3A_572 : memref<1x1x64xf32, #tpu.memory_space<vmem>> -> memref<64xf32, #tpu.memory_space<vmem>>
          %dma_start3A_574 = arith.constant 0 : i32
          %dma_start3A_575 = tpu.memref_slice %arg3[%shift_right_arithmetic3A_562, %and3A_564, %dma_start3A_574] : memref<125000x8x64xf32, #tpu.memory_space<hbm>> -> memref<1x1x64xf32, #tpu.memory_space<hbm>>
          %dma_start3A_576 = tpu.memref_squeeze %dma_start3A_575 : memref<1x1x64xf32, #tpu.memory_space<hbm>> -> memref<64xf32, #tpu.memory_space<hbm>>
          %dma_start3A_577 = tpu.memref_slice %arg8[%dma_start3A_570] : memref<5x!tpu.dma_semaphore, #tpu.memory_space<semaphore_mem>> -> memref<1x!tpu.dma_semaphore, #tpu.memory_space<semaphore_mem>>
          %dma_start3A_578 = tpu.memref_squeeze %dma_start3A_577 : memref<1x!tpu.dma_semaphore, #tpu.memory_space<semaphore_mem>> -> memref<!tpu.dma_semaphore, #tpu.memory_space<semaphore_mem>>
          %dma_start3A_579 = arith.constant 0 : i32
          %dma_start3A_580 = tpu.memref_slice %arg6[%dma_start3A_569, %add3A_568, %dma_start3A_579] : memref<5x128x64xf32, #tpu.memory_space<vmem>> -> memref<1x1x64xf32, #tpu.memory_space<vmem>>
          %dma_start3A_581 = tpu.memref_squeeze %dma_start3A_580 : memref<1x1x64xf32, #tpu.memory_space<vmem>> -> memref<64xf32, #tpu.memory_space<vmem>>
          %dma_start3A_582 = arith.constant 0 : i32
          %dma_start3A_583 = tpu.memref_slice %arg3[%shift_right_arithmetic3A_562, %and3A_564, %dma_start3A_582] : memref<125000x8x64xf32, #tpu.memory_space<hbm>> -> memref<1x1x64xf32, #tpu.memory_space<hbm>>
          %dma_start3A_584 = tpu.memref_squeeze %dma_start3A_583 : memref<1x1x64xf32, #tpu.memory_space<hbm>> -> memref<64xf32, #tpu.memory_space<hbm>>
          tpu.enqueue_dma source(%dma_start3A_584 : memref<64xf32, #tpu.memory_space<hbm>>) target(%dma_start3A_581 : memref<64xf32, #tpu.memory_space<vmem>>) target_semaphore(%dma_start3A_578 : memref<!tpu.dma_semaphore, #tpu.memory_space<semaphore_mem>>)
          %slice3A_585 = vector.extract_strided_slice %get3A_535 {offsets = [2], sizes = [1], strides = [1]} : vector<16xi32> to vector<1xi32>
          %squeeze3A_586 = vector.extract %slice3A_585[0] : i32 from vector<1xi32>
          %shift_right_arithmetic3A_587 = arith.constant 3 : i32
          %shift_right_arithmetic3A_588 = arith.shrsi %squeeze3A_586, %shift_right_arithmetic3A_587 : i32
          %and3A_589 = arith.constant 7 : i32
          %and3A_590 = arith.andi %squeeze3A_586, %and3A_589 : i32
          %mul3A_591 = arith.constant 16 : i32
          %mul3A_592 = arith.muli %scan3A_529, %mul3A_591 : i32
          %add3A_593 = arith.constant 2 : i32
          %add3A_594 = arith.addi %mul3A_592, %add3A_593 : i32
          %dma_start3A_595 = arith.constant 3 : i32
          %dma_start3A_596 = arith.constant 3 : i32
          %dma_start3A_597 = arith.constant 0 : i32
          %dma_start3A_598 = tpu.memref_slice %arg6[%dma_start3A_595, %add3A_594, %dma_start3A_597] : memref<5x128x64xf32, #tpu.memory_space<vmem>> -> memref<1x1x64xf32, #tpu.memory_space<vmem>>
          %dma_start3A_599 = tpu.memref_squeeze %dma_start3A_598 : memref<1x1x64xf32, #tpu.memory_space<vmem>> -> memref<64xf32, #tpu.memory_space<vmem>>
          %dma_start3A_600 = arith.constant 0 : i32
          %dma_start3A_601 = tpu.memref_slice %arg3[%shift_right_arithmetic3A_588, %and3A_590, %dma_start3A_600] : memref<125000x8x64xf32, #tpu.memory_space<hbm>> -> memref<1x1x64xf32, #tpu.memory_space<hbm>>
          %dma_start3A_602 = tpu.memref_squeeze %dma_start3A_601 : memref<1x1x64xf32, #tpu.memory_space<hbm>> -> memref<64xf32, #tpu.memory_space<hbm>>
          %dma_start3A_603 = tpu.memref_slice %arg8[%dma_start3A_596] : memref<5x!tpu.dma_semaphore, #tpu.memory_space<semaphore_mem>> -> memref<1x!tpu.dma_semaphore, #tpu.memory_space<semaphore_mem>>
          %dma_start3A_604 = tpu.memref_squeeze %dma_start3A_603 : memref<1x!tpu.dma_semaphore, #tpu.memory_space<semaphore_mem>> -> memref<!tpu.dma_semaphore, #tpu.memory_space<semaphore_mem>>
          %dma_start3A_605 = arith.constant 0 : i32
          %dma_start3A_606 = tpu.memref_slice %arg6[%dma_start3A_595, %add3A_594, %dma_start3A_605] : memref<5x128x64xf32, #tpu.memory_space<vmem>> -> memref<1x1x64xf32, #tpu.memory_space<vmem>>
          %dma_start3A_607 = tpu.memref_squeeze %dma_start3A_606 : memref<1x1x64xf32, #tpu.memory_space<vmem>> -> memref<64xf32, #tpu.memory_space<vmem>>
          %dma_start3A_608 = arith.constant 0 : i32
          %dma_start3A_609 = tpu.memref_slice %arg3[%shift_right_arithmetic3A_588, %and3A_590, %dma_start3A_608] : memref<125000x8x64xf32, #tpu.memory_space<hbm>> -> memref<1x1x64xf32, #tpu.memory_space<hbm>>
          %dma_start3A_610 = tpu.memref_squeeze %dma_start3A_609 : memref<1x1x64xf32, #tpu.memory_space<hbm>> -> memref<64xf32, #tpu.memory_space<hbm>>
          tpu.enqueue_dma source(%dma_start3A_610 : memref<64xf32, #tpu.memory_space<hbm>>) target(%dma_start3A_607 : memref<64xf32, #tpu.memory_space<vmem>>) target_semaphore(%dma_start3A_604 : memref<!tpu.dma_semaphore, #tpu.memory_space<semaphore_mem>>)
          %slice3A_611 = vector.extract_strided_slice %get3A_535 {offsets = [3], sizes = [1], strides = [1]} : vector<16xi32> to vector<1xi32>
          %squeeze3A_612 = vector.extract %slice3A_611[0] : i32 from vector<1xi32>
          %shift_right_arithmetic3A_613 = arith.constant 3 : i32
          %shift_right_arithmetic3A_614 = arith.shrsi %squeeze3A_612, %shift_right_arithmetic3A_613 : i32
          %and3A_615 = arith.constant 7 : i32
          %and3A_616 = arith.andi %squeeze3A_612, %and3A_615 : i32
          %mul3A_617 = arith.constant 16 : i32
          %mul3A_618 = arith.muli %scan3A_529, %mul3A_617 : i32
          %add3A_619 = arith.constant 3 : i32
          %add3A_620 = arith.addi %mul3A_618, %add3A_619 : i32
          %dma_start3A_621 = arith.constant 3 : i32
          %dma_start3A_622 = arith.constant 3 : i32
          %dma_start3A_623 = arith.constant 0 : i32
          %dma_start3A_624 = tpu.memref_slice %arg6[%dma_start3A_621, %add3A_620, %dma_start3A_623] : memref<5x128x64xf32, #tpu.memory_space<vmem>> -> memref<1x1x64xf32, #tpu.memory_space<vmem>>
          %dma_start3A_625 = tpu.memref_squeeze %dma_start3A_624 : memref<1x1x64xf32, #tpu.memory_space<vmem>> -> memref<64xf32, #tpu.memory_space<vmem>>
          %dma_start3A_626 = arith.constant 0 : i32
          %dma_start3A_627 = tpu.memref_slice %arg3[%shift_right_arithmetic3A_614, %and3A_616, %dma_start3A_626] : memref<125000x8x64xf32, #tpu.memory_space<hbm>> -> memref<1x1x64xf32, #tpu.memory_space<hbm>>
          %dma_start3A_628 = tpu.memref_squeeze %dma_start3A_627 : memref<1x1x64xf32, #tpu.memory_space<hbm>> -> memref<64xf32, #tpu.memory_space<hbm>>
          %dma_start3A_629 = tpu.memref_slice %arg8[%dma_start3A_622] : memref<5x!tpu.dma_semaphore, #tpu.memory_space<semaphore_mem>> -> memref<1x!tpu.dma_semaphore, #tpu.memory_space<semaphore_mem>>
          %dma_start3A_630 = tpu.memref_squeeze %dma_start3A_629 : memref<1x!tpu.dma_semaphore, #tpu.memory_space<semaphore_mem>> -> memref<!tpu.dma_semaphore, #tpu.memory_space<semaphore_mem>>
          %dma_start3A_631 = arith.constant 0 : i32
          %dma_start3A_632 = tpu.memref_slice %arg6[%dma_start3A_621, %add3A_620, %dma_start3A_631] : memref<5x128x64xf32, #tpu.memory_space<vmem>> -> memref<1x1x64xf32, #tpu.memory_space<vmem>>
          %dma_start3A_633 = tpu.memref_squeeze %dma_start3A_632 : memref<1x1x64xf32, #tpu.memory_space<vmem>> -> memref<64xf32, #tpu.memory_space<vmem>>
          %dma_start3A_634 = arith.constant 0 : i32
          %dma_start3A_635 = tpu.memref_slice %arg3[%shift_right_arithmetic3A_614, %and3A_616, %dma_start3A_634] : memref<125000x8x64xf32, #tpu.memory_space<hbm>> -> memref<1x1x64xf32, #tpu.memory_space<hbm>>
          %dma_start3A_636 = tpu.memref_squeeze %dma_start3A_635 : memref<1x1x64xf32, #tpu.memory_space<hbm>> -> memref<64xf32, #tpu.memory_space<hbm>>
          tpu.enqueue_dma source(%dma_start3A_636 : memref<64xf32, #tpu.memory_space<hbm>>) target(%dma_start3A_633 : memref<64xf32, #tpu.memory_space<vmem>>) target_semaphore(%dma_start3A_630 : memref<!tpu.dma_semaphore, #tpu.memory_space<semaphore_mem>>)
          %slice3A_637 = vector.extract_strided_slice %get3A_535 {offsets = [4], sizes = [1], strides = [1]} : vector<16xi32> to vector<1xi32>
          %squeeze3A_638 = vector.extract %slice3A_637[0] : i32 from vector<1xi32>
          %shift_right_arithmetic3A_639 = arith.constant 3 : i32
          %shift_right_arithmetic3A_640 = arith.shrsi %squeeze3A_638, %shift_right_arithmetic3A_639 : i32
          %and3A_641 = arith.constant 7 : i32
          %and3A_642 = arith.andi %squeeze3A_638, %and3A_641 : i32
          %mul3A_643 = arith.constant 16 : i32
          %mul3A_644 = arith.muli %scan3A_529, %mul3A_643 : i32
          %add3A_645 = arith.constant 4 : i32
          %add3A_646 = arith.addi %mul3A_644, %add3A_645 : i32
          %dma_start3A_647 = arith.constant 3 : i32
          %dma_start3A_648 = arith.constant 3 : i32
          %dma_start3A_649 = arith.constant 0 : i32
          %dma_start3A_650 = tpu.memref_slice %arg6[%dma_start3A_647, %add3A_646, %dma_start3A_649] : memref<5x128x64xf32, #tpu.memory_space<vmem>> -> memref<1x1x64xf32, #tpu.memory_space<vmem>>
          %dma_start3A_651 = tpu.memref_squeeze %dma_start3A_650 : memref<1x1x64xf32, #tpu.memory_space<vmem>> -> memref<64xf32, #tpu.memory_space<vmem>>
          %dma_start3A_652 = arith.constant 0 : i32
          %dma_start3A_653 = tpu.memref_slice %arg3[%shift_right_arithmetic3A_640, %and3A_642, %dma_start3A_652] : memref<125000x8x64xf32, #tpu.memory_space<hbm>> -> memref<1x1x64xf32, #tpu.memory_space<hbm>>
          %dma_start3A_654 = tpu.memref_squeeze %dma_start3A_653 : memref<1x1x64xf32, #tpu.memory_space<hbm>> -> memref<64xf32, #tpu.memory_space<hbm>>
          %dma_start3A_655 = tpu.memref_slice %arg8[%dma_start3A_648] : memref<5x!tpu.dma_semaphore, #tpu.memory_space<semaphore_mem>> -> memref<1x!tpu.dma_semaphore, #tpu.memory_space<semaphore_mem>>
          %dma_start3A_656 = tpu.memref_squeeze %dma_start3A_655 : memref<1x!tpu.dma_semaphore, #tpu.memory_space<semaphore_mem>> -> memref<!tpu.dma_semaphore, #tpu.memory_space<semaphore_mem>>
          %dma_start3A_657 = arith.constant 0 : i32
          %dma_start3A_658 = tpu.memref_slice %arg6[%dma_start3A_647, %add3A_646, %dma_start3A_657] : memref<5x128x64xf32, #tpu.memory_space<vmem>> -> memref<1x1x64xf32, #tpu.memory_space<vmem>>
          %dma_start3A_659 = tpu.memref_squeeze %dma_start3A_658 : memref<1x1x64xf32, #tpu.memory_space<vmem>> -> memref<64xf32, #tpu.memory_space<vmem>>
          %dma_start3A_660 = arith.constant 0 : i32
          %dma_start3A_661 = tpu.memref_slice %arg3[%shift_right_arithmetic3A_640, %and3A_642, %dma_start3A_660] : memref<125000x8x64xf32, #tpu.memory_space<hbm>> -> memref<1x1x64xf32, #tpu.memory_space<hbm>>
          %dma_start3A_662 = tpu.memref_squeeze %dma_start3A_661 : memref<1x1x64xf32, #tpu.memory_space<hbm>> -> memref<64xf32, #tpu.memory_space<hbm>>
          tpu.enqueue_dma source(%dma_start3A_662 : memref<64xf32, #tpu.memory_space<hbm>>) target(%dma_start3A_659 : memref<64xf32, #tpu.memory_space<vmem>>) target_semaphore(%dma_start3A_656 : memref<!tpu.dma_semaphore, #tpu.memory_space<semaphore_mem>>)
          %slice3A_663 = vector.extract_strided_slice %get3A_535 {offsets = [5], sizes = [1], strides = [1]} : vector<16xi32> to vector<1xi32>
          %squeeze3A_664 = vector.extract %slice3A_663[0] : i32 from vector<1xi32>
          %shift_right_arithmetic3A_665 = arith.constant 3 : i32
          %shift_right_arithmetic3A_666 = arith.shrsi %squeeze3A_664, %shift_right_arithmetic3A_665 : i32
          %and3A_667 = arith.constant 7 : i32
          %and3A_668 = arith.andi %squeeze3A_664, %and3A_667 : i32
          %mul3A_669 = arith.constant 16 : i32
          %mul3A_670 = arith.muli %scan3A_529, %mul3A_669 : i32
          %add3A_671 = arith.constant 5 : i32
          %add3A_672 = arith.addi %mul3A_670, %add3A_671 : i32
          %dma_start3A_673 = arith.constant 3 : i32
          %dma_start3A_674 = arith.constant 3 : i32
          %dma_start3A_675 = arith.constant 0 : i32
          %dma_start3A_676 = tpu.memref_slice %arg6[%dma_start3A_673, %add3A_672, %dma_start3A_675] : memref<5x128x64xf32, #tpu.memory_space<vmem>> -> memref<1x1x64xf32, #tpu.memory_space<vmem>>
          %dma_start3A_677 = tpu.memref_squeeze %dma_start3A_676 : memref<1x1x64xf32, #tpu.memory_space<vmem>> -> memref<64xf32, #tpu.memory_space<vmem>>
          %dma_start3A_678 = arith.constant 0 : i32
          %dma_start3A_679 = tpu.memref_slice %arg3[%shift_right_arithmetic3A_666, %and3A_668, %dma_start3A_678] : memref<125000x8x64xf32, #tpu.memory_space<hbm>> -> memref<1x1x64xf32, #tpu.memory_space<hbm>>
          %dma_start3A_680 = tpu.memref_squeeze %dma_start3A_679 : memref<1x1x64xf32, #tpu.memory_space<hbm>> -> memref<64xf32, #tpu.memory_space<hbm>>
          %dma_start3A_681 = tpu.memref_slice %arg8[%dma_start3A_674] : memref<5x!tpu.dma_semaphore, #tpu.memory_space<semaphore_mem>> -> memref<1x!tpu.dma_semaphore, #tpu.memory_space<semaphore_mem>>
          %dma_start3A_682 = tpu.memref_squeeze %dma_start3A_681 : memref<1x!tpu.dma_semaphore, #tpu.memory_space<semaphore_mem>> -> memref<!tpu.dma_semaphore, #tpu.memory_space<semaphore_mem>>
          %dma_start3A_683 = arith.constant 0 : i32
          %dma_start3A_684 = tpu.memref_slice %arg6[%dma_start3A_673, %add3A_672, %dma_start3A_683] : memref<5x128x64xf32, #tpu.memory_space<vmem>> -> memref<1x1x64xf32, #tpu.memory_space<vmem>>
          %dma_start3A_685 = tpu.memref_squeeze %dma_start3A_684 : memref<1x1x64xf32, #tpu.memory_space<vmem>> -> memref<64xf32, #tpu.memory_space<vmem>>
          %dma_start3A_686 = arith.constant 0 : i32
          %dma_start3A_687 = tpu.memref_slice %arg3[%shift_right_arithmetic3A_666, %and3A_668, %dma_start3A_686] : memref<125000x8x64xf32, #tpu.memory_space<hbm>> -> memref<1x1x64xf32, #tpu.memory_space<hbm>>
          %dma_start3A_688 = tpu.memref_squeeze %dma_start3A_687 : memref<1x1x64xf32, #tpu.memory_space<hbm>> -> memref<64xf32, #tpu.memory_space<hbm>>
          tpu.enqueue_dma source(%dma_start3A_688 : memref<64xf32, #tpu.memory_space<hbm>>) target(%dma_start3A_685 : memref<64xf32, #tpu.memory_space<vmem>>) target_semaphore(%dma_start3A_682 : memref<!tpu.dma_semaphore, #tpu.memory_space<semaphore_mem>>)
          %slice3A_689 = vector.extract_strided_slice %get3A_535 {offsets = [6], sizes = [1], strides = [1]} : vector<16xi32> to vector<1xi32>
          %squeeze3A_690 = vector.extract %slice3A_689[0] : i32 from vector<1xi32>
          %shift_right_arithmetic3A_691 = arith.constant 3 : i32
          %shift_right_arithmetic3A_692 = arith.shrsi %squeeze3A_690, %shift_right_arithmetic3A_691 : i32
          %and3A_693 = arith.constant 7 : i32
          %and3A_694 = arith.andi %squeeze3A_690, %and3A_693 : i32
          %mul3A_695 = arith.constant 16 : i32
          %mul3A_696 = arith.muli %scan3A_529, %mul3A_695 : i32
          %add3A_697 = arith.constant 6 : i32
          %add3A_698 = arith.addi %mul3A_696, %add3A_697 : i32
          %dma_start3A_699 = arith.constant 3 : i32
          %dma_start3A_700 = arith.constant 3 : i32
          %dma_start3A_701 = arith.constant 0 : i32
          %dma_start3A_702 = tpu.memref_slice %arg6[%dma_start3A_699, %add3A_698, %dma_start3A_701] : memref<5x128x64xf32, #tpu.memory_space<vmem>> -> memref<1x1x64xf32, #tpu.memory_space<vmem>>
          %dma_start3A_703 = tpu.memref_squeeze %dma_start3A_702 : memref<1x1x64xf32, #tpu.memory_space<vmem>> -> memref<64xf32, #tpu.memory_space<vmem>>
          %dma_start3A_704 = arith.constant 0 : i32
          %dma_start3A_705 = tpu.memref_slice %arg3[%shift_right_arithmetic3A_692, %and3A_694, %dma_start3A_704] : memref<125000x8x64xf32, #tpu.memory_space<hbm>> -> memref<1x1x64xf32, #tpu.memory_space<hbm>>
          %dma_start3A_706 = tpu.memref_squeeze %dma_start3A_705 : memref<1x1x64xf32, #tpu.memory_space<hbm>> -> memref<64xf32, #tpu.memory_space<hbm>>
          %dma_start3A_707 = tpu.memref_slice %arg8[%dma_start3A_700] : memref<5x!tpu.dma_semaphore, #tpu.memory_space<semaphore_mem>> -> memref<1x!tpu.dma_semaphore, #tpu.memory_space<semaphore_mem>>
          %dma_start3A_708 = tpu.memref_squeeze %dma_start3A_707 : memref<1x!tpu.dma_semaphore, #tpu.memory_space<semaphore_mem>> -> memref<!tpu.dma_semaphore, #tpu.memory_space<semaphore_mem>>
          %dma_start3A_709 = arith.constant 0 : i32
          %dma_start3A_710 = tpu.memref_slice %arg6[%dma_start3A_699, %add3A_698, %dma_start3A_709] : memref<5x128x64xf32, #tpu.memory_space<vmem>> -> memref<1x1x64xf32, #tpu.memory_space<vmem>>
          %dma_start3A_711 = tpu.memref_squeeze %dma_start3A_710 : memref<1x1x64xf32, #tpu.memory_space<vmem>> -> memref<64xf32, #tpu.memory_space<vmem>>
          %dma_start3A_712 = arith.constant 0 : i32
          %dma_start3A_713 = tpu.memref_slice %arg3[%shift_right_arithmetic3A_692, %and3A_694, %dma_start3A_712] : memref<125000x8x64xf32, #tpu.memory_space<hbm>> -> memref<1x1x64xf32, #tpu.memory_space<hbm>>
          %dma_start3A_714 = tpu.memref_squeeze %dma_start3A_713 : memref<1x1x64xf32, #tpu.memory_space<hbm>> -> memref<64xf32, #tpu.memory_space<hbm>>
          tpu.enqueue_dma source(%dma_start3A_714 : memref<64xf32, #tpu.memory_space<hbm>>) target(%dma_start3A_711 : memref<64xf32, #tpu.memory_space<vmem>>) target_semaphore(%dma_start3A_708 : memref<!tpu.dma_semaphore, #tpu.memory_space<semaphore_mem>>)
          %slice3A_715 = vector.extract_strided_slice %get3A_535 {offsets = [7], sizes = [1], strides = [1]} : vector<16xi32> to vector<1xi32>
          %squeeze3A_716 = vector.extract %slice3A_715[0] : i32 from vector<1xi32>
          %shift_right_arithmetic3A_717 = arith.constant 3 : i32
          %shift_right_arithmetic3A_718 = arith.shrsi %squeeze3A_716, %shift_right_arithmetic3A_717 : i32
          %and3A_719 = arith.constant 7 : i32
          %and3A_720 = arith.andi %squeeze3A_716, %and3A_719 : i32
          %mul3A_721 = arith.constant 16 : i32
          %mul3A_722 = arith.muli %scan3A_529, %mul3A_721 : i32
          %add3A_723 = arith.constant 7 : i32
          %add3A_724 = arith.addi %mul3A_722, %add3A_723 : i32
          %dma_start3A_725 = arith.constant 3 : i32
          %dma_start3A_726 = arith.constant 3 : i32
          %dma_start3A_727 = arith.constant 0 : i32
          %dma_start3A_728 = tpu.memref_slice %arg6[%dma_start3A_725, %add3A_724, %dma_start3A_727] : memref<5x128x64xf32, #tpu.memory_space<vmem>> -> memref<1x1x64xf32, #tpu.memory_space<vmem>>
          %dma_start3A_729 = tpu.memref_squeeze %dma_start3A_728 : memref<1x1x64xf32, #tpu.memory_space<vmem>> -> memref<64xf32, #tpu.memory_space<vmem>>
          %dma_start3A_730 = arith.constant 0 : i32
          %dma_start3A_731 = tpu.memref_slice %arg3[%shift_right_arithmetic3A_718, %and3A_720, %dma_start3A_730] : memref<125000x8x64xf32, #tpu.memory_space<hbm>> -> memref<1x1x64xf32, #tpu.memory_space<hbm>>
          %dma_start3A_732 = tpu.memref_squeeze %dma_start3A_731 : memref<1x1x64xf32, #tpu.memory_space<hbm>> -> memref<64xf32, #tpu.memory_space<hbm>>
          %dma_start3A_733 = tpu.memref_slice %arg8[%dma_start3A_726] : memref<5x!tpu.dma_semaphore, #tpu.memory_space<semaphore_mem>> -> memref<1x!tpu.dma_semaphore, #tpu.memory_space<semaphore_mem>>
          %dma_start3A_734 = tpu.memref_squeeze %dma_start3A_733 : memref<1x!tpu.dma_semaphore, #tpu.memory_space<semaphore_mem>> -> memref<!tpu.dma_semaphore, #tpu.memory_space<semaphore_mem>>
          %dma_start3A_735 = arith.constant 0 : i32
          %dma_start3A_736 = tpu.memref_slice %arg6[%dma_start3A_725, %add3A_724, %dma_start3A_735] : memref<5x128x64xf32, #tpu.memory_space<vmem>> -> memref<1x1x64xf32, #tpu.memory_space<vmem>>
          %dma_start3A_737 = tpu.memref_squeeze %dma_start3A_736 : memref<1x1x64xf32, #tpu.memory_space<vmem>> -> memref<64xf32, #tpu.memory_space<vmem>>
          %dma_start3A_738 = arith.constant 0 : i32
          %dma_start3A_739 = tpu.memref_slice %arg3[%shift_right_arithmetic3A_718, %and3A_720, %dma_start3A_738] : memref<125000x8x64xf32, #tpu.memory_space<hbm>> -> memref<1x1x64xf32, #tpu.memory_space<hbm>>
          %dma_start3A_740 = tpu.memref_squeeze %dma_start3A_739 : memref<1x1x64xf32, #tpu.memory_space<hbm>> -> memref<64xf32, #tpu.memory_space<hbm>>
          tpu.enqueue_dma source(%dma_start3A_740 : memref<64xf32, #tpu.memory_space<hbm>>) target(%dma_start3A_737 : memref<64xf32, #tpu.memory_space<vmem>>) target_semaphore(%dma_start3A_734 : memref<!tpu.dma_semaphore, #tpu.memory_space<semaphore_mem>>)
          %slice3A_741 = vector.extract_strided_slice %get3A_535 {offsets = [8], sizes = [1], strides = [1]} : vector<16xi32> to vector<1xi32>
          %squeeze3A_742 = vector.extract %slice3A_741[0] : i32 from vector<1xi32>
          %shift_right_arithmetic3A_743 = arith.constant 3 : i32
          %shift_right_arithmetic3A_744 = arith.shrsi %squeeze3A_742, %shift_right_arithmetic3A_743 : i32
          %and3A_745 = arith.constant 7 : i32
          %and3A_746 = arith.andi %squeeze3A_742, %and3A_745 : i32
          %mul3A_747 = arith.constant 16 : i32
          %mul3A_748 = arith.muli %scan3A_529, %mul3A_747 : i32
          %add3A_749 = arith.constant 8 : i32
          %add3A_750 = arith.addi %mul3A_748, %add3A_749 : i32
          %dma_start3A_751 = arith.constant 3 : i32
          %dma_start3A_752 = arith.constant 3 : i32
          %dma_start3A_753 = arith.constant 0 : i32
          %dma_start3A_754 = tpu.memref_slice %arg6[%dma_start3A_751, %add3A_750, %dma_start3A_753] : memref<5x128x64xf32, #tpu.memory_space<vmem>> -> memref<1x1x64xf32, #tpu.memory_space<vmem>>
          %dma_start3A_755 = tpu.memref_squeeze %dma_start3A_754 : memref<1x1x64xf32, #tpu.memory_space<vmem>> -> memref<64xf32, #tpu.memory_space<vmem>>
          %dma_start3A_756 = arith.constant 0 : i32
          %dma_start3A_757 = tpu.memref_slice %arg3[%shift_right_arithmetic3A_744, %and3A_746, %dma_start3A_756] : memref<125000x8x64xf32, #tpu.memory_space<hbm>> -> memref<1x1x64xf32, #tpu.memory_space<hbm>>
          %dma_start3A_758 = tpu.memref_squeeze %dma_start3A_757 : memref<1x1x64xf32, #tpu.memory_space<hbm>> -> memref<64xf32, #tpu.memory_space<hbm>>
          %dma_start3A_759 = tpu.memref_slice %arg8[%dma_start3A_752] : memref<5x!tpu.dma_semaphore, #tpu.memory_space<semaphore_mem>> -> memref<1x!tpu.dma_semaphore, #tpu.memory_space<semaphore_mem>>
          %dma_start3A_760 = tpu.memref_squeeze %dma_start3A_759 : memref<1x!tpu.dma_semaphore, #tpu.memory_space<semaphore_mem>> -> memref<!tpu.dma_semaphore, #tpu.memory_space<semaphore_mem>>
          %dma_start3A_761 = arith.constant 0 : i32
          %dma_start3A_762 = tpu.memref_slice %arg6[%dma_start3A_751, %add3A_750, %dma_start3A_761] : memref<5x128x64xf32, #tpu.memory_space<vmem>> -> memref<1x1x64xf32, #tpu.memory_space<vmem>>
          %dma_start3A_763 = tpu.memref_squeeze %dma_start3A_762 : memref<1x1x64xf32, #tpu.memory_space<vmem>> -> memref<64xf32, #tpu.memory_space<vmem>>
          %dma_start3A_764 = arith.constant 0 : i32
          %dma_start3A_765 = tpu.memref_slice %arg3[%shift_right_arithmetic3A_744, %and3A_746, %dma_start3A_764] : memref<125000x8x64xf32, #tpu.memory_space<hbm>> -> memref<1x1x64xf32, #tpu.memory_space<hbm>>
          %dma_start3A_766 = tpu.memref_squeeze %dma_start3A_765 : memref<1x1x64xf32, #tpu.memory_space<hbm>> -> memref<64xf32, #tpu.memory_space<hbm>>
          tpu.enqueue_dma source(%dma_start3A_766 : memref<64xf32, #tpu.memory_space<hbm>>) target(%dma_start3A_763 : memref<64xf32, #tpu.memory_space<vmem>>) target_semaphore(%dma_start3A_760 : memref<!tpu.dma_semaphore, #tpu.memory_space<semaphore_mem>>)
          %slice3A_767 = vector.extract_strided_slice %get3A_535 {offsets = [9], sizes = [1], strides = [1]} : vector<16xi32> to vector<1xi32>
          %squeeze3A_768 = vector.extract %slice3A_767[0] : i32 from vector<1xi32>
          %shift_right_arithmetic3A_769 = arith.constant 3 : i32
          %shift_right_arithmetic3A_770 = arith.shrsi %squeeze3A_768, %shift_right_arithmetic3A_769 : i32
          %and3A_771 = arith.constant 7 : i32
          %and3A_772 = arith.andi %squeeze3A_768, %and3A_771 : i32
          %mul3A_773 = arith.constant 16 : i32
          %mul3A_774 = arith.muli %scan3A_529, %mul3A_773 : i32
          %add3A_775 = arith.constant 9 : i32
          %add3A_776 = arith.addi %mul3A_774, %add3A_775 : i32
          %dma_start3A_777 = arith.constant 3 : i32
          %dma_start3A_778 = arith.constant 3 : i32
          %dma_start3A_779 = arith.constant 0 : i32
          %dma_start3A_780 = tpu.memref_slice %arg6[%dma_start3A_777, %add3A_776, %dma_start3A_779] : memref<5x128x64xf32, #tpu.memory_space<vmem>> -> memref<1x1x64xf32, #tpu.memory_space<vmem>>
          %dma_start3A_781 = tpu.memref_squeeze %dma_start3A_780 : memref<1x1x64xf32, #tpu.memory_space<vmem>> -> memref<64xf32, #tpu.memory_space<vmem>>
          %dma_start3A_782 = arith.constant 0 : i32
          %dma_start3A_783 = tpu.memref_slice %arg3[%shift_right_arithmetic3A_770, %and3A_772, %dma_start3A_782] : memref<125000x8x64xf32, #tpu.memory_space<hbm>> -> memref<1x1x64xf32, #tpu.memory_space<hbm>>
          %dma_start3A_784 = tpu.memref_squeeze %dma_start3A_783 : memref<1x1x64xf32, #tpu.memory_space<hbm>> -> memref<64xf32, #tpu.memory_space<hbm>>
          %dma_start3A_785 = tpu.memref_slice %arg8[%dma_start3A_778] : memref<5x!tpu.dma_semaphore, #tpu.memory_space<semaphore_mem>> -> memref<1x!tpu.dma_semaphore, #tpu.memory_space<semaphore_mem>>
          %dma_start3A_786 = tpu.memref_squeeze %dma_start3A_785 : memref<1x!tpu.dma_semaphore, #tpu.memory_space<semaphore_mem>> -> memref<!tpu.dma_semaphore, #tpu.memory_space<semaphore_mem>>
          %dma_start3A_787 = arith.constant 0 : i32
          %dma_start3A_788 = tpu.memref_slice %arg6[%dma_start3A_777, %add3A_776, %dma_start3A_787] : memref<5x128x64xf32, #tpu.memory_space<vmem>> -> memref<1x1x64xf32, #tpu.memory_space<vmem>>
          %dma_start3A_789 = tpu.memref_squeeze %dma_start3A_788 : memref<1x1x64xf32, #tpu.memory_space<vmem>> -> memref<64xf32, #tpu.memory_space<vmem>>
          %dma_start3A_790 = arith.constant 0 : i32
          %dma_start3A_791 = tpu.memref_slice %arg3[%shift_right_arithmetic3A_770, %and3A_772, %dma_start3A_790] : memref<125000x8x64xf32, #tpu.memory_space<hbm>> -> memref<1x1x64xf32, #tpu.memory_space<hbm>>
          %dma_start3A_792 = tpu.memref_squeeze %dma_start3A_791 : memref<1x1x64xf32, #tpu.memory_space<hbm>> -> memref<64xf32, #tpu.memory_space<hbm>>
          tpu.enqueue_dma source(%dma_start3A_792 : memref<64xf32, #tpu.memory_space<hbm>>) target(%dma_start3A_789 : memref<64xf32, #tpu.memory_space<vmem>>) target_semaphore(%dma_start3A_786 : memref<!tpu.dma_semaphore, #tpu.memory_space<semaphore_mem>>)
          %slice3A_793 = vector.extract_strided_slice %get3A_535 {offsets = [10], sizes = [1], strides = [1]} : vector<16xi32> to vector<1xi32>
          %squeeze3A_794 = vector.extract %slice3A_793[0] : i32 from vector<1xi32>
          %shift_right_arithmetic3A_795 = arith.constant 3 : i32
          %shift_right_arithmetic3A_796 = arith.shrsi %squeeze3A_794, %shift_right_arithmetic3A_795 : i32
          %and3A_797 = arith.constant 7 : i32
          %and3A_798 = arith.andi %squeeze3A_794, %and3A_797 : i32
          %mul3A_799 = arith.constant 16 : i32
          %mul3A_800 = arith.muli %scan3A_529, %mul3A_799 : i32
          %add3A_801 = arith.constant 10 : i32
          %add3A_802 = arith.addi %mul3A_800, %add3A_801 : i32
          %dma_start3A_803 = arith.constant 3 : i32
          %dma_start3A_804 = arith.constant 3 : i32
          %dma_start3A_805 = arith.constant 0 : i32
          %dma_start3A_806 = tpu.memref_slice %arg6[%dma_start3A_803, %add3A_802, %dma_start3A_805] : memref<5x128x64xf32, #tpu.memory_space<vmem>> -> memref<1x1x64xf32, #tpu.memory_space<vmem>>
          %dma_start3A_807 = tpu.memref_squeeze %dma_start3A_806 : memref<1x1x64xf32, #tpu.memory_space<vmem>> -> memref<64xf32, #tpu.memory_space<vmem>>
          %dma_start3A_808 = arith.constant 0 : i32
          %dma_start3A_809 = tpu.memref_slice %arg3[%shift_right_arithmetic3A_796, %and3A_798, %dma_start3A_808] : memref<125000x8x64xf32, #tpu.memory_space<hbm>> -> memref<1x1x64xf32, #tpu.memory_space<hbm>>
          %dma_start3A_810 = tpu.memref_squeeze %dma_start3A_809 : memref<1x1x64xf32, #tpu.memory_space<hbm>> -> memref<64xf32, #tpu.memory_space<hbm>>
          %dma_start3A_811 = tpu.memref_slice %arg8[%dma_start3A_804] : memref<5x!tpu.dma_semaphore, #tpu.memory_space<semaphore_mem>> -> memref<1x!tpu.dma_semaphore, #tpu.memory_space<semaphore_mem>>
          %dma_start3A_812 = tpu.memref_squeeze %dma_start3A_811 : memref<1x!tpu.dma_semaphore, #tpu.memory_space<semaphore_mem>> -> memref<!tpu.dma_semaphore, #tpu.memory_space<semaphore_mem>>
          %dma_start3A_813 = arith.constant 0 : i32
          %dma_start3A_814 = tpu.memref_slice %arg6[%dma_start3A_803, %add3A_802, %dma_start3A_813] : memref<5x128x64xf32, #tpu.memory_space<vmem>> -> memref<1x1x64xf32, #tpu.memory_space<vmem>>
          %dma_start3A_815 = tpu.memref_squeeze %dma_start3A_814 : memref<1x1x64xf32, #tpu.memory_space<vmem>> -> memref<64xf32, #tpu.memory_space<vmem>>
          %dma_start3A_816 = arith.constant 0 : i32
          %dma_start3A_817 = tpu.memref_slice %arg3[%shift_right_arithmetic3A_796, %and3A_798, %dma_start3A_816] : memref<125000x8x64xf32, #tpu.memory_space<hbm>> -> memref<1x1x64xf32, #tpu.memory_space<hbm>>
          %dma_start3A_818 = tpu.memref_squeeze %dma_start3A_817 : memref<1x1x64xf32, #tpu.memory_space<hbm>> -> memref<64xf32, #tpu.memory_space<hbm>>
          tpu.enqueue_dma source(%dma_start3A_818 : memref<64xf32, #tpu.memory_space<hbm>>) target(%dma_start3A_815 : memref<64xf32, #tpu.memory_space<vmem>>) target_semaphore(%dma_start3A_812 : memref<!tpu.dma_semaphore, #tpu.memory_space<semaphore_mem>>)
          %slice3A_819 = vector.extract_strided_slice %get3A_535 {offsets = [11], sizes = [1], strides = [1]} : vector<16xi32> to vector<1xi32>
          %squeeze3A_820 = vector.extract %slice3A_819[0] : i32 from vector<1xi32>
          %shift_right_arithmetic3A_821 = arith.constant 3 : i32
          %shift_right_arithmetic3A_822 = arith.shrsi %squeeze3A_820, %shift_right_arithmetic3A_821 : i32
          %and3A_823 = arith.constant 7 : i32
          %and3A_824 = arith.andi %squeeze3A_820, %and3A_823 : i32
          %mul3A_825 = arith.constant 16 : i32
          %mul3A_826 = arith.muli %scan3A_529, %mul3A_825 : i32
          %add3A_827 = arith.constant 11 : i32
          %add3A_828 = arith.addi %mul3A_826, %add3A_827 : i32
          %dma_start3A_829 = arith.constant 3 : i32
          %dma_start3A_830 = arith.constant 3 : i32
          %dma_start3A_831 = arith.constant 0 : i32
          %dma_start3A_832 = tpu.memref_slice %arg6[%dma_start3A_829, %add3A_828, %dma_start3A_831] : memref<5x128x64xf32, #tpu.memory_space<vmem>> -> memref<1x1x64xf32, #tpu.memory_space<vmem>>
          %dma_start3A_833 = tpu.memref_squeeze %dma_start3A_832 : memref<1x1x64xf32, #tpu.memory_space<vmem>> -> memref<64xf32, #tpu.memory_space<vmem>>
          %dma_start3A_834 = arith.constant 0 : i32
          %dma_start3A_835 = tpu.memref_slice %arg3[%shift_right_arithmetic3A_822, %and3A_824, %dma_start3A_834] : memref<125000x8x64xf32, #tpu.memory_space<hbm>> -> memref<1x1x64xf32, #tpu.memory_space<hbm>>
          %dma_start3A_836 = tpu.memref_squeeze %dma_start3A_835 : memref<1x1x64xf32, #tpu.memory_space<hbm>> -> memref<64xf32, #tpu.memory_space<hbm>>
          %dma_start3A_837 = tpu.memref_slice %arg8[%dma_start3A_830] : memref<5x!tpu.dma_semaphore, #tpu.memory_space<semaphore_mem>> -> memref<1x!tpu.dma_semaphore, #tpu.memory_space<semaphore_mem>>
          %dma_start3A_838 = tpu.memref_squeeze %dma_start3A_837 : memref<1x!tpu.dma_semaphore, #tpu.memory_space<semaphore_mem>> -> memref<!tpu.dma_semaphore, #tpu.memory_space<semaphore_mem>>
          %dma_start3A_839 = arith.constant 0 : i32
          %dma_start3A_840 = tpu.memref_slice %arg6[%dma_start3A_829, %add3A_828, %dma_start3A_839] : memref<5x128x64xf32, #tpu.memory_space<vmem>> -> memref<1x1x64xf32, #tpu.memory_space<vmem>>
          %dma_start3A_841 = tpu.memref_squeeze %dma_start3A_840 : memref<1x1x64xf32, #tpu.memory_space<vmem>> -> memref<64xf32, #tpu.memory_space<vmem>>
          %dma_start3A_842 = arith.constant 0 : i32
          %dma_start3A_843 = tpu.memref_slice %arg3[%shift_right_arithmetic3A_822, %and3A_824, %dma_start3A_842] : memref<125000x8x64xf32, #tpu.memory_space<hbm>> -> memref<1x1x64xf32, #tpu.memory_space<hbm>>
          %dma_start3A_844 = tpu.memref_squeeze %dma_start3A_843 : memref<1x1x64xf32, #tpu.memory_space<hbm>> -> memref<64xf32, #tpu.memory_space<hbm>>
          tpu.enqueue_dma source(%dma_start3A_844 : memref<64xf32, #tpu.memory_space<hbm>>) target(%dma_start3A_841 : memref<64xf32, #tpu.memory_space<vmem>>) target_semaphore(%dma_start3A_838 : memref<!tpu.dma_semaphore, #tpu.memory_space<semaphore_mem>>)
          %slice3A_845 = vector.extract_strided_slice %get3A_535 {offsets = [12], sizes = [1], strides = [1]} : vector<16xi32> to vector<1xi32>
          %squeeze3A_846 = vector.extract %slice3A_845[0] : i32 from vector<1xi32>
          %shift_right_arithmetic3A_847 = arith.constant 3 : i32
          %shift_right_arithmetic3A_848 = arith.shrsi %squeeze3A_846, %shift_right_arithmetic3A_847 : i32
          %and3A_849 = arith.constant 7 : i32
          %and3A_850 = arith.andi %squeeze3A_846, %and3A_849 : i32
          %mul3A_851 = arith.constant 16 : i32
          %mul3A_852 = arith.muli %scan3A_529, %mul3A_851 : i32
          %add3A_853 = arith.constant 12 : i32
          %add3A_854 = arith.addi %mul3A_852, %add3A_853 : i32
          %dma_start3A_855 = arith.constant 3 : i32
          %dma_start3A_856 = arith.constant 3 : i32
          %dma_start3A_857 = arith.constant 0 : i32
          %dma_start3A_858 = tpu.memref_slice %arg6[%dma_start3A_855, %add3A_854, %dma_start3A_857] : memref<5x128x64xf32, #tpu.memory_space<vmem>> -> memref<1x1x64xf32, #tpu.memory_space<vmem>>
          %dma_start3A_859 = tpu.memref_squeeze %dma_start3A_858 : memref<1x1x64xf32, #tpu.memory_space<vmem>> -> memref<64xf32, #tpu.memory_space<vmem>>
          %dma_start3A_860 = arith.constant 0 : i32
          %dma_start3A_861 = tpu.memref_slice %arg3[%shift_right_arithmetic3A_848, %and3A_850, %dma_start3A_860] : memref<125000x8x64xf32, #tpu.memory_space<hbm>> -> memref<1x1x64xf32, #tpu.memory_space<hbm>>
          %dma_start3A_862 = tpu.memref_squeeze %dma_start3A_861 : memref<1x1x64xf32, #tpu.memory_space<hbm>> -> memref<64xf32, #tpu.memory_space<hbm>>
          %dma_start3A_863 = tpu.memref_slice %arg8[%dma_start3A_856] : memref<5x!tpu.dma_semaphore, #tpu.memory_space<semaphore_mem>> -> memref<1x!tpu.dma_semaphore, #tpu.memory_space<semaphore_mem>>
          %dma_start3A_864 = tpu.memref_squeeze %dma_start3A_863 : memref<1x!tpu.dma_semaphore, #tpu.memory_space<semaphore_mem>> -> memref<!tpu.dma_semaphore, #tpu.memory_space<semaphore_mem>>
          %dma_start3A_865 = arith.constant 0 : i32
          %dma_start3A_866 = tpu.memref_slice %arg6[%dma_start3A_855, %add3A_854, %dma_start3A_865] : memref<5x128x64xf32, #tpu.memory_space<vmem>> -> memref<1x1x64xf32, #tpu.memory_space<vmem>>
          %dma_start3A_867 = tpu.memref_squeeze %dma_start3A_866 : memref<1x1x64xf32, #tpu.memory_space<vmem>> -> memref<64xf32, #tpu.memory_space<vmem>>
          %dma_start3A_868 = arith.constant 0 : i32
          %dma_start3A_869 = tpu.memref_slice %arg3[%shift_right_arithmetic3A_848, %and3A_850, %dma_start3A_868] : memref<125000x8x64xf32, #tpu.memory_space<hbm>> -> memref<1x1x64xf32, #tpu.memory_space<hbm>>
          %dma_start3A_870 = tpu.memref_squeeze %dma_start3A_869 : memref<1x1x64xf32, #tpu.memory_space<hbm>> -> memref<64xf32, #tpu.memory_space<hbm>>
          tpu.enqueue_dma source(%dma_start3A_870 : memref<64xf32, #tpu.memory_space<hbm>>) target(%dma_start3A_867 : memref<64xf32, #tpu.memory_space<vmem>>) target_semaphore(%dma_start3A_864 : memref<!tpu.dma_semaphore, #tpu.memory_space<semaphore_mem>>)
          %slice3A_871 = vector.extract_strided_slice %get3A_535 {offsets = [13], sizes = [1], strides = [1]} : vector<16xi32> to vector<1xi32>
          %squeeze3A_872 = vector.extract %slice3A_871[0] : i32 from vector<1xi32>
          %shift_right_arithmetic3A_873 = arith.constant 3 : i32
          %shift_right_arithmetic3A_874 = arith.shrsi %squeeze3A_872, %shift_right_arithmetic3A_873 : i32
          %and3A_875 = arith.constant 7 : i32
          %and3A_876 = arith.andi %squeeze3A_872, %and3A_875 : i32
          %mul3A_877 = arith.constant 16 : i32
          %mul3A_878 = arith.muli %scan3A_529, %mul3A_877 : i32
          %add3A_879 = arith.constant 13 : i32
          %add3A_880 = arith.addi %mul3A_878, %add3A_879 : i32
          %dma_start3A_881 = arith.constant 3 : i32
          %dma_start3A_882 = arith.constant 3 : i32
          %dma_start3A_883 = arith.constant 0 : i32
          %dma_start3A_884 = tpu.memref_slice %arg6[%dma_start3A_881, %add3A_880, %dma_start3A_883] : memref<5x128x64xf32, #tpu.memory_space<vmem>> -> memref<1x1x64xf32, #tpu.memory_space<vmem>>
          %dma_start3A_885 = tpu.memref_squeeze %dma_start3A_884 : memref<1x1x64xf32, #tpu.memory_space<vmem>> -> memref<64xf32, #tpu.memory_space<vmem>>
          %dma_start3A_886 = arith.constant 0 : i32
          %dma_start3A_887 = tpu.memref_slice %arg3[%shift_right_arithmetic3A_874, %and3A_876, %dma_start3A_886] : memref<125000x8x64xf32, #tpu.memory_space<hbm>> -> memref<1x1x64xf32, #tpu.memory_space<hbm>>
          %dma_start3A_888 = tpu.memref_squeeze %dma_start3A_887 : memref<1x1x64xf32, #tpu.memory_space<hbm>> -> memref<64xf32, #tpu.memory_space<hbm>>
          %dma_start3A_889 = tpu.memref_slice %arg8[%dma_start3A_882] : memref<5x!tpu.dma_semaphore, #tpu.memory_space<semaphore_mem>> -> memref<1x!tpu.dma_semaphore, #tpu.memory_space<semaphore_mem>>
          %dma_start3A_890 = tpu.memref_squeeze %dma_start3A_889 : memref<1x!tpu.dma_semaphore, #tpu.memory_space<semaphore_mem>> -> memref<!tpu.dma_semaphore, #tpu.memory_space<semaphore_mem>>
          %dma_start3A_891 = arith.constant 0 : i32
          %dma_start3A_892 = tpu.memref_slice %arg6[%dma_start3A_881, %add3A_880, %dma_start3A_891] : memref<5x128x64xf32, #tpu.memory_space<vmem>> -> memref<1x1x64xf32, #tpu.memory_space<vmem>>
          %dma_start3A_893 = tpu.memref_squeeze %dma_start3A_892 : memref<1x1x64xf32, #tpu.memory_space<vmem>> -> memref<64xf32, #tpu.memory_space<vmem>>
          %dma_start3A_894 = arith.constant 0 : i32
          %dma_start3A_895 = tpu.memref_slice %arg3[%shift_right_arithmetic3A_874, %and3A_876, %dma_start3A_894] : memref<125000x8x64xf32, #tpu.memory_space<hbm>> -> memref<1x1x64xf32, #tpu.memory_space<hbm>>
          %dma_start3A_896 = tpu.memref_squeeze %dma_start3A_895 : memref<1x1x64xf32, #tpu.memory_space<hbm>> -> memref<64xf32, #tpu.memory_space<hbm>>
          tpu.enqueue_dma source(%dma_start3A_896 : memref<64xf32, #tpu.memory_space<hbm>>) target(%dma_start3A_893 : memref<64xf32, #tpu.memory_space<vmem>>) target_semaphore(%dma_start3A_890 : memref<!tpu.dma_semaphore, #tpu.memory_space<semaphore_mem>>)
          %slice3A_897 = vector.extract_strided_slice %get3A_535 {offsets = [14], sizes = [1], strides = [1]} : vector<16xi32> to vector<1xi32>
          %squeeze3A_898 = vector.extract %slice3A_897[0] : i32 from vector<1xi32>
          %shift_right_arithmetic3A_899 = arith.constant 3 : i32
          %shift_right_arithmetic3A_900 = arith.shrsi %squeeze3A_898, %shift_right_arithmetic3A_899 : i32
          %and3A_901 = arith.constant 7 : i32
          %and3A_902 = arith.andi %squeeze3A_898, %and3A_901 : i32
          %mul3A_903 = arith.constant 16 : i32
          %mul3A_904 = arith.muli %scan3A_529, %mul3A_903 : i32
          %add3A_905 = arith.constant 14 : i32
          %add3A_906 = arith.addi %mul3A_904, %add3A_905 : i32
          %dma_start3A_907 = arith.constant 3 : i32
          %dma_start3A_908 = arith.constant 3 : i32
          %dma_start3A_909 = arith.constant 0 : i32
          %dma_start3A_910 = tpu.memref_slice %arg6[%dma_start3A_907, %add3A_906, %dma_start3A_909] : memref<5x128x64xf32, #tpu.memory_space<vmem>> -> memref<1x1x64xf32, #tpu.memory_space<vmem>>
          %dma_start3A_911 = tpu.memref_squeeze %dma_start3A_910 : memref<1x1x64xf32, #tpu.memory_space<vmem>> -> memref<64xf32, #tpu.memory_space<vmem>>
          %dma_start3A_912 = arith.constant 0 : i32
          %dma_start3A_913 = tpu.memref_slice %arg3[%shift_right_arithmetic3A_900, %and3A_902, %dma_start3A_912] : memref<125000x8x64xf32, #tpu.memory_space<hbm>> -> memref<1x1x64xf32, #tpu.memory_space<hbm>>
          %dma_start3A_914 = tpu.memref_squeeze %dma_start3A_913 : memref<1x1x64xf32, #tpu.memory_space<hbm>> -> memref<64xf32, #tpu.memory_space<hbm>>
          %dma_start3A_915 = tpu.memref_slice %arg8[%dma_start3A_908] : memref<5x!tpu.dma_semaphore, #tpu.memory_space<semaphore_mem>> -> memref<1x!tpu.dma_semaphore, #tpu.memory_space<semaphore_mem>>
          %dma_start3A_916 = tpu.memref_squeeze %dma_start3A_915 : memref<1x!tpu.dma_semaphore, #tpu.memory_space<semaphore_mem>> -> memref<!tpu.dma_semaphore, #tpu.memory_space<semaphore_mem>>
          %dma_start3A_917 = arith.constant 0 : i32
          %dma_start3A_918 = tpu.memref_slice %arg6[%dma_start3A_907, %add3A_906, %dma_start3A_917] : memref<5x128x64xf32, #tpu.memory_space<vmem>> -> memref<1x1x64xf32, #tpu.memory_space<vmem>>
          %dma_start3A_919 = tpu.memref_squeeze %dma_start3A_918 : memref<1x1x64xf32, #tpu.memory_space<vmem>> -> memref<64xf32, #tpu.memory_space<vmem>>
          %dma_start3A_920 = arith.constant 0 : i32
          %dma_start3A_921 = tpu.memref_slice %arg3[%shift_right_arithmetic3A_900, %and3A_902, %dma_start3A_920] : memref<125000x8x64xf32, #tpu.memory_space<hbm>> -> memref<1x1x64xf32, #tpu.memory_space<hbm>>
          %dma_start3A_922 = tpu.memref_squeeze %dma_start3A_921 : memref<1x1x64xf32, #tpu.memory_space<hbm>> -> memref<64xf32, #tpu.memory_space<hbm>>
          tpu.enqueue_dma source(%dma_start3A_922 : memref<64xf32, #tpu.memory_space<hbm>>) target(%dma_start3A_919 : memref<64xf32, #tpu.memory_space<vmem>>) target_semaphore(%dma_start3A_916 : memref<!tpu.dma_semaphore, #tpu.memory_space<semaphore_mem>>)
          %slice3A_923 = vector.extract_strided_slice %get3A_535 {offsets = [15], sizes = [1], strides = [1]} : vector<16xi32> to vector<1xi32>
          %squeeze3A_924 = vector.extract %slice3A_923[0] : i32 from vector<1xi32>
          %shift_right_arithmetic3A_925 = arith.constant 3 : i32
          %shift_right_arithmetic3A_926 = arith.shrsi %squeeze3A_924, %shift_right_arithmetic3A_925 : i32
          %and3A_927 = arith.constant 7 : i32
          %and3A_928 = arith.andi %squeeze3A_924, %and3A_927 : i32
          %mul3A_929 = arith.constant 16 : i32
          %mul3A_930 = arith.muli %scan3A_529, %mul3A_929 : i32
          %add3A_931 = arith.constant 15 : i32
          %add3A_932 = arith.addi %mul3A_930, %add3A_931 : i32
          %dma_start3A_933 = arith.constant 3 : i32
          %dma_start3A_934 = arith.constant 3 : i32
          %dma_start3A_935 = arith.constant 0 : i32
          %dma_start3A_936 = tpu.memref_slice %arg6[%dma_start3A_933, %add3A_932, %dma_start3A_935] : memref<5x128x64xf32, #tpu.memory_space<vmem>> -> memref<1x1x64xf32, #tpu.memory_space<vmem>>
          %dma_start3A_937 = tpu.memref_squeeze %dma_start3A_936 : memref<1x1x64xf32, #tpu.memory_space<vmem>> -> memref<64xf32, #tpu.memory_space<vmem>>
          %dma_start3A_938 = arith.constant 0 : i32
          %dma_start3A_939 = tpu.memref_slice %arg3[%shift_right_arithmetic3A_926, %and3A_928, %dma_start3A_938] : memref<125000x8x64xf32, #tpu.memory_space<hbm>> -> memref<1x1x64xf32, #tpu.memory_space<hbm>>
          %dma_start3A_940 = tpu.memref_squeeze %dma_start3A_939 : memref<1x1x64xf32, #tpu.memory_space<hbm>> -> memref<64xf32, #tpu.memory_space<hbm>>
          %dma_start3A_941 = tpu.memref_slice %arg8[%dma_start3A_934] : memref<5x!tpu.dma_semaphore, #tpu.memory_space<semaphore_mem>> -> memref<1x!tpu.dma_semaphore, #tpu.memory_space<semaphore_mem>>
          %dma_start3A_942 = tpu.memref_squeeze %dma_start3A_941 : memref<1x!tpu.dma_semaphore, #tpu.memory_space<semaphore_mem>> -> memref<!tpu.dma_semaphore, #tpu.memory_space<semaphore_mem>>
          %dma_start3A_943 = arith.constant 0 : i32
          %dma_start3A_944 = tpu.memref_slice %arg6[%dma_start3A_933, %add3A_932, %dma_start3A_943] : memref<5x128x64xf32, #tpu.memory_space<vmem>> -> memref<1x1x64xf32, #tpu.memory_space<vmem>>
          %dma_start3A_945 = tpu.memref_squeeze %dma_start3A_944 : memref<1x1x64xf32, #tpu.memory_space<vmem>> -> memref<64xf32, #tpu.memory_space<vmem>>
          %dma_start3A_946 = arith.constant 0 : i32
          %dma_start3A_947 = tpu.memref_slice %arg3[%shift_right_arithmetic3A_926, %and3A_928, %dma_start3A_946] : memref<125000x8x64xf32, #tpu.memory_space<hbm>> -> memref<1x1x64xf32, #tpu.memory_space<hbm>>
          %dma_start3A_948 = tpu.memref_squeeze %dma_start3A_947 : memref<1x1x64xf32, #tpu.memory_space<hbm>> -> memref<64xf32, #tpu.memory_space<hbm>>
          tpu.enqueue_dma source(%dma_start3A_948 : memref<64xf32, #tpu.memory_space<hbm>>) target(%dma_start3A_945 : memref<64xf32, #tpu.memory_space<vmem>>) target_semaphore(%dma_start3A_942 : memref<!tpu.dma_semaphore, #tpu.memory_space<semaphore_mem>>)
        }
        %scan3A_528 = arith.constant 8 : i32
      } else {
      }
      %dma_wait3A_322 = arith.constant 2 : i32
      %dma_wait3A_323 = arith.constant 2 : i32
      %dma_wait3A_324 = arith.constant 0 : i32
      %dma_wait3A_325 = arith.constant 0 : i32
      %dma_wait3A_326 = tpu.memref_slice %arg6[%dma_wait3A_322, %dma_wait3A_324, %dma_wait3A_325] : memref<5x128x64xf32, #tpu.memory_space<vmem>> -> memref<1x128x64xf32, #tpu.memory_space<vmem>>
      %dma_wait3A_327 = tpu.memref_squeeze %dma_wait3A_326 : memref<1x128x64xf32, #tpu.memory_space<vmem>> -> memref<128x64xf32, #tpu.memory_space<vmem>>
      %dma_wait3A_328 = arith.constant 0 : i32
      %dma_wait3A_329 = arith.constant 0 : i32
      %dma_wait3A_330 = tpu.memref_slice %arg4[%dma_wait3A_328, %dma_wait3A_329] : memref<204800x64xf32, #tpu.memory_space<hbm>> -> memref<128x64xf32, #tpu.memory_space<hbm>>
      %dma_wait3A_331 = tpu.memref_slice %arg8[%dma_wait3A_323] : memref<5x!tpu.dma_semaphore, #tpu.memory_space<semaphore_mem>> -> memref<1x!tpu.dma_semaphore, #tpu.memory_space<semaphore_mem>>
      %dma_wait3A_332 = tpu.memref_squeeze %dma_wait3A_331 : memref<1x!tpu.dma_semaphore, #tpu.memory_space<semaphore_mem>> -> memref<!tpu.dma_semaphore, #tpu.memory_space<semaphore_mem>>
      %dma_wait3A_333 = arith.constant 0 : i32
      %dma_wait3A_334 = arith.constant 0 : i32
      %dma_wait3A_335 = tpu.memref_slice %arg6[%dma_wait3A_322, %dma_wait3A_333, %dma_wait3A_334] : memref<5x128x64xf32, #tpu.memory_space<vmem>> -> memref<1x128x64xf32, #tpu.memory_space<vmem>>
      %dma_wait3A_336 = tpu.memref_squeeze %dma_wait3A_335 : memref<1x128x64xf32, #tpu.memory_space<vmem>> -> memref<128x64xf32, #tpu.memory_space<vmem>>
      %dma_wait3A_337 = arith.constant 0 : i32
      %dma_wait3A_338 = arith.constant 0 : i32
      %dma_wait3A_339 = tpu.memref_slice %arg4[%dma_wait3A_337, %dma_wait3A_338] : memref<204800x64xf32, #tpu.memory_space<hbm>> -> memref<128x64xf32, #tpu.memory_space<hbm>>
      tpu.wait_dma2 semaphore(%dma_wait3A_332 : memref<!tpu.dma_semaphore, #tpu.memory_space<semaphore_mem>>) src(%dma_wait3A_339 : memref<128x64xf32, #tpu.memory_space<hbm>>) dst(%dma_wait3A_336 : memref<128x64xf32, #tpu.memory_space<vmem>>)
      %scan3A_340 = arith.constant 0 : i32
      %scan3A_341 = arith.constant 0 : i32
      %scan3A_342 = arith.constant 128 : i32
      %scan3A_343 = arith.addi %scan3A_341, %scan3A_342 : i32
      %scan3A_344 = arith.constant 1 : i32
      scf.for %scan3A_509 = %scan3A_341 to %scan3A_343 step %scan3A_344  : i32 {
        %get3A = arith.constant 2 : i32
        %get3A_510 = arith.index_cast %get3A : i32 to index
        %get3A_511 = arith.index_cast %scan3A_509 : i32 to index
        %get3A_512 = arith.constant 0 : index
        %get3A_513 = tpu.vector_load %arg6[%get3A_510, %get3A_511, %get3A_512] {strides = array<i32>} : memref<5x128x64xf32, #tpu.memory_space<vmem>>, vector<1x1x16xf32>,
        %get3A_514 = vector.shape_cast %get3A_513 : vector<1x1x16xf32> to vector<16xf32>
        %mul3A_515 = arith.constant 8.000000e+00 : f32
        %mul3A_516 = vector.broadcast %mul3A_515 : f32 to vector<16xf32>
        %mul3A_517 = arith.mulf %get3A_514, %mul3A_516 : vector<16xf32>
        %swap3A = arith.constant 2 : i32
        %swap3A_518 = arith.index_cast %swap3A : i32 to index
        %swap3A_519 = arith.index_cast %scan3A_509 : i32 to index
        %swap3A_520 = arith.constant 0 : index
        %swap3A_521 = tpu.vector_load %arg6[%swap3A_518, %swap3A_519, %swap3A_520] {strides = array<i32>} : memref<5x128x64xf32, #tpu.memory_space<vmem>>, vector<1x1x16xf32>,
        %swap3A_522 = vector.shape_cast %swap3A_521 : vector<1x1x16xf32> to vector<16xf32>
        %swap3A_523 = vector.shape_cast %mul3A_517 : vector<16xf32> to vector<1x1x16xf32>
        tpu.vector_store %arg6[%swap3A_518, %swap3A_519, %swap3A_520], %swap3A_523 {strides = array<i32>} : memref<5x128x64xf32, #tpu.memory_space<vmem>>, vector<1x1x16xf32>,
        %get3A_524 = arith.constant 2 : i32
        %get3A_525 = arith.index_cast %get3A_524 : i32 to index
        %get3A_526 = arith.index_cast %scan3A_509 : i32 to index
        %get3A_527 = arith.constant 16 : index
        %get3A_528 = tpu.vector_load %arg6[%get3A_525, %get3A_526, %get3A_527] {strides = array<i32>} : memref<5x128x64xf32, #tpu.memory_space<vmem>>, vector<1x1x16xf32>,
        %get3A_529 = vector.shape_cast %get3A_528 : vector<1x1x16xf32> to vector<16xf32>
        %mul3A_530 = arith.constant 8.000000e+00 : f32
        %mul3A_531 = vector.broadcast %mul3A_530 : f32 to vector<16xf32>
        %mul3A_532 = arith.mulf %get3A_529, %mul3A_531 : vector<16xf32>
        %swap3A_533 = arith.constant 2 : i32
        %swap3A_534 = arith.index_cast %swap3A_533 : i32 to index
        %swap3A_535 = arith.index_cast %scan3A_509 : i32 to index
        %swap3A_536 = arith.constant 16 : index
        %swap3A_537 = tpu.vector_load %arg6[%swap3A_534, %swap3A_535, %swap3A_536] {strides = array<i32>} : memref<5x128x64xf32, #tpu.memory_space<vmem>>, vector<1x1x16xf32>,
        %swap3A_538 = vector.shape_cast %swap3A_537 : vector<1x1x16xf32> to vector<16xf32>
        %swap3A_539 = vector.shape_cast %mul3A_532 : vector<16xf32> to vector<1x1x16xf32>
        tpu.vector_store %arg6[%swap3A_534, %swap3A_535, %swap3A_536], %swap3A_539 {strides = array<i32>} : memref<5x128x64xf32, #tpu.memory_space<vmem>>, vector<1x1x16xf32>,
        %get3A_540 = arith.constant 2 : i32
        %get3A_541 = arith.index_cast %get3A_540 : i32 to index
        %get3A_542 = arith.index_cast %scan3A_509 : i32 to index
        %get3A_543 = arith.constant 32 : index
        %get3A_544 = tpu.vector_load %arg6[%get3A_541, %get3A_542, %get3A_543] {strides = array<i32>} : memref<5x128x64xf32, #tpu.memory_space<vmem>>, vector<1x1x16xf32>,
        %get3A_545 = vector.shape_cast %get3A_544 : vector<1x1x16xf32> to vector<16xf32>
        %mul3A_546 = arith.constant 8.000000e+00 : f32
        %mul3A_547 = vector.broadcast %mul3A_546 : f32 to vector<16xf32>
        %mul3A_548 = arith.mulf %get3A_545, %mul3A_547 : vector<16xf32>
        %swap3A_549 = arith.constant 2 : i32
        %swap3A_550 = arith.index_cast %swap3A_549 : i32 to index
        %swap3A_551 = arith.index_cast %scan3A_509 : i32 to index
        %swap3A_552 = arith.constant 32 : index
        %swap3A_553 = tpu.vector_load %arg6[%swap3A_550, %swap3A_551, %swap3A_552] {strides = array<i32>} : memref<5x128x64xf32, #tpu.memory_space<vmem>>, vector<1x1x16xf32>,
        %swap3A_554 = vector.shape_cast %swap3A_553 : vector<1x1x16xf32> to vector<16xf32>
        %swap3A_555 = vector.shape_cast %mul3A_548 : vector<16xf32> to vector<1x1x16xf32>
        tpu.vector_store %arg6[%swap3A_550, %swap3A_551, %swap3A_552], %swap3A_555 {strides = array<i32>} : memref<5x128x64xf32, #tpu.memory_space<vmem>>, vector<1x1x16xf32>,
        %get3A_556 = arith.constant 2 : i32
        %get3A_557 = arith.index_cast %get3A_556 : i32 to index
        %get3A_558 = arith.index_cast %scan3A_509 : i32 to index
        %get3A_559 = arith.constant 48 : index
        %get3A_560 = tpu.vector_load %arg6[%get3A_557, %get3A_558, %get3A_559] {strides = array<i32>} : memref<5x128x64xf32, #tpu.memory_space<vmem>>, vector<1x1x16xf32>,
        %get3A_561 = vector.shape_cast %get3A_560 : vector<1x1x16xf32> to vector<16xf32>
        %mul3A_562 = arith.constant 8.000000e+00 : f32
        %mul3A_563 = vector.broadcast %mul3A_562 : f32 to vector<16xf32>
        %mul3A_564 = arith.mulf %get3A_561, %mul3A_563 : vector<16xf32>
        %swap3A_565 = arith.constant 2 : i32
        %swap3A_566 = arith.index_cast %swap3A_565 : i32 to index
        %swap3A_567 = arith.index_cast %scan3A_509 : i32 to index
        %swap3A_568 = arith.constant 48 : index
        %swap3A_569 = tpu.vector_load %arg6[%swap3A_566, %swap3A_567, %swap3A_568] {strides = array<i32>} : memref<5x128x64xf32, #tpu.memory_space<vmem>>, vector<1x1x16xf32>,
        %swap3A_570 = vector.shape_cast %swap3A_569 : vector<1x1x16xf32> to vector<16xf32>
        %swap3A_571 = vector.shape_cast %mul3A_564 : vector<16xf32> to vector<1x1x16xf32>
        tpu.vector_store %arg6[%swap3A_566, %swap3A_567, %swap3A_568], %swap3A_571 {strides = array<i32>} : memref<5x128x64xf32, #tpu.memory_space<vmem>>, vector<1x1x16xf32>,
      }
      %scan3A_345 = arith.constant 128 : i32
      %mul3A_346 = arith.constant 32 : i32
      %mul3A_347 = arith.muli %add3A_299, %mul3A_346 : i32
      %add3A_348 = arith.addi %mul3A_347, %add3A : i32
      %mul3A_349 = arith.constant 128 : i32
      %mul3A_350 = arith.muli %add3A_348, %mul3A_349 : i32
      %dma_start3A_351 = arith.constant 2 : i32
      %dma_start3A_352 = arith.constant 2 : i32
      %dma_start3A_353 = arith.constant 0 : i32
      %dma_start3A_354 = arith.constant 0 : i32
      %dma_start3A_355 = tpu.memref_slice %arg6[%dma_start3A_351, %dma_start3A_353, %dma_start3A_354] : memref<5x128x64xf32, #tpu.memory_space<vmem>> -> memref<1x128x64xf32, #tpu.memory_space<vmem>>
      %dma_start3A_356 = tpu.memref_squeeze %dma_start3A_355 : memref<1x128x64xf32, #tpu.memory_space<vmem>> -> memref<128x64xf32, #tpu.memory_space<vmem>>
      %dma_start3A_357 = arith.constant 0 : i32
      %dma_start3A_358 = tpu.memref_slice %arg4[%mul3A_350, %dma_start3A_357] : memref<204800x64xf32, #tpu.memory_space<hbm>> -> memref<128x64xf32, #tpu.memory_space<hbm>>
      %dma_start3A_359 = tpu.memref_slice %arg9[%dma_start3A_352] : memref<5x!tpu.dma_semaphore, #tpu.memory_space<semaphore_mem>> -> memref<1x!tpu.dma_semaphore, #tpu.memory_space<semaphore_mem>>
      %dma_start3A_360 = tpu.memref_squeeze %dma_start3A_359 : memref<1x!tpu.dma_semaphore, #tpu.memory_space<semaphore_mem>> -> memref<!tpu.dma_semaphore, #tpu.memory_space<semaphore_mem>>
      %dma_start3A_361 = arith.constant 0 : i32
      %dma_start3A_362 = tpu.memref_slice %arg4[%mul3A_350, %dma_start3A_361] : memref<204800x64xf32, #tpu.memory_space<hbm>> -> memref<128x64xf32, #tpu.memory_space<hbm>>
      %dma_start3A_363 = arith.constant 0 : i32
      %dma_start3A_364 = arith.constant 0 : i32
      %dma_start3A_365 = tpu.memref_slice %arg6[%dma_start3A_351, %dma_start3A_363, %dma_start3A_364] : memref<5x128x64xf32, #tpu.memory_space<vmem>> -> memref<1x128x64xf32, #tpu.memory_space<vmem>>
      %dma_start3A_366 = tpu.memref_squeeze %dma_start3A_365 : memref<1x128x64xf32, #tpu.memory_space<vmem>> -> memref<128x64xf32, #tpu.memory_space<vmem>>
      tpu.enqueue_dma source(%dma_start3A_366 : memref<128x64xf32, #tpu.memory_space<vmem>>) target(%dma_start3A_362 : memref<128x64xf32, #tpu.memory_space<hbm>>) target_semaphore(%dma_start3A_360 : memref<!tpu.dma_semaphore, #tpu.memory_space<semaphore_mem>>)
      %mul3A_367 = arith.constant 5 : i32
      %mul3A_368 = arith.muli %scan3A_158, %mul3A_367 : i32
      %add3A_369 = arith.constant 3 : i32
      %add3A_370 = arith.addi %mul3A_368, %add3A_369 : i32
      %add3A_371 = arith.constant 3 : i32
      %add3A_372 = arith.addi %add3A_370, %add3A_371 : i32
      %add3A_373 = arith.constant 1 : i32
      %add3A_374 = arith.addi %add3A_370, %add3A_373 : i32
      %lt3A_375 = arith.constant 50 : i32
      %lt3A_376 = arith.cmpi slt, %add3A_372, %lt3A_375 : i32
      %convert_element_type3A_377 = arith.extui %lt3A_376 : i1 to i32
      %cond3A_378 = arith.constant 0 : i32
      %cond3A_379 = arith.cmpi ne, %convert_element_type3A_377, %cond3A_378 : i32
      scf.if %cond3A_379 {
        %mul3A_509 = arith.constant 4096 : i32
        %mul3A_510 = arith.muli %add3A_372, %mul3A_509 : i32
        %add3A_511 = arith.addi %mul3A_510, %mul3A_2 : i32
        %dma_start3A_512 = arith.constant 1 : i32
        %dma_start3A_513 = arith.constant 1 : i32
        %dma_start3A_514 = arith.constant 0 : i32
        %dma_start3A_515 = tpu.memref_slice %arg5[%dma_start3A_512, %dma_start3A_514] : memref<5x128xi32, #tpu.memory_space<vmem>> -> memref<1x128xi32, #tpu.memory_space<vmem>>
        %dma_start3A_516 = tpu.memref_squeeze %dma_start3A_515 : memref<1x128xi32, #tpu.memory_space<vmem>> -> memref<128xi32, #tpu.memory_space<vmem>>
        %dma_start3A_517 = tpu.memref_slice %arg2[%add3A_511] : memref<204800xi32, #tpu.memory_space<hbm>> -> memref<128xi32, #tpu.memory_space<hbm>>
        %dma_start3A_518 = tpu.memref_slice %arg7[%dma_start3A_513] : memref<5x!tpu.dma_semaphore, #tpu.memory_space<semaphore_mem>> -> memref<1x!tpu.dma_semaphore, #tpu.memory_space<semaphore_mem>>
        %dma_start3A_519 = tpu.memref_squeeze %dma_start3A_518 : memref<1x!tpu.dma_semaphore, #tpu.memory_space<semaphore_mem>> -> memref<!tpu.dma_semaphore, #tpu.memory_space<semaphore_mem>>
        %dma_start3A_520 = arith.constant 0 : i32
        %dma_start3A_521 = tpu.memref_slice %arg5[%dma_start3A_512, %dma_start3A_520] : memref<5x128xi32, #tpu.memory_space<vmem>> -> memref<1x128xi32, #tpu.memory_space<vmem>>
        %dma_start3A_522 = tpu.memref_squeeze %dma_start3A_521 : memref<1x128xi32, #tpu.memory_space<vmem>> -> memref<128xi32, #tpu.memory_space<vmem>>
        %dma_start3A_523 = tpu.memref_slice %arg2[%add3A_511] : memref<204800xi32, #tpu.memory_space<hbm>> -> memref<128xi32, #tpu.memory_space<hbm>>
        tpu.enqueue_dma source(%dma_start3A_523 : memref<128xi32, #tpu.memory_space<hbm>>) target(%dma_start3A_522 : memref<128xi32, #tpu.memory_space<vmem>>) target_semaphore(%dma_start3A_519 : memref<!tpu.dma_semaphore, #tpu.memory_space<semaphore_mem>>)
      } else {
      }
      %ge3A_380 = arith.constant 5 : i32
      %ge3A_381 = arith.cmpi sge, %add3A_374, %ge3A_380 : i32
      %lt3A_382 = arith.constant 50 : i32
      %lt3A_383 = arith.cmpi slt, %add3A_374, %lt3A_382 : i32
      %and3A_384 = arith.andi %ge3A_381, %lt3A_383 : i1
      %convert_element_type3A_385 = arith.extui %and3A_384 : i1 to i32
      %cond3A_386 = arith.constant 0 : i32
      %cond3A_387 = arith.cmpi ne, %convert_element_type3A_385, %cond3A_386 : i32
      scf.if %cond3A_387 {
        %dma_wait3A_509 = arith.constant 4 : i32
        %dma_wait3A_510 = arith.constant 4 : i32
        %dma_wait3A_511 = arith.constant 0 : i32
        %dma_wait3A_512 = arith.constant 0 : i32
        %dma_wait3A_513 = tpu.memref_slice %arg6[%dma_wait3A_509, %dma_wait3A_511, %dma_wait3A_512] : memref<5x128x64xf32, #tpu.memory_space<vmem>> -> memref<1x128x64xf32, #tpu.memory_space<vmem>>
        %dma_wait3A_514 = tpu.memref_squeeze %dma_wait3A_513 : memref<1x128x64xf32, #tpu.memory_space<vmem>> -> memref<128x64xf32, #tpu.memory_space<vmem>>
        %dma_wait3A_515 = arith.constant 0 : i32
        %dma_wait3A_516 = arith.constant 0 : i32
        %dma_wait3A_517 = tpu.memref_slice %arg4[%dma_wait3A_515, %dma_wait3A_516] : memref<204800x64xf32, #tpu.memory_space<hbm>> -> memref<128x64xf32, #tpu.memory_space<hbm>>
        %dma_wait3A_518 = tpu.memref_slice %arg9[%dma_wait3A_510] : memref<5x!tpu.dma_semaphore, #tpu.memory_space<semaphore_mem>> -> memref<1x!tpu.dma_semaphore, #tpu.memory_space<semaphore_mem>>
        %dma_wait3A_519 = tpu.memref_squeeze %dma_wait3A_518 : memref<1x!tpu.dma_semaphore, #tpu.memory_space<semaphore_mem>> -> memref<!tpu.dma_semaphore, #tpu.memory_space<semaphore_mem>>
        %dma_wait3A_520 = arith.constant 0 : i32
        %dma_wait3A_521 = arith.constant 0 : i32
        %dma_wait3A_522 = tpu.memref_slice %arg4[%dma_wait3A_520, %dma_wait3A_521] : memref<204800x64xf32, #tpu.memory_space<hbm>> -> memref<128x64xf32, #tpu.memory_space<hbm>>
        %dma_wait3A_523 = arith.constant 0 : i32
        %dma_wait3A_524 = arith.constant 0 : i32
        %dma_wait3A_525 = tpu.memref_slice %arg6[%dma_wait3A_509, %dma_wait3A_523, %dma_wait3A_524] : memref<5x128x64xf32, #tpu.memory_space<vmem>> -> memref<1x128x64xf32, #tpu.memory_space<vmem>>
        %dma_wait3A_526 = tpu.memref_squeeze %dma_wait3A_525 : memref<1x128x64xf32, #tpu.memory_space<vmem>> -> memref<128x64xf32, #tpu.memory_space<vmem>>
        tpu.wait_dma2 semaphore(%dma_wait3A_519 : memref<!tpu.dma_semaphore, #tpu.memory_space<semaphore_mem>>) src(%dma_wait3A_526 : memref<128x64xf32, #tpu.memory_space<vmem>>) dst(%dma_wait3A_522 : memref<128x64xf32, #tpu.memory_space<hbm>>)
      } else {
      }
      %lt3A_388 = arith.constant 50 : i32
      %lt3A_389 = arith.cmpi slt, %add3A_374, %lt3A_388 : i32
      %convert_element_type3A_390 = arith.extui %lt3A_389 : i1 to i32
      %cond3A_391 = arith.constant 0 : i32
      %cond3A_392 = arith.cmpi ne, %convert_element_type3A_390, %cond3A_391 : i32
      scf.if %cond3A_392 {
        %dma_wait3A_509 = arith.constant 4 : i32
        %dma_wait3A_510 = arith.constant 4 : i32
        %dma_wait3A_511 = arith.constant 0 : i32
        %dma_wait3A_512 = tpu.memref_slice %arg5[%dma_wait3A_509, %dma_wait3A_511] : memref<5x128xi32, #tpu.memory_space<vmem>> -> memref<1x128xi32, #tpu.memory_space<vmem>>
        %dma_wait3A_513 = tpu.memref_squeeze %dma_wait3A_512 : memref<1x128xi32, #tpu.memory_space<vmem>> -> memref<128xi32, #tpu.memory_space<vmem>>
        %dma_wait3A_514 = arith.constant 0 : i32
        %dma_wait3A_515 = tpu.memref_slice %arg2[%dma_wait3A_514] : memref<204800xi32, #tpu.memory_space<hbm>> -> memref<128xi32, #tpu.memory_space<hbm>>
        %dma_wait3A_516 = tpu.memref_slice %arg7[%dma_wait3A_510] : memref<5x!tpu.dma_semaphore, #tpu.memory_space<semaphore_mem>> -> memref<1x!tpu.dma_semaphore, #tpu.memory_space<semaphore_mem>>
        %dma_wait3A_517 = tpu.memref_squeeze %dma_wait3A_516 : memref<1x!tpu.dma_semaphore, #tpu.memory_space<semaphore_mem>> -> memref<!tpu.dma_semaphore, #tpu.memory_space<semaphore_mem>>
        %dma_wait3A_518 = arith.constant 0 : i32
        %dma_wait3A_519 = tpu.memref_slice %arg5[%dma_wait3A_509, %dma_wait3A_518] : memref<5x128xi32, #tpu.memory_space<vmem>> -> memref<1x128xi32, #tpu.memory_space<vmem>>
        %dma_wait3A_520 = tpu.memref_squeeze %dma_wait3A_519 : memref<1x128xi32, #tpu.memory_space<vmem>> -> memref<128xi32, #tpu.memory_space<vmem>>
        %dma_wait3A_521 = arith.constant 0 : i32
        %dma_wait3A_522 = tpu.memref_slice %arg2[%dma_wait3A_521] : memref<204800xi32, #tpu.memory_space<hbm>> -> memref<128xi32, #tpu.memory_space<hbm>>
        tpu.wait_dma2 semaphore(%dma_wait3A_517 : memref<!tpu.dma_semaphore, #tpu.memory_space<semaphore_mem>>) src(%dma_wait3A_522 : memref<128xi32, #tpu.memory_space<hbm>>) dst(%dma_wait3A_520 : memref<128xi32, #tpu.memory_space<vmem>>)
        %scan3A_523 = arith.constant 0 : i32
        %scan3A_524 = arith.constant 0 : i32
        %scan3A_525 = arith.constant 8 : i32
        %scan3A_526 = arith.addi %scan3A_524, %scan3A_525 : i32
        %scan3A_527 = arith.constant 1 : i32
        scf.for %scan3A_529 = %scan3A_524 to %scan3A_526 step %scan3A_527  : i32 {
          %mul3A_530 = arith.constant 16 : i32
          %mul3A_531 = arith.muli %scan3A_529, %mul3A_530 : i32
          %get3A = arith.constant 4 : i32
          %get3A_532 = arith.index_cast %get3A : i32 to index
          %get3A_533 = arith.index_cast %mul3A_531 : i32 to index
          %get3A_534 = tpu.vector_load %arg5[%get3A_532, %get3A_533] {strides = array<i32>} : memref<5x128xi32, #tpu.memory_space<vmem>>, vector<1x16xi32>,
          %get3A_535 = vector.shape_cast %get3A_534 : vector<1x16xi32> to vector<16xi32>
          %slice3A = vector.extract_strided_slice %get3A_535 {offsets = [0], sizes = [1], strides = [1]} : vector<16xi32> to vector<1xi32>
          %squeeze3A = vector.extract %slice3A[0] : i32 from vector<1xi32>
          %shift_right_arithmetic3A = arith.constant 3 : i32
          %shift_right_arithmetic3A_536 = arith.shrsi %squeeze3A, %shift_right_arithmetic3A : i32
          %and3A_537 = arith.constant 7 : i32
          %and3A_538 = arith.andi %squeeze3A, %and3A_537 : i32
          %mul3A_539 = arith.constant 16 : i32
          %mul3A_540 = arith.muli %scan3A_529, %mul3A_539 : i32
          %add3A_541 = arith.constant 0 : i32
          %add3A_542 = arith.addi %mul3A_540, %add3A_541 : i32
          %dma_start3A_543 = arith.constant 4 : i32
          %dma_start3A_544 = arith.constant 4 : i32
          %dma_start3A_545 = arith.constant 0 : i32
          %dma_start3A_546 = tpu.memref_slice %arg6[%dma_start3A_543, %add3A_542, %dma_start3A_545] : memref<5x128x64xf32, #tpu.memory_space<vmem>> -> memref<1x1x64xf32, #tpu.memory_space<vmem>>
          %dma_start3A_547 = tpu.memref_squeeze %dma_start3A_546 : memref<1x1x64xf32, #tpu.memory_space<vmem>> -> memref<64xf32, #tpu.memory_space<vmem>>
          %dma_start3A_548 = arith.constant 0 : i32
          %dma_start3A_549 = tpu.memref_slice %arg3[%shift_right_arithmetic3A_536, %and3A_538, %dma_start3A_548] : memref<125000x8x64xf32, #tpu.memory_space<hbm>> -> memref<1x1x64xf32, #tpu.memory_space<hbm>>
          %dma_start3A_550 = tpu.memref_squeeze %dma_start3A_549 : memref<1x1x64xf32, #tpu.memory_space<hbm>> -> memref<64xf32, #tpu.memory_space<hbm>>
          %dma_start3A_551 = tpu.memref_slice %arg8[%dma_start3A_544] : memref<5x!tpu.dma_semaphore, #tpu.memory_space<semaphore_mem>> -> memref<1x!tpu.dma_semaphore, #tpu.memory_space<semaphore_mem>>
          %dma_start3A_552 = tpu.memref_squeeze %dma_start3A_551 : memref<1x!tpu.dma_semaphore, #tpu.memory_space<semaphore_mem>> -> memref<!tpu.dma_semaphore, #tpu.memory_space<semaphore_mem>>
          %dma_start3A_553 = arith.constant 0 : i32
          %dma_start3A_554 = tpu.memref_slice %arg6[%dma_start3A_543, %add3A_542, %dma_start3A_553] : memref<5x128x64xf32, #tpu.memory_space<vmem>> -> memref<1x1x64xf32, #tpu.memory_space<vmem>>
          %dma_start3A_555 = tpu.memref_squeeze %dma_start3A_554 : memref<1x1x64xf32, #tpu.memory_space<vmem>> -> memref<64xf32, #tpu.memory_space<vmem>>
          %dma_start3A_556 = arith.constant 0 : i32
          %dma_start3A_557 = tpu.memref_slice %arg3[%shift_right_arithmetic3A_536, %and3A_538, %dma_start3A_556] : memref<125000x8x64xf32, #tpu.memory_space<hbm>> -> memref<1x1x64xf32, #tpu.memory_space<hbm>>
          %dma_start3A_558 = tpu.memref_squeeze %dma_start3A_557 : memref<1x1x64xf32, #tpu.memory_space<hbm>> -> memref<64xf32, #tpu.memory_space<hbm>>
          tpu.enqueue_dma source(%dma_start3A_558 : memref<64xf32, #tpu.memory_space<hbm>>) target(%dma_start3A_555 : memref<64xf32, #tpu.memory_space<vmem>>) target_semaphore(%dma_start3A_552 : memref<!tpu.dma_semaphore, #tpu.memory_space<semaphore_mem>>)
          %slice3A_559 = vector.extract_strided_slice %get3A_535 {offsets = [1], sizes = [1], strides = [1]} : vector<16xi32> to vector<1xi32>
          %squeeze3A_560 = vector.extract %slice3A_559[0] : i32 from vector<1xi32>
          %shift_right_arithmetic3A_561 = arith.constant 3 : i32
          %shift_right_arithmetic3A_562 = arith.shrsi %squeeze3A_560, %shift_right_arithmetic3A_561 : i32
          %and3A_563 = arith.constant 7 : i32
          %and3A_564 = arith.andi %squeeze3A_560, %and3A_563 : i32
          %mul3A_565 = arith.constant 16 : i32
          %mul3A_566 = arith.muli %scan3A_529, %mul3A_565 : i32
          %add3A_567 = arith.constant 1 : i32
          %add3A_568 = arith.addi %mul3A_566, %add3A_567 : i32
          %dma_start3A_569 = arith.constant 4 : i32
          %dma_start3A_570 = arith.constant 4 : i32
          %dma_start3A_571 = arith.constant 0 : i32
          %dma_start3A_572 = tpu.memref_slice %arg6[%dma_start3A_569, %add3A_568, %dma_start3A_571] : memref<5x128x64xf32, #tpu.memory_space<vmem>> -> memref<1x1x64xf32, #tpu.memory_space<vmem>>
          %dma_start3A_573 = tpu.memref_squeeze %dma_start3A_572 : memref<1x1x64xf32, #tpu.memory_space<vmem>> -> memref<64xf32, #tpu.memory_space<vmem>>
          %dma_start3A_574 = arith.constant 0 : i32
          %dma_start3A_575 = tpu.memref_slice %arg3[%shift_right_arithmetic3A_562, %and3A_564, %dma_start3A_574] : memref<125000x8x64xf32, #tpu.memory_space<hbm>> -> memref<1x1x64xf32, #tpu.memory_space<hbm>>
          %dma_start3A_576 = tpu.memref_squeeze %dma_start3A_575 : memref<1x1x64xf32, #tpu.memory_space<hbm>> -> memref<64xf32, #tpu.memory_space<hbm>>
          %dma_start3A_577 = tpu.memref_slice %arg8[%dma_start3A_570] : memref<5x!tpu.dma_semaphore, #tpu.memory_space<semaphore_mem>> -> memref<1x!tpu.dma_semaphore, #tpu.memory_space<semaphore_mem>>
          %dma_start3A_578 = tpu.memref_squeeze %dma_start3A_577 : memref<1x!tpu.dma_semaphore, #tpu.memory_space<semaphore_mem>> -> memref<!tpu.dma_semaphore, #tpu.memory_space<semaphore_mem>>
          %dma_start3A_579 = arith.constant 0 : i32
          %dma_start3A_580 = tpu.memref_slice %arg6[%dma_start3A_569, %add3A_568, %dma_start3A_579] : memref<5x128x64xf32, #tpu.memory_space<vmem>> -> memref<1x1x64xf32, #tpu.memory_space<vmem>>
          %dma_start3A_581 = tpu.memref_squeeze %dma_start3A_580 : memref<1x1x64xf32, #tpu.memory_space<vmem>> -> memref<64xf32, #tpu.memory_space<vmem>>
          %dma_start3A_582 = arith.constant 0 : i32
          %dma_start3A_583 = tpu.memref_slice %arg3[%shift_right_arithmetic3A_562, %and3A_564, %dma_start3A_582] : memref<125000x8x64xf32, #tpu.memory_space<hbm>> -> memref<1x1x64xf32, #tpu.memory_space<hbm>>
          %dma_start3A_584 = tpu.memref_squeeze %dma_start3A_583 : memref<1x1x64xf32, #tpu.memory_space<hbm>> -> memref<64xf32, #tpu.memory_space<hbm>>
          tpu.enqueue_dma source(%dma_start3A_584 : memref<64xf32, #tpu.memory_space<hbm>>) target(%dma_start3A_581 : memref<64xf32, #tpu.memory_space<vmem>>) target_semaphore(%dma_start3A_578 : memref<!tpu.dma_semaphore, #tpu.memory_space<semaphore_mem>>)
          %slice3A_585 = vector.extract_strided_slice %get3A_535 {offsets = [2], sizes = [1], strides = [1]} : vector<16xi32> to vector<1xi32>
          %squeeze3A_586 = vector.extract %slice3A_585[0] : i32 from vector<1xi32>
          %shift_right_arithmetic3A_587 = arith.constant 3 : i32
          %shift_right_arithmetic3A_588 = arith.shrsi %squeeze3A_586, %shift_right_arithmetic3A_587 : i32
          %and3A_589 = arith.constant 7 : i32
          %and3A_590 = arith.andi %squeeze3A_586, %and3A_589 : i32
          %mul3A_591 = arith.constant 16 : i32
          %mul3A_592 = arith.muli %scan3A_529, %mul3A_591 : i32
          %add3A_593 = arith.constant 2 : i32
          %add3A_594 = arith.addi %mul3A_592, %add3A_593 : i32
          %dma_start3A_595 = arith.constant 4 : i32
          %dma_start3A_596 = arith.constant 4 : i32
          %dma_start3A_597 = arith.constant 0 : i32
          %dma_start3A_598 = tpu.memref_slice %arg6[%dma_start3A_595, %add3A_594, %dma_start3A_597] : memref<5x128x64xf32, #tpu.memory_space<vmem>> -> memref<1x1x64xf32, #tpu.memory_space<vmem>>
          %dma_start3A_599 = tpu.memref_squeeze %dma_start3A_598 : memref<1x1x64xf32, #tpu.memory_space<vmem>> -> memref<64xf32, #tpu.memory_space<vmem>>
          %dma_start3A_600 = arith.constant 0 : i32
          %dma_start3A_601 = tpu.memref_slice %arg3[%shift_right_arithmetic3A_588, %and3A_590, %dma_start3A_600] : memref<125000x8x64xf32, #tpu.memory_space<hbm>> -> memref<1x1x64xf32, #tpu.memory_space<hbm>>
          %dma_start3A_602 = tpu.memref_squeeze %dma_start3A_601 : memref<1x1x64xf32, #tpu.memory_space<hbm>> -> memref<64xf32, #tpu.memory_space<hbm>>
          %dma_start3A_603 = tpu.memref_slice %arg8[%dma_start3A_596] : memref<5x!tpu.dma_semaphore, #tpu.memory_space<semaphore_mem>> -> memref<1x!tpu.dma_semaphore, #tpu.memory_space<semaphore_mem>>
          %dma_start3A_604 = tpu.memref_squeeze %dma_start3A_603 : memref<1x!tpu.dma_semaphore, #tpu.memory_space<semaphore_mem>> -> memref<!tpu.dma_semaphore, #tpu.memory_space<semaphore_mem>>
          %dma_start3A_605 = arith.constant 0 : i32
          %dma_start3A_606 = tpu.memref_slice %arg6[%dma_start3A_595, %add3A_594, %dma_start3A_605] : memref<5x128x64xf32, #tpu.memory_space<vmem>> -> memref<1x1x64xf32, #tpu.memory_space<vmem>>
          %dma_start3A_607 = tpu.memref_squeeze %dma_start3A_606 : memref<1x1x64xf32, #tpu.memory_space<vmem>> -> memref<64xf32, #tpu.memory_space<vmem>>
          %dma_start3A_608 = arith.constant 0 : i32
          %dma_start3A_609 = tpu.memref_slice %arg3[%shift_right_arithmetic3A_588, %and3A_590, %dma_start3A_608] : memref<125000x8x64xf32, #tpu.memory_space<hbm>> -> memref<1x1x64xf32, #tpu.memory_space<hbm>>
          %dma_start3A_610 = tpu.memref_squeeze %dma_start3A_609 : memref<1x1x64xf32, #tpu.memory_space<hbm>> -> memref<64xf32, #tpu.memory_space<hbm>>
          tpu.enqueue_dma source(%dma_start3A_610 : memref<64xf32, #tpu.memory_space<hbm>>) target(%dma_start3A_607 : memref<64xf32, #tpu.memory_space<vmem>>) target_semaphore(%dma_start3A_604 : memref<!tpu.dma_semaphore, #tpu.memory_space<semaphore_mem>>)
          %slice3A_611 = vector.extract_strided_slice %get3A_535 {offsets = [3], sizes = [1], strides = [1]} : vector<16xi32> to vector<1xi32>
          %squeeze3A_612 = vector.extract %slice3A_611[0] : i32 from vector<1xi32>
          %shift_right_arithmetic3A_613 = arith.constant 3 : i32
          %shift_right_arithmetic3A_614 = arith.shrsi %squeeze3A_612, %shift_right_arithmetic3A_613 : i32
          %and3A_615 = arith.constant 7 : i32
          %and3A_616 = arith.andi %squeeze3A_612, %and3A_615 : i32
          %mul3A_617 = arith.constant 16 : i32
          %mul3A_618 = arith.muli %scan3A_529, %mul3A_617 : i32
          %add3A_619 = arith.constant 3 : i32
          %add3A_620 = arith.addi %mul3A_618, %add3A_619 : i32
          %dma_start3A_621 = arith.constant 4 : i32
          %dma_start3A_622 = arith.constant 4 : i32
          %dma_start3A_623 = arith.constant 0 : i32
          %dma_start3A_624 = tpu.memref_slice %arg6[%dma_start3A_621, %add3A_620, %dma_start3A_623] : memref<5x128x64xf32, #tpu.memory_space<vmem>> -> memref<1x1x64xf32, #tpu.memory_space<vmem>>
          %dma_start3A_625 = tpu.memref_squeeze %dma_start3A_624 : memref<1x1x64xf32, #tpu.memory_space<vmem>> -> memref<64xf32, #tpu.memory_space<vmem>>
          %dma_start3A_626 = arith.constant 0 : i32
          %dma_start3A_627 = tpu.memref_slice %arg3[%shift_right_arithmetic3A_614, %and3A_616, %dma_start3A_626] : memref<125000x8x64xf32, #tpu.memory_space<hbm>> -> memref<1x1x64xf32, #tpu.memory_space<hbm>>
          %dma_start3A_628 = tpu.memref_squeeze %dma_start3A_627 : memref<1x1x64xf32, #tpu.memory_space<hbm>> -> memref<64xf32, #tpu.memory_space<hbm>>
          %dma_start3A_629 = tpu.memref_slice %arg8[%dma_start3A_622] : memref<5x!tpu.dma_semaphore, #tpu.memory_space<semaphore_mem>> -> memref<1x!tpu.dma_semaphore, #tpu.memory_space<semaphore_mem>>
          %dma_start3A_630 = tpu.memref_squeeze %dma_start3A_629 : memref<1x!tpu.dma_semaphore, #tpu.memory_space<semaphore_mem>> -> memref<!tpu.dma_semaphore, #tpu.memory_space<semaphore_mem>>
          %dma_start3A_631 = arith.constant 0 : i32
          %dma_start3A_632 = tpu.memref_slice %arg6[%dma_start3A_621, %add3A_620, %dma_start3A_631] : memref<5x128x64xf32, #tpu.memory_space<vmem>> -> memref<1x1x64xf32, #tpu.memory_space<vmem>>
          %dma_start3A_633 = tpu.memref_squeeze %dma_start3A_632 : memref<1x1x64xf32, #tpu.memory_space<vmem>> -> memref<64xf32, #tpu.memory_space<vmem>>
          %dma_start3A_634 = arith.constant 0 : i32
          %dma_start3A_635 = tpu.memref_slice %arg3[%shift_right_arithmetic3A_614, %and3A_616, %dma_start3A_634] : memref<125000x8x64xf32, #tpu.memory_space<hbm>> -> memref<1x1x64xf32, #tpu.memory_space<hbm>>
          %dma_start3A_636 = tpu.memref_squeeze %dma_start3A_635 : memref<1x1x64xf32, #tpu.memory_space<hbm>> -> memref<64xf32, #tpu.memory_space<hbm>>
          tpu.enqueue_dma source(%dma_start3A_636 : memref<64xf32, #tpu.memory_space<hbm>>) target(%dma_start3A_633 : memref<64xf32, #tpu.memory_space<vmem>>) target_semaphore(%dma_start3A_630 : memref<!tpu.dma_semaphore, #tpu.memory_space<semaphore_mem>>)
          %slice3A_637 = vector.extract_strided_slice %get3A_535 {offsets = [4], sizes = [1], strides = [1]} : vector<16xi32> to vector<1xi32>
          %squeeze3A_638 = vector.extract %slice3A_637[0] : i32 from vector<1xi32>
          %shift_right_arithmetic3A_639 = arith.constant 3 : i32
          %shift_right_arithmetic3A_640 = arith.shrsi %squeeze3A_638, %shift_right_arithmetic3A_639 : i32
          %and3A_641 = arith.constant 7 : i32
          %and3A_642 = arith.andi %squeeze3A_638, %and3A_641 : i32
          %mul3A_643 = arith.constant 16 : i32
          %mul3A_644 = arith.muli %scan3A_529, %mul3A_643 : i32
          %add3A_645 = arith.constant 4 : i32
          %add3A_646 = arith.addi %mul3A_644, %add3A_645 : i32
          %dma_start3A_647 = arith.constant 4 : i32
          %dma_start3A_648 = arith.constant 4 : i32
          %dma_start3A_649 = arith.constant 0 : i32
          %dma_start3A_650 = tpu.memref_slice %arg6[%dma_start3A_647, %add3A_646, %dma_start3A_649] : memref<5x128x64xf32, #tpu.memory_space<vmem>> -> memref<1x1x64xf32, #tpu.memory_space<vmem>>
          %dma_start3A_651 = tpu.memref_squeeze %dma_start3A_650 : memref<1x1x64xf32, #tpu.memory_space<vmem>> -> memref<64xf32, #tpu.memory_space<vmem>>
          %dma_start3A_652 = arith.constant 0 : i32
          %dma_start3A_653 = tpu.memref_slice %arg3[%shift_right_arithmetic3A_640, %and3A_642, %dma_start3A_652] : memref<125000x8x64xf32, #tpu.memory_space<hbm>> -> memref<1x1x64xf32, #tpu.memory_space<hbm>>
          %dma_start3A_654 = tpu.memref_squeeze %dma_start3A_653 : memref<1x1x64xf32, #tpu.memory_space<hbm>> -> memref<64xf32, #tpu.memory_space<hbm>>
          %dma_start3A_655 = tpu.memref_slice %arg8[%dma_start3A_648] : memref<5x!tpu.dma_semaphore, #tpu.memory_space<semaphore_mem>> -> memref<1x!tpu.dma_semaphore, #tpu.memory_space<semaphore_mem>>
          %dma_start3A_656 = tpu.memref_squeeze %dma_start3A_655 : memref<1x!tpu.dma_semaphore, #tpu.memory_space<semaphore_mem>> -> memref<!tpu.dma_semaphore, #tpu.memory_space<semaphore_mem>>
          %dma_start3A_657 = arith.constant 0 : i32
          %dma_start3A_658 = tpu.memref_slice %arg6[%dma_start3A_647, %add3A_646, %dma_start3A_657] : memref<5x128x64xf32, #tpu.memory_space<vmem>> -> memref<1x1x64xf32, #tpu.memory_space<vmem>>
          %dma_start3A_659 = tpu.memref_squeeze %dma_start3A_658 : memref<1x1x64xf32, #tpu.memory_space<vmem>> -> memref<64xf32, #tpu.memory_space<vmem>>
          %dma_start3A_660 = arith.constant 0 : i32
          %dma_start3A_661 = tpu.memref_slice %arg3[%shift_right_arithmetic3A_640, %and3A_642, %dma_start3A_660] : memref<125000x8x64xf32, #tpu.memory_space<hbm>> -> memref<1x1x64xf32, #tpu.memory_space<hbm>>
          %dma_start3A_662 = tpu.memref_squeeze %dma_start3A_661 : memref<1x1x64xf32, #tpu.memory_space<hbm>> -> memref<64xf32, #tpu.memory_space<hbm>>
          tpu.enqueue_dma source(%dma_start3A_662 : memref<64xf32, #tpu.memory_space<hbm>>) target(%dma_start3A_659 : memref<64xf32, #tpu.memory_space<vmem>>) target_semaphore(%dma_start3A_656 : memref<!tpu.dma_semaphore, #tpu.memory_space<semaphore_mem>>)
          %slice3A_663 = vector.extract_strided_slice %get3A_535 {offsets = [5], sizes = [1], strides = [1]} : vector<16xi32> to vector<1xi32>
          %squeeze3A_664 = vector.extract %slice3A_663[0] : i32 from vector<1xi32>
          %shift_right_arithmetic3A_665 = arith.constant 3 : i32
          %shift_right_arithmetic3A_666 = arith.shrsi %squeeze3A_664, %shift_right_arithmetic3A_665 : i32
          %and3A_667 = arith.constant 7 : i32
          %and3A_668 = arith.andi %squeeze3A_664, %and3A_667 : i32
          %mul3A_669 = arith.constant 16 : i32
          %mul3A_670 = arith.muli %scan3A_529, %mul3A_669 : i32
          %add3A_671 = arith.constant 5 : i32
          %add3A_672 = arith.addi %mul3A_670, %add3A_671 : i32
          %dma_start3A_673 = arith.constant 4 : i32
          %dma_start3A_674 = arith.constant 4 : i32
          %dma_start3A_675 = arith.constant 0 : i32
          %dma_start3A_676 = tpu.memref_slice %arg6[%dma_start3A_673, %add3A_672, %dma_start3A_675] : memref<5x128x64xf32, #tpu.memory_space<vmem>> -> memref<1x1x64xf32, #tpu.memory_space<vmem>>
          %dma_start3A_677 = tpu.memref_squeeze %dma_start3A_676 : memref<1x1x64xf32, #tpu.memory_space<vmem>> -> memref<64xf32, #tpu.memory_space<vmem>>
          %dma_start3A_678 = arith.constant 0 : i32
          %dma_start3A_679 = tpu.memref_slice %arg3[%shift_right_arithmetic3A_666, %and3A_668, %dma_start3A_678] : memref<125000x8x64xf32, #tpu.memory_space<hbm>> -> memref<1x1x64xf32, #tpu.memory_space<hbm>>
          %dma_start3A_680 = tpu.memref_squeeze %dma_start3A_679 : memref<1x1x64xf32, #tpu.memory_space<hbm>> -> memref<64xf32, #tpu.memory_space<hbm>>
          %dma_start3A_681 = tpu.memref_slice %arg8[%dma_start3A_674] : memref<5x!tpu.dma_semaphore, #tpu.memory_space<semaphore_mem>> -> memref<1x!tpu.dma_semaphore, #tpu.memory_space<semaphore_mem>>
          %dma_start3A_682 = tpu.memref_squeeze %dma_start3A_681 : memref<1x!tpu.dma_semaphore, #tpu.memory_space<semaphore_mem>> -> memref<!tpu.dma_semaphore, #tpu.memory_space<semaphore_mem>>
          %dma_start3A_683 = arith.constant 0 : i32
          %dma_start3A_684 = tpu.memref_slice %arg6[%dma_start3A_673, %add3A_672, %dma_start3A_683] : memref<5x128x64xf32, #tpu.memory_space<vmem>> -> memref<1x1x64xf32, #tpu.memory_space<vmem>>
          %dma_start3A_685 = tpu.memref_squeeze %dma_start3A_684 : memref<1x1x64xf32, #tpu.memory_space<vmem>> -> memref<64xf32, #tpu.memory_space<vmem>>
          %dma_start3A_686 = arith.constant 0 : i32
          %dma_start3A_687 = tpu.memref_slice %arg3[%shift_right_arithmetic3A_666, %and3A_668, %dma_start3A_686] : memref<125000x8x64xf32, #tpu.memory_space<hbm>> -> memref<1x1x64xf32, #tpu.memory_space<hbm>>
          %dma_start3A_688 = tpu.memref_squeeze %dma_start3A_687 : memref<1x1x64xf32, #tpu.memory_space<hbm>> -> memref<64xf32, #tpu.memory_space<hbm>>
          tpu.enqueue_dma source(%dma_start3A_688 : memref<64xf32, #tpu.memory_space<hbm>>) target(%dma_start3A_685 : memref<64xf32, #tpu.memory_space<vmem>>) target_semaphore(%dma_start3A_682 : memref<!tpu.dma_semaphore, #tpu.memory_space<semaphore_mem>>)
          %slice3A_689 = vector.extract_strided_slice %get3A_535 {offsets = [6], sizes = [1], strides = [1]} : vector<16xi32> to vector<1xi32>
          %squeeze3A_690 = vector.extract %slice3A_689[0] : i32 from vector<1xi32>
          %shift_right_arithmetic3A_691 = arith.constant 3 : i32
          %shift_right_arithmetic3A_692 = arith.shrsi %squeeze3A_690, %shift_right_arithmetic3A_691 : i32
          %and3A_693 = arith.constant 7 : i32
          %and3A_694 = arith.andi %squeeze3A_690, %and3A_693 : i32
          %mul3A_695 = arith.constant 16 : i32
          %mul3A_696 = arith.muli %scan3A_529, %mul3A_695 : i32
          %add3A_697 = arith.constant 6 : i32
          %add3A_698 = arith.addi %mul3A_696, %add3A_697 : i32
          %dma_start3A_699 = arith.constant 4 : i32
          %dma_start3A_700 = arith.constant 4 : i32
          %dma_start3A_701 = arith.constant 0 : i32
          %dma_start3A_702 = tpu.memref_slice %arg6[%dma_start3A_699, %add3A_698, %dma_start3A_701] : memref<5x128x64xf32, #tpu.memory_space<vmem>> -> memref<1x1x64xf32, #tpu.memory_space<vmem>>
          %dma_start3A_703 = tpu.memref_squeeze %dma_start3A_702 : memref<1x1x64xf32, #tpu.memory_space<vmem>> -> memref<64xf32, #tpu.memory_space<vmem>>
          %dma_start3A_704 = arith.constant 0 : i32
          %dma_start3A_705 = tpu.memref_slice %arg3[%shift_right_arithmetic3A_692, %and3A_694, %dma_start3A_704] : memref<125000x8x64xf32, #tpu.memory_space<hbm>> -> memref<1x1x64xf32, #tpu.memory_space<hbm>>
          %dma_start3A_706 = tpu.memref_squeeze %dma_start3A_705 : memref<1x1x64xf32, #tpu.memory_space<hbm>> -> memref<64xf32, #tpu.memory_space<hbm>>
          %dma_start3A_707 = tpu.memref_slice %arg8[%dma_start3A_700] : memref<5x!tpu.dma_semaphore, #tpu.memory_space<semaphore_mem>> -> memref<1x!tpu.dma_semaphore, #tpu.memory_space<semaphore_mem>>
          %dma_start3A_708 = tpu.memref_squeeze %dma_start3A_707 : memref<1x!tpu.dma_semaphore, #tpu.memory_space<semaphore_mem>> -> memref<!tpu.dma_semaphore, #tpu.memory_space<semaphore_mem>>
          %dma_start3A_709 = arith.constant 0 : i32
          %dma_start3A_710 = tpu.memref_slice %arg6[%dma_start3A_699, %add3A_698, %dma_start3A_709] : memref<5x128x64xf32, #tpu.memory_space<vmem>> -> memref<1x1x64xf32, #tpu.memory_space<vmem>>
          %dma_start3A_711 = tpu.memref_squeeze %dma_start3A_710 : memref<1x1x64xf32, #tpu.memory_space<vmem>> -> memref<64xf32, #tpu.memory_space<vmem>>
          %dma_start3A_712 = arith.constant 0 : i32
          %dma_start3A_713 = tpu.memref_slice %arg3[%shift_right_arithmetic3A_692, %and3A_694, %dma_start3A_712] : memref<125000x8x64xf32, #tpu.memory_space<hbm>> -> memref<1x1x64xf32, #tpu.memory_space<hbm>>
          %dma_start3A_714 = tpu.memref_squeeze %dma_start3A_713 : memref<1x1x64xf32, #tpu.memory_space<hbm>> -> memref<64xf32, #tpu.memory_space<hbm>>
          tpu.enqueue_dma source(%dma_start3A_714 : memref<64xf32, #tpu.memory_space<hbm>>) target(%dma_start3A_711 : memref<64xf32, #tpu.memory_space<vmem>>) target_semaphore(%dma_start3A_708 : memref<!tpu.dma_semaphore, #tpu.memory_space<semaphore_mem>>)
          %slice3A_715 = vector.extract_strided_slice %get3A_535 {offsets = [7], sizes = [1], strides = [1]} : vector<16xi32> to vector<1xi32>
          %squeeze3A_716 = vector.extract %slice3A_715[0] : i32 from vector<1xi32>
          %shift_right_arithmetic3A_717 = arith.constant 3 : i32
          %shift_right_arithmetic3A_718 = arith.shrsi %squeeze3A_716, %shift_right_arithmetic3A_717 : i32
          %and3A_719 = arith.constant 7 : i32
          %and3A_720 = arith.andi %squeeze3A_716, %and3A_719 : i32
          %mul3A_721 = arith.constant 16 : i32
          %mul3A_722 = arith.muli %scan3A_529, %mul3A_721 : i32
          %add3A_723 = arith.constant 7 : i32
          %add3A_724 = arith.addi %mul3A_722, %add3A_723 : i32
          %dma_start3A_725 = arith.constant 4 : i32
          %dma_start3A_726 = arith.constant 4 : i32
          %dma_start3A_727 = arith.constant 0 : i32
          %dma_start3A_728 = tpu.memref_slice %arg6[%dma_start3A_725, %add3A_724, %dma_start3A_727] : memref<5x128x64xf32, #tpu.memory_space<vmem>> -> memref<1x1x64xf32, #tpu.memory_space<vmem>>
          %dma_start3A_729 = tpu.memref_squeeze %dma_start3A_728 : memref<1x1x64xf32, #tpu.memory_space<vmem>> -> memref<64xf32, #tpu.memory_space<vmem>>
          %dma_start3A_730 = arith.constant 0 : i32
          %dma_start3A_731 = tpu.memref_slice %arg3[%shift_right_arithmetic3A_718, %and3A_720, %dma_start3A_730] : memref<125000x8x64xf32, #tpu.memory_space<hbm>> -> memref<1x1x64xf32, #tpu.memory_space<hbm>>
          %dma_start3A_732 = tpu.memref_squeeze %dma_start3A_731 : memref<1x1x64xf32, #tpu.memory_space<hbm>> -> memref<64xf32, #tpu.memory_space<hbm>>
          %dma_start3A_733 = tpu.memref_slice %arg8[%dma_start3A_726] : memref<5x!tpu.dma_semaphore, #tpu.memory_space<semaphore_mem>> -> memref<1x!tpu.dma_semaphore, #tpu.memory_space<semaphore_mem>>
          %dma_start3A_734 = tpu.memref_squeeze %dma_start3A_733 : memref<1x!tpu.dma_semaphore, #tpu.memory_space<semaphore_mem>> -> memref<!tpu.dma_semaphore, #tpu.memory_space<semaphore_mem>>
          %dma_start3A_735 = arith.constant 0 : i32
          %dma_start3A_736 = tpu.memref_slice %arg6[%dma_start3A_725, %add3A_724, %dma_start3A_735] : memref<5x128x64xf32, #tpu.memory_space<vmem>> -> memref<1x1x64xf32, #tpu.memory_space<vmem>>
          %dma_start3A_737 = tpu.memref_squeeze %dma_start3A_736 : memref<1x1x64xf32, #tpu.memory_space<vmem>> -> memref<64xf32, #tpu.memory_space<vmem>>
          %dma_start3A_738 = arith.constant 0 : i32
          %dma_start3A_739 = tpu.memref_slice %arg3[%shift_right_arithmetic3A_718, %and3A_720, %dma_start3A_738] : memref<125000x8x64xf32, #tpu.memory_space<hbm>> -> memref<1x1x64xf32, #tpu.memory_space<hbm>>
          %dma_start3A_740 = tpu.memref_squeeze %dma_start3A_739 : memref<1x1x64xf32, #tpu.memory_space<hbm>> -> memref<64xf32, #tpu.memory_space<hbm>>
          tpu.enqueue_dma source(%dma_start3A_740 : memref<64xf32, #tpu.memory_space<hbm>>) target(%dma_start3A_737 : memref<64xf32, #tpu.memory_space<vmem>>) target_semaphore(%dma_start3A_734 : memref<!tpu.dma_semaphore, #tpu.memory_space<semaphore_mem>>)
          %slice3A_741 = vector.extract_strided_slice %get3A_535 {offsets = [8], sizes = [1], strides = [1]} : vector<16xi32> to vector<1xi32>
          %squeeze3A_742 = vector.extract %slice3A_741[0] : i32 from vector<1xi32>
          %shift_right_arithmetic3A_743 = arith.constant 3 : i32
          %shift_right_arithmetic3A_744 = arith.shrsi %squeeze3A_742, %shift_right_arithmetic3A_743 : i32
          %and3A_745 = arith.constant 7 : i32
          %and3A_746 = arith.andi %squeeze3A_742, %and3A_745 : i32
          %mul3A_747 = arith.constant 16 : i32
          %mul3A_748 = arith.muli %scan3A_529, %mul3A_747 : i32
          %add3A_749 = arith.constant 8 : i32
          %add3A_750 = arith.addi %mul3A_748, %add3A_749 : i32
          %dma_start3A_751 = arith.constant 4 : i32
          %dma_start3A_752 = arith.constant 4 : i32
          %dma_start3A_753 = arith.constant 0 : i32
          %dma_start3A_754 = tpu.memref_slice %arg6[%dma_start3A_751, %add3A_750, %dma_start3A_753] : memref<5x128x64xf32, #tpu.memory_space<vmem>> -> memref<1x1x64xf32, #tpu.memory_space<vmem>>
          %dma_start3A_755 = tpu.memref_squeeze %dma_start3A_754 : memref<1x1x64xf32, #tpu.memory_space<vmem>> -> memref<64xf32, #tpu.memory_space<vmem>>
          %dma_start3A_756 = arith.constant 0 : i32
          %dma_start3A_757 = tpu.memref_slice %arg3[%shift_right_arithmetic3A_744, %and3A_746, %dma_start3A_756] : memref<125000x8x64xf32, #tpu.memory_space<hbm>> -> memref<1x1x64xf32, #tpu.memory_space<hbm>>
          %dma_start3A_758 = tpu.memref_squeeze %dma_start3A_757 : memref<1x1x64xf32, #tpu.memory_space<hbm>> -> memref<64xf32, #tpu.memory_space<hbm>>
          %dma_start3A_759 = tpu.memref_slice %arg8[%dma_start3A_752] : memref<5x!tpu.dma_semaphore, #tpu.memory_space<semaphore_mem>> -> memref<1x!tpu.dma_semaphore, #tpu.memory_space<semaphore_mem>>
          %dma_start3A_760 = tpu.memref_squeeze %dma_start3A_759 : memref<1x!tpu.dma_semaphore, #tpu.memory_space<semaphore_mem>> -> memref<!tpu.dma_semaphore, #tpu.memory_space<semaphore_mem>>
          %dma_start3A_761 = arith.constant 0 : i32
          %dma_start3A_762 = tpu.memref_slice %arg6[%dma_start3A_751, %add3A_750, %dma_start3A_761] : memref<5x128x64xf32, #tpu.memory_space<vmem>> -> memref<1x1x64xf32, #tpu.memory_space<vmem>>
          %dma_start3A_763 = tpu.memref_squeeze %dma_start3A_762 : memref<1x1x64xf32, #tpu.memory_space<vmem>> -> memref<64xf32, #tpu.memory_space<vmem>>
          %dma_start3A_764 = arith.constant 0 : i32
          %dma_start3A_765 = tpu.memref_slice %arg3[%shift_right_arithmetic3A_744, %and3A_746, %dma_start3A_764] : memref<125000x8x64xf32, #tpu.memory_space<hbm>> -> memref<1x1x64xf32, #tpu.memory_space<hbm>>
          %dma_start3A_766 = tpu.memref_squeeze %dma_start3A_765 : memref<1x1x64xf32, #tpu.memory_space<hbm>> -> memref<64xf32, #tpu.memory_space<hbm>>
          tpu.enqueue_dma source(%dma_start3A_766 : memref<64xf32, #tpu.memory_space<hbm>>) target(%dma_start3A_763 : memref<64xf32, #tpu.memory_space<vmem>>) target_semaphore(%dma_start3A_760 : memref<!tpu.dma_semaphore, #tpu.memory_space<semaphore_mem>>)
          %slice3A_767 = vector.extract_strided_slice %get3A_535 {offsets = [9], sizes = [1], strides = [1]} : vector<16xi32> to vector<1xi32>
          %squeeze3A_768 = vector.extract %slice3A_767[0] : i32 from vector<1xi32>
          %shift_right_arithmetic3A_769 = arith.constant 3 : i32
          %shift_right_arithmetic3A_770 = arith.shrsi %squeeze3A_768, %shift_right_arithmetic3A_769 : i32
          %and3A_771 = arith.constant 7 : i32
          %and3A_772 = arith.andi %squeeze3A_768, %and3A_771 : i32
          %mul3A_773 = arith.constant 16 : i32
          %mul3A_774 = arith.muli %scan3A_529, %mul3A_773 : i32
          %add3A_775 = arith.constant 9 : i32
          %add3A_776 = arith.addi %mul3A_774, %add3A_775 : i32
          %dma_start3A_777 = arith.constant 4 : i32
          %dma_start3A_778 = arith.constant 4 : i32
          %dma_start3A_779 = arith.constant 0 : i32
          %dma_start3A_780 = tpu.memref_slice %arg6[%dma_start3A_777, %add3A_776, %dma_start3A_779] : memref<5x128x64xf32, #tpu.memory_space<vmem>> -> memref<1x1x64xf32, #tpu.memory_space<vmem>>
          %dma_start3A_781 = tpu.memref_squeeze %dma_start3A_780 : memref<1x1x64xf32, #tpu.memory_space<vmem>> -> memref<64xf32, #tpu.memory_space<vmem>>
          %dma_start3A_782 = arith.constant 0 : i32
          %dma_start3A_783 = tpu.memref_slice %arg3[%shift_right_arithmetic3A_770, %and3A_772, %dma_start3A_782] : memref<125000x8x64xf32, #tpu.memory_space<hbm>> -> memref<1x1x64xf32, #tpu.memory_space<hbm>>
          %dma_start3A_784 = tpu.memref_squeeze %dma_start3A_783 : memref<1x1x64xf32, #tpu.memory_space<hbm>> -> memref<64xf32, #tpu.memory_space<hbm>>
          %dma_start3A_785 = tpu.memref_slice %arg8[%dma_start3A_778] : memref<5x!tpu.dma_semaphore, #tpu.memory_space<semaphore_mem>> -> memref<1x!tpu.dma_semaphore, #tpu.memory_space<semaphore_mem>>
          %dma_start3A_786 = tpu.memref_squeeze %dma_start3A_785 : memref<1x!tpu.dma_semaphore, #tpu.memory_space<semaphore_mem>> -> memref<!tpu.dma_semaphore, #tpu.memory_space<semaphore_mem>>
          %dma_start3A_787 = arith.constant 0 : i32
          %dma_start3A_788 = tpu.memref_slice %arg6[%dma_start3A_777, %add3A_776, %dma_start3A_787] : memref<5x128x64xf32, #tpu.memory_space<vmem>> -> memref<1x1x64xf32, #tpu.memory_space<vmem>>
          %dma_start3A_789 = tpu.memref_squeeze %dma_start3A_788 : memref<1x1x64xf32, #tpu.memory_space<vmem>> -> memref<64xf32, #tpu.memory_space<vmem>>
          %dma_start3A_790 = arith.constant 0 : i32
          %dma_start3A_791 = tpu.memref_slice %arg3[%shift_right_arithmetic3A_770, %and3A_772, %dma_start3A_790] : memref<125000x8x64xf32, #tpu.memory_space<hbm>> -> memref<1x1x64xf32, #tpu.memory_space<hbm>>
          %dma_start3A_792 = tpu.memref_squeeze %dma_start3A_791 : memref<1x1x64xf32, #tpu.memory_space<hbm>> -> memref<64xf32, #tpu.memory_space<hbm>>
          tpu.enqueue_dma source(%dma_start3A_792 : memref<64xf32, #tpu.memory_space<hbm>>) target(%dma_start3A_789 : memref<64xf32, #tpu.memory_space<vmem>>) target_semaphore(%dma_start3A_786 : memref<!tpu.dma_semaphore, #tpu.memory_space<semaphore_mem>>)
          %slice3A_793 = vector.extract_strided_slice %get3A_535 {offsets = [10], sizes = [1], strides = [1]} : vector<16xi32> to vector<1xi32>
          %squeeze3A_794 = vector.extract %slice3A_793[0] : i32 from vector<1xi32>
          %shift_right_arithmetic3A_795 = arith.constant 3 : i32
          %shift_right_arithmetic3A_796 = arith.shrsi %squeeze3A_794, %shift_right_arithmetic3A_795 : i32
          %and3A_797 = arith.constant 7 : i32
          %and3A_798 = arith.andi %squeeze3A_794, %and3A_797 : i32
          %mul3A_799 = arith.constant 16 : i32
          %mul3A_800 = arith.muli %scan3A_529, %mul3A_799 : i32
          %add3A_801 = arith.constant 10 : i32
          %add3A_802 = arith.addi %mul3A_800, %add3A_801 : i32
          %dma_start3A_803 = arith.constant 4 : i32
          %dma_start3A_804 = arith.constant 4 : i32
          %dma_start3A_805 = arith.constant 0 : i32
          %dma_start3A_806 = tpu.memref_slice %arg6[%dma_start3A_803, %add3A_802, %dma_start3A_805] : memref<5x128x64xf32, #tpu.memory_space<vmem>> -> memref<1x1x64xf32, #tpu.memory_space<vmem>>
          %dma_start3A_807 = tpu.memref_squeeze %dma_start3A_806 : memref<1x1x64xf32, #tpu.memory_space<vmem>> -> memref<64xf32, #tpu.memory_space<vmem>>
          %dma_start3A_808 = arith.constant 0 : i32
          %dma_start3A_809 = tpu.memref_slice %arg3[%shift_right_arithmetic3A_796, %and3A_798, %dma_start3A_808] : memref<125000x8x64xf32, #tpu.memory_space<hbm>> -> memref<1x1x64xf32, #tpu.memory_space<hbm>>
          %dma_start3A_810 = tpu.memref_squeeze %dma_start3A_809 : memref<1x1x64xf32, #tpu.memory_space<hbm>> -> memref<64xf32, #tpu.memory_space<hbm>>
          %dma_start3A_811 = tpu.memref_slice %arg8[%dma_start3A_804] : memref<5x!tpu.dma_semaphore, #tpu.memory_space<semaphore_mem>> -> memref<1x!tpu.dma_semaphore, #tpu.memory_space<semaphore_mem>>
          %dma_start3A_812 = tpu.memref_squeeze %dma_start3A_811 : memref<1x!tpu.dma_semaphore, #tpu.memory_space<semaphore_mem>> -> memref<!tpu.dma_semaphore, #tpu.memory_space<semaphore_mem>>
          %dma_start3A_813 = arith.constant 0 : i32
          %dma_start3A_814 = tpu.memref_slice %arg6[%dma_start3A_803, %add3A_802, %dma_start3A_813] : memref<5x128x64xf32, #tpu.memory_space<vmem>> -> memref<1x1x64xf32, #tpu.memory_space<vmem>>
          %dma_start3A_815 = tpu.memref_squeeze %dma_start3A_814 : memref<1x1x64xf32, #tpu.memory_space<vmem>> -> memref<64xf32, #tpu.memory_space<vmem>>
          %dma_start3A_816 = arith.constant 0 : i32
          %dma_start3A_817 = tpu.memref_slice %arg3[%shift_right_arithmetic3A_796, %and3A_798, %dma_start3A_816] : memref<125000x8x64xf32, #tpu.memory_space<hbm>> -> memref<1x1x64xf32, #tpu.memory_space<hbm>>
          %dma_start3A_818 = tpu.memref_squeeze %dma_start3A_817 : memref<1x1x64xf32, #tpu.memory_space<hbm>> -> memref<64xf32, #tpu.memory_space<hbm>>
          tpu.enqueue_dma source(%dma_start3A_818 : memref<64xf32, #tpu.memory_space<hbm>>) target(%dma_start3A_815 : memref<64xf32, #tpu.memory_space<vmem>>) target_semaphore(%dma_start3A_812 : memref<!tpu.dma_semaphore, #tpu.memory_space<semaphore_mem>>)
          %slice3A_819 = vector.extract_strided_slice %get3A_535 {offsets = [11], sizes = [1], strides = [1]} : vector<16xi32> to vector<1xi32>
          %squeeze3A_820 = vector.extract %slice3A_819[0] : i32 from vector<1xi32>
          %shift_right_arithmetic3A_821 = arith.constant 3 : i32
          %shift_right_arithmetic3A_822 = arith.shrsi %squeeze3A_820, %shift_right_arithmetic3A_821 : i32
          %and3A_823 = arith.constant 7 : i32
          %and3A_824 = arith.andi %squeeze3A_820, %and3A_823 : i32
          %mul3A_825 = arith.constant 16 : i32
          %mul3A_826 = arith.muli %scan3A_529, %mul3A_825 : i32
          %add3A_827 = arith.constant 11 : i32
          %add3A_828 = arith.addi %mul3A_826, %add3A_827 : i32
          %dma_start3A_829 = arith.constant 4 : i32
          %dma_start3A_830 = arith.constant 4 : i32
          %dma_start3A_831 = arith.constant 0 : i32
          %dma_start3A_832 = tpu.memref_slice %arg6[%dma_start3A_829, %add3A_828, %dma_start3A_831] : memref<5x128x64xf32, #tpu.memory_space<vmem>> -> memref<1x1x64xf32, #tpu.memory_space<vmem>>
          %dma_start3A_833 = tpu.memref_squeeze %dma_start3A_832 : memref<1x1x64xf32, #tpu.memory_space<vmem>> -> memref<64xf32, #tpu.memory_space<vmem>>
          %dma_start3A_834 = arith.constant 0 : i32
          %dma_start3A_835 = tpu.memref_slice %arg3[%shift_right_arithmetic3A_822, %and3A_824, %dma_start3A_834] : memref<125000x8x64xf32, #tpu.memory_space<hbm>> -> memref<1x1x64xf32, #tpu.memory_space<hbm>>
          %dma_start3A_836 = tpu.memref_squeeze %dma_start3A_835 : memref<1x1x64xf32, #tpu.memory_space<hbm>> -> memref<64xf32, #tpu.memory_space<hbm>>
          %dma_start3A_837 = tpu.memref_slice %arg8[%dma_start3A_830] : memref<5x!tpu.dma_semaphore, #tpu.memory_space<semaphore_mem>> -> memref<1x!tpu.dma_semaphore, #tpu.memory_space<semaphore_mem>>
          %dma_start3A_838 = tpu.memref_squeeze %dma_start3A_837 : memref<1x!tpu.dma_semaphore, #tpu.memory_space<semaphore_mem>> -> memref<!tpu.dma_semaphore, #tpu.memory_space<semaphore_mem>>
          %dma_start3A_839 = arith.constant 0 : i32
          %dma_start3A_840 = tpu.memref_slice %arg6[%dma_start3A_829, %add3A_828, %dma_start3A_839] : memref<5x128x64xf32, #tpu.memory_space<vmem>> -> memref<1x1x64xf32, #tpu.memory_space<vmem>>
          %dma_start3A_841 = tpu.memref_squeeze %dma_start3A_840 : memref<1x1x64xf32, #tpu.memory_space<vmem>> -> memref<64xf32, #tpu.memory_space<vmem>>
          %dma_start3A_842 = arith.constant 0 : i32
          %dma_start3A_843 = tpu.memref_slice %arg3[%shift_right_arithmetic3A_822, %and3A_824, %dma_start3A_842] : memref<125000x8x64xf32, #tpu.memory_space<hbm>> -> memref<1x1x64xf32, #tpu.memory_space<hbm>>
          %dma_start3A_844 = tpu.memref_squeeze %dma_start3A_843 : memref<1x1x64xf32, #tpu.memory_space<hbm>> -> memref<64xf32, #tpu.memory_space<hbm>>
          tpu.enqueue_dma source(%dma_start3A_844 : memref<64xf32, #tpu.memory_space<hbm>>) target(%dma_start3A_841 : memref<64xf32, #tpu.memory_space<vmem>>) target_semaphore(%dma_start3A_838 : memref<!tpu.dma_semaphore, #tpu.memory_space<semaphore_mem>>)
          %slice3A_845 = vector.extract_strided_slice %get3A_535 {offsets = [12], sizes = [1], strides = [1]} : vector<16xi32> to vector<1xi32>
          %squeeze3A_846 = vector.extract %slice3A_845[0] : i32 from vector<1xi32>
          %shift_right_arithmetic3A_847 = arith.constant 3 : i32
          %shift_right_arithmetic3A_848 = arith.shrsi %squeeze3A_846, %shift_right_arithmetic3A_847 : i32
          %and3A_849 = arith.constant 7 : i32
          %and3A_850 = arith.andi %squeeze3A_846, %and3A_849 : i32
          %mul3A_851 = arith.constant 16 : i32
          %mul3A_852 = arith.muli %scan3A_529, %mul3A_851 : i32
          %add3A_853 = arith.constant 12 : i32
          %add3A_854 = arith.addi %mul3A_852, %add3A_853 : i32
          %dma_start3A_855 = arith.constant 4 : i32
          %dma_start3A_856 = arith.constant 4 : i32
          %dma_start3A_857 = arith.constant 0 : i32
          %dma_start3A_858 = tpu.memref_slice %arg6[%dma_start3A_855, %add3A_854, %dma_start3A_857] : memref<5x128x64xf32, #tpu.memory_space<vmem>> -> memref<1x1x64xf32, #tpu.memory_space<vmem>>
          %dma_start3A_859 = tpu.memref_squeeze %dma_start3A_858 : memref<1x1x64xf32, #tpu.memory_space<vmem>> -> memref<64xf32, #tpu.memory_space<vmem>>
          %dma_start3A_860 = arith.constant 0 : i32
          %dma_start3A_861 = tpu.memref_slice %arg3[%shift_right_arithmetic3A_848, %and3A_850, %dma_start3A_860] : memref<125000x8x64xf32, #tpu.memory_space<hbm>> -> memref<1x1x64xf32, #tpu.memory_space<hbm>>
          %dma_start3A_862 = tpu.memref_squeeze %dma_start3A_861 : memref<1x1x64xf32, #tpu.memory_space<hbm>> -> memref<64xf32, #tpu.memory_space<hbm>>
          %dma_start3A_863 = tpu.memref_slice %arg8[%dma_start3A_856] : memref<5x!tpu.dma_semaphore, #tpu.memory_space<semaphore_mem>> -> memref<1x!tpu.dma_semaphore, #tpu.memory_space<semaphore_mem>>
          %dma_start3A_864 = tpu.memref_squeeze %dma_start3A_863 : memref<1x!tpu.dma_semaphore, #tpu.memory_space<semaphore_mem>> -> memref<!tpu.dma_semaphore, #tpu.memory_space<semaphore_mem>>
          %dma_start3A_865 = arith.constant 0 : i32
          %dma_start3A_866 = tpu.memref_slice %arg6[%dma_start3A_855, %add3A_854, %dma_start3A_865] : memref<5x128x64xf32, #tpu.memory_space<vmem>> -> memref<1x1x64xf32, #tpu.memory_space<vmem>>
          %dma_start3A_867 = tpu.memref_squeeze %dma_start3A_866 : memref<1x1x64xf32, #tpu.memory_space<vmem>> -> memref<64xf32, #tpu.memory_space<vmem>>
          %dma_start3A_868 = arith.constant 0 : i32
          %dma_start3A_869 = tpu.memref_slice %arg3[%shift_right_arithmetic3A_848, %and3A_850, %dma_start3A_868] : memref<125000x8x64xf32, #tpu.memory_space<hbm>> -> memref<1x1x64xf32, #tpu.memory_space<hbm>>
          %dma_start3A_870 = tpu.memref_squeeze %dma_start3A_869 : memref<1x1x64xf32, #tpu.memory_space<hbm>> -> memref<64xf32, #tpu.memory_space<hbm>>
          tpu.enqueue_dma source(%dma_start3A_870 : memref<64xf32, #tpu.memory_space<hbm>>) target(%dma_start3A_867 : memref<64xf32, #tpu.memory_space<vmem>>) target_semaphore(%dma_start3A_864 : memref<!tpu.dma_semaphore, #tpu.memory_space<semaphore_mem>>)
          %slice3A_871 = vector.extract_strided_slice %get3A_535 {offsets = [13], sizes = [1], strides = [1]} : vector<16xi32> to vector<1xi32>
          %squeeze3A_872 = vector.extract %slice3A_871[0] : i32 from vector<1xi32>
          %shift_right_arithmetic3A_873 = arith.constant 3 : i32
          %shift_right_arithmetic3A_874 = arith.shrsi %squeeze3A_872, %shift_right_arithmetic3A_873 : i32
          %and3A_875 = arith.constant 7 : i32
          %and3A_876 = arith.andi %squeeze3A_872, %and3A_875 : i32
          %mul3A_877 = arith.constant 16 : i32
          %mul3A_878 = arith.muli %scan3A_529, %mul3A_877 : i32
          %add3A_879 = arith.constant 13 : i32
          %add3A_880 = arith.addi %mul3A_878, %add3A_879 : i32
          %dma_start3A_881 = arith.constant 4 : i32
          %dma_start3A_882 = arith.constant 4 : i32
          %dma_start3A_883 = arith.constant 0 : i32
          %dma_start3A_884 = tpu.memref_slice %arg6[%dma_start3A_881, %add3A_880, %dma_start3A_883] : memref<5x128x64xf32, #tpu.memory_space<vmem>> -> memref<1x1x64xf32, #tpu.memory_space<vmem>>
          %dma_start3A_885 = tpu.memref_squeeze %dma_start3A_884 : memref<1x1x64xf32, #tpu.memory_space<vmem>> -> memref<64xf32, #tpu.memory_space<vmem>>
          %dma_start3A_886 = arith.constant 0 : i32
          %dma_start3A_887 = tpu.memref_slice %arg3[%shift_right_arithmetic3A_874, %and3A_876, %dma_start3A_886] : memref<125000x8x64xf32, #tpu.memory_space<hbm>> -> memref<1x1x64xf32, #tpu.memory_space<hbm>>
          %dma_start3A_888 = tpu.memref_squeeze %dma_start3A_887 : memref<1x1x64xf32, #tpu.memory_space<hbm>> -> memref<64xf32, #tpu.memory_space<hbm>>
          %dma_start3A_889 = tpu.memref_slice %arg8[%dma_start3A_882] : memref<5x!tpu.dma_semaphore, #tpu.memory_space<semaphore_mem>> -> memref<1x!tpu.dma_semaphore, #tpu.memory_space<semaphore_mem>>
          %dma_start3A_890 = tpu.memref_squeeze %dma_start3A_889 : memref<1x!tpu.dma_semaphore, #tpu.memory_space<semaphore_mem>> -> memref<!tpu.dma_semaphore, #tpu.memory_space<semaphore_mem>>
          %dma_start3A_891 = arith.constant 0 : i32
          %dma_start3A_892 = tpu.memref_slice %arg6[%dma_start3A_881, %add3A_880, %dma_start3A_891] : memref<5x128x64xf32, #tpu.memory_space<vmem>> -> memref<1x1x64xf32, #tpu.memory_space<vmem>>
          %dma_start3A_893 = tpu.memref_squeeze %dma_start3A_892 : memref<1x1x64xf32, #tpu.memory_space<vmem>> -> memref<64xf32, #tpu.memory_space<vmem>>
          %dma_start3A_894 = arith.constant 0 : i32
          %dma_start3A_895 = tpu.memref_slice %arg3[%shift_right_arithmetic3A_874, %and3A_876, %dma_start3A_894] : memref<125000x8x64xf32, #tpu.memory_space<hbm>> -> memref<1x1x64xf32, #tpu.memory_space<hbm>>
          %dma_start3A_896 = tpu.memref_squeeze %dma_start3A_895 : memref<1x1x64xf32, #tpu.memory_space<hbm>> -> memref<64xf32, #tpu.memory_space<hbm>>
          tpu.enqueue_dma source(%dma_start3A_896 : memref<64xf32, #tpu.memory_space<hbm>>) target(%dma_start3A_893 : memref<64xf32, #tpu.memory_space<vmem>>) target_semaphore(%dma_start3A_890 : memref<!tpu.dma_semaphore, #tpu.memory_space<semaphore_mem>>)
          %slice3A_897 = vector.extract_strided_slice %get3A_535 {offsets = [14], sizes = [1], strides = [1]} : vector<16xi32> to vector<1xi32>
          %squeeze3A_898 = vector.extract %slice3A_897[0] : i32 from vector<1xi32>
          %shift_right_arithmetic3A_899 = arith.constant 3 : i32
          %shift_right_arithmetic3A_900 = arith.shrsi %squeeze3A_898, %shift_right_arithmetic3A_899 : i32
          %and3A_901 = arith.constant 7 : i32
          %and3A_902 = arith.andi %squeeze3A_898, %and3A_901 : i32
          %mul3A_903 = arith.constant 16 : i32
          %mul3A_904 = arith.muli %scan3A_529, %mul3A_903 : i32
          %add3A_905 = arith.constant 14 : i32
          %add3A_906 = arith.addi %mul3A_904, %add3A_905 : i32
          %dma_start3A_907 = arith.constant 4 : i32
          %dma_start3A_908 = arith.constant 4 : i32
          %dma_start3A_909 = arith.constant 0 : i32
          %dma_start3A_910 = tpu.memref_slice %arg6[%dma_start3A_907, %add3A_906, %dma_start3A_909] : memref<5x128x64xf32, #tpu.memory_space<vmem>> -> memref<1x1x64xf32, #tpu.memory_space<vmem>>
          %dma_start3A_911 = tpu.memref_squeeze %dma_start3A_910 : memref<1x1x64xf32, #tpu.memory_space<vmem>> -> memref<64xf32, #tpu.memory_space<vmem>>
          %dma_start3A_912 = arith.constant 0 : i32
          %dma_start3A_913 = tpu.memref_slice %arg3[%shift_right_arithmetic3A_900, %and3A_902, %dma_start3A_912] : memref<125000x8x64xf32, #tpu.memory_space<hbm>> -> memref<1x1x64xf32, #tpu.memory_space<hbm>>
          %dma_start3A_914 = tpu.memref_squeeze %dma_start3A_913 : memref<1x1x64xf32, #tpu.memory_space<hbm>> -> memref<64xf32, #tpu.memory_space<hbm>>
          %dma_start3A_915 = tpu.memref_slice %arg8[%dma_start3A_908] : memref<5x!tpu.dma_semaphore, #tpu.memory_space<semaphore_mem>> -> memref<1x!tpu.dma_semaphore, #tpu.memory_space<semaphore_mem>>
          %dma_start3A_916 = tpu.memref_squeeze %dma_start3A_915 : memref<1x!tpu.dma_semaphore, #tpu.memory_space<semaphore_mem>> -> memref<!tpu.dma_semaphore, #tpu.memory_space<semaphore_mem>>
          %dma_start3A_917 = arith.constant 0 : i32
          %dma_start3A_918 = tpu.memref_slice %arg6[%dma_start3A_907, %add3A_906, %dma_start3A_917] : memref<5x128x64xf32, #tpu.memory_space<vmem>> -> memref<1x1x64xf32, #tpu.memory_space<vmem>>
          %dma_start3A_919 = tpu.memref_squeeze %dma_start3A_918 : memref<1x1x64xf32, #tpu.memory_space<vmem>> -> memref<64xf32, #tpu.memory_space<vmem>>
          %dma_start3A_920 = arith.constant 0 : i32
          %dma_start3A_921 = tpu.memref_slice %arg3[%shift_right_arithmetic3A_900, %and3A_902, %dma_start3A_920] : memref<125000x8x64xf32, #tpu.memory_space<hbm>> -> memref<1x1x64xf32, #tpu.memory_space<hbm>>
          %dma_start3A_922 = tpu.memref_squeeze %dma_start3A_921 : memref<1x1x64xf32, #tpu.memory_space<hbm>> -> memref<64xf32, #tpu.memory_space<hbm>>
          tpu.enqueue_dma source(%dma_start3A_922 : memref<64xf32, #tpu.memory_space<hbm>>) target(%dma_start3A_919 : memref<64xf32, #tpu.memory_space<vmem>>) target_semaphore(%dma_start3A_916 : memref<!tpu.dma_semaphore, #tpu.memory_space<semaphore_mem>>)
          %slice3A_923 = vector.extract_strided_slice %get3A_535 {offsets = [15], sizes = [1], strides = [1]} : vector<16xi32> to vector<1xi32>
          %squeeze3A_924 = vector.extract %slice3A_923[0] : i32 from vector<1xi32>
          %shift_right_arithmetic3A_925 = arith.constant 3 : i32
          %shift_right_arithmetic3A_926 = arith.shrsi %squeeze3A_924, %shift_right_arithmetic3A_925 : i32
          %and3A_927 = arith.constant 7 : i32
          %and3A_928 = arith.andi %squeeze3A_924, %and3A_927 : i32
          %mul3A_929 = arith.constant 16 : i32
          %mul3A_930 = arith.muli %scan3A_529, %mul3A_929 : i32
          %add3A_931 = arith.constant 15 : i32
          %add3A_932 = arith.addi %mul3A_930, %add3A_931 : i32
          %dma_start3A_933 = arith.constant 4 : i32
          %dma_start3A_934 = arith.constant 4 : i32
          %dma_start3A_935 = arith.constant 0 : i32
          %dma_start3A_936 = tpu.memref_slice %arg6[%dma_start3A_933, %add3A_932, %dma_start3A_935] : memref<5x128x64xf32, #tpu.memory_space<vmem>> -> memref<1x1x64xf32, #tpu.memory_space<vmem>>
          %dma_start3A_937 = tpu.memref_squeeze %dma_start3A_936 : memref<1x1x64xf32, #tpu.memory_space<vmem>> -> memref<64xf32, #tpu.memory_space<vmem>>
          %dma_start3A_938 = arith.constant 0 : i32
          %dma_start3A_939 = tpu.memref_slice %arg3[%shift_right_arithmetic3A_926, %and3A_928, %dma_start3A_938] : memref<125000x8x64xf32, #tpu.memory_space<hbm>> -> memref<1x1x64xf32, #tpu.memory_space<hbm>>
          %dma_start3A_940 = tpu.memref_squeeze %dma_start3A_939 : memref<1x1x64xf32, #tpu.memory_space<hbm>> -> memref<64xf32, #tpu.memory_space<hbm>>
          %dma_start3A_941 = tpu.memref_slice %arg8[%dma_start3A_934] : memref<5x!tpu.dma_semaphore, #tpu.memory_space<semaphore_mem>> -> memref<1x!tpu.dma_semaphore, #tpu.memory_space<semaphore_mem>>
          %dma_start3A_942 = tpu.memref_squeeze %dma_start3A_941 : memref<1x!tpu.dma_semaphore, #tpu.memory_space<semaphore_mem>> -> memref<!tpu.dma_semaphore, #tpu.memory_space<semaphore_mem>>
          %dma_start3A_943 = arith.constant 0 : i32
          %dma_start3A_944 = tpu.memref_slice %arg6[%dma_start3A_933, %add3A_932, %dma_start3A_943] : memref<5x128x64xf32, #tpu.memory_space<vmem>> -> memref<1x1x64xf32, #tpu.memory_space<vmem>>
          %dma_start3A_945 = tpu.memref_squeeze %dma_start3A_944 : memref<1x1x64xf32, #tpu.memory_space<vmem>> -> memref<64xf32, #tpu.memory_space<vmem>>
          %dma_start3A_946 = arith.constant 0 : i32
          %dma_start3A_947 = tpu.memref_slice %arg3[%shift_right_arithmetic3A_926, %and3A_928, %dma_start3A_946] : memref<125000x8x64xf32, #tpu.memory_space<hbm>> -> memref<1x1x64xf32, #tpu.memory_space<hbm>>
          %dma_start3A_948 = tpu.memref_squeeze %dma_start3A_947 : memref<1x1x64xf32, #tpu.memory_space<hbm>> -> memref<64xf32, #tpu.memory_space<hbm>>
          tpu.enqueue_dma source(%dma_start3A_948 : memref<64xf32, #tpu.memory_space<hbm>>) target(%dma_start3A_945 : memref<64xf32, #tpu.memory_space<vmem>>) target_semaphore(%dma_start3A_942 : memref<!tpu.dma_semaphore, #tpu.memory_space<semaphore_mem>>)
        }
        %scan3A_528 = arith.constant 8 : i32
      } else {
      }
      %dma_wait3A_393 = arith.constant 3 : i32
      %dma_wait3A_394 = arith.constant 3 : i32
      %dma_wait3A_395 = arith.constant 0 : i32
      %dma_wait3A_396 = arith.constant 0 : i32
      %dma_wait3A_397 = tpu.memref_slice %arg6[%dma_wait3A_393, %dma_wait3A_395, %dma_wait3A_396] : memref<5x128x64xf32, #tpu.memory_space<vmem>> -> memref<1x128x64xf32, #tpu.memory_space<vmem>>
      %dma_wait3A_398 = tpu.memref_squeeze %dma_wait3A_397 : memref<1x128x64xf32, #tpu.memory_space<vmem>> -> memref<128x64xf32, #tpu.memory_space<vmem>>
      %dma_wait3A_399 = arith.constant 0 : i32
      %dma_wait3A_400 = arith.constant 0 : i32
      %dma_wait3A_401 = tpu.memref_slice %arg4[%dma_wait3A_399, %dma_wait3A_400] : memref<204800x64xf32, #tpu.memory_space<hbm>> -> memref<128x64xf32, #tpu.memory_space<hbm>>
      %dma_wait3A_402 = tpu.memref_slice %arg8[%dma_wait3A_394] : memref<5x!tpu.dma_semaphore, #tpu.memory_space<semaphore_mem>> -> memref<1x!tpu.dma_semaphore, #tpu.memory_space<semaphore_mem>>
      %dma_wait3A_403 = tpu.memref_squeeze %dma_wait3A_402 : memref<1x!tpu.dma_semaphore, #tpu.memory_space<semaphore_mem>> -> memref<!tpu.dma_semaphore, #tpu.memory_space<semaphore_mem>>
      %dma_wait3A_404 = arith.constant 0 : i32
      %dma_wait3A_405 = arith.constant 0 : i32
      %dma_wait3A_406 = tpu.memref_slice %arg6[%dma_wait3A_393, %dma_wait3A_404, %dma_wait3A_405] : memref<5x128x64xf32, #tpu.memory_space<vmem>> -> memref<1x128x64xf32, #tpu.memory_space<vmem>>
      %dma_wait3A_407 = tpu.memref_squeeze %dma_wait3A_406 : memref<1x128x64xf32, #tpu.memory_space<vmem>> -> memref<128x64xf32, #tpu.memory_space<vmem>>
      %dma_wait3A_408 = arith.constant 0 : i32
      %dma_wait3A_409 = arith.constant 0 : i32
      %dma_wait3A_410 = tpu.memref_slice %arg4[%dma_wait3A_408, %dma_wait3A_409] : memref<204800x64xf32, #tpu.memory_space<hbm>> -> memref<128x64xf32, #tpu.memory_space<hbm>>
      tpu.wait_dma2 semaphore(%dma_wait3A_403 : memref<!tpu.dma_semaphore, #tpu.memory_space<semaphore_mem>>) src(%dma_wait3A_410 : memref<128x64xf32, #tpu.memory_space<hbm>>) dst(%dma_wait3A_407 : memref<128x64xf32, #tpu.memory_space<vmem>>)
      %scan3A_411 = arith.constant 0 : i32
      %scan3A_412 = arith.constant 0 : i32
      %scan3A_413 = arith.constant 128 : i32
      %scan3A_414 = arith.addi %scan3A_412, %scan3A_413 : i32
      %scan3A_415 = arith.constant 1 : i32
      scf.for %scan3A_509 = %scan3A_412 to %scan3A_414 step %scan3A_415  : i32 {
        %get3A = arith.constant 3 : i32
        %get3A_510 = arith.index_cast %get3A : i32 to index
        %get3A_511 = arith.index_cast %scan3A_509 : i32 to index
        %get3A_512 = arith.constant 0 : index
        %get3A_513 = tpu.vector_load %arg6[%get3A_510, %get3A_511, %get3A_512] {strides = array<i32>} : memref<5x128x64xf32, #tpu.memory_space<vmem>>, vector<1x1x16xf32>,
        %get3A_514 = vector.shape_cast %get3A_513 : vector<1x1x16xf32> to vector<16xf32>
        %mul3A_515 = arith.constant 8.000000e+00 : f32
        %mul3A_516 = vector.broadcast %mul3A_515 : f32 to vector<16xf32>
        %mul3A_517 = arith.mulf %get3A_514, %mul3A_516 : vector<16xf32>
        %swap3A = arith.constant 3 : i32
        %swap3A_518 = arith.index_cast %swap3A : i32 to index
        %swap3A_519 = arith.index_cast %scan3A_509 : i32 to index
        %swap3A_520 = arith.constant 0 : index
        %swap3A_521 = tpu.vector_load %arg6[%swap3A_518, %swap3A_519, %swap3A_520] {strides = array<i32>} : memref<5x128x64xf32, #tpu.memory_space<vmem>>, vector<1x1x16xf32>,
        %swap3A_522 = vector.shape_cast %swap3A_521 : vector<1x1x16xf32> to vector<16xf32>
        %swap3A_523 = vector.shape_cast %mul3A_517 : vector<16xf32> to vector<1x1x16xf32>
        tpu.vector_store %arg6[%swap3A_518, %swap3A_519, %swap3A_520], %swap3A_523 {strides = array<i32>} : memref<5x128x64xf32, #tpu.memory_space<vmem>>, vector<1x1x16xf32>,
        %get3A_524 = arith.constant 3 : i32
        %get3A_525 = arith.index_cast %get3A_524 : i32 to index
        %get3A_526 = arith.index_cast %scan3A_509 : i32 to index
        %get3A_527 = arith.constant 16 : index
        %get3A_528 = tpu.vector_load %arg6[%get3A_525, %get3A_526, %get3A_527] {strides = array<i32>} : memref<5x128x64xf32, #tpu.memory_space<vmem>>, vector<1x1x16xf32>,
        %get3A_529 = vector.shape_cast %get3A_528 : vector<1x1x16xf32> to vector<16xf32>
        %mul3A_530 = arith.constant 8.000000e+00 : f32
        %mul3A_531 = vector.broadcast %mul3A_530 : f32 to vector<16xf32>
        %mul3A_532 = arith.mulf %get3A_529, %mul3A_531 : vector<16xf32>
        %swap3A_533 = arith.constant 3 : i32
        %swap3A_534 = arith.index_cast %swap3A_533 : i32 to index
        %swap3A_535 = arith.index_cast %scan3A_509 : i32 to index
        %swap3A_536 = arith.constant 16 : index
        %swap3A_537 = tpu.vector_load %arg6[%swap3A_534, %swap3A_535, %swap3A_536] {strides = array<i32>} : memref<5x128x64xf32, #tpu.memory_space<vmem>>, vector<1x1x16xf32>,
        %swap3A_538 = vector.shape_cast %swap3A_537 : vector<1x1x16xf32> to vector<16xf32>
        %swap3A_539 = vector.shape_cast %mul3A_532 : vector<16xf32> to vector<1x1x16xf32>
        tpu.vector_store %arg6[%swap3A_534, %swap3A_535, %swap3A_536], %swap3A_539 {strides = array<i32>} : memref<5x128x64xf32, #tpu.memory_space<vmem>>, vector<1x1x16xf32>,
        %get3A_540 = arith.constant 3 : i32
        %get3A_541 = arith.index_cast %get3A_540 : i32 to index
        %get3A_542 = arith.index_cast %scan3A_509 : i32 to index
        %get3A_543 = arith.constant 32 : index
        %get3A_544 = tpu.vector_load %arg6[%get3A_541, %get3A_542, %get3A_543] {strides = array<i32>} : memref<5x128x64xf32, #tpu.memory_space<vmem>>, vector<1x1x16xf32>,
        %get3A_545 = vector.shape_cast %get3A_544 : vector<1x1x16xf32> to vector<16xf32>
        %mul3A_546 = arith.constant 8.000000e+00 : f32
        %mul3A_547 = vector.broadcast %mul3A_546 : f32 to vector<16xf32>
        %mul3A_548 = arith.mulf %get3A_545, %mul3A_547 : vector<16xf32>
        %swap3A_549 = arith.constant 3 : i32
        %swap3A_550 = arith.index_cast %swap3A_549 : i32 to index
        %swap3A_551 = arith.index_cast %scan3A_509 : i32 to index
        %swap3A_552 = arith.constant 32 : index
        %swap3A_553 = tpu.vector_load %arg6[%swap3A_550, %swap3A_551, %swap3A_552] {strides = array<i32>} : memref<5x128x64xf32, #tpu.memory_space<vmem>>, vector<1x1x16xf32>,
        %swap3A_554 = vector.shape_cast %swap3A_553 : vector<1x1x16xf32> to vector<16xf32>
        %swap3A_555 = vector.shape_cast %mul3A_548 : vector<16xf32> to vector<1x1x16xf32>
        tpu.vector_store %arg6[%swap3A_550, %swap3A_551, %swap3A_552], %swap3A_555 {strides = array<i32>} : memref<5x128x64xf32, #tpu.memory_space<vmem>>, vector<1x1x16xf32>,
        %get3A_556 = arith.constant 3 : i32
        %get3A_557 = arith.index_cast %get3A_556 : i32 to index
        %get3A_558 = arith.index_cast %scan3A_509 : i32 to index
        %get3A_559 = arith.constant 48 : index
        %get3A_560 = tpu.vector_load %arg6[%get3A_557, %get3A_558, %get3A_559] {strides = array<i32>} : memref<5x128x64xf32, #tpu.memory_space<vmem>>, vector<1x1x16xf32>,
        %get3A_561 = vector.shape_cast %get3A_560 : vector<1x1x16xf32> to vector<16xf32>
        %mul3A_562 = arith.constant 8.000000e+00 : f32
        %mul3A_563 = vector.broadcast %mul3A_562 : f32 to vector<16xf32>
        %mul3A_564 = arith.mulf %get3A_561, %mul3A_563 : vector<16xf32>
        %swap3A_565 = arith.constant 3 : i32
        %swap3A_566 = arith.index_cast %swap3A_565 : i32 to index
        %swap3A_567 = arith.index_cast %scan3A_509 : i32 to index
        %swap3A_568 = arith.constant 48 : index
        %swap3A_569 = tpu.vector_load %arg6[%swap3A_566, %swap3A_567, %swap3A_568] {strides = array<i32>} : memref<5x128x64xf32, #tpu.memory_space<vmem>>, vector<1x1x16xf32>,
        %swap3A_570 = vector.shape_cast %swap3A_569 : vector<1x1x16xf32> to vector<16xf32>
        %swap3A_571 = vector.shape_cast %mul3A_564 : vector<16xf32> to vector<1x1x16xf32>
        tpu.vector_store %arg6[%swap3A_566, %swap3A_567, %swap3A_568], %swap3A_571 {strides = array<i32>} : memref<5x128x64xf32, #tpu.memory_space<vmem>>, vector<1x1x16xf32>,
      }
      %scan3A_416 = arith.constant 128 : i32
      %mul3A_417 = arith.constant 32 : i32
      %mul3A_418 = arith.muli %add3A_370, %mul3A_417 : i32
      %add3A_419 = arith.addi %mul3A_418, %add3A : i32
      %mul3A_420 = arith.constant 128 : i32
      %mul3A_421 = arith.muli %add3A_419, %mul3A_420 : i32
      %dma_start3A_422 = arith.constant 3 : i32
      %dma_start3A_423 = arith.constant 3 : i32
      %dma_start3A_424 = arith.constant 0 : i32
      %dma_start3A_425 = arith.constant 0 : i32
      %dma_start3A_426 = tpu.memref_slice %arg6[%dma_start3A_422, %dma_start3A_424, %dma_start3A_425] : memref<5x128x64xf32, #tpu.memory_space<vmem>> -> memref<1x128x64xf32, #tpu.memory_space<vmem>>
      %dma_start3A_427 = tpu.memref_squeeze %dma_start3A_426 : memref<1x128x64xf32, #tpu.memory_space<vmem>> -> memref<128x64xf32, #tpu.memory_space<vmem>>
      %dma_start3A_428 = arith.constant 0 : i32
      %dma_start3A_429 = tpu.memref_slice %arg4[%mul3A_421, %dma_start3A_428] : memref<204800x64xf32, #tpu.memory_space<hbm>> -> memref<128x64xf32, #tpu.memory_space<hbm>>
      %dma_start3A_430 = tpu.memref_slice %arg9[%dma_start3A_423] : memref<5x!tpu.dma_semaphore, #tpu.memory_space<semaphore_mem>> -> memref<1x!tpu.dma_semaphore, #tpu.memory_space<semaphore_mem>>
      %dma_start3A_431 = tpu.memref_squeeze %dma_start3A_430 : memref<1x!tpu.dma_semaphore, #tpu.memory_space<semaphore_mem>> -> memref<!tpu.dma_semaphore, #tpu.memory_space<semaphore_mem>>
      %dma_start3A_432 = arith.constant 0 : i32
      %dma_start3A_433 = tpu.memref_slice %arg4[%mul3A_421, %dma_start3A_432] : memref<204800x64xf32, #tpu.memory_space<hbm>> -> memref<128x64xf32, #tpu.memory_space<hbm>>
      %dma_start3A_434 = arith.constant 0 : i32
      %dma_start3A_435 = arith.constant 0 : i32
      %dma_start3A_436 = tpu.memref_slice %arg6[%dma_start3A_422, %dma_start3A_434, %dma_start3A_435] : memref<5x128x64xf32, #tpu.memory_space<vmem>> -> memref<1x128x64xf32, #tpu.memory_space<vmem>>
      %dma_start3A_437 = tpu.memref_squeeze %dma_start3A_436 : memref<1x128x64xf32, #tpu.memory_space<vmem>> -> memref<128x64xf32, #tpu.memory_space<vmem>>
      tpu.enqueue_dma source(%dma_start3A_437 : memref<128x64xf32, #tpu.memory_space<vmem>>) target(%dma_start3A_433 : memref<128x64xf32, #tpu.memory_space<hbm>>) target_semaphore(%dma_start3A_431 : memref<!tpu.dma_semaphore, #tpu.memory_space<semaphore_mem>>)
      %mul3A_438 = arith.constant 5 : i32
      %mul3A_439 = arith.muli %scan3A_158, %mul3A_438 : i32
      %add3A_440 = arith.constant 4 : i32
      %add3A_441 = arith.addi %mul3A_439, %add3A_440 : i32
      %add3A_442 = arith.constant 3 : i32
      %add3A_443 = arith.addi %add3A_441, %add3A_442 : i32
      %add3A_444 = arith.constant 1 : i32
      %add3A_445 = arith.addi %add3A_441, %add3A_444 : i32
      %lt3A_446 = arith.constant 50 : i32
      %lt3A_447 = arith.cmpi slt, %add3A_443, %lt3A_446 : i32
      %convert_element_type3A_448 = arith.extui %lt3A_447 : i1 to i32
      %cond3A_449 = arith.constant 0 : i32
      %cond3A_450 = arith.cmpi ne, %convert_element_type3A_448, %cond3A_449 : i32
      scf.if %cond3A_450 {
        %mul3A_509 = arith.constant 4096 : i32
        %mul3A_510 = arith.muli %add3A_443, %mul3A_509 : i32
        %add3A_511 = arith.addi %mul3A_510, %mul3A_2 : i32
        %dma_start3A_512 = arith.constant 2 : i32
        %dma_start3A_513 = arith.constant 2 : i32
        %dma_start3A_514 = arith.constant 0 : i32
        %dma_start3A_515 = tpu.memref_slice %arg5[%dma_start3A_512, %dma_start3A_514] : memref<5x128xi32, #tpu.memory_space<vmem>> -> memref<1x128xi32, #tpu.memory_space<vmem>>
        %dma_start3A_516 = tpu.memref_squeeze %dma_start3A_515 : memref<1x128xi32, #tpu.memory_space<vmem>> -> memref<128xi32, #tpu.memory_space<vmem>>
        %dma_start3A_517 = tpu.memref_slice %arg2[%add3A_511] : memref<204800xi32, #tpu.memory_space<hbm>> -> memref<128xi32, #tpu.memory_space<hbm>>
        %dma_start3A_518 = tpu.memref_slice %arg7[%dma_start3A_513] : memref<5x!tpu.dma_semaphore, #tpu.memory_space<semaphore_mem>> -> memref<1x!tpu.dma_semaphore, #tpu.memory_space<semaphore_mem>>
        %dma_start3A_519 = tpu.memref_squeeze %dma_start3A_518 : memref<1x!tpu.dma_semaphore, #tpu.memory_space<semaphore_mem>> -> memref<!tpu.dma_semaphore, #tpu.memory_space<semaphore_mem>>
        %dma_start3A_520 = arith.constant 0 : i32
        %dma_start3A_521 = tpu.memref_slice %arg5[%dma_start3A_512, %dma_start3A_520] : memref<5x128xi32, #tpu.memory_space<vmem>> -> memref<1x128xi32, #tpu.memory_space<vmem>>
        %dma_start3A_522 = tpu.memref_squeeze %dma_start3A_521 : memref<1x128xi32, #tpu.memory_space<vmem>> -> memref<128xi32, #tpu.memory_space<vmem>>
        %dma_start3A_523 = tpu.memref_slice %arg2[%add3A_511] : memref<204800xi32, #tpu.memory_space<hbm>> -> memref<128xi32, #tpu.memory_space<hbm>>
        tpu.enqueue_dma source(%dma_start3A_523 : memref<128xi32, #tpu.memory_space<hbm>>) target(%dma_start3A_522 : memref<128xi32, #tpu.memory_space<vmem>>) target_semaphore(%dma_start3A_519 : memref<!tpu.dma_semaphore, #tpu.memory_space<semaphore_mem>>)
      } else {
      }
      %ge3A_451 = arith.constant 5 : i32
      %ge3A_452 = arith.cmpi sge, %add3A_445, %ge3A_451 : i32
      %lt3A_453 = arith.constant 50 : i32
      %lt3A_454 = arith.cmpi slt, %add3A_445, %lt3A_453 : i32
      %and3A_455 = arith.andi %ge3A_452, %lt3A_454 : i1
      %convert_element_type3A_456 = arith.extui %and3A_455 : i1 to i32
      %cond3A_457 = arith.constant 0 : i32
      %cond3A_458 = arith.cmpi ne, %convert_element_type3A_456, %cond3A_457 : i32
      scf.if %cond3A_458 {
        %dma_wait3A_509 = arith.constant 0 : i32
        %dma_wait3A_510 = arith.constant 0 : i32
        %dma_wait3A_511 = arith.constant 0 : i32
        %dma_wait3A_512 = arith.constant 0 : i32
        %dma_wait3A_513 = tpu.memref_slice %arg6[%dma_wait3A_509, %dma_wait3A_511, %dma_wait3A_512] : memref<5x128x64xf32, #tpu.memory_space<vmem>> -> memref<1x128x64xf32, #tpu.memory_space<vmem>>
        %dma_wait3A_514 = tpu.memref_squeeze %dma_wait3A_513 : memref<1x128x64xf32, #tpu.memory_space<vmem>> -> memref<128x64xf32, #tpu.memory_space<vmem>>
        %dma_wait3A_515 = arith.constant 0 : i32
        %dma_wait3A_516 = arith.constant 0 : i32
        %dma_wait3A_517 = tpu.memref_slice %arg4[%dma_wait3A_515, %dma_wait3A_516] : memref<204800x64xf32, #tpu.memory_space<hbm>> -> memref<128x64xf32, #tpu.memory_space<hbm>>
        %dma_wait3A_518 = tpu.memref_slice %arg9[%dma_wait3A_510] : memref<5x!tpu.dma_semaphore, #tpu.memory_space<semaphore_mem>> -> memref<1x!tpu.dma_semaphore, #tpu.memory_space<semaphore_mem>>
        %dma_wait3A_519 = tpu.memref_squeeze %dma_wait3A_518 : memref<1x!tpu.dma_semaphore, #tpu.memory_space<semaphore_mem>> -> memref<!tpu.dma_semaphore, #tpu.memory_space<semaphore_mem>>
        %dma_wait3A_520 = arith.constant 0 : i32
        %dma_wait3A_521 = arith.constant 0 : i32
        %dma_wait3A_522 = tpu.memref_slice %arg4[%dma_wait3A_520, %dma_wait3A_521] : memref<204800x64xf32, #tpu.memory_space<hbm>> -> memref<128x64xf32, #tpu.memory_space<hbm>>
        %dma_wait3A_523 = arith.constant 0 : i32
        %dma_wait3A_524 = arith.constant 0 : i32
        %dma_wait3A_525 = tpu.memref_slice %arg6[%dma_wait3A_509, %dma_wait3A_523, %dma_wait3A_524] : memref<5x128x64xf32, #tpu.memory_space<vmem>> -> memref<1x128x64xf32, #tpu.memory_space<vmem>>
        %dma_wait3A_526 = tpu.memref_squeeze %dma_wait3A_525 : memref<1x128x64xf32, #tpu.memory_space<vmem>> -> memref<128x64xf32, #tpu.memory_space<vmem>>
        tpu.wait_dma2 semaphore(%dma_wait3A_519 : memref<!tpu.dma_semaphore, #tpu.memory_space<semaphore_mem>>) src(%dma_wait3A_526 : memref<128x64xf32, #tpu.memory_space<vmem>>) dst(%dma_wait3A_522 : memref<128x64xf32, #tpu.memory_space<hbm>>)
      } else {
      }
      %lt3A_459 = arith.constant 50 : i32
      %lt3A_460 = arith.cmpi slt, %add3A_445, %lt3A_459 : i32
      %convert_element_type3A_461 = arith.extui %lt3A_460 : i1 to i32
      %cond3A_462 = arith.constant 0 : i32
      %cond3A_463 = arith.cmpi ne, %convert_element_type3A_461, %cond3A_462 : i32
      scf.if %cond3A_463 {
        %dma_wait3A_509 = arith.constant 0 : i32
        %dma_wait3A_510 = arith.constant 0 : i32
        %dma_wait3A_511 = arith.constant 0 : i32
        %dma_wait3A_512 = tpu.memref_slice %arg5[%dma_wait3A_509, %dma_wait3A_511] : memref<5x128xi32, #tpu.memory_space<vmem>> -> memref<1x128xi32, #tpu.memory_space<vmem>>
        %dma_wait3A_513 = tpu.memref_squeeze %dma_wait3A_512 : memref<1x128xi32, #tpu.memory_space<vmem>> -> memref<128xi32, #tpu.memory_space<vmem>>
        %dma_wait3A_514 = arith.constant 0 : i32
        %dma_wait3A_515 = tpu.memref_slice %arg2[%dma_wait3A_514] : memref<204800xi32, #tpu.memory_space<hbm>> -> memref<128xi32, #tpu.memory_space<hbm>>
        %dma_wait3A_516 = tpu.memref_slice %arg7[%dma_wait3A_510] : memref<5x!tpu.dma_semaphore, #tpu.memory_space<semaphore_mem>> -> memref<1x!tpu.dma_semaphore, #tpu.memory_space<semaphore_mem>>
        %dma_wait3A_517 = tpu.memref_squeeze %dma_wait3A_516 : memref<1x!tpu.dma_semaphore, #tpu.memory_space<semaphore_mem>> -> memref<!tpu.dma_semaphore, #tpu.memory_space<semaphore_mem>>
        %dma_wait3A_518 = arith.constant 0 : i32
        %dma_wait3A_519 = tpu.memref_slice %arg5[%dma_wait3A_509, %dma_wait3A_518] : memref<5x128xi32, #tpu.memory_space<vmem>> -> memref<1x128xi32, #tpu.memory_space<vmem>>
        %dma_wait3A_520 = tpu.memref_squeeze %dma_wait3A_519 : memref<1x128xi32, #tpu.memory_space<vmem>> -> memref<128xi32, #tpu.memory_space<vmem>>
        %dma_wait3A_521 = arith.constant 0 : i32
        %dma_wait3A_522 = tpu.memref_slice %arg2[%dma_wait3A_521] : memref<204800xi32, #tpu.memory_space<hbm>> -> memref<128xi32, #tpu.memory_space<hbm>>
        tpu.wait_dma2 semaphore(%dma_wait3A_517 : memref<!tpu.dma_semaphore, #tpu.memory_space<semaphore_mem>>) src(%dma_wait3A_522 : memref<128xi32, #tpu.memory_space<hbm>>) dst(%dma_wait3A_520 : memref<128xi32, #tpu.memory_space<vmem>>)
        %scan3A_523 = arith.constant 0 : i32
        %scan3A_524 = arith.constant 0 : i32
        %scan3A_525 = arith.constant 8 : i32
        %scan3A_526 = arith.addi %scan3A_524, %scan3A_525 : i32
        %scan3A_527 = arith.constant 1 : i32
        scf.for %scan3A_529 = %scan3A_524 to %scan3A_526 step %scan3A_527  : i32 {
          %mul3A_530 = arith.constant 16 : i32
          %mul3A_531 = arith.muli %scan3A_529, %mul3A_530 : i32
          %get3A = arith.constant 0 : i32
          %get3A_532 = arith.index_cast %get3A : i32 to index
          %get3A_533 = arith.index_cast %mul3A_531 : i32 to index
          %get3A_534 = tpu.vector_load %arg5[%get3A_532, %get3A_533] {strides = array<i32>} : memref<5x128xi32, #tpu.memory_space<vmem>>, vector<1x16xi32>,
          %get3A_535 = vector.shape_cast %get3A_534 : vector<1x16xi32> to vector<16xi32>
          %slice3A = vector.extract_strided_slice %get3A_535 {offsets = [0], sizes = [1], strides = [1]} : vector<16xi32> to vector<1xi32>
          %squeeze3A = vector.extract %slice3A[0] : i32 from vector<1xi32>
          %shift_right_arithmetic3A = arith.constant 3 : i32
          %shift_right_arithmetic3A_536 = arith.shrsi %squeeze3A, %shift_right_arithmetic3A : i32
          %and3A_537 = arith.constant 7 : i32
          %and3A_538 = arith.andi %squeeze3A, %and3A_537 : i32
          %mul3A_539 = arith.constant 16 : i32
          %mul3A_540 = arith.muli %scan3A_529, %mul3A_539 : i32
          %add3A_541 = arith.constant 0 : i32
          %add3A_542 = arith.addi %mul3A_540, %add3A_541 : i32
          %dma_start3A_543 = arith.constant 0 : i32
          %dma_start3A_544 = arith.constant 0 : i32
          %dma_start3A_545 = arith.constant 0 : i32
          %dma_start3A_546 = tpu.memref_slice %arg6[%dma_start3A_543, %add3A_542, %dma_start3A_545] : memref<5x128x64xf32, #tpu.memory_space<vmem>> -> memref<1x1x64xf32, #tpu.memory_space<vmem>>
          %dma_start3A_547 = tpu.memref_squeeze %dma_start3A_546 : memref<1x1x64xf32, #tpu.memory_space<vmem>> -> memref<64xf32, #tpu.memory_space<vmem>>
          %dma_start3A_548 = arith.constant 0 : i32
          %dma_start3A_549 = tpu.memref_slice %arg3[%shift_right_arithmetic3A_536, %and3A_538, %dma_start3A_548] : memref<125000x8x64xf32, #tpu.memory_space<hbm>> -> memref<1x1x64xf32, #tpu.memory_space<hbm>>
          %dma_start3A_550 = tpu.memref_squeeze %dma_start3A_549 : memref<1x1x64xf32, #tpu.memory_space<hbm>> -> memref<64xf32, #tpu.memory_space<hbm>>
          %dma_start3A_551 = tpu.memref_slice %arg8[%dma_start3A_544] : memref<5x!tpu.dma_semaphore, #tpu.memory_space<semaphore_mem>> -> memref<1x!tpu.dma_semaphore, #tpu.memory_space<semaphore_mem>>
          %dma_start3A_552 = tpu.memref_squeeze %dma_start3A_551 : memref<1x!tpu.dma_semaphore, #tpu.memory_space<semaphore_mem>> -> memref<!tpu.dma_semaphore, #tpu.memory_space<semaphore_mem>>
          %dma_start3A_553 = arith.constant 0 : i32
          %dma_start3A_554 = tpu.memref_slice %arg6[%dma_start3A_543, %add3A_542, %dma_start3A_553] : memref<5x128x64xf32, #tpu.memory_space<vmem>> -> memref<1x1x64xf32, #tpu.memory_space<vmem>>
          %dma_start3A_555 = tpu.memref_squeeze %dma_start3A_554 : memref<1x1x64xf32, #tpu.memory_space<vmem>> -> memref<64xf32, #tpu.memory_space<vmem>>
          %dma_start3A_556 = arith.constant 0 : i32
          %dma_start3A_557 = tpu.memref_slice %arg3[%shift_right_arithmetic3A_536, %and3A_538, %dma_start3A_556] : memref<125000x8x64xf32, #tpu.memory_space<hbm>> -> memref<1x1x64xf32, #tpu.memory_space<hbm>>
          %dma_start3A_558 = tpu.memref_squeeze %dma_start3A_557 : memref<1x1x64xf32, #tpu.memory_space<hbm>> -> memref<64xf32, #tpu.memory_space<hbm>>
          tpu.enqueue_dma source(%dma_start3A_558 : memref<64xf32, #tpu.memory_space<hbm>>) target(%dma_start3A_555 : memref<64xf32, #tpu.memory_space<vmem>>) target_semaphore(%dma_start3A_552 : memref<!tpu.dma_semaphore, #tpu.memory_space<semaphore_mem>>)
          %slice3A_559 = vector.extract_strided_slice %get3A_535 {offsets = [1], sizes = [1], strides = [1]} : vector<16xi32> to vector<1xi32>
          %squeeze3A_560 = vector.extract %slice3A_559[0] : i32 from vector<1xi32>
          %shift_right_arithmetic3A_561 = arith.constant 3 : i32
          %shift_right_arithmetic3A_562 = arith.shrsi %squeeze3A_560, %shift_right_arithmetic3A_561 : i32
          %and3A_563 = arith.constant 7 : i32
          %and3A_564 = arith.andi %squeeze3A_560, %and3A_563 : i32
          %mul3A_565 = arith.constant 16 : i32
          %mul3A_566 = arith.muli %scan3A_529, %mul3A_565 : i32
          %add3A_567 = arith.constant 1 : i32
          %add3A_568 = arith.addi %mul3A_566, %add3A_567 : i32
          %dma_start3A_569 = arith.constant 0 : i32
          %dma_start3A_570 = arith.constant 0 : i32
          %dma_start3A_571 = arith.constant 0 : i32
          %dma_start3A_572 = tpu.memref_slice %arg6[%dma_start3A_569, %add3A_568, %dma_start3A_571] : memref<5x128x64xf32, #tpu.memory_space<vmem>> -> memref<1x1x64xf32, #tpu.memory_space<vmem>>
          %dma_start3A_573 = tpu.memref_squeeze %dma_start3A_572 : memref<1x1x64xf32, #tpu.memory_space<vmem>> -> memref<64xf32, #tpu.memory_space<vmem>>
          %dma_start3A_574 = arith.constant 0 : i32
          %dma_start3A_575 = tpu.memref_slice %arg3[%shift_right_arithmetic3A_562, %and3A_564, %dma_start3A_574] : memref<125000x8x64xf32, #tpu.memory_space<hbm>> -> memref<1x1x64xf32, #tpu.memory_space<hbm>>
          %dma_start3A_576 = tpu.memref_squeeze %dma_start3A_575 : memref<1x1x64xf32, #tpu.memory_space<hbm>> -> memref<64xf32, #tpu.memory_space<hbm>>
          %dma_start3A_577 = tpu.memref_slice %arg8[%dma_start3A_570] : memref<5x!tpu.dma_semaphore, #tpu.memory_space<semaphore_mem>> -> memref<1x!tpu.dma_semaphore, #tpu.memory_space<semaphore_mem>>
          %dma_start3A_578 = tpu.memref_squeeze %dma_start3A_577 : memref<1x!tpu.dma_semaphore, #tpu.memory_space<semaphore_mem>> -> memref<!tpu.dma_semaphore, #tpu.memory_space<semaphore_mem>>
          %dma_start3A_579 = arith.constant 0 : i32
          %dma_start3A_580 = tpu.memref_slice %arg6[%dma_start3A_569, %add3A_568, %dma_start3A_579] : memref<5x128x64xf32, #tpu.memory_space<vmem>> -> memref<1x1x64xf32, #tpu.memory_space<vmem>>
          %dma_start3A_581 = tpu.memref_squeeze %dma_start3A_580 : memref<1x1x64xf32, #tpu.memory_space<vmem>> -> memref<64xf32, #tpu.memory_space<vmem>>
          %dma_start3A_582 = arith.constant 0 : i32
          %dma_start3A_583 = tpu.memref_slice %arg3[%shift_right_arithmetic3A_562, %and3A_564, %dma_start3A_582] : memref<125000x8x64xf32, #tpu.memory_space<hbm>> -> memref<1x1x64xf32, #tpu.memory_space<hbm>>
          %dma_start3A_584 = tpu.memref_squeeze %dma_start3A_583 : memref<1x1x64xf32, #tpu.memory_space<hbm>> -> memref<64xf32, #tpu.memory_space<hbm>>
          tpu.enqueue_dma source(%dma_start3A_584 : memref<64xf32, #tpu.memory_space<hbm>>) target(%dma_start3A_581 : memref<64xf32, #tpu.memory_space<vmem>>) target_semaphore(%dma_start3A_578 : memref<!tpu.dma_semaphore, #tpu.memory_space<semaphore_mem>>)
          %slice3A_585 = vector.extract_strided_slice %get3A_535 {offsets = [2], sizes = [1], strides = [1]} : vector<16xi32> to vector<1xi32>
          %squeeze3A_586 = vector.extract %slice3A_585[0] : i32 from vector<1xi32>
          %shift_right_arithmetic3A_587 = arith.constant 3 : i32
          %shift_right_arithmetic3A_588 = arith.shrsi %squeeze3A_586, %shift_right_arithmetic3A_587 : i32
          %and3A_589 = arith.constant 7 : i32
          %and3A_590 = arith.andi %squeeze3A_586, %and3A_589 : i32
          %mul3A_591 = arith.constant 16 : i32
          %mul3A_592 = arith.muli %scan3A_529, %mul3A_591 : i32
          %add3A_593 = arith.constant 2 : i32
          %add3A_594 = arith.addi %mul3A_592, %add3A_593 : i32
          %dma_start3A_595 = arith.constant 0 : i32
          %dma_start3A_596 = arith.constant 0 : i32
          %dma_start3A_597 = arith.constant 0 : i32
          %dma_start3A_598 = tpu.memref_slice %arg6[%dma_start3A_595, %add3A_594, %dma_start3A_597] : memref<5x128x64xf32, #tpu.memory_space<vmem>> -> memref<1x1x64xf32, #tpu.memory_space<vmem>>
          %dma_start3A_599 = tpu.memref_squeeze %dma_start3A_598 : memref<1x1x64xf32, #tpu.memory_space<vmem>> -> memref<64xf32, #tpu.memory_space<vmem>>
          %dma_start3A_600 = arith.constant 0 : i32
          %dma_start3A_601 = tpu.memref_slice %arg3[%shift_right_arithmetic3A_588, %and3A_590, %dma_start3A_600] : memref<125000x8x64xf32, #tpu.memory_space<hbm>> -> memref<1x1x64xf32, #tpu.memory_space<hbm>>
          %dma_start3A_602 = tpu.memref_squeeze %dma_start3A_601 : memref<1x1x64xf32, #tpu.memory_space<hbm>> -> memref<64xf32, #tpu.memory_space<hbm>>
          %dma_start3A_603 = tpu.memref_slice %arg8[%dma_start3A_596] : memref<5x!tpu.dma_semaphore, #tpu.memory_space<semaphore_mem>> -> memref<1x!tpu.dma_semaphore, #tpu.memory_space<semaphore_mem>>
          %dma_start3A_604 = tpu.memref_squeeze %dma_start3A_603 : memref<1x!tpu.dma_semaphore, #tpu.memory_space<semaphore_mem>> -> memref<!tpu.dma_semaphore, #tpu.memory_space<semaphore_mem>>
          %dma_start3A_605 = arith.constant 0 : i32
          %dma_start3A_606 = tpu.memref_slice %arg6[%dma_start3A_595, %add3A_594, %dma_start3A_605] : memref<5x128x64xf32, #tpu.memory_space<vmem>> -> memref<1x1x64xf32, #tpu.memory_space<vmem>>
          %dma_start3A_607 = tpu.memref_squeeze %dma_start3A_606 : memref<1x1x64xf32, #tpu.memory_space<vmem>> -> memref<64xf32, #tpu.memory_space<vmem>>
          %dma_start3A_608 = arith.constant 0 : i32
          %dma_start3A_609 = tpu.memref_slice %arg3[%shift_right_arithmetic3A_588, %and3A_590, %dma_start3A_608] : memref<125000x8x64xf32, #tpu.memory_space<hbm>> -> memref<1x1x64xf32, #tpu.memory_space<hbm>>
          %dma_start3A_610 = tpu.memref_squeeze %dma_start3A_609 : memref<1x1x64xf32, #tpu.memory_space<hbm>> -> memref<64xf32, #tpu.memory_space<hbm>>
          tpu.enqueue_dma source(%dma_start3A_610 : memref<64xf32, #tpu.memory_space<hbm>>) target(%dma_start3A_607 : memref<64xf32, #tpu.memory_space<vmem>>) target_semaphore(%dma_start3A_604 : memref<!tpu.dma_semaphore, #tpu.memory_space<semaphore_mem>>)
          %slice3A_611 = vector.extract_strided_slice %get3A_535 {offsets = [3], sizes = [1], strides = [1]} : vector<16xi32> to vector<1xi32>
          %squeeze3A_612 = vector.extract %slice3A_611[0] : i32 from vector<1xi32>
          %shift_right_arithmetic3A_613 = arith.constant 3 : i32
          %shift_right_arithmetic3A_614 = arith.shrsi %squeeze3A_612, %shift_right_arithmetic3A_613 : i32
          %and3A_615 = arith.constant 7 : i32
          %and3A_616 = arith.andi %squeeze3A_612, %and3A_615 : i32
          %mul3A_617 = arith.constant 16 : i32
          %mul3A_618 = arith.muli %scan3A_529, %mul3A_617 : i32
          %add3A_619 = arith.constant 3 : i32
          %add3A_620 = arith.addi %mul3A_618, %add3A_619 : i32
          %dma_start3A_621 = arith.constant 0 : i32
          %dma_start3A_622 = arith.constant 0 : i32
          %dma_start3A_623 = arith.constant 0 : i32
          %dma_start3A_624 = tpu.memref_slice %arg6[%dma_start3A_621, %add3A_620, %dma_start3A_623] : memref<5x128x64xf32, #tpu.memory_space<vmem>> -> memref<1x1x64xf32, #tpu.memory_space<vmem>>
          %dma_start3A_625 = tpu.memref_squeeze %dma_start3A_624 : memref<1x1x64xf32, #tpu.memory_space<vmem>> -> memref<64xf32, #tpu.memory_space<vmem>>
          %dma_start3A_626 = arith.constant 0 : i32
          %dma_start3A_627 = tpu.memref_slice %arg3[%shift_right_arithmetic3A_614, %and3A_616, %dma_start3A_626] : memref<125000x8x64xf32, #tpu.memory_space<hbm>> -> memref<1x1x64xf32, #tpu.memory_space<hbm>>
          %dma_start3A_628 = tpu.memref_squeeze %dma_start3A_627 : memref<1x1x64xf32, #tpu.memory_space<hbm>> -> memref<64xf32, #tpu.memory_space<hbm>>
          %dma_start3A_629 = tpu.memref_slice %arg8[%dma_start3A_622] : memref<5x!tpu.dma_semaphore, #tpu.memory_space<semaphore_mem>> -> memref<1x!tpu.dma_semaphore, #tpu.memory_space<semaphore_mem>>
          %dma_start3A_630 = tpu.memref_squeeze %dma_start3A_629 : memref<1x!tpu.dma_semaphore, #tpu.memory_space<semaphore_mem>> -> memref<!tpu.dma_semaphore, #tpu.memory_space<semaphore_mem>>
          %dma_start3A_631 = arith.constant 0 : i32
          %dma_start3A_632 = tpu.memref_slice %arg6[%dma_start3A_621, %add3A_620, %dma_start3A_631] : memref<5x128x64xf32, #tpu.memory_space<vmem>> -> memref<1x1x64xf32, #tpu.memory_space<vmem>>
          %dma_start3A_633 = tpu.memref_squeeze %dma_start3A_632 : memref<1x1x64xf32, #tpu.memory_space<vmem>> -> memref<64xf32, #tpu.memory_space<vmem>>
          %dma_start3A_634 = arith.constant 0 : i32
          %dma_start3A_635 = tpu.memref_slice %arg3[%shift_right_arithmetic3A_614, %and3A_616, %dma_start3A_634] : memref<125000x8x64xf32, #tpu.memory_space<hbm>> -> memref<1x1x64xf32, #tpu.memory_space<hbm>>
          %dma_start3A_636 = tpu.memref_squeeze %dma_start3A_635 : memref<1x1x64xf32, #tpu.memory_space<hbm>> -> memref<64xf32, #tpu.memory_space<hbm>>
          tpu.enqueue_dma source(%dma_start3A_636 : memref<64xf32, #tpu.memory_space<hbm>>) target(%dma_start3A_633 : memref<64xf32, #tpu.memory_space<vmem>>) target_semaphore(%dma_start3A_630 : memref<!tpu.dma_semaphore, #tpu.memory_space<semaphore_mem>>)
          %slice3A_637 = vector.extract_strided_slice %get3A_535 {offsets = [4], sizes = [1], strides = [1]} : vector<16xi32> to vector<1xi32>
          %squeeze3A_638 = vector.extract %slice3A_637[0] : i32 from vector<1xi32>
          %shift_right_arithmetic3A_639 = arith.constant 3 : i32
          %shift_right_arithmetic3A_640 = arith.shrsi %squeeze3A_638, %shift_right_arithmetic3A_639 : i32
          %and3A_641 = arith.constant 7 : i32
          %and3A_642 = arith.andi %squeeze3A_638, %and3A_641 : i32
          %mul3A_643 = arith.constant 16 : i32
          %mul3A_644 = arith.muli %scan3A_529, %mul3A_643 : i32
          %add3A_645 = arith.constant 4 : i32
          %add3A_646 = arith.addi %mul3A_644, %add3A_645 : i32
          %dma_start3A_647 = arith.constant 0 : i32
          %dma_start3A_648 = arith.constant 0 : i32
          %dma_start3A_649 = arith.constant 0 : i32
          %dma_start3A_650 = tpu.memref_slice %arg6[%dma_start3A_647, %add3A_646, %dma_start3A_649] : memref<5x128x64xf32, #tpu.memory_space<vmem>> -> memref<1x1x64xf32, #tpu.memory_space<vmem>>
          %dma_start3A_651 = tpu.memref_squeeze %dma_start3A_650 : memref<1x1x64xf32, #tpu.memory_space<vmem>> -> memref<64xf32, #tpu.memory_space<vmem>>
          %dma_start3A_652 = arith.constant 0 : i32
          %dma_start3A_653 = tpu.memref_slice %arg3[%shift_right_arithmetic3A_640, %and3A_642, %dma_start3A_652] : memref<125000x8x64xf32, #tpu.memory_space<hbm>> -> memref<1x1x64xf32, #tpu.memory_space<hbm>>
          %dma_start3A_654 = tpu.memref_squeeze %dma_start3A_653 : memref<1x1x64xf32, #tpu.memory_space<hbm>> -> memref<64xf32, #tpu.memory_space<hbm>>
          %dma_start3A_655 = tpu.memref_slice %arg8[%dma_start3A_648] : memref<5x!tpu.dma_semaphore, #tpu.memory_space<semaphore_mem>> -> memref<1x!tpu.dma_semaphore, #tpu.memory_space<semaphore_mem>>
          %dma_start3A_656 = tpu.memref_squeeze %dma_start3A_655 : memref<1x!tpu.dma_semaphore, #tpu.memory_space<semaphore_mem>> -> memref<!tpu.dma_semaphore, #tpu.memory_space<semaphore_mem>>
          %dma_start3A_657 = arith.constant 0 : i32
          %dma_start3A_658 = tpu.memref_slice %arg6[%dma_start3A_647, %add3A_646, %dma_start3A_657] : memref<5x128x64xf32, #tpu.memory_space<vmem>> -> memref<1x1x64xf32, #tpu.memory_space<vmem>>
          %dma_start3A_659 = tpu.memref_squeeze %dma_start3A_658 : memref<1x1x64xf32, #tpu.memory_space<vmem>> -> memref<64xf32, #tpu.memory_space<vmem>>
          %dma_start3A_660 = arith.constant 0 : i32
          %dma_start3A_661 = tpu.memref_slice %arg3[%shift_right_arithmetic3A_640, %and3A_642, %dma_start3A_660] : memref<125000x8x64xf32, #tpu.memory_space<hbm>> -> memref<1x1x64xf32, #tpu.memory_space<hbm>>
          %dma_start3A_662 = tpu.memref_squeeze %dma_start3A_661 : memref<1x1x64xf32, #tpu.memory_space<hbm>> -> memref<64xf32, #tpu.memory_space<hbm>>
          tpu.enqueue_dma source(%dma_start3A_662 : memref<64xf32, #tpu.memory_space<hbm>>) target(%dma_start3A_659 : memref<64xf32, #tpu.memory_space<vmem>>) target_semaphore(%dma_start3A_656 : memref<!tpu.dma_semaphore, #tpu.memory_space<semaphore_mem>>)
          %slice3A_663 = vector.extract_strided_slice %get3A_535 {offsets = [5], sizes = [1], strides = [1]} : vector<16xi32> to vector<1xi32>
          %squeeze3A_664 = vector.extract %slice3A_663[0] : i32 from vector<1xi32>
          %shift_right_arithmetic3A_665 = arith.constant 3 : i32
          %shift_right_arithmetic3A_666 = arith.shrsi %squeeze3A_664, %shift_right_arithmetic3A_665 : i32
          %and3A_667 = arith.constant 7 : i32
          %and3A_668 = arith.andi %squeeze3A_664, %and3A_667 : i32
          %mul3A_669 = arith.constant 16 : i32
          %mul3A_670 = arith.muli %scan3A_529, %mul3A_669 : i32
          %add3A_671 = arith.constant 5 : i32
          %add3A_672 = arith.addi %mul3A_670, %add3A_671 : i32
          %dma_start3A_673 = arith.constant 0 : i32
          %dma_start3A_674 = arith.constant 0 : i32
          %dma_start3A_675 = arith.constant 0 : i32
          %dma_start3A_676 = tpu.memref_slice %arg6[%dma_start3A_673, %add3A_672, %dma_start3A_675] : memref<5x128x64xf32, #tpu.memory_space<vmem>> -> memref<1x1x64xf32, #tpu.memory_space<vmem>>
          %dma_start3A_677 = tpu.memref_squeeze %dma_start3A_676 : memref<1x1x64xf32, #tpu.memory_space<vmem>> -> memref<64xf32, #tpu.memory_space<vmem>>
          %dma_start3A_678 = arith.constant 0 : i32
          %dma_start3A_679 = tpu.memref_slice %arg3[%shift_right_arithmetic3A_666, %and3A_668, %dma_start3A_678] : memref<125000x8x64xf32, #tpu.memory_space<hbm>> -> memref<1x1x64xf32, #tpu.memory_space<hbm>>
          %dma_start3A_680 = tpu.memref_squeeze %dma_start3A_679 : memref<1x1x64xf32, #tpu.memory_space<hbm>> -> memref<64xf32, #tpu.memory_space<hbm>>
          %dma_start3A_681 = tpu.memref_slice %arg8[%dma_start3A_674] : memref<5x!tpu.dma_semaphore, #tpu.memory_space<semaphore_mem>> -> memref<1x!tpu.dma_semaphore, #tpu.memory_space<semaphore_mem>>
          %dma_start3A_682 = tpu.memref_squeeze %dma_start3A_681 : memref<1x!tpu.dma_semaphore, #tpu.memory_space<semaphore_mem>> -> memref<!tpu.dma_semaphore, #tpu.memory_space<semaphore_mem>>
          %dma_start3A_683 = arith.constant 0 : i32
          %dma_start3A_684 = tpu.memref_slice %arg6[%dma_start3A_673, %add3A_672, %dma_start3A_683] : memref<5x128x64xf32, #tpu.memory_space<vmem>> -> memref<1x1x64xf32, #tpu.memory_space<vmem>>
          %dma_start3A_685 = tpu.memref_squeeze %dma_start3A_684 : memref<1x1x64xf32, #tpu.memory_space<vmem>> -> memref<64xf32, #tpu.memory_space<vmem>>
          %dma_start3A_686 = arith.constant 0 : i32
          %dma_start3A_687 = tpu.memref_slice %arg3[%shift_right_arithmetic3A_666, %and3A_668, %dma_start3A_686] : memref<125000x8x64xf32, #tpu.memory_space<hbm>> -> memref<1x1x64xf32, #tpu.memory_space<hbm>>
          %dma_start3A_688 = tpu.memref_squeeze %dma_start3A_687 : memref<1x1x64xf32, #tpu.memory_space<hbm>> -> memref<64xf32, #tpu.memory_space<hbm>>
          tpu.enqueue_dma source(%dma_start3A_688 : memref<64xf32, #tpu.memory_space<hbm>>) target(%dma_start3A_685 : memref<64xf32, #tpu.memory_space<vmem>>) target_semaphore(%dma_start3A_682 : memref<!tpu.dma_semaphore, #tpu.memory_space<semaphore_mem>>)
          %slice3A_689 = vector.extract_strided_slice %get3A_535 {offsets = [6], sizes = [1], strides = [1]} : vector<16xi32> to vector<1xi32>
          %squeeze3A_690 = vector.extract %slice3A_689[0] : i32 from vector<1xi32>
          %shift_right_arithmetic3A_691 = arith.constant 3 : i32
          %shift_right_arithmetic3A_692 = arith.shrsi %squeeze3A_690, %shift_right_arithmetic3A_691 : i32
          %and3A_693 = arith.constant 7 : i32
          %and3A_694 = arith.andi %squeeze3A_690, %and3A_693 : i32
          %mul3A_695 = arith.constant 16 : i32
          %mul3A_696 = arith.muli %scan3A_529, %mul3A_695 : i32
          %add3A_697 = arith.constant 6 : i32
          %add3A_698 = arith.addi %mul3A_696, %add3A_697 : i32
          %dma_start3A_699 = arith.constant 0 : i32
          %dma_start3A_700 = arith.constant 0 : i32
          %dma_start3A_701 = arith.constant 0 : i32
          %dma_start3A_702 = tpu.memref_slice %arg6[%dma_start3A_699, %add3A_698, %dma_start3A_701] : memref<5x128x64xf32, #tpu.memory_space<vmem>> -> memref<1x1x64xf32, #tpu.memory_space<vmem>>
          %dma_start3A_703 = tpu.memref_squeeze %dma_start3A_702 : memref<1x1x64xf32, #tpu.memory_space<vmem>> -> memref<64xf32, #tpu.memory_space<vmem>>
          %dma_start3A_704 = arith.constant 0 : i32
          %dma_start3A_705 = tpu.memref_slice %arg3[%shift_right_arithmetic3A_692, %and3A_694, %dma_start3A_704] : memref<125000x8x64xf32, #tpu.memory_space<hbm>> -> memref<1x1x64xf32, #tpu.memory_space<hbm>>
          %dma_start3A_706 = tpu.memref_squeeze %dma_start3A_705 : memref<1x1x64xf32, #tpu.memory_space<hbm>> -> memref<64xf32, #tpu.memory_space<hbm>>
          %dma_start3A_707 = tpu.memref_slice %arg8[%dma_start3A_700] : memref<5x!tpu.dma_semaphore, #tpu.memory_space<semaphore_mem>> -> memref<1x!tpu.dma_semaphore, #tpu.memory_space<semaphore_mem>>
          %dma_start3A_708 = tpu.memref_squeeze %dma_start3A_707 : memref<1x!tpu.dma_semaphore, #tpu.memory_space<semaphore_mem>> -> memref<!tpu.dma_semaphore, #tpu.memory_space<semaphore_mem>>
          %dma_start3A_709 = arith.constant 0 : i32
          %dma_start3A_710 = tpu.memref_slice %arg6[%dma_start3A_699, %add3A_698, %dma_start3A_709] : memref<5x128x64xf32, #tpu.memory_space<vmem>> -> memref<1x1x64xf32, #tpu.memory_space<vmem>>
          %dma_start3A_711 = tpu.memref_squeeze %dma_start3A_710 : memref<1x1x64xf32, #tpu.memory_space<vmem>> -> memref<64xf32, #tpu.memory_space<vmem>>
          %dma_start3A_712 = arith.constant 0 : i32
          %dma_start3A_713 = tpu.memref_slice %arg3[%shift_right_arithmetic3A_692, %and3A_694, %dma_start3A_712] : memref<125000x8x64xf32, #tpu.memory_space<hbm>> -> memref<1x1x64xf32, #tpu.memory_space<hbm>>
          %dma_start3A_714 = tpu.memref_squeeze %dma_start3A_713 : memref<1x1x64xf32, #tpu.memory_space<hbm>> -> memref<64xf32, #tpu.memory_space<hbm>>
          tpu.enqueue_dma source(%dma_start3A_714 : memref<64xf32, #tpu.memory_space<hbm>>) target(%dma_start3A_711 : memref<64xf32, #tpu.memory_space<vmem>>) target_semaphore(%dma_start3A_708 : memref<!tpu.dma_semaphore, #tpu.memory_space<semaphore_mem>>)
          %slice3A_715 = vector.extract_strided_slice %get3A_535 {offsets = [7], sizes = [1], strides = [1]} : vector<16xi32> to vector<1xi32>
          %squeeze3A_716 = vector.extract %slice3A_715[0] : i32 from vector<1xi32>
          %shift_right_arithmetic3A_717 = arith.constant 3 : i32
          %shift_right_arithmetic3A_718 = arith.shrsi %squeeze3A_716, %shift_right_arithmetic3A_717 : i32
          %and3A_719 = arith.constant 7 : i32
          %and3A_720 = arith.andi %squeeze3A_716, %and3A_719 : i32
          %mul3A_721 = arith.constant 16 : i32
          %mul3A_722 = arith.muli %scan3A_529, %mul3A_721 : i32
          %add3A_723 = arith.constant 7 : i32
          %add3A_724 = arith.addi %mul3A_722, %add3A_723 : i32
          %dma_start3A_725 = arith.constant 0 : i32
          %dma_start3A_726 = arith.constant 0 : i32
          %dma_start3A_727 = arith.constant 0 : i32
          %dma_start3A_728 = tpu.memref_slice %arg6[%dma_start3A_725, %add3A_724, %dma_start3A_727] : memref<5x128x64xf32, #tpu.memory_space<vmem>> -> memref<1x1x64xf32, #tpu.memory_space<vmem>>
          %dma_start3A_729 = tpu.memref_squeeze %dma_start3A_728 : memref<1x1x64xf32, #tpu.memory_space<vmem>> -> memref<64xf32, #tpu.memory_space<vmem>>
          %dma_start3A_730 = arith.constant 0 : i32
          %dma_start3A_731 = tpu.memref_slice %arg3[%shift_right_arithmetic3A_718, %and3A_720, %dma_start3A_730] : memref<125000x8x64xf32, #tpu.memory_space<hbm>> -> memref<1x1x64xf32, #tpu.memory_space<hbm>>
          %dma_start3A_732 = tpu.memref_squeeze %dma_start3A_731 : memref<1x1x64xf32, #tpu.memory_space<hbm>> -> memref<64xf32, #tpu.memory_space<hbm>>
          %dma_start3A_733 = tpu.memref_slice %arg8[%dma_start3A_726] : memref<5x!tpu.dma_semaphore, #tpu.memory_space<semaphore_mem>> -> memref<1x!tpu.dma_semaphore, #tpu.memory_space<semaphore_mem>>
          %dma_start3A_734 = tpu.memref_squeeze %dma_start3A_733 : memref<1x!tpu.dma_semaphore, #tpu.memory_space<semaphore_mem>> -> memref<!tpu.dma_semaphore, #tpu.memory_space<semaphore_mem>>
          %dma_start3A_735 = arith.constant 0 : i32
          %dma_start3A_736 = tpu.memref_slice %arg6[%dma_start3A_725, %add3A_724, %dma_start3A_735] : memref<5x128x64xf32, #tpu.memory_space<vmem>> -> memref<1x1x64xf32, #tpu.memory_space<vmem>>
          %dma_start3A_737 = tpu.memref_squeeze %dma_start3A_736 : memref<1x1x64xf32, #tpu.memory_space<vmem>> -> memref<64xf32, #tpu.memory_space<vmem>>
          %dma_start3A_738 = arith.constant 0 : i32
          %dma_start3A_739 = tpu.memref_slice %arg3[%shift_right_arithmetic3A_718, %and3A_720, %dma_start3A_738] : memref<125000x8x64xf32, #tpu.memory_space<hbm>> -> memref<1x1x64xf32, #tpu.memory_space<hbm>>
          %dma_start3A_740 = tpu.memref_squeeze %dma_start3A_739 : memref<1x1x64xf32, #tpu.memory_space<hbm>> -> memref<64xf32, #tpu.memory_space<hbm>>
          tpu.enqueue_dma source(%dma_start3A_740 : memref<64xf32, #tpu.memory_space<hbm>>) target(%dma_start3A_737 : memref<64xf32, #tpu.memory_space<vmem>>) target_semaphore(%dma_start3A_734 : memref<!tpu.dma_semaphore, #tpu.memory_space<semaphore_mem>>)
          %slice3A_741 = vector.extract_strided_slice %get3A_535 {offsets = [8], sizes = [1], strides = [1]} : vector<16xi32> to vector<1xi32>
          %squeeze3A_742 = vector.extract %slice3A_741[0] : i32 from vector<1xi32>
          %shift_right_arithmetic3A_743 = arith.constant 3 : i32
          %shift_right_arithmetic3A_744 = arith.shrsi %squeeze3A_742, %shift_right_arithmetic3A_743 : i32
          %and3A_745 = arith.constant 7 : i32
          %and3A_746 = arith.andi %squeeze3A_742, %and3A_745 : i32
          %mul3A_747 = arith.constant 16 : i32
          %mul3A_748 = arith.muli %scan3A_529, %mul3A_747 : i32
          %add3A_749 = arith.constant 8 : i32
          %add3A_750 = arith.addi %mul3A_748, %add3A_749 : i32
          %dma_start3A_751 = arith.constant 0 : i32
          %dma_start3A_752 = arith.constant 0 : i32
          %dma_start3A_753 = arith.constant 0 : i32
          %dma_start3A_754 = tpu.memref_slice %arg6[%dma_start3A_751, %add3A_750, %dma_start3A_753] : memref<5x128x64xf32, #tpu.memory_space<vmem>> -> memref<1x1x64xf32, #tpu.memory_space<vmem>>
          %dma_start3A_755 = tpu.memref_squeeze %dma_start3A_754 : memref<1x1x64xf32, #tpu.memory_space<vmem>> -> memref<64xf32, #tpu.memory_space<vmem>>
          %dma_start3A_756 = arith.constant 0 : i32
          %dma_start3A_757 = tpu.memref_slice %arg3[%shift_right_arithmetic3A_744, %and3A_746, %dma_start3A_756] : memref<125000x8x64xf32, #tpu.memory_space<hbm>> -> memref<1x1x64xf32, #tpu.memory_space<hbm>>
          %dma_start3A_758 = tpu.memref_squeeze %dma_start3A_757 : memref<1x1x64xf32, #tpu.memory_space<hbm>> -> memref<64xf32, #tpu.memory_space<hbm>>
          %dma_start3A_759 = tpu.memref_slice %arg8[%dma_start3A_752] : memref<5x!tpu.dma_semaphore, #tpu.memory_space<semaphore_mem>> -> memref<1x!tpu.dma_semaphore, #tpu.memory_space<semaphore_mem>>
          %dma_start3A_760 = tpu.memref_squeeze %dma_start3A_759 : memref<1x!tpu.dma_semaphore, #tpu.memory_space<semaphore_mem>> -> memref<!tpu.dma_semaphore, #tpu.memory_space<semaphore_mem>>
          %dma_start3A_761 = arith.constant 0 : i32
          %dma_start3A_762 = tpu.memref_slice %arg6[%dma_start3A_751, %add3A_750, %dma_start3A_761] : memref<5x128x64xf32, #tpu.memory_space<vmem>> -> memref<1x1x64xf32, #tpu.memory_space<vmem>>
          %dma_start3A_763 = tpu.memref_squeeze %dma_start3A_762 : memref<1x1x64xf32, #tpu.memory_space<vmem>> -> memref<64xf32, #tpu.memory_space<vmem>>
          %dma_start3A_764 = arith.constant 0 : i32
          %dma_start3A_765 = tpu.memref_slice %arg3[%shift_right_arithmetic3A_744, %and3A_746, %dma_start3A_764] : memref<125000x8x64xf32, #tpu.memory_space<hbm>> -> memref<1x1x64xf32, #tpu.memory_space<hbm>>
          %dma_start3A_766 = tpu.memref_squeeze %dma_start3A_765 : memref<1x1x64xf32, #tpu.memory_space<hbm>> -> memref<64xf32, #tpu.memory_space<hbm>>
          tpu.enqueue_dma source(%dma_start3A_766 : memref<64xf32, #tpu.memory_space<hbm>>) target(%dma_start3A_763 : memref<64xf32, #tpu.memory_space<vmem>>) target_semaphore(%dma_start3A_760 : memref<!tpu.dma_semaphore, #tpu.memory_space<semaphore_mem>>)
          %slice3A_767 = vector.extract_strided_slice %get3A_535 {offsets = [9], sizes = [1], strides = [1]} : vector<16xi32> to vector<1xi32>
          %squeeze3A_768 = vector.extract %slice3A_767[0] : i32 from vector<1xi32>
          %shift_right_arithmetic3A_769 = arith.constant 3 : i32
          %shift_right_arithmetic3A_770 = arith.shrsi %squeeze3A_768, %shift_right_arithmetic3A_769 : i32
          %and3A_771 = arith.constant 7 : i32
          %and3A_772 = arith.andi %squeeze3A_768, %and3A_771 : i32
          %mul3A_773 = arith.constant 16 : i32
          %mul3A_774 = arith.muli %scan3A_529, %mul3A_773 : i32
          %add3A_775 = arith.constant 9 : i32
          %add3A_776 = arith.addi %mul3A_774, %add3A_775 : i32
          %dma_start3A_777 = arith.constant 0 : i32
          %dma_start3A_778 = arith.constant 0 : i32
          %dma_start3A_779 = arith.constant 0 : i32
          %dma_start3A_780 = tpu.memref_slice %arg6[%dma_start3A_777, %add3A_776, %dma_start3A_779] : memref<5x128x64xf32, #tpu.memory_space<vmem>> -> memref<1x1x64xf32, #tpu.memory_space<vmem>>
          %dma_start3A_781 = tpu.memref_squeeze %dma_start3A_780 : memref<1x1x64xf32, #tpu.memory_space<vmem>> -> memref<64xf32, #tpu.memory_space<vmem>>
          %dma_start3A_782 = arith.constant 0 : i32
          %dma_start3A_783 = tpu.memref_slice %arg3[%shift_right_arithmetic3A_770, %and3A_772, %dma_start3A_782] : memref<125000x8x64xf32, #tpu.memory_space<hbm>> -> memref<1x1x64xf32, #tpu.memory_space<hbm>>
          %dma_start3A_784 = tpu.memref_squeeze %dma_start3A_783 : memref<1x1x64xf32, #tpu.memory_space<hbm>> -> memref<64xf32, #tpu.memory_space<hbm>>
          %dma_start3A_785 = tpu.memref_slice %arg8[%dma_start3A_778] : memref<5x!tpu.dma_semaphore, #tpu.memory_space<semaphore_mem>> -> memref<1x!tpu.dma_semaphore, #tpu.memory_space<semaphore_mem>>
          %dma_start3A_786 = tpu.memref_squeeze %dma_start3A_785 : memref<1x!tpu.dma_semaphore, #tpu.memory_space<semaphore_mem>> -> memref<!tpu.dma_semaphore, #tpu.memory_space<semaphore_mem>>
          %dma_start3A_787 = arith.constant 0 : i32
          %dma_start3A_788 = tpu.memref_slice %arg6[%dma_start3A_777, %add3A_776, %dma_start3A_787] : memref<5x128x64xf32, #tpu.memory_space<vmem>> -> memref<1x1x64xf32, #tpu.memory_space<vmem>>
          %dma_start3A_789 = tpu.memref_squeeze %dma_start3A_788 : memref<1x1x64xf32, #tpu.memory_space<vmem>> -> memref<64xf32, #tpu.memory_space<vmem>>
          %dma_start3A_790 = arith.constant 0 : i32
          %dma_start3A_791 = tpu.memref_slice %arg3[%shift_right_arithmetic3A_770, %and3A_772, %dma_start3A_790] : memref<125000x8x64xf32, #tpu.memory_space<hbm>> -> memref<1x1x64xf32, #tpu.memory_space<hbm>>
          %dma_start3A_792 = tpu.memref_squeeze %dma_start3A_791 : memref<1x1x64xf32, #tpu.memory_space<hbm>> -> memref<64xf32, #tpu.memory_space<hbm>>
          tpu.enqueue_dma source(%dma_start3A_792 : memref<64xf32, #tpu.memory_space<hbm>>) target(%dma_start3A_789 : memref<64xf32, #tpu.memory_space<vmem>>) target_semaphore(%dma_start3A_786 : memref<!tpu.dma_semaphore, #tpu.memory_space<semaphore_mem>>)
          %slice3A_793 = vector.extract_strided_slice %get3A_535 {offsets = [10], sizes = [1], strides = [1]} : vector<16xi32> to vector<1xi32>
          %squeeze3A_794 = vector.extract %slice3A_793[0] : i32 from vector<1xi32>
          %shift_right_arithmetic3A_795 = arith.constant 3 : i32
          %shift_right_arithmetic3A_796 = arith.shrsi %squeeze3A_794, %shift_right_arithmetic3A_795 : i32
          %and3A_797 = arith.constant 7 : i32
          %and3A_798 = arith.andi %squeeze3A_794, %and3A_797 : i32
          %mul3A_799 = arith.constant 16 : i32
          %mul3A_800 = arith.muli %scan3A_529, %mul3A_799 : i32
          %add3A_801 = arith.constant 10 : i32
          %add3A_802 = arith.addi %mul3A_800, %add3A_801 : i32
          %dma_start3A_803 = arith.constant 0 : i32
          %dma_start3A_804 = arith.constant 0 : i32
          %dma_start3A_805 = arith.constant 0 : i32
          %dma_start3A_806 = tpu.memref_slice %arg6[%dma_start3A_803, %add3A_802, %dma_start3A_805] : memref<5x128x64xf32, #tpu.memory_space<vmem>> -> memref<1x1x64xf32, #tpu.memory_space<vmem>>
          %dma_start3A_807 = tpu.memref_squeeze %dma_start3A_806 : memref<1x1x64xf32, #tpu.memory_space<vmem>> -> memref<64xf32, #tpu.memory_space<vmem>>
          %dma_start3A_808 = arith.constant 0 : i32
          %dma_start3A_809 = tpu.memref_slice %arg3[%shift_right_arithmetic3A_796, %and3A_798, %dma_start3A_808] : memref<125000x8x64xf32, #tpu.memory_space<hbm>> -> memref<1x1x64xf32, #tpu.memory_space<hbm>>
          %dma_start3A_810 = tpu.memref_squeeze %dma_start3A_809 : memref<1x1x64xf32, #tpu.memory_space<hbm>> -> memref<64xf32, #tpu.memory_space<hbm>>
          %dma_start3A_811 = tpu.memref_slice %arg8[%dma_start3A_804] : memref<5x!tpu.dma_semaphore, #tpu.memory_space<semaphore_mem>> -> memref<1x!tpu.dma_semaphore, #tpu.memory_space<semaphore_mem>>
          %dma_start3A_812 = tpu.memref_squeeze %dma_start3A_811 : memref<1x!tpu.dma_semaphore, #tpu.memory_space<semaphore_mem>> -> memref<!tpu.dma_semaphore, #tpu.memory_space<semaphore_mem>>
          %dma_start3A_813 = arith.constant 0 : i32
          %dma_start3A_814 = tpu.memref_slice %arg6[%dma_start3A_803, %add3A_802, %dma_start3A_813] : memref<5x128x64xf32, #tpu.memory_space<vmem>> -> memref<1x1x64xf32, #tpu.memory_space<vmem>>
          %dma_start3A_815 = tpu.memref_squeeze %dma_start3A_814 : memref<1x1x64xf32, #tpu.memory_space<vmem>> -> memref<64xf32, #tpu.memory_space<vmem>>
          %dma_start3A_816 = arith.constant 0 : i32
          %dma_start3A_817 = tpu.memref_slice %arg3[%shift_right_arithmetic3A_796, %and3A_798, %dma_start3A_816] : memref<125000x8x64xf32, #tpu.memory_space<hbm>> -> memref<1x1x64xf32, #tpu.memory_space<hbm>>
          %dma_start3A_818 = tpu.memref_squeeze %dma_start3A_817 : memref<1x1x64xf32, #tpu.memory_space<hbm>> -> memref<64xf32, #tpu.memory_space<hbm>>
          tpu.enqueue_dma source(%dma_start3A_818 : memref<64xf32, #tpu.memory_space<hbm>>) target(%dma_start3A_815 : memref<64xf32, #tpu.memory_space<vmem>>) target_semaphore(%dma_start3A_812 : memref<!tpu.dma_semaphore, #tpu.memory_space<semaphore_mem>>)
          %slice3A_819 = vector.extract_strided_slice %get3A_535 {offsets = [11], sizes = [1], strides = [1]} : vector<16xi32> to vector<1xi32>
          %squeeze3A_820 = vector.extract %slice3A_819[0] : i32 from vector<1xi32>
          %shift_right_arithmetic3A_821 = arith.constant 3 : i32
          %shift_right_arithmetic3A_822 = arith.shrsi %squeeze3A_820, %shift_right_arithmetic3A_821 : i32
          %and3A_823 = arith.constant 7 : i32
          %and3A_824 = arith.andi %squeeze3A_820, %and3A_823 : i32
          %mul3A_825 = arith.constant 16 : i32
          %mul3A_826 = arith.muli %scan3A_529, %mul3A_825 : i32
          %add3A_827 = arith.constant 11 : i32
          %add3A_828 = arith.addi %mul3A_826, %add3A_827 : i32
          %dma_start3A_829 = arith.constant 0 : i32
          %dma_start3A_830 = arith.constant 0 : i32
          %dma_start3A_831 = arith.constant 0 : i32
          %dma_start3A_832 = tpu.memref_slice %arg6[%dma_start3A_829, %add3A_828, %dma_start3A_831] : memref<5x128x64xf32, #tpu.memory_space<vmem>> -> memref<1x1x64xf32, #tpu.memory_space<vmem>>
          %dma_start3A_833 = tpu.memref_squeeze %dma_start3A_832 : memref<1x1x64xf32, #tpu.memory_space<vmem>> -> memref<64xf32, #tpu.memory_space<vmem>>
          %dma_start3A_834 = arith.constant 0 : i32
          %dma_start3A_835 = tpu.memref_slice %arg3[%shift_right_arithmetic3A_822, %and3A_824, %dma_start3A_834] : memref<125000x8x64xf32, #tpu.memory_space<hbm>> -> memref<1x1x64xf32, #tpu.memory_space<hbm>>
          %dma_start3A_836 = tpu.memref_squeeze %dma_start3A_835 : memref<1x1x64xf32, #tpu.memory_space<hbm>> -> memref<64xf32, #tpu.memory_space<hbm>>
          %dma_start3A_837 = tpu.memref_slice %arg8[%dma_start3A_830] : memref<5x!tpu.dma_semaphore, #tpu.memory_space<semaphore_mem>> -> memref<1x!tpu.dma_semaphore, #tpu.memory_space<semaphore_mem>>
          %dma_start3A_838 = tpu.memref_squeeze %dma_start3A_837 : memref<1x!tpu.dma_semaphore, #tpu.memory_space<semaphore_mem>> -> memref<!tpu.dma_semaphore, #tpu.memory_space<semaphore_mem>>
          %dma_start3A_839 = arith.constant 0 : i32
          %dma_start3A_840 = tpu.memref_slice %arg6[%dma_start3A_829, %add3A_828, %dma_start3A_839] : memref<5x128x64xf32, #tpu.memory_space<vmem>> -> memref<1x1x64xf32, #tpu.memory_space<vmem>>
          %dma_start3A_841 = tpu.memref_squeeze %dma_start3A_840 : memref<1x1x64xf32, #tpu.memory_space<vmem>> -> memref<64xf32, #tpu.memory_space<vmem>>
          %dma_start3A_842 = arith.constant 0 : i32
          %dma_start3A_843 = tpu.memref_slice %arg3[%shift_right_arithmetic3A_822, %and3A_824, %dma_start3A_842] : memref<125000x8x64xf32, #tpu.memory_space<hbm>> -> memref<1x1x64xf32, #tpu.memory_space<hbm>>
          %dma_start3A_844 = tpu.memref_squeeze %dma_start3A_843 : memref<1x1x64xf32, #tpu.memory_space<hbm>> -> memref<64xf32, #tpu.memory_space<hbm>>
          tpu.enqueue_dma source(%dma_start3A_844 : memref<64xf32, #tpu.memory_space<hbm>>) target(%dma_start3A_841 : memref<64xf32, #tpu.memory_space<vmem>>) target_semaphore(%dma_start3A_838 : memref<!tpu.dma_semaphore, #tpu.memory_space<semaphore_mem>>)
          %slice3A_845 = vector.extract_strided_slice %get3A_535 {offsets = [12], sizes = [1], strides = [1]} : vector<16xi32> to vector<1xi32>
          %squeeze3A_846 = vector.extract %slice3A_845[0] : i32 from vector<1xi32>
          %shift_right_arithmetic3A_847 = arith.constant 3 : i32
          %shift_right_arithmetic3A_848 = arith.shrsi %squeeze3A_846, %shift_right_arithmetic3A_847 : i32
          %and3A_849 = arith.constant 7 : i32
          %and3A_850 = arith.andi %squeeze3A_846, %and3A_849 : i32
          %mul3A_851 = arith.constant 16 : i32
          %mul3A_852 = arith.muli %scan3A_529, %mul3A_851 : i32
          %add3A_853 = arith.constant 12 : i32
          %add3A_854 = arith.addi %mul3A_852, %add3A_853 : i32
          %dma_start3A_855 = arith.constant 0 : i32
          %dma_start3A_856 = arith.constant 0 : i32
          %dma_start3A_857 = arith.constant 0 : i32
          %dma_start3A_858 = tpu.memref_slice %arg6[%dma_start3A_855, %add3A_854, %dma_start3A_857] : memref<5x128x64xf32, #tpu.memory_space<vmem>> -> memref<1x1x64xf32, #tpu.memory_space<vmem>>
          %dma_start3A_859 = tpu.memref_squeeze %dma_start3A_858 : memref<1x1x64xf32, #tpu.memory_space<vmem>> -> memref<64xf32, #tpu.memory_space<vmem>>
          %dma_start3A_860 = arith.constant 0 : i32
          %dma_start3A_861 = tpu.memref_slice %arg3[%shift_right_arithmetic3A_848, %and3A_850, %dma_start3A_860] : memref<125000x8x64xf32, #tpu.memory_space<hbm>> -> memref<1x1x64xf32, #tpu.memory_space<hbm>>
          %dma_start3A_862 = tpu.memref_squeeze %dma_start3A_861 : memref<1x1x64xf32, #tpu.memory_space<hbm>> -> memref<64xf32, #tpu.memory_space<hbm>>
          %dma_start3A_863 = tpu.memref_slice %arg8[%dma_start3A_856] : memref<5x!tpu.dma_semaphore, #tpu.memory_space<semaphore_mem>> -> memref<1x!tpu.dma_semaphore, #tpu.memory_space<semaphore_mem>>
          %dma_start3A_864 = tpu.memref_squeeze %dma_start3A_863 : memref<1x!tpu.dma_semaphore, #tpu.memory_space<semaphore_mem>> -> memref<!tpu.dma_semaphore, #tpu.memory_space<semaphore_mem>>
          %dma_start3A_865 = arith.constant 0 : i32
          %dma_start3A_866 = tpu.memref_slice %arg6[%dma_start3A_855, %add3A_854, %dma_start3A_865] : memref<5x128x64xf32, #tpu.memory_space<vmem>> -> memref<1x1x64xf32, #tpu.memory_space<vmem>>
          %dma_start3A_867 = tpu.memref_squeeze %dma_start3A_866 : memref<1x1x64xf32, #tpu.memory_space<vmem>> -> memref<64xf32, #tpu.memory_space<vmem>>
          %dma_start3A_868 = arith.constant 0 : i32
          %dma_start3A_869 = tpu.memref_slice %arg3[%shift_right_arithmetic3A_848, %and3A_850, %dma_start3A_868] : memref<125000x8x64xf32, #tpu.memory_space<hbm>> -> memref<1x1x64xf32, #tpu.memory_space<hbm>>
          %dma_start3A_870 = tpu.memref_squeeze %dma_start3A_869 : memref<1x1x64xf32, #tpu.memory_space<hbm>> -> memref<64xf32, #tpu.memory_space<hbm>>
          tpu.enqueue_dma source(%dma_start3A_870 : memref<64xf32, #tpu.memory_space<hbm>>) target(%dma_start3A_867 : memref<64xf32, #tpu.memory_space<vmem>>) target_semaphore(%dma_start3A_864 : memref<!tpu.dma_semaphore, #tpu.memory_space<semaphore_mem>>)
          %slice3A_871 = vector.extract_strided_slice %get3A_535 {offsets = [13], sizes = [1], strides = [1]} : vector<16xi32> to vector<1xi32>
          %squeeze3A_872 = vector.extract %slice3A_871[0] : i32 from vector<1xi32>
          %shift_right_arithmetic3A_873 = arith.constant 3 : i32
          %shift_right_arithmetic3A_874 = arith.shrsi %squeeze3A_872, %shift_right_arithmetic3A_873 : i32
          %and3A_875 = arith.constant 7 : i32
          %and3A_876 = arith.andi %squeeze3A_872, %and3A_875 : i32
          %mul3A_877 = arith.constant 16 : i32
          %mul3A_878 = arith.muli %scan3A_529, %mul3A_877 : i32
          %add3A_879 = arith.constant 13 : i32
          %add3A_880 = arith.addi %mul3A_878, %add3A_879 : i32
          %dma_start3A_881 = arith.constant 0 : i32
          %dma_start3A_882 = arith.constant 0 : i32
          %dma_start3A_883 = arith.constant 0 : i32
          %dma_start3A_884 = tpu.memref_slice %arg6[%dma_start3A_881, %add3A_880, %dma_start3A_883] : memref<5x128x64xf32, #tpu.memory_space<vmem>> -> memref<1x1x64xf32, #tpu.memory_space<vmem>>
          %dma_start3A_885 = tpu.memref_squeeze %dma_start3A_884 : memref<1x1x64xf32, #tpu.memory_space<vmem>> -> memref<64xf32, #tpu.memory_space<vmem>>
          %dma_start3A_886 = arith.constant 0 : i32
          %dma_start3A_887 = tpu.memref_slice %arg3[%shift_right_arithmetic3A_874, %and3A_876, %dma_start3A_886] : memref<125000x8x64xf32, #tpu.memory_space<hbm>> -> memref<1x1x64xf32, #tpu.memory_space<hbm>>
          %dma_start3A_888 = tpu.memref_squeeze %dma_start3A_887 : memref<1x1x64xf32, #tpu.memory_space<hbm>> -> memref<64xf32, #tpu.memory_space<hbm>>
          %dma_start3A_889 = tpu.memref_slice %arg8[%dma_start3A_882] : memref<5x!tpu.dma_semaphore, #tpu.memory_space<semaphore_mem>> -> memref<1x!tpu.dma_semaphore, #tpu.memory_space<semaphore_mem>>
          %dma_start3A_890 = tpu.memref_squeeze %dma_start3A_889 : memref<1x!tpu.dma_semaphore, #tpu.memory_space<semaphore_mem>> -> memref<!tpu.dma_semaphore, #tpu.memory_space<semaphore_mem>>
          %dma_start3A_891 = arith.constant 0 : i32
          %dma_start3A_892 = tpu.memref_slice %arg6[%dma_start3A_881, %add3A_880, %dma_start3A_891] : memref<5x128x64xf32, #tpu.memory_space<vmem>> -> memref<1x1x64xf32, #tpu.memory_space<vmem>>
          %dma_start3A_893 = tpu.memref_squeeze %dma_start3A_892 : memref<1x1x64xf32, #tpu.memory_space<vmem>> -> memref<64xf32, #tpu.memory_space<vmem>>
          %dma_start3A_894 = arith.constant 0 : i32
          %dma_start3A_895 = tpu.memref_slice %arg3[%shift_right_arithmetic3A_874, %and3A_876, %dma_start3A_894] : memref<125000x8x64xf32, #tpu.memory_space<hbm>> -> memref<1x1x64xf32, #tpu.memory_space<hbm>>
          %dma_start3A_896 = tpu.memref_squeeze %dma_start3A_895 : memref<1x1x64xf32, #tpu.memory_space<hbm>> -> memref<64xf32, #tpu.memory_space<hbm>>
          tpu.enqueue_dma source(%dma_start3A_896 : memref<64xf32, #tpu.memory_space<hbm>>) target(%dma_start3A_893 : memref<64xf32, #tpu.memory_space<vmem>>) target_semaphore(%dma_start3A_890 : memref<!tpu.dma_semaphore, #tpu.memory_space<semaphore_mem>>)
          %slice3A_897 = vector.extract_strided_slice %get3A_535 {offsets = [14], sizes = [1], strides = [1]} : vector<16xi32> to vector<1xi32>
          %squeeze3A_898 = vector.extract %slice3A_897[0] : i32 from vector<1xi32>
          %shift_right_arithmetic3A_899 = arith.constant 3 : i32
          %shift_right_arithmetic3A_900 = arith.shrsi %squeeze3A_898, %shift_right_arithmetic3A_899 : i32
          %and3A_901 = arith.constant 7 : i32
          %and3A_902 = arith.andi %squeeze3A_898, %and3A_901 : i32
          %mul3A_903 = arith.constant 16 : i32
          %mul3A_904 = arith.muli %scan3A_529, %mul3A_903 : i32
          %add3A_905 = arith.constant 14 : i32
          %add3A_906 = arith.addi %mul3A_904, %add3A_905 : i32
          %dma_start3A_907 = arith.constant 0 : i32
          %dma_start3A_908 = arith.constant 0 : i32
          %dma_start3A_909 = arith.constant 0 : i32
          %dma_start3A_910 = tpu.memref_slice %arg6[%dma_start3A_907, %add3A_906, %dma_start3A_909] : memref<5x128x64xf32, #tpu.memory_space<vmem>> -> memref<1x1x64xf32, #tpu.memory_space<vmem>>
          %dma_start3A_911 = tpu.memref_squeeze %dma_start3A_910 : memref<1x1x64xf32, #tpu.memory_space<vmem>> -> memref<64xf32, #tpu.memory_space<vmem>>
          %dma_start3A_912 = arith.constant 0 : i32
          %dma_start3A_913 = tpu.memref_slice %arg3[%shift_right_arithmetic3A_900, %and3A_902, %dma_start3A_912] : memref<125000x8x64xf32, #tpu.memory_space<hbm>> -> memref<1x1x64xf32, #tpu.memory_space<hbm>>
          %dma_start3A_914 = tpu.memref_squeeze %dma_start3A_913 : memref<1x1x64xf32, #tpu.memory_space<hbm>> -> memref<64xf32, #tpu.memory_space<hbm>>
          %dma_start3A_915 = tpu.memref_slice %arg8[%dma_start3A_908] : memref<5x!tpu.dma_semaphore, #tpu.memory_space<semaphore_mem>> -> memref<1x!tpu.dma_semaphore, #tpu.memory_space<semaphore_mem>>
          %dma_start3A_916 = tpu.memref_squeeze %dma_start3A_915 : memref<1x!tpu.dma_semaphore, #tpu.memory_space<semaphore_mem>> -> memref<!tpu.dma_semaphore, #tpu.memory_space<semaphore_mem>>
          %dma_start3A_917 = arith.constant 0 : i32
          %dma_start3A_918 = tpu.memref_slice %arg6[%dma_start3A_907, %add3A_906, %dma_start3A_917] : memref<5x128x64xf32, #tpu.memory_space<vmem>> -> memref<1x1x64xf32, #tpu.memory_space<vmem>>
          %dma_start3A_919 = tpu.memref_squeeze %dma_start3A_918 : memref<1x1x64xf32, #tpu.memory_space<vmem>> -> memref<64xf32, #tpu.memory_space<vmem>>
          %dma_start3A_920 = arith.constant 0 : i32
          %dma_start3A_921 = tpu.memref_slice %arg3[%shift_right_arithmetic3A_900, %and3A_902, %dma_start3A_920] : memref<125000x8x64xf32, #tpu.memory_space<hbm>> -> memref<1x1x64xf32, #tpu.memory_space<hbm>>
          %dma_start3A_922 = tpu.memref_squeeze %dma_start3A_921 : memref<1x1x64xf32, #tpu.memory_space<hbm>> -> memref<64xf32, #tpu.memory_space<hbm>>
          tpu.enqueue_dma source(%dma_start3A_922 : memref<64xf32, #tpu.memory_space<hbm>>) target(%dma_start3A_919 : memref<64xf32, #tpu.memory_space<vmem>>) target_semaphore(%dma_start3A_916 : memref<!tpu.dma_semaphore, #tpu.memory_space<semaphore_mem>>)
          %slice3A_923 = vector.extract_strided_slice %get3A_535 {offsets = [15], sizes = [1], strides = [1]} : vector<16xi32> to vector<1xi32>
          %squeeze3A_924 = vector.extract %slice3A_923[0] : i32 from vector<1xi32>
          %shift_right_arithmetic3A_925 = arith.constant 3 : i32
          %shift_right_arithmetic3A_926 = arith.shrsi %squeeze3A_924, %shift_right_arithmetic3A_925 : i32
          %and3A_927 = arith.constant 7 : i32
          %and3A_928 = arith.andi %squeeze3A_924, %and3A_927 : i32
          %mul3A_929 = arith.constant 16 : i32
          %mul3A_930 = arith.muli %scan3A_529, %mul3A_929 : i32
          %add3A_931 = arith.constant 15 : i32
          %add3A_932 = arith.addi %mul3A_930, %add3A_931 : i32
          %dma_start3A_933 = arith.constant 0 : i32
          %dma_start3A_934 = arith.constant 0 : i32
          %dma_start3A_935 = arith.constant 0 : i32
          %dma_start3A_936 = tpu.memref_slice %arg6[%dma_start3A_933, %add3A_932, %dma_start3A_935] : memref<5x128x64xf32, #tpu.memory_space<vmem>> -> memref<1x1x64xf32, #tpu.memory_space<vmem>>
          %dma_start3A_937 = tpu.memref_squeeze %dma_start3A_936 : memref<1x1x64xf32, #tpu.memory_space<vmem>> -> memref<64xf32, #tpu.memory_space<vmem>>
          %dma_start3A_938 = arith.constant 0 : i32
          %dma_start3A_939 = tpu.memref_slice %arg3[%shift_right_arithmetic3A_926, %and3A_928, %dma_start3A_938] : memref<125000x8x64xf32, #tpu.memory_space<hbm>> -> memref<1x1x64xf32, #tpu.memory_space<hbm>>
          %dma_start3A_940 = tpu.memref_squeeze %dma_start3A_939 : memref<1x1x64xf32, #tpu.memory_space<hbm>> -> memref<64xf32, #tpu.memory_space<hbm>>
          %dma_start3A_941 = tpu.memref_slice %arg8[%dma_start3A_934] : memref<5x!tpu.dma_semaphore, #tpu.memory_space<semaphore_mem>> -> memref<1x!tpu.dma_semaphore, #tpu.memory_space<semaphore_mem>>
          %dma_start3A_942 = tpu.memref_squeeze %dma_start3A_941 : memref<1x!tpu.dma_semaphore, #tpu.memory_space<semaphore_mem>> -> memref<!tpu.dma_semaphore, #tpu.memory_space<semaphore_mem>>
          %dma_start3A_943 = arith.constant 0 : i32
          %dma_start3A_944 = tpu.memref_slice %arg6[%dma_start3A_933, %add3A_932, %dma_start3A_943] : memref<5x128x64xf32, #tpu.memory_space<vmem>> -> memref<1x1x64xf32, #tpu.memory_space<vmem>>
          %dma_start3A_945 = tpu.memref_squeeze %dma_start3A_944 : memref<1x1x64xf32, #tpu.memory_space<vmem>> -> memref<64xf32, #tpu.memory_space<vmem>>
          %dma_start3A_946 = arith.constant 0 : i32
          %dma_start3A_947 = tpu.memref_slice %arg3[%shift_right_arithmetic3A_926, %and3A_928, %dma_start3A_946] : memref<125000x8x64xf32, #tpu.memory_space<hbm>> -> memref<1x1x64xf32, #tpu.memory_space<hbm>>
          %dma_start3A_948 = tpu.memref_squeeze %dma_start3A_947 : memref<1x1x64xf32, #tpu.memory_space<hbm>> -> memref<64xf32, #tpu.memory_space<hbm>>
          tpu.enqueue_dma source(%dma_start3A_948 : memref<64xf32, #tpu.memory_space<hbm>>) target(%dma_start3A_945 : memref<64xf32, #tpu.memory_space<vmem>>) target_semaphore(%dma_start3A_942 : memref<!tpu.dma_semaphore, #tpu.memory_space<semaphore_mem>>)
        }
        %scan3A_528 = arith.constant 8 : i32
      } else {
      }
      %dma_wait3A_464 = arith.constant 4 : i32
      %dma_wait3A_465 = arith.constant 4 : i32
      %dma_wait3A_466 = arith.constant 0 : i32
      %dma_wait3A_467 = arith.constant 0 : i32
      %dma_wait3A_468 = tpu.memref_slice %arg6[%dma_wait3A_464, %dma_wait3A_466, %dma_wait3A_467] : memref<5x128x64xf32, #tpu.memory_space<vmem>> -> memref<1x128x64xf32, #tpu.memory_space<vmem>>
      %dma_wait3A_469 = tpu.memref_squeeze %dma_wait3A_468 : memref<1x128x64xf32, #tpu.memory_space<vmem>> -> memref<128x64xf32, #tpu.memory_space<vmem>>
      %dma_wait3A_470 = arith.constant 0 : i32
      %dma_wait3A_471 = arith.constant 0 : i32
      %dma_wait3A_472 = tpu.memref_slice %arg4[%dma_wait3A_470, %dma_wait3A_471] : memref<204800x64xf32, #tpu.memory_space<hbm>> -> memref<128x64xf32, #tpu.memory_space<hbm>>
      %dma_wait3A_473 = tpu.memref_slice %arg8[%dma_wait3A_465] : memref<5x!tpu.dma_semaphore, #tpu.memory_space<semaphore_mem>> -> memref<1x!tpu.dma_semaphore, #tpu.memory_space<semaphore_mem>>
      %dma_wait3A_474 = tpu.memref_squeeze %dma_wait3A_473 : memref<1x!tpu.dma_semaphore, #tpu.memory_space<semaphore_mem>> -> memref<!tpu.dma_semaphore, #tpu.memory_space<semaphore_mem>>
      %dma_wait3A_475 = arith.constant 0 : i32
      %dma_wait3A_476 = arith.constant 0 : i32
      %dma_wait3A_477 = tpu.memref_slice %arg6[%dma_wait3A_464, %dma_wait3A_475, %dma_wait3A_476] : memref<5x128x64xf32, #tpu.memory_space<vmem>> -> memref<1x128x64xf32, #tpu.memory_space<vmem>>
      %dma_wait3A_478 = tpu.memref_squeeze %dma_wait3A_477 : memref<1x128x64xf32, #tpu.memory_space<vmem>> -> memref<128x64xf32, #tpu.memory_space<vmem>>
      %dma_wait3A_479 = arith.constant 0 : i32
      %dma_wait3A_480 = arith.constant 0 : i32
      %dma_wait3A_481 = tpu.memref_slice %arg4[%dma_wait3A_479, %dma_wait3A_480] : memref<204800x64xf32, #tpu.memory_space<hbm>> -> memref<128x64xf32, #tpu.memory_space<hbm>>
      tpu.wait_dma2 semaphore(%dma_wait3A_474 : memref<!tpu.dma_semaphore, #tpu.memory_space<semaphore_mem>>) src(%dma_wait3A_481 : memref<128x64xf32, #tpu.memory_space<hbm>>) dst(%dma_wait3A_478 : memref<128x64xf32, #tpu.memory_space<vmem>>)
      %scan3A_482 = arith.constant 0 : i32
      %scan3A_483 = arith.constant 0 : i32
      %scan3A_484 = arith.constant 128 : i32
      %scan3A_485 = arith.addi %scan3A_483, %scan3A_484 : i32
      %scan3A_486 = arith.constant 1 : i32
      scf.for %scan3A_509 = %scan3A_483 to %scan3A_485 step %scan3A_486  : i32 {
        %get3A = arith.constant 4 : i32
        %get3A_510 = arith.index_cast %get3A : i32 to index
        %get3A_511 = arith.index_cast %scan3A_509 : i32 to index
        %get3A_512 = arith.constant 0 : index
        %get3A_513 = tpu.vector_load %arg6[%get3A_510, %get3A_511, %get3A_512] {strides = array<i32>} : memref<5x128x64xf32, #tpu.memory_space<vmem>>, vector<1x1x16xf32>,
        %get3A_514 = vector.shape_cast %get3A_513 : vector<1x1x16xf32> to vector<16xf32>
        %mul3A_515 = arith.constant 8.000000e+00 : f32
        %mul3A_516 = vector.broadcast %mul3A_515 : f32 to vector<16xf32>
        %mul3A_517 = arith.mulf %get3A_514, %mul3A_516 : vector<16xf32>
        %swap3A = arith.constant 4 : i32
        %swap3A_518 = arith.index_cast %swap3A : i32 to index
        %swap3A_519 = arith.index_cast %scan3A_509 : i32 to index
        %swap3A_520 = arith.constant 0 : index
        %swap3A_521 = tpu.vector_load %arg6[%swap3A_518, %swap3A_519, %swap3A_520] {strides = array<i32>} : memref<5x128x64xf32, #tpu.memory_space<vmem>>, vector<1x1x16xf32>,
        %swap3A_522 = vector.shape_cast %swap3A_521 : vector<1x1x16xf32> to vector<16xf32>
        %swap3A_523 = vector.shape_cast %mul3A_517 : vector<16xf32> to vector<1x1x16xf32>
        tpu.vector_store %arg6[%swap3A_518, %swap3A_519, %swap3A_520], %swap3A_523 {strides = array<i32>} : memref<5x128x64xf32, #tpu.memory_space<vmem>>, vector<1x1x16xf32>,
        %get3A_524 = arith.constant 4 : i32
        %get3A_525 = arith.index_cast %get3A_524 : i32 to index
        %get3A_526 = arith.index_cast %scan3A_509 : i32 to index
        %get3A_527 = arith.constant 16 : index
        %get3A_528 = tpu.vector_load %arg6[%get3A_525, %get3A_526, %get3A_527] {strides = array<i32>} : memref<5x128x64xf32, #tpu.memory_space<vmem>>, vector<1x1x16xf32>,
        %get3A_529 = vector.shape_cast %get3A_528 : vector<1x1x16xf32> to vector<16xf32>
        %mul3A_530 = arith.constant 8.000000e+00 : f32
        %mul3A_531 = vector.broadcast %mul3A_530 : f32 to vector<16xf32>
        %mul3A_532 = arith.mulf %get3A_529, %mul3A_531 : vector<16xf32>
        %swap3A_533 = arith.constant 4 : i32
        %swap3A_534 = arith.index_cast %swap3A_533 : i32 to index
        %swap3A_535 = arith.index_cast %scan3A_509 : i32 to index
        %swap3A_536 = arith.constant 16 : index
        %swap3A_537 = tpu.vector_load %arg6[%swap3A_534, %swap3A_535, %swap3A_536] {strides = array<i32>} : memref<5x128x64xf32, #tpu.memory_space<vmem>>, vector<1x1x16xf32>,
        %swap3A_538 = vector.shape_cast %swap3A_537 : vector<1x1x16xf32> to vector<16xf32>
        %swap3A_539 = vector.shape_cast %mul3A_532 : vector<16xf32> to vector<1x1x16xf32>
        tpu.vector_store %arg6[%swap3A_534, %swap3A_535, %swap3A_536], %swap3A_539 {strides = array<i32>} : memref<5x128x64xf32, #tpu.memory_space<vmem>>, vector<1x1x16xf32>,
        %get3A_540 = arith.constant 4 : i32
        %get3A_541 = arith.index_cast %get3A_540 : i32 to index
        %get3A_542 = arith.index_cast %scan3A_509 : i32 to index
        %get3A_543 = arith.constant 32 : index
        %get3A_544 = tpu.vector_load %arg6[%get3A_541, %get3A_542, %get3A_543] {strides = array<i32>} : memref<5x128x64xf32, #tpu.memory_space<vmem>>, vector<1x1x16xf32>,
        %get3A_545 = vector.shape_cast %get3A_544 : vector<1x1x16xf32> to vector<16xf32>
        %mul3A_546 = arith.constant 8.000000e+00 : f32
        %mul3A_547 = vector.broadcast %mul3A_546 : f32 to vector<16xf32>
        %mul3A_548 = arith.mulf %get3A_545, %mul3A_547 : vector<16xf32>
        %swap3A_549 = arith.constant 4 : i32
        %swap3A_550 = arith.index_cast %swap3A_549 : i32 to index
        %swap3A_551 = arith.index_cast %scan3A_509 : i32 to index
        %swap3A_552 = arith.constant 32 : index
        %swap3A_553 = tpu.vector_load %arg6[%swap3A_550, %swap3A_551, %swap3A_552] {strides = array<i32>} : memref<5x128x64xf32, #tpu.memory_space<vmem>>, vector<1x1x16xf32>,
        %swap3A_554 = vector.shape_cast %swap3A_553 : vector<1x1x16xf32> to vector<16xf32>
        %swap3A_555 = vector.shape_cast %mul3A_548 : vector<16xf32> to vector<1x1x16xf32>
        tpu.vector_store %arg6[%swap3A_550, %swap3A_551, %swap3A_552], %swap3A_555 {strides = array<i32>} : memref<5x128x64xf32, #tpu.memory_space<vmem>>, vector<1x1x16xf32>,
        %get3A_556 = arith.constant 4 : i32
        %get3A_557 = arith.index_cast %get3A_556 : i32 to index
        %get3A_558 = arith.index_cast %scan3A_509 : i32 to index
        %get3A_559 = arith.constant 48 : index
        %get3A_560 = tpu.vector_load %arg6[%get3A_557, %get3A_558, %get3A_559] {strides = array<i32>} : memref<5x128x64xf32, #tpu.memory_space<vmem>>, vector<1x1x16xf32>,
        %get3A_561 = vector.shape_cast %get3A_560 : vector<1x1x16xf32> to vector<16xf32>
        %mul3A_562 = arith.constant 8.000000e+00 : f32
        %mul3A_563 = vector.broadcast %mul3A_562 : f32 to vector<16xf32>
        %mul3A_564 = arith.mulf %get3A_561, %mul3A_563 : vector<16xf32>
        %swap3A_565 = arith.constant 4 : i32
        %swap3A_566 = arith.index_cast %swap3A_565 : i32 to index
        %swap3A_567 = arith.index_cast %scan3A_509 : i32 to index
        %swap3A_568 = arith.constant 48 : index
        %swap3A_569 = tpu.vector_load %arg6[%swap3A_566, %swap3A_567, %swap3A_568] {strides = array<i32>} : memref<5x128x64xf32, #tpu.memory_space<vmem>>, vector<1x1x16xf32>,
        %swap3A_570 = vector.shape_cast %swap3A_569 : vector<1x1x16xf32> to vector<16xf32>
        %swap3A_571 = vector.shape_cast %mul3A_564 : vector<16xf32> to vector<1x1x16xf32>
        tpu.vector_store %arg6[%swap3A_566, %swap3A_567, %swap3A_568], %swap3A_571 {strides = array<i32>} : memref<5x128x64xf32, #tpu.memory_space<vmem>>, vector<1x1x16xf32>,
      }
      %scan3A_487 = arith.constant 128 : i32
      %mul3A_488 = arith.constant 32 : i32
      %mul3A_489 = arith.muli %add3A_441, %mul3A_488 : i32
      %add3A_490 = arith.addi %mul3A_489, %add3A : i32
      %mul3A_491 = arith.constant 128 : i32
      %mul3A_492 = arith.muli %add3A_490, %mul3A_491 : i32
      %dma_start3A_493 = arith.constant 4 : i32
      %dma_start3A_494 = arith.constant 4 : i32
      %dma_start3A_495 = arith.constant 0 : i32
      %dma_start3A_496 = arith.constant 0 : i32
      %dma_start3A_497 = tpu.memref_slice %arg6[%dma_start3A_493, %dma_start3A_495, %dma_start3A_496] : memref<5x128x64xf32, #tpu.memory_space<vmem>> -> memref<1x128x64xf32, #tpu.memory_space<vmem>>
      %dma_start3A_498 = tpu.memref_squeeze %dma_start3A_497 : memref<1x128x64xf32, #tpu.memory_space<vmem>> -> memref<128x64xf32, #tpu.memory_space<vmem>>
      %dma_start3A_499 = arith.constant 0 : i32
      %dma_start3A_500 = tpu.memref_slice %arg4[%mul3A_492, %dma_start3A_499] : memref<204800x64xf32, #tpu.memory_space<hbm>> -> memref<128x64xf32, #tpu.memory_space<hbm>>
      %dma_start3A_501 = tpu.memref_slice %arg9[%dma_start3A_494] : memref<5x!tpu.dma_semaphore, #tpu.memory_space<semaphore_mem>> -> memref<1x!tpu.dma_semaphore, #tpu.memory_space<semaphore_mem>>
      %dma_start3A_502 = tpu.memref_squeeze %dma_start3A_501 : memref<1x!tpu.dma_semaphore, #tpu.memory_space<semaphore_mem>> -> memref<!tpu.dma_semaphore, #tpu.memory_space<semaphore_mem>>
      %dma_start3A_503 = arith.constant 0 : i32
      %dma_start3A_504 = tpu.memref_slice %arg4[%mul3A_492, %dma_start3A_503] : memref<204800x64xf32, #tpu.memory_space<hbm>> -> memref<128x64xf32, #tpu.memory_space<hbm>>
      %dma_start3A_505 = arith.constant 0 : i32
      %dma_start3A_506 = arith.constant 0 : i32
      %dma_start3A_507 = tpu.memref_slice %arg6[%dma_start3A_493, %dma_start3A_505, %dma_start3A_506] : memref<5x128x64xf32, #tpu.memory_space<vmem>> -> memref<1x128x64xf32, #tpu.memory_space<vmem>>
      %dma_start3A_508 = tpu.memref_squeeze %dma_start3A_507 : memref<1x128x64xf32, #tpu.memory_space<vmem>> -> memref<128x64xf32, #tpu.memory_space<vmem>>
      tpu.enqueue_dma source(%dma_start3A_508 : memref<128x64xf32, #tpu.memory_space<vmem>>) target(%dma_start3A_504 : memref<128x64xf32, #tpu.memory_space<hbm>>) target_semaphore(%dma_start3A_502 : memref<!tpu.dma_semaphore, #tpu.memory_space<semaphore_mem>>)
    }
    %scan3A_67 = arith.constant 10 : i32
    %dma_wait3A_68 = arith.constant 0 : i32
    %dma_wait3A_69 = arith.constant 0 : i32
    %dma_wait3A_70 = arith.constant 0 : i32
    %dma_wait3A_71 = arith.constant 0 : i32
    %dma_wait3A_72 = tpu.memref_slice %arg6[%dma_wait3A_68, %dma_wait3A_70, %dma_wait3A_71] : memref<5x128x64xf32, #tpu.memory_space<vmem>> -> memref<1x128x64xf32, #tpu.memory_space<vmem>>
    %dma_wait3A_73 = tpu.memref_squeeze %dma_wait3A_72 : memref<1x128x64xf32, #tpu.memory_space<vmem>> -> memref<128x64xf32, #tpu.memory_space<vmem>>
    %dma_wait3A_74 = arith.constant 0 : i32
    %dma_wait3A_75 = arith.constant 0 : i32
    %dma_wait3A_76 = tpu.memref_slice %arg4[%dma_wait3A_74, %dma_wait3A_75] : memref<204800x64xf32, #tpu.memory_space<hbm>> -> memref<128x64xf32, #tpu.memory_space<hbm>>
    %dma_wait3A_77 = tpu.memref_slice %arg9[%dma_wait3A_69] : memref<5x!tpu.dma_semaphore, #tpu.memory_space<semaphore_mem>> -> memref<1x!tpu.dma_semaphore, #tpu.memory_space<semaphore_mem>>
    %dma_wait3A_78 = tpu.memref_squeeze %dma_wait3A_77 : memref<1x!tpu.dma_semaphore, #tpu.memory_space<semaphore_mem>> -> memref<!tpu.dma_semaphore, #tpu.memory_space<semaphore_mem>>
    %dma_wait3A_79 = arith.constant 0 : i32
    %dma_wait3A_80 = arith.constant 0 : i32
    %dma_wait3A_81 = tpu.memref_slice %arg4[%dma_wait3A_79, %dma_wait3A_80] : memref<204800x64xf32, #tpu.memory_space<hbm>> -> memref<128x64xf32, #tpu.memory_space<hbm>>
    %dma_wait3A_82 = arith.constant 0 : i32
    %dma_wait3A_83 = arith.constant 0 : i32
    %dma_wait3A_84 = tpu.memref_slice %arg6[%dma_wait3A_68, %dma_wait3A_82, %dma_wait3A_83] : memref<5x128x64xf32, #tpu.memory_space<vmem>> -> memref<1x128x64xf32, #tpu.memory_space<vmem>>
    %dma_wait3A_85 = tpu.memref_squeeze %dma_wait3A_84 : memref<1x128x64xf32, #tpu.memory_space<vmem>> -> memref<128x64xf32, #tpu.memory_space<vmem>>
    tpu.wait_dma2 semaphore(%dma_wait3A_78 : memref<!tpu.dma_semaphore, #tpu.memory_space<semaphore_mem>>) src(%dma_wait3A_85 : memref<128x64xf32, #tpu.memory_space<vmem>>) dst(%dma_wait3A_81 : memref<128x64xf32, #tpu.memory_space<hbm>>)
    %dma_wait3A_86 = arith.constant 1 : i32
    %dma_wait3A_87 = arith.constant 1 : i32
    %dma_wait3A_88 = arith.constant 0 : i32
    %dma_wait3A_89 = arith.constant 0 : i32
    %dma_wait3A_90 = tpu.memref_slice %arg6[%dma_wait3A_86, %dma_wait3A_88, %dma_wait3A_89] : memref<5x128x64xf32, #tpu.memory_space<vmem>> -> memref<1x128x64xf32, #tpu.memory_space<vmem>>
    %dma_wait3A_91 = tpu.memref_squeeze %dma_wait3A_90 : memref<1x128x64xf32, #tpu.memory_space<vmem>> -> memref<128x64xf32, #tpu.memory_space<vmem>>
    %dma_wait3A_92 = arith.constant 0 : i32
    %dma_wait3A_93 = arith.constant 0 : i32
    %dma_wait3A_94 = tpu.memref_slice %arg4[%dma_wait3A_92, %dma_wait3A_93] : memref<204800x64xf32, #tpu.memory_space<hbm>> -> memref<128x64xf32, #tpu.memory_space<hbm>>
    %dma_wait3A_95 = tpu.memref_slice %arg9[%dma_wait3A_87] : memref<5x!tpu.dma_semaphore, #tpu.memory_space<semaphore_mem>> -> memref<1x!tpu.dma_semaphore, #tpu.memory_space<semaphore_mem>>
    %dma_wait3A_96 = tpu.memref_squeeze %dma_wait3A_95 : memref<1x!tpu.dma_semaphore, #tpu.memory_space<semaphore_mem>> -> memref<!tpu.dma_semaphore, #tpu.memory_space<semaphore_mem>>
    %dma_wait3A_97 = arith.constant 0 : i32
    %dma_wait3A_98 = arith.constant 0 : i32
    %dma_wait3A_99 = tpu.memref_slice %arg4[%dma_wait3A_97, %dma_wait3A_98] : memref<204800x64xf32, #tpu.memory_space<hbm>> -> memref<128x64xf32, #tpu.memory_space<hbm>>
    %dma_wait3A_100 = arith.constant 0 : i32
    %dma_wait3A_101 = arith.constant 0 : i32
    %dma_wait3A_102 = tpu.memref_slice %arg6[%dma_wait3A_86, %dma_wait3A_100, %dma_wait3A_101] : memref<5x128x64xf32, #tpu.memory_space<vmem>> -> memref<1x128x64xf32, #tpu.memory_space<vmem>>
    %dma_wait3A_103 = tpu.memref_squeeze %dma_wait3A_102 : memref<1x128x64xf32, #tpu.memory_space<vmem>> -> memref<128x64xf32, #tpu.memory_space<vmem>>
    tpu.wait_dma2 semaphore(%dma_wait3A_96 : memref<!tpu.dma_semaphore, #tpu.memory_space<semaphore_mem>>) src(%dma_wait3A_103 : memref<128x64xf32, #tpu.memory_space<vmem>>) dst(%dma_wait3A_99 : memref<128x64xf32, #tpu.memory_space<hbm>>)
    %dma_wait3A_104 = arith.constant 2 : i32
    %dma_wait3A_105 = arith.constant 2 : i32
    %dma_wait3A_106 = arith.constant 0 : i32
    %dma_wait3A_107 = arith.constant 0 : i32
    %dma_wait3A_108 = tpu.memref_slice %arg6[%dma_wait3A_104, %dma_wait3A_106, %dma_wait3A_107] : memref<5x128x64xf32, #tpu.memory_space<vmem>> -> memref<1x128x64xf32, #tpu.memory_space<vmem>>
    %dma_wait3A_109 = tpu.memref_squeeze %dma_wait3A_108 : memref<1x128x64xf32, #tpu.memory_space<vmem>> -> memref<128x64xf32, #tpu.memory_space<vmem>>
    %dma_wait3A_110 = arith.constant 0 : i32
    %dma_wait3A_111 = arith.constant 0 : i32
    %dma_wait3A_112 = tpu.memref_slice %arg4[%dma_wait3A_110, %dma_wait3A_111] : memref<204800x64xf32, #tpu.memory_space<hbm>> -> memref<128x64xf32, #tpu.memory_space<hbm>>
    %dma_wait3A_113 = tpu.memref_slice %arg9[%dma_wait3A_105] : memref<5x!tpu.dma_semaphore, #tpu.memory_space<semaphore_mem>> -> memref<1x!tpu.dma_semaphore, #tpu.memory_space<semaphore_mem>>
    %dma_wait3A_114 = tpu.memref_squeeze %dma_wait3A_113 : memref<1x!tpu.dma_semaphore, #tpu.memory_space<semaphore_mem>> -> memref<!tpu.dma_semaphore, #tpu.memory_space<semaphore_mem>>
    %dma_wait3A_115 = arith.constant 0 : i32
    %dma_wait3A_116 = arith.constant 0 : i32
    %dma_wait3A_117 = tpu.memref_slice %arg4[%dma_wait3A_115, %dma_wait3A_116] : memref<204800x64xf32, #tpu.memory_space<hbm>> -> memref<128x64xf32, #tpu.memory_space<hbm>>
    %dma_wait3A_118 = arith.constant 0 : i32
    %dma_wait3A_119 = arith.constant 0 : i32
    %dma_wait3A_120 = tpu.memref_slice %arg6[%dma_wait3A_104, %dma_wait3A_118, %dma_wait3A_119] : memref<5x128x64xf32, #tpu.memory_space<vmem>> -> memref<1x128x64xf32, #tpu.memory_space<vmem>>
    %dma_wait3A_121 = tpu.memref_squeeze %dma_wait3A_120 : memref<1x128x64xf32, #tpu.memory_space<vmem>> -> memref<128x64xf32, #tpu.memory_space<vmem>>
    tpu.wait_dma2 semaphore(%dma_wait3A_114 : memref<!tpu.dma_semaphore, #tpu.memory_space<semaphore_mem>>) src(%dma_wait3A_121 : memref<128x64xf32, #tpu.memory_space<vmem>>) dst(%dma_wait3A_117 : memref<128x64xf32, #tpu.memory_space<hbm>>)
    %dma_wait3A_122 = arith.constant 3 : i32
    %dma_wait3A_123 = arith.constant 3 : i32
    %dma_wait3A_124 = arith.constant 0 : i32
    %dma_wait3A_125 = arith.constant 0 : i32
    %dma_wait3A_126 = tpu.memref_slice %arg6[%dma_wait3A_122, %dma_wait3A_124, %dma_wait3A_125] : memref<5x128x64xf32, #tpu.memory_space<vmem>> -> memref<1x128x64xf32, #tpu.memory_space<vmem>>
    %dma_wait3A_127 = tpu.memref_squeeze %dma_wait3A_126 : memref<1x128x64xf32, #tpu.memory_space<vmem>> -> memref<128x64xf32, #tpu.memory_space<vmem>>
    %dma_wait3A_128 = arith.constant 0 : i32
    %dma_wait3A_129 = arith.constant 0 : i32
    %dma_wait3A_130 = tpu.memref_slice %arg4[%dma_wait3A_128, %dma_wait3A_129] : memref<204800x64xf32, #tpu.memory_space<hbm>> -> memref<128x64xf32, #tpu.memory_space<hbm>>
    %dma_wait3A_131 = tpu.memref_slice %arg9[%dma_wait3A_123] : memref<5x!tpu.dma_semaphore, #tpu.memory_space<semaphore_mem>> -> memref<1x!tpu.dma_semaphore, #tpu.memory_space<semaphore_mem>>
    %dma_wait3A_132 = tpu.memref_squeeze %dma_wait3A_131 : memref<1x!tpu.dma_semaphore, #tpu.memory_space<semaphore_mem>> -> memref<!tpu.dma_semaphore, #tpu.memory_space<semaphore_mem>>
    %dma_wait3A_133 = arith.constant 0 : i32
    %dma_wait3A_134 = arith.constant 0 : i32
    %dma_wait3A_135 = tpu.memref_slice %arg4[%dma_wait3A_133, %dma_wait3A_134] : memref<204800x64xf32, #tpu.memory_space<hbm>> -> memref<128x64xf32, #tpu.memory_space<hbm>>
    %dma_wait3A_136 = arith.constant 0 : i32
    %dma_wait3A_137 = arith.constant 0 : i32
    %dma_wait3A_138 = tpu.memref_slice %arg6[%dma_wait3A_122, %dma_wait3A_136, %dma_wait3A_137] : memref<5x128x64xf32, #tpu.memory_space<vmem>> -> memref<1x128x64xf32, #tpu.memory_space<vmem>>
    %dma_wait3A_139 = tpu.memref_squeeze %dma_wait3A_138 : memref<1x128x64xf32, #tpu.memory_space<vmem>> -> memref<128x64xf32, #tpu.memory_space<vmem>>
    tpu.wait_dma2 semaphore(%dma_wait3A_132 : memref<!tpu.dma_semaphore, #tpu.memory_space<semaphore_mem>>) src(%dma_wait3A_139 : memref<128x64xf32, #tpu.memory_space<vmem>>) dst(%dma_wait3A_135 : memref<128x64xf32, #tpu.memory_space<hbm>>)
    %dma_wait3A_140 = arith.constant 4 : i32
    %dma_wait3A_141 = arith.constant 4 : i32
    %dma_wait3A_142 = arith.constant 0 : i32
    %dma_wait3A_143 = arith.constant 0 : i32
    %dma_wait3A_144 = tpu.memref_slice %arg6[%dma_wait3A_140, %dma_wait3A_142, %dma_wait3A_143] : memref<5x128x64xf32, #tpu.memory_space<vmem>> -> memref<1x128x64xf32, #tpu.memory_space<vmem>>
    %dma_wait3A_145 = tpu.memref_squeeze %dma_wait3A_144 : memref<1x128x64xf32, #tpu.memory_space<vmem>> -> memref<128x64xf32, #tpu.memory_space<vmem>>
    %dma_wait3A_146 = arith.constant 0 : i32
    %dma_wait3A_147 = arith.constant 0 : i32
    %dma_wait3A_148 = tpu.memref_slice %arg4[%dma_wait3A_146, %dma_wait3A_147] : memref<204800x64xf32, #tpu.memory_space<hbm>> -> memref<128x64xf32, #tpu.memory_space<hbm>>
    %dma_wait3A_149 = tpu.memref_slice %arg9[%dma_wait3A_141] : memref<5x!tpu.dma_semaphore, #tpu.memory_space<semaphore_mem>> -> memref<1x!tpu.dma_semaphore, #tpu.memory_space<semaphore_mem>>
    %dma_wait3A_150 = tpu.memref_squeeze %dma_wait3A_149 : memref<1x!tpu.dma_semaphore, #tpu.memory_space<semaphore_mem>> -> memref<!tpu.dma_semaphore, #tpu.memory_space<semaphore_mem>>
    %dma_wait3A_151 = arith.constant 0 : i32
    %dma_wait3A_152 = arith.constant 0 : i32
    %dma_wait3A_153 = tpu.memref_slice %arg4[%dma_wait3A_151, %dma_wait3A_152] : memref<204800x64xf32, #tpu.memory_space<hbm>> -> memref<128x64xf32, #tpu.memory_space<hbm>>
    %dma_wait3A_154 = arith.constant 0 : i32
    %dma_wait3A_155 = arith.constant 0 : i32
    %dma_wait3A_156 = tpu.memref_slice %arg6[%dma_wait3A_140, %dma_wait3A_154, %dma_wait3A_155] : memref<5x128x64xf32, #tpu.memory_space<vmem>> -> memref<1x128x64xf32, #tpu.memory_space<vmem>>
    %dma_wait3A_157 = tpu.memref_squeeze %dma_wait3A_156 : memref<1x128x64xf32, #tpu.memory_space<vmem>> -> memref<128x64xf32, #tpu.memory_space<vmem>>
    tpu.wait_dma2 semaphore(%dma_wait3A_150 : memref<!tpu.dma_semaphore, #tpu.memory_space<semaphore_mem>>) src(%dma_wait3A_157 : memref<128x64xf32, #tpu.memory_space<vmem>>) dst(%dma_wait3A_153 : memref<128x64xf32, #tpu.memory_space<hbm>>)
    return
  }
}

</mosaic_0001>

<sc_bundles>
// kernel: _gather_scale.3.cloned.1.call-start
scs
__scs_entry_jumppad:
0x0: {  	(pc) =	sbr.rel $0x88, $3  }
0x1: {  	(tag) =	ssettag $0x0;
	lr =	simm.s32 $0x1  }
0x2: {  	[smem:$0x3F9F] =	sst lr;
	_ =	strace $0xD0000000  }
0x3: {  	_ = 	snop  }
0x4: {  	_ = 	snop  }
0x5: {  	_ = 	snop  }
0x6: {  	_ = 	snop  }
0x7: {  	_ = 	snop  }
__scs_overlays_trampoline_lowered:
0x8: {  	[smem:$0x3FAE] =	sst s0  }
0x9: {  	[smem:$0x3FAF] =	sst s1  }
0xa: {  	[smem:$0x3FB0] =	sst s2  }
0xb: {  	[smem:$0x3FB1] =	sst s3  }
0xc: {  	[smem:$0x3FB2] =	sst s4  }
0xd: {  	[smem:$0x3FB3] =	sst s5  }
0xe: {  	[smem:$0x3FB4] =	sst s6  }
0xf: {  	[smem:$0x3FB5] =	sst s7  }
0x10: {  	[smem:$0x3FB6] =	sst s8  }
0x11: {  	[smem:$0x3FB7] =	sst s9;
	s0 =	simm.s32 @!p0 $0x0  }
0x12: {  	s1 =	sld [smem:$0x3F9D];
	s0 =	simm.s32 @p0 $0x1  }
0x13: {  	[smem:$0x3FB8] =	sst s0;
	s0 =	simm.s32 @!p1 $0x0  }
0x14: {  	s2 =	sld [smem:$0x3F9C];
	s0 =	simm.s32 @p1 $0x1  }
0x15: {  	[smem:$0x3FB9] =	sst s0;
	s0 =	simm.s32 @!p2 $0x0  }
0x16: {  	s3 =	sld [smem:$0x3FDB];
	s0 =	simm.s32 @p2 $0x1  }
0x17: {  	s4 =	simm.s32 $0x1BF5;
	[smem:$0x3FBB] =	sst s0  }
0x18: {  	s0 =	sld [smem:$0x3F9E];
	_ =	swait.ge [sflag:s4], $0x0  }
0x19: {  	s7 =	sld [smem:$0x3F9F]  }
0x1a: {  	s8 =	sadd.s32 $0xFFFFE003, lr  }
0x1b: {  	s9 =	sadd.s32 $0xFFFFFEF7, lr;
	s5 =	simm.s32 $0xFFFFFFFF;
	p2 =	slt.u32 s8, $0xFFFFF086  }
0x1c: {  	p1 =	slt.u32 s9, $0xF7A;
	s5 =	simm.s32 @!p2 $0x0  }
0x1d: {  	s5 =	simm.s32 @p1 $0x1;
	p0 =	seq.s32 s7, s2  }
0x1e: {  	s7 =	smul.u32 @!p0 $0xF7A, s2;
	p2 =	seq.s32 @!p0 s5, $0x0  }
0x1f: {  	s9 =	smul.u32 $0xF7A, s1;
	s8 =	simm.s32 @!p0 $0x1BF5;
	p2 =	por !p2, p0  }
0x20: {  	[sflag:s8] =	ssyncset.s32 @!p0 $0xFFFFF086;
	s6 =	sadd.s32 @!p0 s3, s7;
	s7 =	simm.s32 @!p0 $0x108  }
0x21: {  	s3 =	sadd.s32 s3, s9;
	s6 =	sadd.s32 @!p0 $0x88, s6;
	s7 =	simm.s32 @p2 $0x1082  }
0x22: {  	[simem:s7], [sflag:s8] =	dma.local @!p0 [hbm:s6], $0xF7A  }
0x23: {  	s9 =	sor.u32 $0xD0000000, s2;
	s6 =	simm.s32 $0x108;
	_ =	swait.ge @!p0 [sflag:s8], $0x0  }
0x24: {  	s3 =	sadd.s32 $0x88, s3;
	s6 =	simm.s32 @!p1 $0x1082;
	[sflag:s4] =	ssyncset.s32 $0xFFFFF086  }
0x25: {  	[simem:s6], [sflag:s4] =	dma.local [hbm:s3], $0xF7A  }
0x26: {  	[smem:$0x3F9F] =	sst s1;
	(tag) =	ssettag s2;
	_ =	strace s9  }
0x27: {  	s1 =	sld [smem:$0x3FAF]  }
0x28: {  	s2 =	sld [smem:$0x3FB0]  }
0x29: {  	s4 =	sld [smem:$0x3FB2]  }
0x2a: {  	p0 =	seq.s32 s5, $0x0;
	s5 =	sld [smem:$0x3FB3]  }
0x2b: {  	s6 =	sld [smem:$0x3FB4]  }
0x2c: {  	s7 =	sld [smem:$0x3FB5]  }
0x2d: {  	s3 =	simm.s32 $0x108;
	s8 =	sld [smem:$0x3FB6]  }
0x2e: {  	s3 =	simm.s32 @!p0 $0x1082;
	s9 =	sld [smem:$0x3FB7]  }
0x2f: {  	lr =	sadd.s32 s0, s3;
	s0 =	sld [smem:$0x3FAE]  }
0x30: {  	s3 =	sld [smem:$0x3FB1]  }
0x31: {  	[smem:$0x3FBA] =	sst s10  }
0x32: {  	s10 =	sld [smem:$0x3FB8];
	_ =	sdelay $0x3  }
0x33: {  	p0 =	seq.s32 s10, $0x1;
	s10 =	sld [smem:$0x3FBA];
	_ =	sdelay $0x3  }
0x34: {  	[smem:$0x3FBA] =	sst s10  }
0x35: {  	s10 =	sld [smem:$0x3FB9];
	_ =	sdelay $0x3  }
0x36: {  	p1 =	seq.s32 s10, $0x1;
	s10 =	sld [smem:$0x3FBA];
	_ =	sdelay $0x3  }
0x37: {  	[smem:$0x3FBA] =	sst s10  }
0x38: {  	s10 =	sld [smem:$0x3FBB]  }
0x39: {  	_ = 	snop;
	(pc) =	sbr.ind lr, $3  }
0x3a: {  	_ = 	snop  }
0x3b: {  	_ = 	snop  }
0x3c: {  	p2 =	seq.s32 s10, $0x1;
	s10 =	sld [smem:$0x3FBA]  }
0x3d: {  	_ =	shalt  }
0x3e: {  	_ =	shalt  }
0x3f: {  	_ =	shalt  }
0x40: {  	_ =	shalt  }
0x41: {  	_ =	shalt  }
0x42: {  	_ =	shalt  }
0x43: {  	_ =	shalt  }
0x44: {  	_ =	shalt  }
0x45: {  	_ =	shalt  }
0x46: {  	_ =	shalt  }
0x47: {  	_ =	shalt  }
0x48: {  	_ =	shalt  }
0x49: {  	_ =	shalt  }
0x4a: {  	_ =	shalt  }
0x4b: {  	_ =	shalt  }
0x4c: {  	_ =	shalt  }
0x4d: {  	_ =	shalt  }
0x4e: {  	_ =	shalt  }
0x4f: {  	_ =	shalt  }
0x50: {  	_ =	shalt  }
0x51: {  	_ =	shalt  }
0x52: {  	_ =	shalt  }
0x53: {  	_ =	shalt  }
0x54: {  	_ =	shalt  }
0x55: {  	_ =	shalt  }
0x56: {  	_ =	shalt  }
0x57: {  	_ =	shalt  }
0x58: {  	_ =	shalt  }
0x59: {  	_ =	shalt  }
0x5a: {  	_ =	shalt  }
0x5b: {  	_ =	shalt  }
0x5c: {  	_ =	shalt  }
0x5d: {  	_ =	shalt  }
0x5e: {  	_ =	shalt  }
0x5f: {  	_ =	shalt  }
0x60: {  	_ =	shalt  }
0x61: {  	_ =	shalt  }
0x62: {  	_ =	shalt  }
0x63: {  	_ =	shalt  }
0x64: {  	_ =	shalt  }
0x65: {  	_ =	shalt  }
0x66: {  	_ =	shalt  }
0x67: {  	_ =	shalt  }
0x68: {  	_ =	shalt  }
0x69: {  	_ =	shalt  }
0x6a: {  	_ =	shalt  }
0x6b: {  	_ =	shalt  }
0x6c: {  	_ =	shalt  }
0x6d: {  	_ =	shalt  }
0x6e: {  	_ =	shalt  }
0x6f: {  	_ =	shalt  }
0x70: {  	_ =	shalt  }
0x71: {  	_ =	shalt  }
0x72: {  	_ =	shalt  }
0x73: {  	_ =	shalt  }
0x74: {  	_ =	shalt  }
0x75: {  	_ =	shalt  }
0x76: {  	_ =	shalt  }
0x77: {  	_ =	shalt  }
0x78: {  	_ =	shalt  }
0x79: {  	_ =	shalt  }
0x7a: {  	_ =	shalt  }
0x7b: {  	_ =	shalt  }
0x7c: {  	_ =	shalt  }
0x7d: {  	_ =	shalt  }
0x7e: {  	_ =	shalt  }
0x7f: {  	_ =	shalt  }
0x80: {  	_ =	shalt  }
0x81: {  	_ =	shalt  }
0x82: {  	_ =	shalt  }
0x83: {  	_ =	shalt  }
0x84: {  	_ =	shalt  }
0x85: {  	_ =	shalt  }
0x86: {  	_ =	shalt  }
0x87: {  	_ =	shalt  }
.Lfunc_end0:
.L_simem_size_0:
called_computation_lowered:
.L_overlay_start_0:
0x88: {  	s2 =	sld [smem:$0x3FD9]  }
0x89: {  	s3 =	sld [smem:$0x3FFE];
	_ =	sdelay $0x1  }
0x8a: {  	s1 =	srdreg.scid  }
0x8b: {  	s0 =	sand.u32 $0x1, s1  }
0x8c: {  	s17 =	sshll.u32 s0, $0xA;
	s2 =	sadd.s32 s3, s2  }
0x8d: {  	s2 =	sadd.s32 s2, s17  }
0x8e: {  	[smem:$0x3FC6] =	sst s2  }
0x8f: {  	_ = 	snop  }
0x90: {  	s2 =	sld [smem:$0x3FC9];
	(tm) =	ssettm $0x1  }
0x91: {  	s18 =	sld [smem:$0x3FFB];
	_ =	sdelay $0x3  }
0x92: {  	_ =	strace s18  }
0x93: {  	s3 =	sld [smem:$0x3FFC];
	_ =	sdelay $0x3  }
0x94: {  	_ =	strace s3  }
0x95: {  	s3 =	sld [smem:$0x3FFD];
	_ =	sdelay $0x3  }
0x96: {  	_ =	strace s3  }
0x97: {  	_ =	strace $0x8FFFFFFF  }
0x98: {  	s19 =	sld [smem:$0x3FDB];
	_ =	sdelay $0x1  }
0x99: {  	s4 =	simm.s32 $_scs_section_size  }
0x9a: {  	s5 =	simm.s32 $_size__tile_overlayer_lowered;
	s6 =	simm.s32 $_tile_overlayer_lowered  }
0x9b: {  	s22 =	simm.s32 $0x1BFF;
	s21 =	sshll.u32 s6, $0x1;
	s3 =	sadd.s32 s4, s19  }
0x9c: {  	s7 =	simm.s32 $0x0;
	s20 =	sshll.u32 s5, $0x1;
	s5 =	sadd.s32 s21, s3  }
0x9d: {  	[timem:s7], [sflag:s22] =	dma.local [hbm:s5], s20  }
0x9e: {  	_ =	swait.ge [sflag:s22], s20  }
0x9f: {  	s4 =	ssub.s32 $0x0, s20;
	[sflag:s22] =	ssyncset.done $0x0  }
0xa0: {  	[sflag:s22] =	ssyncadd.s32 s4;
	_ =	sdelay $0x1  }
0xa1: {  	s23 =	simm.s32 $0x1B8B  }
0xa2: {  	_ =	swait.ge [sflag:s23], $0x1  }
0xa3: {  	[sflag:s23] =	ssyncset.done $0x0  }
0xa4: {  	s25 =	simm.s32 $0x1B8E;
	s24 =	sld [smem:$0x3FFE];
	[sflag:s23] =	ssyncadd.s32 $0xFFFFFFFF  }
0xa5: {  	s26 =	simm.s32 $execute0_lowered;
	[smem:$0x3FD2] =	sst s25  }
0xa6: {  	s5 =	sshll.u32 s26, $0x1;
	_ =	strace $0x80000046;
	[dreg:$0x1] =	wrdreg $0xFFFFFFFF  }
0xa7: {  	s28 =	simm.s32 $_size_execute0_lowered;
	s3 =	sadd.s32 s3, s5;
	[dreg:$0x0] =	wrdreg $0x0  }
0xa8: {  	s5 =	sshll.u32 s28, $0x1;
	[dreg:$0x2] =	wrdreg s3  }
0xa9: {  	[dreg:$0x3] =	wrdreg s5  }
0xaa: {  	[dreg:$0x4] =	wrdreg $0xC0  }
0xab: {  	_ =	task [dreg:s7], $0x5FFFF  }
0xac: {  	[dreg:$0x1] =	wrdreg $0xFFFFFFFF  }
0xad: {  	[dreg:$0x0] =	wrdreg $0x60  }
0xae: {  	[dreg:$0x2] =	wrdreg s2  }
0xaf: {  	[dreg:$0x3] =	wrdreg s24  }
0xb0: {  	[dreg:$0x4] =	wrdreg $0x9  }
0xb1: {  	_ =	task.clear_ibuf [dreg:s7], $0x5FFFF;
	_ =	strace $0x90000046  }
0xb2: {  	s29 =	simm.s32 $0x9;
	_ =	strace $0x80000048  }
0xb3: {  	_ =	swait.ge [sflag:s29], $0x1  }
0xb4: {  	[sflag:s29] =	ssyncadd.s32 $0xFFFFFFFF  }
0xb5: {  	_ =	strace $0x90000048  }
0xb6: {  	_ =	sfence  }
0xb7: {  	s30 =	sld [smem:$0x0];
	_ =	sdelay $0x2  }
0xb8: {  	s31 =	sshll.u32 s1, $0xD;
	s1 =	sshrl.u32 s1, $0x2  }
0xb9: {  	s3 =	sand.u32 $0x4000, s31;
	s1 =	sadd.s32 s1, s30  }
0xba: {  	s0 =	sor.u32 s3, s0;
	s1 =	sshll.u32 s1, $0x11  }
0xbb: {  	s0 =	sor.u32 s1, s0  }
0xbc: {  	s0 =	sadd.s32 $0x8F2B, s0  }
0xbd: {  	[sflag:s0] =	ssyncadd.remote.s32 $0x1  }
0xbe: {  	_ =	sfence.sel $0xFFFF  }
0xbf: {  	[dreg:$0x0] =	wrdreg $0xFFFFFFFF;
	(pc) =	sbr.abs _section_cstart, $3  }
0xc0: {  	[dreg:$0x1] =	wrdreg $0xFFFFFFFF  }
0xc1: {  	_ =	task.clear_ibuf [dreg:s7], $0x2FFFF;
	_ =	strace $0x9FFFFFFF  }
0xc2: {  	(tm) =	ssettm $0x7FFFFFFF  }
0xc3: {  	_ =	shalt  }
tec
execute0_lowered:
.L_overlay_start_1:
0x0: {  	(tag) =	ssettag $0x1  }
0x1: {  	s1 =	rddreg [dreg:$0x0]  }
0x2: {  	s0 =	rddreg [dreg:$0x1]  }
0x3: {  	s2 =	srdreg.scid;
	s4 =	stileid.u32  }
0x4: {  	s3 =	simm.s32 $0x0;
	s2 =	sand.u32 $0x1, s2;
	s5 =	sshll.u32 s4, $0x1  }
0x5: {  	[smem:$0x7FF] =	sst s3;
	s5 =	sor.u32 s2, s5  }
0x6: {  	_ =	strace $0x80000047;
	s7 =	ssub.s32 $0x2, s2;
	s2 =	sshll.u32 s5, $0x4  }
0x7: {  	s24 =	sshll.u32 s5, $0x7;
	[dreg:$0x3] =	wrdreg s5;
	s2 =	sadd.s32 s1, s2  }
0x8: {  	s25 =	sor.u32 $0x5000, s24;
	[dreg:$0x4] =	wrdreg s2  }
0x9: {  	s4 =	sadd.s32 $0x400, s0;
	s26 =	sor.u32 $0x6000, s24;
	[dreg:$0x7] =	wrdreg s25  }
0xa: {  	s29 =	sshll.u32 s5, $0xE;
	s28 =	sor.u32 $0x7000, s24;
	[dreg:$0x8] =	wrdreg s26  }
0xb: {  	s6 =	sadd.s32 $0xF42800, s0;
	s30 =	sor.u32 $0x80000, s29;
	[dreg:$0x9] =	wrdreg s28  }
0xc: {  	s23 =	sshrl.u32 s7, $0x1;
	s8 =	sadd.s32 $0x200, s2;
	[dreg:$0xa] =	wrdreg s30  }
0xd: {  	s0 =	ssub.s32 s7, s23;
	s2 =	sadd.s32 $0x400, s2;
	[dreg:$0x5] =	wrdreg s8  }
0xe: {  	s0 =	smax.u32 s0, $0x1;
	[dreg:$0x6] =	wrdreg s2  }
0xf: {  	s31 =	sshll.u32 s5, $0xB;
	s2 =	sor.u32 $0x100000, s29;
	[dreg:$0xd] =	wrdreg s0  }
0x10: {  	[dreg:$0xb] =	wrdreg s2;
	s2 =	sadd.s32 s6, s31  }
0x11: {  	s5 =	simm.s32 $0x0;
	s16 =	smov.u32 s24;
	[dreg:$0xc] =	wrdreg s2  }
.LBB2_1:
0x12: {  	[dreg:$0xe] =	wrdreg s5  }
0x13: {  	s0 =	rddreg [dreg:$0x4]  }
0x14: {  	[tilespmem:s3], [sflag:$0x1] =	stream.linear.gather [hbm4b:s0+s3], $0x80, $0x38;
	[tilespmem:$0x14400] =	vst v63  }
0x15: {  	s28 =	rddreg [dreg:$0x5];
	s2 =	simm.s32 $0x80  }
0x16: {  	[tilespmem:s2], [sflag:$0x2] =	stream.linear.gather [hbm4b:s28+s3], $0x80, $0x38;
	[tilespmem:$0x14400] =	vst v63  }
0x17: {  	s29 =	rddreg [dreg:$0x6];
	s30 =	simm.s32 $0x100;
	s31 =	simm.s32 $0x1  }
0x18: {  	[tilespmem:s30], [sflag:$0x3] =	stream.linear.gather [hbm4b:s29+s3], $0x80, $0x38;
	[tilespmem:$0x14400] =	vst v63  }
0x19: {  	_ =	swait.ge [sflag:s31], $0x80  }
0x1a: {  	[sflag:s31] =	ssyncset.done $0x0  }
0x1b: {  	[sflag:s31] =	ssyncadd.s32 $0xFFFFFF80  }
0x1c: {  	v0 =	vld [tilespmem:s3+$0x0];
	_ =	sdelay $0x4  }
0x1d: {  	v0 =	vshll.u32 v0, $0x4  }
0x1e: {  	(v2sf) =	vpush v0, $0x0  }
0x1f: {  	(v2sf) =	vpush v0, $0x1  }
0x20: {  	(v2sf) =	vpush v0, $0x2;
	_ =	sdelay $0x1  }
0x21: {  	(v2sf) =	vpush v0, $0x4;
	_ =	sdelay $0x1  }
0x22: {  	(v2sf) =	vpush v0, $0x3  }
0x23: {  	(v2sf) =	vpush v0, $0x5  }
0x24: {  	s17 =	simm.s32 $0x2000;
	s19 =	simm.s32 $0x0;
	s2 =	simm.s32 $0x0;
	(v2sf) =	vpush v0, $0x6  }
.LBB2_2:
0x25: {  	p0 =	sne.s32 s17, $0xE000  }
0x26: {  	s15 =	sadd.s32 $0x480, s2;
	s25 =	sadd.s32 $0x980, s2;
	s20 =	smov.u32 s17  }
0x27: {  	s17 =	sadd.s32 $0x2000, s17;
	s12 =	sadd.s32 $0x780, s2;
	s18 =	sadd.s32 $0xA00, s2;
	(v2sf) =	vpush v0, $0x7  }
0x28: {  	s14 =	sadd.s32 $0x680, s2;
	s5 =	sadd.s32 $0x800, s2;
	s24 =	sadd.s32 $0xA80, s2  }
0x29: {  	s22 =	sadd.s32 $0x400, s2;
	s23 =	sadd.s32 $0x600, s2;
	(v2sf) =	vpush v0, $0x8  }
0x2a: {  	s21 =	simm.s32 $0x0;
	s29 =	sadd.s32 $0x700, s2;
	s19 =	sadd.s32 $0x10, s19  }
0x2b: {  	s30 =	sadd.s32 $0x500, s2;
	s11 =	sadd.s32 $0x900, s2;
	s13 =	spop (v2sf);
	(v2sf) =	vpush v0, $0x9  }
0x2c: {  	s26 =	sand.u32 $0x1FFFFFF0, s13;
	s13 =	sadd.s32 $0x880, s2;
	s28 =	spop (v2sf)  }
0x2d: {  	s26 =	sadd.s32 s4, s26;
	s28 =	sand.u32 $0x1FFFFFF0, s28;
	s31 =	spop (v2sf);
	(v2sf) =	vpush v0, $0xA  }
0x2e: {  	[tilespmem:s22], [sflag:$0x6] =	stream.linear.gather [hbm4b:s26+s21], $0x80, $0x38;
	[tilespmem:$0x14400] =	vst v63  }
0x2f: {  	s22 =	sadd.s32 s4, s28;
	s26 =	sadd.s32 $0x580, s2;
	s28 =	spop (v2sf);
	(v2sf) =	vpush v0, $0xB  }
0x30: {  	[tilespmem:s15], [sflag:$0x6] =	stream.linear.gather [hbm4b:s22+s21], $0x80, $0x38;
	[tilespmem:$0x14400] =	vst v63  }
0x31: {  	s15 =	sand.u32 $0x1FFFFFF0, s31;
	s22 =	sand.u32 $0x1FFFFFF0, s28;
	s28 =	spop (v2sf);
	(v2sf) =	vpush v0, $0xC  }
0x32: {  	s15 =	sadd.s32 s4, s15;
	s28 =	sand.u32 $0x1FFFFFF0, s28;
	s31 =	spop (v2sf)  }
0x33: {  	[tilespmem:s30], [sflag:$0x6] =	stream.linear.gather [hbm4b:s15+s21], $0x80, $0x38;
	(v2sf) =	vpush v0, $0xD;
	[tilespmem:$0x14400] =	vst v63  }
0x34: {  	s15 =	sadd.s32 s4, s28;
	s28 =	sand.u32 $0x1FFFFFF0, s31;
	s30 =	spop (v2sf)  }
0x35: {  	[tilespmem:s26], [sflag:$0x6] =	stream.linear.gather [hbm4b:s15+s21], $0x80, $0x38;
	(v2sf) =	vpush v0, $0xE;
	[tilespmem:$0x14400] =	vst v63  }
0x36: {  	s15 =	sadd.s32 s4, s22;
	s22 =	sand.u32 $0x1FFFFFF0, s30;
	s26 =	spop (v2sf)  }
0x37: {  	[tilespmem:s23], [sflag:$0x6] =	stream.linear.gather [hbm4b:s15+s21], $0x80, $0x38;
	(v2sf) =	vpush v0, $0xF;
	[tilespmem:$0x14400] =	vst v63  }
0x38: {  	s15 =	sadd.s32 s4, s28;
	s23 =	sand.u32 $0x1FFFFFF0, s26;
	s26 =	spop (v2sf)  }
0x39: {  	[tilespmem:s14], [sflag:$0x6] =	stream.linear.gather [hbm4b:s15+s21], $0x80, $0x38;
	[tilespmem:$0x14400] =	vst v63  }
0x3a: {  	s14 =	sadd.s32 s4, s22;
	s15 =	sand.u32 $0x1FFFFFF0, s26;
	s22 =	spop (v2sf)  }
0x3b: {  	[tilespmem:s29], [sflag:$0x6] =	stream.linear.gather [hbm4b:s14+s21], $0x80, $0x38;
	[tilespmem:$0x14400] =	vst v63  }
0x3c: {  	s14 =	sadd.s32 s4, s23;
	s22 =	sand.u32 $0x1FFFFFF0, s22;
	s23 =	spop (v2sf)  }
0x3d: {  	[tilespmem:s12], [sflag:$0x6] =	stream.linear.gather [hbm4b:s14+s21], $0x80, $0x38;
	[tilespmem:$0x14400] =	vst v63  }
0x3e: {  	s12 =	sadd.s32 s4, s15;
	s14 =	sand.u32 $0x1FFFFFF0, s23;
	s15 =	spop (v2sf)  }
0x3f: {  	[tilespmem:s5], [sflag:$0x6] =	stream.linear.gather [hbm4b:s12+s21], $0x80, $0x38;
	[tilespmem:$0x14400] =	vst v63  }
0x40: {  	s5 =	sadd.s32 s4, s22;
	s12 =	sand.u32 $0x1FFFFFF0, s15;
	s15 =	spop (v2sf)  }
0x41: {  	[tilespmem:s13], [sflag:$0x6] =	stream.linear.gather [hbm4b:s5+s21], $0x80, $0x38;
	[tilespmem:$0x14400] =	vst v63  }
0x42: {  	s5 =	sadd.s32 s4, s14;
	s13 =	sand.u32 $0x1FFFFFF0, s15;
	s14 =	spop (v2sf)  }
0x43: {  	[tilespmem:s11], [sflag:$0x6] =	stream.linear.gather [hbm4b:s5+s21], $0x80, $0x38;
	[tilespmem:$0x14400] =	vst v63  }
0x44: {  	s5 =	sadd.s32 s4, s12;
	s11 =	sand.u32 $0x1FFFFFF0, s14;
	s12 =	spop (v2sf)  }
0x45: {  	[tilespmem:s25], [sflag:$0x6] =	stream.linear.gather [hbm4b:s5+s21], $0x80, $0x38;
	[tilespmem:$0x14400] =	vst v63  }
0x46: {  	s5 =	sadd.s32 s4, s13;
	s12 =	sand.u32 $0x1FFFFFF0, s12;
	s13 =	spop (v2sf)  }
0x47: {  	[tilespmem:s18], [sflag:$0x6] =	stream.linear.gather [hbm4b:s5+s21], $0x80, $0x38;
	[tilespmem:$0x14400] =	vst v63  }
0x48: {  	s5 =	sadd.s32 s4, s11;
	s11 =	sand.u32 $0x1FFFFFF0, s13  }
0x49: {  	[tilespmem:s24], [sflag:$0x6] =	stream.linear.gather [hbm4b:s5+s21], $0x80, $0x38;
	[tilespmem:$0x14400] =	vst v63  }
0x4a: {  	s12 =	sadd.s32 s4, s12;
	s5 =	sadd.s32 $0xB00, s2  }
0x4b: {  	[tilespmem:s5], [sflag:$0x6] =	stream.linear.gather [hbm4b:s12+s21], $0x80, $0x38;
	[tilespmem:$0x14400] =	vst v63  }
0x4c: {  	s2 =	sadd.s32 $0xB80, s2;
	s5 =	sadd.s32 s4, s11  }
0x4d: {  	[tilespmem:s2], [sflag:$0x6] =	stream.linear.gather [hbm4b:s5+s21], $0x80, $0x38;
	[tilespmem:$0x14400] =	vst v63  }
0x4e: {  	v0 =	vld [tilespmem:s19+$0x0];
	_ =	sdelay $0x4  }
0x4f: {  	v0 =	vshll.u32 v0, $0x4  }
0x50: {  	(v2sf) =	vpush v0, $0x0  }
0x51: {  	(v2sf) =	vpush v0, $0x1  }
0x52: {  	(v2sf) =	vpush v0, $0x2;
	_ =	sdelay $0x1  }
0x53: {  	(v2sf) =	vpush v0, $0x4  }
.Ltmp0:
0x54: {  	(pc) =	sbr.rel @p0 .LBB2_2-.Ltmp0, $3  }
0x55: {  	(v2sf) =	vpush v0, $0x3  }
0x56: {  	(v2sf) =	vpush v0, $0x5;
	_ =	sdelay $0x1  }
0x57: {  	s2 =	sshra.s32 s20, $0x2;
	(v2sf) =	vpush v0, $0x6  }
0x58: {  	_ =	sdelay $0x1  }
0x59: {  	s13 =	sadd.s32 $0x480, s2;
	s12 =	sadd.s32 $0x980, s2  }
0x5a: {  	s14 =	sadd.s32 $0x780, s2;
	s5 =	sadd.s32 $0xA00, s2;
	(v2sf) =	vpush v0, $0x7;
	s15 =	sadd.s32 $0x680, s2  }
0x5b: {  	s17 =	sadd.s32 $0x800, s2;
	s11 =	sadd.s32 $0xA80, s2;
	s18 =	sadd.s32 $0x400, s2  }
0x5c: {  	s19 =	sadd.s32 $0x600, s2;
	s20 =	sadd.s32 $0x700, s2;
	(v2sf) =	vpush v0, $0x8;
	s22 =	spop (v2sf)  }
0x5d: {  	s23 =	sadd.s32 $0x500, s2;
	s22 =	sand.u32 $0x1FFFFFF0, s22;
	s24 =	spop (v2sf)  }
0x5e: {  	(v2sf) =	vpush v0, $0x9;
	s22 =	sadd.s32 s4, s22;
	s24 =	sand.u32 $0x1FFFFFF0, s24;
	s25 =	spop (v2sf)  }
0x5f: {  	[tilespmem:s18], [sflag:$0x6] =	stream.linear.gather [hbm4b:s22+s21], $0x80, $0x38;
	[tilespmem:$0x14400] =	vst v63  }
0x60: {  	s26 =	sadd.s32 $0x580, s2;
	(v2sf) =	vpush v0, $0xA;
	s31 =	sadd.s32 s4, s24;
	s0 =	spop (v2sf)  }
0x61: {  	[tilespmem:s13], [sflag:$0x6] =	stream.linear.gather [hbm4b:s31+s21], $0x80, $0x38;
	[tilespmem:$0x14400] =	vst v63  }
0x62: {  	s18 =	sadd.s32 $0x900, s2;
	s7 =	sand.u32 $0x1FFFFFF0, s25;
	(v2sf) =	vpush v0, $0xB;
	s8 =	spop (v2sf)  }
0x63: {  	s22 =	sadd.s32 s4, s7;
	s13 =	sadd.s32 $0x880, s2;
	s25 =	sand.u32 $0x1FFFFFF0, s8  }
0x64: {  	(v2sf) =	vpush v0, $0xC;
	[tilespmem:s23], [sflag:$0x6] =	stream.linear.gather [hbm4b:s22+s21], $0x80, $0x38;
	[tilespmem:$0x14400] =	vst v63  }
0x65: {  	s9 =	sand.u32 $0x1FFFFFF0, s0;
	s10 =	spop (v2sf);
	s25 =	sadd.s32 s4, s25  }
0x66: {  	(v2sf) =	vpush v0, $0xD;
	[tilespmem:s26], [sflag:$0x6] =	stream.linear.gather [hbm4b:s25+s21], $0x80, $0x38;
	[tilespmem:$0x14400] =	vst v63  }
0x67: {  	s22 =	sadd.s32 s4, s9;
	s23 =	sand.u32 $0x1FFFFFF0, s10;
	s26 =	spop (v2sf)  }
0x68: {  	(v2sf) =	vpush v0, $0xE;
	[tilespmem:s19], [sflag:$0x6] =	stream.linear.gather [hbm4b:s22+s21], $0x80, $0x38;
	[tilespmem:$0x14400] =	vst v63  }
0x69: {  	s23 =	sadd.s32 s4, s23;
	s28 =	sand.u32 $0x1FFFFFF0, s26;
	s29 =	spop (v2sf)  }
0x6a: {  	(v2sf) =	vpush v0, $0xF;
	[tilespmem:s15], [sflag:$0x6] =	stream.linear.gather [hbm4b:s23+s21], $0x80, $0x38;
	[tilespmem:$0x14400] =	vst v63  }
0x6b: {  	s30 =	sand.u32 $0x1FFFFFF0, s29;
	s31 =	spop (v2sf);
	s19 =	sadd.s32 s4, s28  }
0x6c: {  	[tilespmem:s20], [sflag:$0x6] =	stream.linear.gather [hbm4b:s19+s21], $0x80, $0x38;
	[tilespmem:$0x14400] =	vst v63  }
0x6d: {  	s0 =	sand.u32 $0x1FFFFFF0, s31;
	s15 =	sadd.s32 s4, s30;
	s7 =	spop (v2sf)  }
0x6e: {  	[tilespmem:s14], [sflag:$0x6] =	stream.linear.gather [hbm4b:s15+s21], $0x80, $0x38;
	[tilespmem:$0x14400] =	vst v63  }
0x6f: {  	s19 =	sadd.s32 s4, s0;
	s8 =	sand.u32 $0x1FFFFFF0, s7;
	s9 =	spop (v2sf)  }
0x70: {  	[tilespmem:s17], [sflag:$0x6] =	stream.linear.gather [hbm4b:s19+s21], $0x80, $0x38;
	[tilespmem:$0x14400] =	vst v63  }
0x71: {  	s15 =	sand.u32 $0x1FFFFFF0, s9;
	s14 =	sadd.s32 s4, s8;
	s10 =	spop (v2sf)  }
0x72: {  	[tilespmem:s13], [sflag:$0x6] =	stream.linear.gather [hbm4b:s14+s21], $0x80, $0x38;
	[tilespmem:$0x14400] =	vst v63  }
0x73: {  	s15 =	sadd.s32 s4, s15;
	s19 =	sand.u32 $0x1FFFFFF0, s10;
	s20 =	spop (v2sf)  }
0x74: {  	[tilespmem:s18], [sflag:$0x6] =	stream.linear.gather [hbm4b:s15+s21], $0x80, $0x38;
	[tilespmem:$0x14400] =	vst v63  }
0x75: {  	s13 =	sadd.s32 s4, s19;
	s14 =	sand.u32 $0x1FFFFFF0, s20;
	s22 =	spop (v2sf)  }
0x76: {  	[tilespmem:s12], [sflag:$0x6] =	stream.linear.gather [hbm4b:s13+s21], $0x80, $0x38;
	[tilespmem:$0x14400] =	vst v63  }
0x77: {  	s23 =	sand.u32 $0x1FFFFFF0, s22;
	s14 =	sadd.s32 s4, s14;
	s24 =	spop (v2sf)  }
0x78: {  	[tilespmem:s5], [sflag:$0x6] =	stream.linear.gather [hbm4b:s14+s21], $0x80, $0x38;
	[tilespmem:$0x14400] =	vst v63  }
0x79: {  	s25 =	sand.u32 $0x1FFFFFF0, s24;
	s26 =	spop (v2sf);
	s12 =	sadd.s32 s4, s23  }
0x7a: {  	[tilespmem:s11], [sflag:$0x6] =	stream.linear.gather [hbm4b:s12+s21], $0x80, $0x38;
	[tilespmem:$0x14400] =	vst v63  }
0x7b: {  	s29 =	sadd.s32 $0xB00, s2;
	s28 =	sand.u32 $0x1FFFFFF0, s26;
	s5 =	sadd.s32 s4, s25  }
0x7c: {  	[tilespmem:s29], [sflag:$0x6] =	stream.linear.gather [hbm4b:s5+s21], $0x80, $0x38;
	[tilespmem:$0x14400] =	vst v63  }
0x7d: {  	s30 =	sadd.s32 $0xB80, s2;
	s31 =	sadd.s32 s4, s28  }
0x7e: {  	[tilespmem:s30], [sflag:$0x6] =	stream.linear.gather [hbm4b:s31+s21], $0x80, $0x38;
	[tilespmem:$0x14400] =	vst v63  }
.LBB2_4:
0x7f: {  	s29 =	smul.u32 $0x5, s21;
	_ =	sdelay $0x1  }
0x80: {  	s24 =	sadd.s32 $0x3, s29  }
0x81: {  	s2 =	sshll.u32 s24, $0xC  }
0x82: {  	s2 =	sor.u32 s16, s2  }
0x83: {  	s30 =	sadd.s32 $0xFFFFFFFC, s29;
	s2 =	sshrl.u32 s2, $0x3  }
0x84: {  	s0 =	simm.s32 $0x180;
	p0 =	sgt.u32 s30, $0x2C;
	s2 =	sadd.s32 s1, s2  }
0x85: {  	[tilespmem:s0], [sflag:$0x4] =	stream.linear.gather [hbm4b:s2+s3], $0x80, $0x38;
	[tilespmem:$0x14400] =	vst v63  }
0x86: {  	s2 =	simm.s32 @!p0 $0xC  }
0x87: {  	_ =	swait.ge @!p0 [sflag:s2], $0x4000  }
0x88: {  	[sflag:s2] =	ssyncset.done @!p0 $0x0  }
0x89: {  	s31 =	simm.s32 $0x2;
	[sflag:s2] =	ssyncadd.s32 @!p0 $0xFFFFC000  }
0x8a: {  	_ =	swait.ge [sflag:s31], $0x80  }
0x8b: {  	[sflag:s31] =	ssyncset.done $0x0  }
0x8c: {  	s17 =	simm.s32 $0x80;
	[sflag:s31] =	ssyncadd.s32 $0xFFFFFF80  }
0x8d: {  	v0 =	vld [tilespmem:s17+$0x0];
	_ =	sdelay $0x4  }
0x8e: {  	v0 =	vshll.u32 v0, $0x4  }
0x8f: {  	(v2sf) =	vpush v0, $0x0  }
0x90: {  	(v2sf) =	vpush v0, $0x1  }
0x91: {  	(v2sf) =	vpush v0, $0x2;
	_ =	sdelay $0x1  }
0x92: {  	(v2sf) =	vpush v0, $0x4;
	_ =	sdelay $0x1  }
0x93: {  	(v2sf) =	vpush v0, $0x3  }
0x94: {  	(v2sf) =	vpush v0, $0x5  }
0x95: {  	s19 =	simm.s32 $0x2000;
	s2 =	simm.s32 $0x0;
	(v2sf) =	vpush v0, $0x6  }
.LBB2_5:
0x96: {  	p0 =	sne.s32 s19, $0xE000  }
0x97: {  	s22 =	sadd.s32 $0x4480, s2;
	s5 =	sadd.s32 $0x4980, s2;
	s20 =	smov.u32 s19  }
0x98: {  	s19 =	sadd.s32 $0x2000, s19;
	s13 =	sadd.s32 $0x4780, s2;
	s18 =	sadd.s32 $0x4A00, s2;
	(v2sf) =	vpush v0, $0x7  }
0x99: {  	s15 =	sadd.s32 $0x4680, s2;
	s12 =	sadd.s32 $0x4800, s2;
	s25 =	sadd.s32 $0x4A80, s2  }
0x9a: {  	s23 =	sadd.s32 $0x4400, s2;
	s26 =	sadd.s32 $0x4600, s2;
	(v2sf) =	vpush v0, $0x8  }
0x9b: {  	s28 =	sadd.s32 $0x4700, s2;
	s17 =	sadd.s32 $0x10, s17  }
0x9c: {  	s30 =	sadd.s32 $0x4500, s2;
	s11 =	sadd.s32 $0x4900, s2;
	s14 =	spop (v2sf);
	(v2sf) =	vpush v0, $0x9  }
0x9d: {  	s31 =	sand.u32 $0x1FFFFFF0, s14;
	s14 =	sadd.s32 $0x4880, s2;
	s0 =	spop (v2sf)  }
0x9e: {  	s31 =	sadd.s32 s4, s31;
	s0 =	sand.u32 $0x1FFFFFF0, s0;
	s9 =	spop (v2sf);
	(v2sf) =	vpush v0, $0xA  }
0x9f: {  	[tilespmem:s23], [sflag:$0x7] =	stream.linear.gather [hbm4b:s31+s3], $0x80, $0x38;
	[tilespmem:$0x14400] =	vst v63  }
0xa0: {  	s0 =	sadd.s32 s4, s0;
	s23 =	sadd.s32 $0x4580, s2;
	s31 =	spop (v2sf);
	(v2sf) =	vpush v0, $0xB  }
0xa1: {  	[tilespmem:s22], [sflag:$0x7] =	stream.linear.gather [hbm4b:s0+s3], $0x80, $0x38;
	[tilespmem:$0x14400] =	vst v63  }
0xa2: {  	s0 =	sand.u32 $0x1FFFFFF0, s9;
	s9 =	sand.u32 $0x1FFFFFF0, s31;
	s22 =	spop (v2sf);
	(v2sf) =	vpush v0, $0xC  }
0xa3: {  	s0 =	sadd.s32 s4, s0;
	s22 =	sand.u32 $0x1FFFFFF0, s22;
	s31 =	spop (v2sf)  }
0xa4: {  	[tilespmem:s30], [sflag:$0x7] =	stream.linear.gather [hbm4b:s0+s3], $0x80, $0x38;
	(v2sf) =	vpush v0, $0xD;
	[tilespmem:$0x14400] =	vst v63  }
0xa5: {  	s0 =	sadd.s32 s4, s22;
	s22 =	sand.u32 $0x1FFFFFF0, s31;
	s30 =	spop (v2sf)  }
0xa6: {  	[tilespmem:s23], [sflag:$0x7] =	stream.linear.gather [hbm4b:s0+s3], $0x80, $0x38;
	(v2sf) =	vpush v0, $0xE;
	[tilespmem:$0x14400] =	vst v63  }
0xa7: {  	s0 =	sadd.s32 s4, s9;
	s9 =	sand.u32 $0x1FFFFFF0, s30;
	s23 =	spop (v2sf)  }
0xa8: {  	[tilespmem:s26], [sflag:$0x7] =	stream.linear.gather [hbm4b:s0+s3], $0x80, $0x38;
	(v2sf) =	vpush v0, $0xF;
	[tilespmem:$0x14400] =	vst v63  }
0xa9: {  	s0 =	sadd.s32 s4, s22;
	s22 =	sand.u32 $0x1FFFFFF0, s23;
	s23 =	spop (v2sf)  }
0xaa: {  	[tilespmem:s15], [sflag:$0x7] =	stream.linear.gather [hbm4b:s0+s3], $0x80, $0x38;
	[tilespmem:$0x14400] =	vst v63  }
0xab: {  	s0 =	sadd.s32 s4, s9;
	s9 =	sand.u32 $0x1FFFFFF0, s23;
	s15 =	spop (v2sf)  }
0xac: {  	[tilespmem:s28], [sflag:$0x7] =	stream.linear.gather [hbm4b:s0+s3], $0x80, $0x38;
	[tilespmem:$0x14400] =	vst v63  }
0xad: {  	s0 =	sadd.s32 s4, s22;
	s15 =	sand.u32 $0x1FFFFFF0, s15;
	s22 =	spop (v2sf)  }
0xae: {  	[tilespmem:s13], [sflag:$0x7] =	stream.linear.gather [hbm4b:s0+s3], $0x80, $0x38;
	[tilespmem:$0x14400] =	vst v63  }
0xaf: {  	s0 =	sadd.s32 s4, s9;
	s9 =	sand.u32 $0x1FFFFFF0, s22;
	s13 =	spop (v2sf)  }
0xb0: {  	[tilespmem:s12], [sflag:$0x7] =	stream.linear.gather [hbm4b:s0+s3], $0x80, $0x38;
	[tilespmem:$0x14400] =	vst v63  }
0xb1: {  	s0 =	sadd.s32 s4, s15;
	s12 =	sand.u32 $0x1FFFFFF0, s13;
	s13 =	spop (v2sf)  }
0xb2: {  	[tilespmem:s14], [sflag:$0x7] =	stream.linear.gather [hbm4b:s0+s3], $0x80, $0x38;
	[tilespmem:$0x14400] =	vst v63  }
0xb3: {  	s0 =	sadd.s32 s4, s9;
	s9 =	sand.u32 $0x1FFFFFF0, s13;
	s13 =	spop (v2sf)  }
0xb4: {  	[tilespmem:s11], [sflag:$0x7] =	stream.linear.gather [hbm4b:s0+s3], $0x80, $0x38;
	[tilespmem:$0x14400] =	vst v63  }
0xb5: {  	s0 =	sadd.s32 s4, s12;
	s11 =	sand.u32 $0x1FFFFFF0, s13;
	s12 =	spop (v2sf)  }
0xb6: {  	[tilespmem:s5], [sflag:$0x7] =	stream.linear.gather [hbm4b:s0+s3], $0x80, $0x38;
	[tilespmem:$0x14400] =	vst v63  }
0xb7: {  	s0 =	sadd.s32 s4, s9;
	s5 =	sand.u32 $0x1FFFFFF0, s12;
	s9 =	spop (v2sf)  }
0xb8: {  	[tilespmem:s18], [sflag:$0x7] =	stream.linear.gather [hbm4b:s0+s3], $0x80, $0x38;
	[tilespmem:$0x14400] =	vst v63  }
0xb9: {  	s0 =	sadd.s32 s4, s11;
	s9 =	sand.u32 $0x1FFFFFF0, s9  }
0xba: {  	[tilespmem:s25], [sflag:$0x7] =	stream.linear.gather [hbm4b:s0+s3], $0x80, $0x38;
	[tilespmem:$0x14400] =	vst v63  }
0xbb: {  	s5 =	sadd.s32 s4, s5;
	s0 =	sadd.s32 $0x4B00, s2  }
0xbc: {  	[tilespmem:s0], [sflag:$0x7] =	stream.linear.gather [hbm4b:s5+s3], $0x80, $0x38;
	[tilespmem:$0x14400] =	vst v63  }
0xbd: {  	s0 =	sadd.s32 $0x4B80, s2;
	s2 =	sadd.s32 s4, s9  }
0xbe: {  	[tilespmem:s0], [sflag:$0x7] =	stream.linear.gather [hbm4b:s2+s3], $0x80, $0x38;
	[tilespmem:$0x14400] =	vst v63  }
0xbf: {  	v0 =	vld [tilespmem:s17+$0x0];
	_ =	sdelay $0x4  }
0xc0: {  	v0 =	vshll.u32 v0, $0x4  }
0xc1: {  	(v2sf) =	vpush v0, $0x0  }
0xc2: {  	(v2sf) =	vpush v0, $0x1  }
0xc3: {  	(v2sf) =	vpush v0, $0x2;
	_ =	sdelay $0x1  }
0xc4: {  	(v2sf) =	vpush v0, $0x4  }
.Ltmp1:
0xc5: {  	(pc) =	sbr.rel @p0 .LBB2_5-.Ltmp1, $3  }
0xc6: {  	(v2sf) =	vpush v0, $0x3  }
0xc7: {  	(v2sf) =	vpush v0, $0x5;
	_ =	sdelay $0x1  }
0xc8: {  	s2 =	sshra.s32 s20, $0x2;
	(v2sf) =	vpush v0, $0x6  }
0xc9: {  	_ =	sdelay $0x1  }
0xca: {  	s0 =	sadd.s32 $0x4480, s2;
	s12 =	sadd.s32 $0x4980, s2  }
0xcb: {  	s9 =	sadd.s32 $0x4780, s2;
	s5 =	sadd.s32 $0x4A00, s2;
	(v2sf) =	vpush v0, $0x7;
	s13 =	sadd.s32 $0x4680, s2  }
0xcc: {  	s14 =	sadd.s32 $0x4800, s2;
	s11 =	sadd.s32 $0x4A80, s2;
	s15 =	sadd.s32 $0x4400, s2  }
0xcd: {  	s17 =	sadd.s32 $0x4600, s2;
	s18 =	sadd.s32 $0x4700, s2;
	(v2sf) =	vpush v0, $0x8;
	s19 =	spop (v2sf)  }
0xce: {  	s20 =	sadd.s32 $0x4500, s2;
	s19 =	sand.u32 $0x1FFFFFF0, s19;
	s22 =	spop (v2sf)  }
0xcf: {  	(v2sf) =	vpush v0, $0x9;
	s19 =	sadd.s32 s4, s19;
	s22 =	sand.u32 $0x1FFFFFF0, s22;
	s23 =	spop (v2sf)  }
0xd0: {  	[tilespmem:s15], [sflag:$0x7] =	stream.linear.gather [hbm4b:s19+s3], $0x80, $0x38;
	[tilespmem:$0x14400] =	vst v63  }
0xd1: {  	(v2sf) =	vpush v0, $0xA;
	s25 =	sadd.s32 s4, s22;
	s28 =	sand.u32 $0x1FFFFFF0, s23;
	s26 =	spop (v2sf)  }
0xd2: {  	[tilespmem:s0], [sflag:$0x7] =	stream.linear.gather [hbm4b:s25+s3], $0x80, $0x38;
	[tilespmem:$0x14400] =	vst v63  }
0xd3: {  	s15 =	sadd.s32 $0x4900, s2;
	(v2sf) =	vpush v0, $0xB;
	s19 =	sadd.s32 s4, s28;
	s30 =	spop (v2sf)  }
0xd4: {  	s0 =	sadd.s32 $0x4880, s2;
	s25 =	sadd.s32 $0x4580, s2;
	s23 =	sand.u32 $0x1FFFFFF0, s30  }
0xd5: {  	(v2sf) =	vpush v0, $0xC;
	[tilespmem:s20], [sflag:$0x7] =	stream.linear.gather [hbm4b:s19+s3], $0x80, $0x38;
	[tilespmem:$0x14400] =	vst v63  }
0xd6: {  	s31 =	sand.u32 $0x1FFFFFF0, s26;
	s7 =	spop (v2sf);
	s8 =	sadd.s32 s4, s23  }
0xd7: {  	(v2sf) =	vpush v0, $0xD;
	[tilespmem:s25], [sflag:$0x7] =	stream.linear.gather [hbm4b:s8+s3], $0x80, $0x38;
	[tilespmem:$0x14400] =	vst v63  }
0xd8: {  	s19 =	sadd.s32 s4, s31;
	s20 =	sand.u32 $0x1FFFFFF0, s7;
	s10 =	spop (v2sf)  }
0xd9: {  	(v2sf) =	vpush v0, $0xE;
	[tilespmem:s17], [sflag:$0x7] =	stream.linear.gather [hbm4b:s19+s3], $0x80, $0x38;
	[tilespmem:$0x14400] =	vst v63  }
0xda: {  	s20 =	sadd.s32 s4, s20;
	s23 =	sand.u32 $0x1FFFFFF0, s10;
	s25 =	spop (v2sf)  }
0xdb: {  	(v2sf) =	vpush v0, $0xF;
	[tilespmem:s13], [sflag:$0x7] =	stream.linear.gather [hbm4b:s20+s3], $0x80, $0x38;
	[tilespmem:$0x14400] =	vst v63  }
0xdc: {  	s26 =	sand.u32 $0x1FFFFFF0, s25;
	s28 =	spop (v2sf);
	s17 =	sadd.s32 s4, s23  }
0xdd: {  	[tilespmem:s18], [sflag:$0x7] =	stream.linear.gather [hbm4b:s17+s3], $0x80, $0x38;
	[tilespmem:$0x14400] =	vst v63  }
0xde: {  	s30 =	sand.u32 $0x1FFFFFF0, s28;
	s13 =	sadd.s32 s4, s26;
	s31 =	spop (v2sf)  }
0xdf: {  	[tilespmem:s9], [sflag:$0x7] =	stream.linear.gather [hbm4b:s13+s3], $0x80, $0x38;
	[tilespmem:$0x14400] =	vst v63  }
0xe0: {  	s17 =	sadd.s32 s4, s30;
	s7 =	sand.u32 $0x1FFFFFF0, s31;
	s8 =	spop (v2sf)  }
0xe1: {  	[tilespmem:s14], [sflag:$0x7] =	stream.linear.gather [hbm4b:s17+s3], $0x80, $0x38;
	[tilespmem:$0x14400] =	vst v63  }
0xe2: {  	s13 =	sand.u32 $0x1FFFFFF0, s8;
	s9 =	sadd.s32 s4, s7;
	s10 =	spop (v2sf)  }
0xe3: {  	[tilespmem:s0], [sflag:$0x7] =	stream.linear.gather [hbm4b:s9+s3], $0x80, $0x38;
	[tilespmem:$0x14400] =	vst v63  }
0xe4: {  	s13 =	sadd.s32 s4, s13;
	s17 =	sand.u32 $0x1FFFFFF0, s10;
	s18 =	spop (v2sf)  }
0xe5: {  	[tilespmem:s15], [sflag:$0x7] =	stream.linear.gather [hbm4b:s13+s3], $0x80, $0x38;
	[tilespmem:$0x14400] =	vst v63  }
0xe6: {  	s0 =	sadd.s32 s4, s17;
	s9 =	sand.u32 $0x1FFFFFF0, s18;
	s19 =	spop (v2sf)  }
0xe7: {  	[tilespmem:s12], [sflag:$0x7] =	stream.linear.gather [hbm4b:s0+s3], $0x80, $0x38;
	[tilespmem:$0x14400] =	vst v63  }
0xe8: {  	s20 =	sand.u32 $0x1FFFFFF0, s19;
	s9 =	sadd.s32 s4, s9;
	s22 =	spop (v2sf)  }
0xe9: {  	[tilespmem:s5], [sflag:$0x7] =	stream.linear.gather [hbm4b:s9+s3], $0x80, $0x38;
	[tilespmem:$0x14400] =	vst v63  }
0xea: {  	s23 =	sand.u32 $0x1FFFFFF0, s22;
	s25 =	spop (v2sf);
	s0 =	sadd.s32 s4, s20  }
0xeb: {  	[tilespmem:s11], [sflag:$0x7] =	stream.linear.gather [hbm4b:s0+s3], $0x80, $0x38;
	[tilespmem:$0x14400] =	vst v63  }
0xec: {  	s28 =	sadd.s32 $0x4B00, s2;
	s26 =	sand.u32 $0x1FFFFFF0, s25;
	s5 =	sadd.s32 s4, s23  }
0xed: {  	[tilespmem:s28], [sflag:$0x7] =	stream.linear.gather [hbm4b:s5+s3], $0x80, $0x38;
	[tilespmem:$0x14400] =	vst v63  }
0xee: {  	s30 =	sadd.s32 $0x4B80, s2;
	s31 =	simm.s32 $0x6;
	s0 =	sadd.s32 s4, s26  }
0xef: {  	[tilespmem:s30], [sflag:$0x7] =	stream.linear.gather [hbm4b:s0+s3], $0x80, $0x38;
	[tilespmem:$0x14400] =	vst v63  }
0xf0: {  	_ =	swait.ge [sflag:s31], $0x4000  }
0xf1: {  	[sflag:s31] =	ssyncset.done $0x0  }
0xf2: {  	s2 =	simm.s32 $0x0;
	[sflag:s31] =	ssyncadd.s32 $0xFFFFC000  }
0xf3: {  	v1 =	vld [tilespmem:s2+$0x400]  }
0xf4: {  	v2 =	vld [tilespmem:s2+$0x410]  }
0xf5: {  	s5 =	simm.s32 $0x200;
	v0 =	vld [tilespmem:s2+$0x420]  }
.LBB2_7:
0xf6: {  	p0 =	sne.s32 s5, $0xFE00;
	v3 =	vld [tilespmem:s2+$0x430];
	_ =	sdelay $0x1  }
0xf7: {  	v1 =	vmul.f32 $8.000000000e+00, v1  }
.Ltmp2:
0xf8: {  	v2 =	vmul.f32 $8.000000000e+00, v2;
	(pc) =	sbr.rel @p0 .LBB2_7-.Ltmp2, $4  }
0xf9: {  	s0 =	sshra.s32 s5, $0x2;
	[tilespmem:s2+$0x400] =	vst v1;
	v0 =	vmul.f32 $8.000000000e+00, v0  }
0xfa: {  	v1 =	vld [tilespmem:s0+$0x400];
	[tilespmem:s2+$0x410] =	vst v2;
	v3 =	vmul.f32 $8.000000000e+00, v3  }
0xfb: {  	v2 =	vld [tilespmem:s0+$0x410];
	[tilespmem:s2+$0x420] =	vst v0  }
0xfc: {  	s5 =	sadd.s32 $0x200, s5;
	v0 =	vld [tilespmem:s0+$0x420];
	[tilespmem:s2+$0x430] =	vst v3;
	s2 =	smov.u32 s0  }
0xfd: {  	v3 =	vld [tilespmem:s2+$0x430];
	_ =	sdelay $0x1  }
0xfe: {  	v1 =	vmul.f32 $8.000000000e+00, v1  }
0xff: {  	s0 =	smul.u32 $0xA0, s21;
	v2 =	vmul.f32 $8.000000000e+00, v2  }
0x100: {  	s5 =	rddreg [dreg:$0x3];
	[tilespmem:s2+$0x400] =	vst v1;
	v0 =	vmul.f32 $8.000000000e+00, v0  }
0x101: {  	s0 =	sor.u32 s5, s0;
	[tilespmem:s2+$0x410] =	vst v2;
	v1 =	vmul.f32 $8.000000000e+00, v3  }
0x102: {  	s0 =	sshll.u32 s0, $0xB;
	[tilespmem:s2+$0x420] =	vst v0  }
0x103: {  	s25 =	simm.s32 $0x400;
	s0 =	sadd.s32 s6, s0;
	[tilespmem:s2+$0x430] =	vst v1  }
0x104: {  	[hbm4b:s0+s3] =	stream.linear.scatter [tilespmem:s25], [sflag:$0xB], $0x4000, $0x38;
	[tilespmem:$0x14400] =	vst v63  }
0x105: {  	s25 =	sadd.s32 $0x4, s29  }
0x106: {  	s26 =	sshll.u32 s25, $0xC  }
0x107: {  	s0 =	sor.u32 s16, s26  }
0x108: {  	s30 =	sadd.s32 $0xFFFFFFFD, s29;
	s0 =	sshrl.u32 s0, $0x3  }
0x109: {  	s28 =	simm.s32 $0x200;
	p0 =	sgt.u32 s30, $0x2C;
	s0 =	sadd.s32 s1, s0  }
0x10a: {  	[tilespmem:s28], [sflag:$0x5] =	stream.linear.gather [hbm4b:s0+s3], $0x80, $0x38;
	[tilespmem:$0x14400] =	vst v63  }
0x10b: {  	s0 =	simm.s32 @!p0 $0xD  }
0x10c: {  	_ =	swait.ge @!p0 [sflag:s0], $0x4000  }
0x10d: {  	[sflag:s0] =	ssyncset.done @!p0 $0x0  }
0x10e: {  	s31 =	simm.s32 $0x3;
	[sflag:s0] =	ssyncadd.s32 @!p0 $0xFFFFC000  }
0x10f: {  	_ =	swait.ge [sflag:s31], $0x80  }
0x110: {  	[sflag:s31] =	ssyncset.done $0x0  }
0x111: {  	s17 =	simm.s32 $0x100;
	[sflag:s31] =	ssyncadd.s32 $0xFFFFFF80  }
0x112: {  	v0 =	vld [tilespmem:s17+$0x0];
	_ =	sdelay $0x4  }
0x113: {  	v0 =	vshll.u32 v0, $0x4  }
0x114: {  	(v2sf) =	vpush v0, $0x0  }
0x115: {  	(v2sf) =	vpush v0, $0x1  }
0x116: {  	(v2sf) =	vpush v0, $0x2;
	_ =	sdelay $0x1  }
0x117: {  	(v2sf) =	vpush v0, $0x4;
	_ =	sdelay $0x1  }
0x118: {  	(v2sf) =	vpush v0, $0x3  }
0x119: {  	(v2sf) =	vpush v0, $0x5  }
0x11a: {  	s19 =	simm.s32 $0x2000;
	s2 =	simm.s32 $0x0;
	(v2sf) =	vpush v0, $0x6  }
.LBB2_9:
0x11b: {  	p0 =	sne.s32 s19, $0xE000  }
0x11c: {  	s0 =	sadd.s32 $0x8480, s2;
	s5 =	sadd.s32 $0x8980, s2;
	s20 =	smov.u32 s19  }
0x11d: {  	s19 =	sadd.s32 $0x2000, s19;
	s13 =	sadd.s32 $0x8780, s2;
	s18 =	sadd.s32 $0x8A00, s2;
	(v2sf) =	vpush v0, $0x7  }
0x11e: {  	s15 =	sadd.s32 $0x8680, s2;
	s12 =	sadd.s32 $0x8800, s2;
	s30 =	sadd.s32 $0x8A80, s2  }
0x11f: {  	s9 =	sadd.s32 $0x8400, s2;
	s22 =	sadd.s32 $0x8600, s2;
	(v2sf) =	vpush v0, $0x8  }
0x120: {  	s23 =	sadd.s32 $0x8700, s2;
	s17 =	sadd.s32 $0x10, s17  }
0x121: {  	s26 =	sadd.s32 $0x8500, s2;
	s11 =	sadd.s32 $0x8900, s2;
	s14 =	spop (v2sf);
	(v2sf) =	vpush v0, $0x9  }
0x122: {  	s28 =	sand.u32 $0x1FFFFFF0, s14;
	s14 =	sadd.s32 $0x8880, s2;
	s31 =	spop (v2sf)  }
0x123: {  	s28 =	sadd.s32 s4, s28;
	s31 =	sand.u32 $0x1FFFFFF0, s31;
	s10 =	spop (v2sf);
	(v2sf) =	vpush v0, $0xA  }
0x124: {  	[tilespmem:s9], [sflag:$0x8] =	stream.linear.gather [hbm4b:s28+s3], $0x80, $0x38;
	[tilespmem:$0x14400] =	vst v63  }
0x125: {  	s9 =	sadd.s32 s4, s31;
	s28 =	sadd.s32 $0x8580, s2;
	s31 =	spop (v2sf);
	(v2sf) =	vpush v0, $0xB  }
0x126: {  	[tilespmem:s0], [sflag:$0x8] =	stream.linear.gather [hbm4b:s9+s3], $0x80, $0x38;
	[tilespmem:$0x14400] =	vst v63  }
0x127: {  	s0 =	sand.u32 $0x1FFFFFF0, s10;
	s9 =	sand.u32 $0x1FFFFFF0, s31;
	s10 =	spop (v2sf);
	(v2sf) =	vpush v0, $0xC  }
0x128: {  	s0 =	sadd.s32 s4, s0;
	s10 =	sand.u32 $0x1FFFFFF0, s10;
	s31 =	spop (v2sf)  }
0x129: {  	[tilespmem:s26], [sflag:$0x8] =	stream.linear.gather [hbm4b:s0+s3], $0x80, $0x38;
	(v2sf) =	vpush v0, $0xD;
	[tilespmem:$0x14400] =	vst v63  }
0x12a: {  	s0 =	sadd.s32 s4, s10;
	s10 =	sand.u32 $0x1FFFFFF0, s31;
	s26 =	spop (v2sf)  }
0x12b: {  	[tilespmem:s28], [sflag:$0x8] =	stream.linear.gather [hbm4b:s0+s3], $0x80, $0x38;
	(v2sf) =	vpush v0, $0xE;
	[tilespmem:$0x14400] =	vst v63  }
0x12c: {  	s0 =	sadd.s32 s4, s9;
	s9 =	sand.u32 $0x1FFFFFF0, s26;
	s26 =	spop (v2sf)  }
0x12d: {  	[tilespmem:s22], [sflag:$0x8] =	stream.linear.gather [hbm4b:s0+s3], $0x80, $0x38;
	(v2sf) =	vpush v0, $0xF;
	[tilespmem:$0x14400] =	vst v63  }
0x12e: {  	s0 =	sadd.s32 s4, s10;
	s10 =	sand.u32 $0x1FFFFFF0, s26;
	s22 =	spop (v2sf)  }
0x12f: {  	[tilespmem:s15], [sflag:$0x8] =	stream.linear.gather [hbm4b:s0+s3], $0x80, $0x38;
	[tilespmem:$0x14400] =	vst v63  }
0x130: {  	s0 =	sadd.s32 s4, s9;
	s9 =	sand.u32 $0x1FFFFFF0, s22;
	s15 =	spop (v2sf)  }
0x131: {  	[tilespmem:s23], [sflag:$0x8] =	stream.linear.gather [hbm4b:s0+s3], $0x80, $0x38;
	[tilespmem:$0x14400] =	vst v63  }
0x132: {  	s0 =	sadd.s32 s4, s10;
	s10 =	sand.u32 $0x1FFFFFF0, s15;
	s15 =	spop (v2sf)  }
0x133: {  	[tilespmem:s13], [sflag:$0x8] =	stream.linear.gather [hbm4b:s0+s3], $0x80, $0x38;
	[tilespmem:$0x14400] =	vst v63  }
0x134: {  	s0 =	sadd.s32 s4, s9;
	s9 =	sand.u32 $0x1FFFFFF0, s15;
	s13 =	spop (v2sf)  }
0x135: {  	[tilespmem:s12], [sflag:$0x8] =	stream.linear.gather [hbm4b:s0+s3], $0x80, $0x38;
	[tilespmem:$0x14400] =	vst v63  }
0x136: {  	s0 =	sadd.s32 s4, s10;
	s10 =	sand.u32 $0x1FFFFFF0, s13;
	s12 =	spop (v2sf)  }
0x137: {  	[tilespmem:s14], [sflag:$0x8] =	stream.linear.gather [hbm4b:s0+s3], $0x80, $0x38;
	[tilespmem:$0x14400] =	vst v63  }
0x138: {  	s0 =	sadd.s32 s4, s9;
	s9 =	sand.u32 $0x1FFFFFF0, s12;
	s12 =	spop (v2sf)  }
0x139: {  	[tilespmem:s11], [sflag:$0x8] =	stream.linear.gather [hbm4b:s0+s3], $0x80, $0x38;
	[tilespmem:$0x14400] =	vst v63  }
0x13a: {  	s0 =	sadd.s32 s4, s10;
	s10 =	sand.u32 $0x1FFFFFF0, s12;
	s11 =	spop (v2sf)  }
0x13b: {  	[tilespmem:s5], [sflag:$0x8] =	stream.linear.gather [hbm4b:s0+s3], $0x80, $0x38;
	[tilespmem:$0x14400] =	vst v63  }
0x13c: {  	s0 =	sadd.s32 s4, s9;
	s5 =	sand.u32 $0x1FFFFFF0, s11;
	s9 =	spop (v2sf)  }
0x13d: {  	[tilespmem:s18], [sflag:$0x8] =	stream.linear.gather [hbm4b:s0+s3], $0x80, $0x38;
	[tilespmem:$0x14400] =	vst v63  }
0x13e: {  	s0 =	sadd.s32 s4, s10;
	s9 =	sand.u32 $0x1FFFFFF0, s9  }
0x13f: {  	[tilespmem:s30], [sflag:$0x8] =	stream.linear.gather [hbm4b:s0+s3], $0x80, $0x38;
	[tilespmem:$0x14400] =	vst v63  }
0x140: {  	s5 =	sadd.s32 s4, s5;
	s0 =	sadd.s32 $0x8B00, s2  }
0x141: {  	[tilespmem:s0], [sflag:$0x8] =	stream.linear.gather [hbm4b:s5+s3], $0x80, $0x38;
	[tilespmem:$0x14400] =	vst v63  }
0x142: {  	s0 =	sadd.s32 $0x8B80, s2;
	s2 =	sadd.s32 s4, s9  }
0x143: {  	[tilespmem:s0], [sflag:$0x8] =	stream.linear.gather [hbm4b:s2+s3], $0x80, $0x38;
	[tilespmem:$0x14400] =	vst v63  }
0x144: {  	v0 =	vld [tilespmem:s17+$0x0];
	_ =	sdelay $0x4  }
0x145: {  	v0 =	vshll.u32 v0, $0x4  }
0x146: {  	(v2sf) =	vpush v0, $0x0  }
0x147: {  	(v2sf) =	vpush v0, $0x1  }
0x148: {  	(v2sf) =	vpush v0, $0x2;
	_ =	sdelay $0x1  }
0x149: {  	(v2sf) =	vpush v0, $0x4  }
.Ltmp3:
0x14a: {  	(pc) =	sbr.rel @p0 .LBB2_9-.Ltmp3, $3  }
0x14b: {  	(v2sf) =	vpush v0, $0x3  }
0x14c: {  	(v2sf) =	vpush v0, $0x5;
	_ =	sdelay $0x1  }
0x14d: {  	s2 =	sshra.s32 s20, $0x2;
	(v2sf) =	vpush v0, $0x6  }
0x14e: {  	_ =	sdelay $0x1  }
0x14f: {  	s0 =	sadd.s32 $0x8480, s2;
	s12 =	sadd.s32 $0x8980, s2  }
0x150: {  	s9 =	sadd.s32 $0x8780, s2;
	s5 =	sadd.s32 $0x8A00, s2;
	(v2sf) =	vpush v0, $0x7;
	s10 =	sadd.s32 $0x8680, s2  }
0x151: {  	s13 =	sadd.s32 $0x8800, s2;
	s11 =	sadd.s32 $0x8A80, s2;
	s14 =	sadd.s32 $0x8400, s2  }
0x152: {  	s15 =	sadd.s32 $0x8600, s2;
	s17 =	sadd.s32 $0x8700, s2;
	(v2sf) =	vpush v0, $0x8;
	s18 =	spop (v2sf)  }
0x153: {  	s19 =	sadd.s32 $0x8500, s2;
	s18 =	sand.u32 $0x1FFFFFF0, s18;
	s20 =	spop (v2sf)  }
0x154: {  	(v2sf) =	vpush v0, $0x9;
	s18 =	sadd.s32 s4, s18;
	s20 =	sand.u32 $0x1FFFFFF0, s20;
	s22 =	spop (v2sf)  }
0x155: {  	[tilespmem:s14], [sflag:$0x8] =	stream.linear.gather [hbm4b:s18+s3], $0x80, $0x38;
	[tilespmem:$0x14400] =	vst v63  }
0x156: {  	s23 =	sadd.s32 $0x8580, s2;
	(v2sf) =	vpush v0, $0xA;
	s7 =	sadd.s32 s4, s20;
	s8 =	spop (v2sf)  }
0x157: {  	[tilespmem:s0], [sflag:$0x8] =	stream.linear.gather [hbm4b:s7+s3], $0x80, $0x38;
	[tilespmem:$0x14400] =	vst v63  }
0x158: {  	s14 =	sadd.s32 $0x8900, s2;
	s26 =	sand.u32 $0x1FFFFFF0, s22;
	(v2sf) =	vpush v0, $0xB;
	s28 =	spop (v2sf)  }
0x159: {  	s18 =	sadd.s32 s4, s26;
	s0 =	sadd.s32 $0x8880, s2;
	s22 =	sand.u32 $0x1FFFFFF0, s28  }
0x15a: {  	(v2sf) =	vpush v0, $0xC;
	[tilespmem:s19], [sflag:$0x8] =	stream.linear.gather [hbm4b:s18+s3], $0x80, $0x38;
	[tilespmem:$0x14400] =	vst v63  }
0x15b: {  	s30 =	sand.u32 $0x1FFFFFF0, s8;
	s31 =	spop (v2sf);
	s7 =	sadd.s32 s4, s22  }
0x15c: {  	(v2sf) =	vpush v0, $0xD;
	[tilespmem:s23], [sflag:$0x8] =	stream.linear.gather [hbm4b:s7+s3], $0x80, $0x38;
	[tilespmem:$0x14400] =	vst v63  }
0x15d: {  	s18 =	sadd.s32 s4, s30;
	s19 =	sand.u32 $0x1FFFFFF0, s31;
	s8 =	spop (v2sf)  }
0x15e: {  	(v2sf) =	vpush v0, $0xE;
	[tilespmem:s15], [sflag:$0x8] =	stream.linear.gather [hbm4b:s18+s3], $0x80, $0x38;
	[tilespmem:$0x14400] =	vst v63  }
0x15f: {  	s19 =	sadd.s32 s4, s19;
	s20 =	sand.u32 $0x1FFFFFF0, s8;
	s22 =	spop (v2sf)  }
0x160: {  	(v2sf) =	vpush v0, $0xF;
	[tilespmem:s10], [sflag:$0x8] =	stream.linear.gather [hbm4b:s19+s3], $0x80, $0x38;
	[tilespmem:$0x14400] =	vst v63  }
0x161: {  	s23 =	sand.u32 $0x1FFFFFF0, s22;
	s26 =	spop (v2sf);
	s15 =	sadd.s32 s4, s20  }
0x162: {  	[tilespmem:s17], [sflag:$0x8] =	stream.linear.gather [hbm4b:s15+s3], $0x80, $0x38;
	[tilespmem:$0x14400] =	vst v63  }
0x163: {  	s28 =	sand.u32 $0x1FFFFFF0, s26;
	s10 =	sadd.s32 s4, s23;
	s30 =	spop (v2sf)  }
0x164: {  	[tilespmem:s9], [sflag:$0x8] =	stream.linear.gather [hbm4b:s10+s3], $0x80, $0x38;
	[tilespmem:$0x14400] =	vst v63  }
0x165: {  	s15 =	sadd.s32 s4, s28;
	s31 =	sand.u32 $0x1FFFFFF0, s30;
	s7 =	spop (v2sf)  }
0x166: {  	[tilespmem:s13], [sflag:$0x8] =	stream.linear.gather [hbm4b:s15+s3], $0x80, $0x38;
	[tilespmem:$0x14400] =	vst v63  }
0x167: {  	s10 =	sand.u32 $0x1FFFFFF0, s7;
	s9 =	sadd.s32 s4, s31;
	s8 =	spop (v2sf)  }
0x168: {  	[tilespmem:s0], [sflag:$0x8] =	stream.linear.gather [hbm4b:s9+s3], $0x80, $0x38;
	[tilespmem:$0x14400] =	vst v63  }
0x169: {  	s10 =	sadd.s32 s4, s10;
	s15 =	sand.u32 $0x1FFFFFF0, s8;
	s17 =	spop (v2sf)  }
0x16a: {  	[tilespmem:s14], [sflag:$0x8] =	stream.linear.gather [hbm4b:s10+s3], $0x80, $0x38;
	[tilespmem:$0x14400] =	vst v63  }
0x16b: {  	s0 =	sadd.s32 s4, s15;
	s9 =	sand.u32 $0x1FFFFFF0, s17;
	s18 =	spop (v2sf)  }
0x16c: {  	[tilespmem:s12], [sflag:$0x8] =	stream.linear.gather [hbm4b:s0+s3], $0x80, $0x38;
	[tilespmem:$0x14400] =	vst v63  }
0x16d: {  	s19 =	sand.u32 $0x1FFFFFF0, s18;
	s9 =	sadd.s32 s4, s9;
	s20 =	spop (v2sf)  }
0x16e: {  	[tilespmem:s5], [sflag:$0x8] =	stream.linear.gather [hbm4b:s9+s3], $0x80, $0x38;
	[tilespmem:$0x14400] =	vst v63  }
0x16f: {  	s22 =	sand.u32 $0x1FFFFFF0, s20;
	s23 =	spop (v2sf);
	s0 =	sadd.s32 s4, s19  }
0x170: {  	[tilespmem:s11], [sflag:$0x8] =	stream.linear.gather [hbm4b:s0+s3], $0x80, $0x38;
	[tilespmem:$0x14400] =	vst v63  }
0x171: {  	s28 =	sadd.s32 $0x8B00, s2;
	s26 =	sand.u32 $0x1FFFFFF0, s23;
	s5 =	sadd.s32 s4, s22  }
0x172: {  	[tilespmem:s28], [sflag:$0x8] =	stream.linear.gather [hbm4b:s5+s3], $0x80, $0x38;
	[tilespmem:$0x14400] =	vst v63  }
0x173: {  	s30 =	sadd.s32 $0x8B80, s2;
	s31 =	simm.s32 $0x7;
	s0 =	sadd.s32 s4, s26  }
0x174: {  	[tilespmem:s30], [sflag:$0x8] =	stream.linear.gather [hbm4b:s0+s3], $0x80, $0x38;
	[tilespmem:$0x14400] =	vst v63  }
0x175: {  	_ =	swait.ge [sflag:s31], $0x4000  }
0x176: {  	[sflag:s31] =	ssyncset.done $0x0  }
0x177: {  	s5 =	simm.s32 $0xFFFFC000;
	[sflag:s31] =	ssyncadd.s32 $0xFFFFC000  }
0x178: {  	v1 =	vld [tilespmem:s5+$0x8400]  }
0x179: {  	v2 =	vld [tilespmem:s5+$0x8410]  }
0x17a: {  	s2 =	simm.s32 $0xFFFF0200;
	v0 =	vld [tilespmem:s5+$0x8420]  }
.LBB2_11:
0x17b: {  	p0 =	sne.s32 s2, $0xFFFFFE00;
	v3 =	vld [tilespmem:s5+$0x8430];
	_ =	sdelay $0x1  }
0x17c: {  	v1 =	vmul.f32 $8.000000000e+00, v1  }
.Ltmp4:
0x17d: {  	v2 =	vmul.f32 $8.000000000e+00, v2;
	(pc) =	sbr.rel @p0 .LBB2_11-.Ltmp4, $4  }
0x17e: {  	s0 =	sshra.s32 s2, $0x2;
	[tilespmem:s5+$0x8400] =	vst v1;
	v0 =	vmul.f32 $8.000000000e+00, v0  }
0x17f: {  	v1 =	vld [tilespmem:s0+$0x8400];
	[tilespmem:s5+$0x8410] =	vst v2;
	v3 =	vmul.f32 $8.000000000e+00, v3  }
0x180: {  	v2 =	vld [tilespmem:s0+$0x8410];
	[tilespmem:s5+$0x8420] =	vst v0  }
0x181: {  	s2 =	sadd.s32 $0x200, s2;
	v0 =	vld [tilespmem:s0+$0x8420];
	[tilespmem:s5+$0x8430] =	vst v3;
	s5 =	smov.u32 s0  }
0x182: {  	v3 =	vld [tilespmem:s5+$0x8430];
	_ =	sdelay $0x1  }
0x183: {  	v1 =	vmul.f32 $8.000000000e+00, v1  }
0x184: {  	s2 =	smul.u32 $0x280000, s21;
	v2 =	vmul.f32 $8.000000000e+00, v2  }
0x185: {  	s0 =	rddreg [dreg:$0xa];
	[tilespmem:s5+$0x8400] =	vst v1;
	v0 =	vmul.f32 $8.000000000e+00, v0  }
0x186: {  	s0 =	sadd.s32 s0, s2;
	[tilespmem:s5+$0x8410] =	vst v2;
	v1 =	vmul.f32 $8.000000000e+00, v3  }
0x187: {  	p0 =	seq.s32 s21, $0x9;
	s0 =	sshrl.u32 s0, $0x3;
	[tilespmem:s5+$0x8420] =	vst v0  }
0x188: {  	s28 =	simm.s32 $0x4400;
	s17 =	smul.u32 @!p0 $0x5000, s21;
	s0 =	sadd.s32 s6, s0;
	[tilespmem:s5+$0x8430] =	vst v1  }
0x189: {  	[hbm4b:s0+s3] =	stream.linear.scatter [tilespmem:s28], [sflag:$0xC], $0x4000, $0x38;
	[tilespmem:$0x14400] =	vst v63  }
0x18a: {  	s0 =	rddreg [dreg:$0x7]  }
0x18b: {  	s0 =	sadd.s32 @!p0 s0, s17  }
0x18c: {  	s0 =	sshrl.u32 @!p0 s0, $0x3  }
0x18d: {  	s5 =	simm.s32 @!p0 $0x0;
	s0 =	sadd.s32 @!p0 s1, s0  }
0x18e: {  	[tilespmem:s5], [sflag:$0x1] =	stream.linear.gather @!p0 [hbm4b:s0+s5], $0x80, $0x38;
	[tilespmem:$0x14400] =	vst v63  }
0x18f: {  	s0 =	sadd.s32 @!p0 $0xFFFFFFFE, s29  }
0x190: {  	p1 =	sgt.u32 @!p0 s0, $0x2C  }
0x191: {  	p1 =	por p0, !p1  }
0x192: {  	s0 =	simm.s32 @p1 $0xE  }
0x193: {  	_ =	swait.ge @p1 [sflag:s0], $0x4000  }
0x194: {  	[sflag:s0] =	ssyncset.done @p1 $0x0  }
0x195: {  	s31 =	simm.s32 $0x4;
	[sflag:s0] =	ssyncadd.s32 @p1 $0xFFFFC000  }
0x196: {  	_ =	swait.ge [sflag:s31], $0x80  }
0x197: {  	[sflag:s31] =	ssyncset.done $0x0  }
0x198: {  	s20 =	simm.s32 $0x180;
	[sflag:s31] =	ssyncadd.s32 $0xFFFFFF80  }
0x199: {  	v0 =	vld [tilespmem:s20+$0x0];
	_ =	sdelay $0x4  }
0x19a: {  	v0 =	vshll.u32 v0, $0x4  }
0x19b: {  	(v2sf) =	vpush v0, $0x0  }
0x19c: {  	(v2sf) =	vpush v0, $0x1  }
0x19d: {  	(v2sf) =	vpush v0, $0x2;
	_ =	sdelay $0x1  }
0x19e: {  	(v2sf) =	vpush v0, $0x4;
	_ =	sdelay $0x1  }
0x19f: {  	(v2sf) =	vpush v0, $0x3  }
0x1a0: {  	(v2sf) =	vpush v0, $0x5  }
0x1a1: {  	s30 =	simm.s32 $0x2000;
	s19 =	simm.s32 $0x0;
	(v2sf) =	vpush v0, $0x6  }
.LBB2_13:
0x1a2: {  	p1 =	sne.s32 s30, $0xE000  }
0x1a3: {  	s0 =	sadd.s32 $0xC480, s19;
	s11 =	sadd.s32 $0xC980, s19;
	s18 =	smov.u32 s30  }
0x1a4: {  	s30 =	sadd.s32 $0x2000, s30;
	s15 =	sadd.s32 $0xC780, s19;
	s13 =	sadd.s32 $0xCA00, s19;
	(v2sf) =	vpush v0, $0x7  }
0x1a5: {  	s23 =	sadd.s32 $0xC680, s19;
	s14 =	sadd.s32 $0xC800, s19;
	s5 =	sadd.s32 $0xCA80, s19  }
0x1a6: {  	s9 =	sadd.s32 $0xC400, s19;
	s10 =	sadd.s32 $0xC600, s19;
	(v2sf) =	vpush v0, $0x8  }
0x1a7: {  	s26 =	sadd.s32 $0xC700, s19;
	s20 =	sadd.s32 $0x10, s20  }
0x1a8: {  	s28 =	sadd.s32 $0xC500, s19;
	s12 =	sadd.s32 $0xC900, s19;
	s22 =	spop (v2sf);
	(v2sf) =	vpush v0, $0x9  }
0x1a9: {  	s31 =	sand.u32 $0x1FFFFFF0, s22;
	s22 =	sadd.s32 $0xC880, s19;
	s8 =	spop (v2sf)  }
0x1aa: {  	s31 =	sadd.s32 s4, s31;
	s8 =	sand.u32 $0x1FFFFFF0, s8;
	s7 =	spop (v2sf);
	(v2sf) =	vpush v0, $0xA  }
0x1ab: {  	[tilespmem:s9], [sflag:$0x9] =	stream.linear.gather [hbm4b:s31+s3], $0x80, $0x38;
	[tilespmem:$0x14400] =	vst v63  }
0x1ac: {  	s8 =	sadd.s32 s4, s8;
	s9 =	sadd.s32 $0xC580, s19;
	s31 =	spop (v2sf);
	(v2sf) =	vpush v0, $0xB  }
0x1ad: {  	[tilespmem:s0], [sflag:$0x9] =	stream.linear.gather [hbm4b:s8+s3], $0x80, $0x38;
	[tilespmem:$0x14400] =	vst v63  }
0x1ae: {  	s0 =	sand.u32 $0x1FFFFFF0, s7;
	s7 =	sand.u32 $0x1FFFFFF0, s31;
	s8 =	spop (v2sf);
	(v2sf) =	vpush v0, $0xC  }
0x1af: {  	s0 =	sadd.s32 s4, s0;
	s8 =	sand.u32 $0x1FFFFFF0, s8;
	s31 =	spop (v2sf)  }
0x1b0: {  	[tilespmem:s28], [sflag:$0x9] =	stream.linear.gather [hbm4b:s0+s3], $0x80, $0x38;
	(v2sf) =	vpush v0, $0xD;
	[tilespmem:$0x14400] =	vst v63  }
0x1b1: {  	s0 =	sadd.s32 s4, s8;
	s8 =	sand.u32 $0x1FFFFFF0, s31;
	s28 =	spop (v2sf)  }
0x1b2: {  	[tilespmem:s9], [sflag:$0x9] =	stream.linear.gather [hbm4b:s0+s3], $0x80, $0x38;
	(v2sf) =	vpush v0, $0xE;
	[tilespmem:$0x14400] =	vst v63  }
0x1b3: {  	s0 =	sadd.s32 s4, s7;
	s7 =	sand.u32 $0x1FFFFFF0, s28;
	s9 =	spop (v2sf)  }
0x1b4: {  	[tilespmem:s10], [sflag:$0x9] =	stream.linear.gather [hbm4b:s0+s3], $0x80, $0x38;
	(v2sf) =	vpush v0, $0xF;
	[tilespmem:$0x14400] =	vst v63  }
0x1b5: {  	s0 =	sadd.s32 s4, s8;
	s8 =	sand.u32 $0x1FFFFFF0, s9;
	s9 =	spop (v2sf)  }
0x1b6: {  	[tilespmem:s23], [sflag:$0x9] =	stream.linear.gather [hbm4b:s0+s3], $0x80, $0x38;
	[tilespmem:$0x14400] =	vst v63  }
0x1b7: {  	s0 =	sadd.s32 s4, s7;
	s7 =	sand.u32 $0x1FFFFFF0, s9;
	s9 =	spop (v2sf)  }
0x1b8: {  	[tilespmem:s26], [sflag:$0x9] =	stream.linear.gather [hbm4b:s0+s3], $0x80, $0x38;
	[tilespmem:$0x14400] =	vst v63  }
0x1b9: {  	s0 =	sadd.s32 s4, s8;
	s8 =	sand.u32 $0x1FFFFFF0, s9;
	s9 =	spop (v2sf)  }
0x1ba: {  	[tilespmem:s15], [sflag:$0x9] =	stream.linear.gather [hbm4b:s0+s3], $0x80, $0x38;
	[tilespmem:$0x14400] =	vst v63  }
0x1bb: {  	s0 =	sadd.s32 s4, s7;
	s7 =	sand.u32 $0x1FFFFFF0, s9;
	s9 =	spop (v2sf)  }
0x1bc: {  	[tilespmem:s14], [sflag:$0x9] =	stream.linear.gather [hbm4b:s0+s3], $0x80, $0x38;
	[tilespmem:$0x14400] =	vst v63  }
0x1bd: {  	s0 =	sadd.s32 s4, s8;
	s8 =	sand.u32 $0x1FFFFFF0, s9;
	s9 =	spop (v2sf)  }
0x1be: {  	[tilespmem:s22], [sflag:$0x9] =	stream.linear.gather [hbm4b:s0+s3], $0x80, $0x38;
	[tilespmem:$0x14400] =	vst v63  }
0x1bf: {  	s0 =	sadd.s32 s4, s7;
	s7 =	sand.u32 $0x1FFFFFF0, s9;
	s9 =	spop (v2sf)  }
0x1c0: {  	[tilespmem:s12], [sflag:$0x9] =	stream.linear.gather [hbm4b:s0+s3], $0x80, $0x38;
	[tilespmem:$0x14400] =	vst v63  }
0x1c1: {  	s0 =	sadd.s32 s4, s8;
	s8 =	sand.u32 $0x1FFFFFF0, s9;
	s9 =	spop (v2sf)  }
0x1c2: {  	[tilespmem:s11], [sflag:$0x9] =	stream.linear.gather [hbm4b:s0+s3], $0x80, $0x38;
	[tilespmem:$0x14400] =	vst v63  }
0x1c3: {  	s0 =	sadd.s32 s4, s7;
	s7 =	sand.u32 $0x1FFFFFF0, s9;
	s9 =	spop (v2sf)  }
0x1c4: {  	[tilespmem:s13], [sflag:$0x9] =	stream.linear.gather [hbm4b:s0+s3], $0x80, $0x38;
	[tilespmem:$0x14400] =	vst v63  }
0x1c5: {  	s0 =	sadd.s32 s4, s8;
	s8 =	sand.u32 $0x1FFFFFF0, s9  }
0x1c6: {  	[tilespmem:s5], [sflag:$0x9] =	stream.linear.gather [hbm4b:s0+s3], $0x80, $0x38;
	[tilespmem:$0x14400] =	vst v63  }
0x1c7: {  	s0 =	sadd.s32 $0xCB00, s19;
	s5 =	sadd.s32 s4, s7  }
0x1c8: {  	[tilespmem:s0], [sflag:$0x9] =	stream.linear.gather [hbm4b:s5+s3], $0x80, $0x38;
	[tilespmem:$0x14400] =	vst v63  }
0x1c9: {  	s0 =	sadd.s32 $0xCB80, s19;
	s5 =	sadd.s32 s4, s8  }
0x1ca: {  	[tilespmem:s0], [sflag:$0x9] =	stream.linear.gather [hbm4b:s5+s3], $0x80, $0x38;
	[tilespmem:$0x14400] =	vst v63  }
0x1cb: {  	v0 =	vld [tilespmem:s20+$0x0];
	_ =	sdelay $0x4  }
0x1cc: {  	v0 =	vshll.u32 v0, $0x4  }
0x1cd: {  	(v2sf) =	vpush v0, $0x0  }
0x1ce: {  	(v2sf) =	vpush v0, $0x1  }
0x1cf: {  	(v2sf) =	vpush v0, $0x2;
	_ =	sdelay $0x1  }
0x1d0: {  	(v2sf) =	vpush v0, $0x4  }
.Ltmp5:
0x1d1: {  	(pc) =	sbr.rel @p1 .LBB2_13-.Ltmp5, $3  }
0x1d2: {  	(v2sf) =	vpush v0, $0x3  }
0x1d3: {  	(v2sf) =	vpush v0, $0x5;
	_ =	sdelay $0x1  }
0x1d4: {  	s19 =	sshra.s32 s18, $0x2;
	(v2sf) =	vpush v0, $0x6  }
0x1d5: {  	_ =	sdelay $0x1  }
0x1d6: {  	s0 =	sadd.s32 $0xC480, s19;
	s12 =	sadd.s32 $0xC980, s19  }
0x1d7: {  	s7 =	sadd.s32 $0xC780, s19;
	s5 =	sadd.s32 $0xCA00, s19;
	(v2sf) =	vpush v0, $0x7;
	s8 =	sadd.s32 $0xC680, s19  }
0x1d8: {  	s9 =	sadd.s32 $0xC800, s19;
	s11 =	sadd.s32 $0xCA80, s19;
	s10 =	sadd.s32 $0xC400, s19  }
0x1d9: {  	s13 =	sadd.s32 $0xC600, s19;
	s14 =	sadd.s32 $0xC700, s19;
	(v2sf) =	vpush v0, $0x8;
	s15 =	spop (v2sf)  }
0x1da: {  	s18 =	sadd.s32 $0xC500, s19;
	s15 =	sand.u32 $0x1FFFFFF0, s15;
	s20 =	spop (v2sf)  }
0x1db: {  	(v2sf) =	vpush v0, $0x9;
	s15 =	sadd.s32 s4, s15;
	s20 =	sand.u32 $0x1FFFFFF0, s20;
	s22 =	spop (v2sf)  }
0x1dc: {  	[tilespmem:s10], [sflag:$0x9] =	stream.linear.gather [hbm4b:s15+s3], $0x80, $0x38;
	[tilespmem:$0x14400] =	vst v63  }
0x1dd: {  	s23 =	sadd.s32 $0xC580, s19;
	(v2sf) =	vpush v0, $0xA;
	s30 =	sadd.s32 s4, s20;
	s31 =	spop (v2sf)  }
0x1de: {  	[tilespmem:s0], [sflag:$0x9] =	stream.linear.gather [hbm4b:s30+s3], $0x80, $0x38;
	[tilespmem:$0x14400] =	vst v63  }
0x1df: {  	s10 =	sadd.s32 $0xC900, s19;
	s26 =	sand.u32 $0x1FFFFFF0, s22;
	(v2sf) =	vpush v0, $0xB;
	s28 =	spop (v2sf)  }
0x1e0: {  	s15 =	sadd.s32 s4, s26;
	s0 =	sadd.s32 $0xC880, s19;
	s22 =	sand.u32 $0x1FFFFFF0, s28  }
0x1e1: {  	(v2sf) =	vpush v0, $0xC;
	[tilespmem:s18], [sflag:$0x9] =	stream.linear.gather [hbm4b:s15+s3], $0x80, $0x38;
	[tilespmem:$0x14400] =	vst v63  }
0x1e2: {  	s30 =	sand.u32 $0x1FFFFFF0, s31;
	s31 =	spop (v2sf);
	s26 =	sadd.s32 s4, s22  }
0x1e3: {  	(v2sf) =	vpush v0, $0xD;
	[tilespmem:s23], [sflag:$0x9] =	stream.linear.gather [hbm4b:s26+s3], $0x80, $0x38;
	[tilespmem:$0x14400] =	vst v63  }
0x1e4: {  	s15 =	sadd.s32 s4, s30;
	s18 =	sand.u32 $0x1FFFFFF0, s31;
	s28 =	spop (v2sf)  }
0x1e5: {  	(v2sf) =	vpush v0, $0xE;
	[tilespmem:s13], [sflag:$0x9] =	stream.linear.gather [hbm4b:s15+s3], $0x80, $0x38;
	[tilespmem:$0x14400] =	vst v63  }
0x1e6: {  	s18 =	sadd.s32 s4, s18;
	s30 =	sand.u32 $0x1FFFFFF0, s28;
	s31 =	spop (v2sf)  }
0x1e7: {  	(v2sf) =	vpush v0, $0xF;
	[tilespmem:s8], [sflag:$0x9] =	stream.linear.gather [hbm4b:s18+s3], $0x80, $0x38;
	[tilespmem:$0x14400] =	vst v63  }
0x1e8: {  	s20 =	sand.u32 $0x1FFFFFF0, s31;
	s22 =	spop (v2sf);
	s13 =	sadd.s32 s4, s30  }
0x1e9: {  	[tilespmem:s14], [sflag:$0x9] =	stream.linear.gather [hbm4b:s13+s3], $0x80, $0x38;
	[tilespmem:$0x14400] =	vst v63  }
0x1ea: {  	s23 =	sand.u32 $0x1FFFFFF0, s22;
	s8 =	sadd.s32 s4, s20;
	s26 =	spop (v2sf)  }
0x1eb: {  	[tilespmem:s7], [sflag:$0x9] =	stream.linear.gather [hbm4b:s8+s3], $0x80, $0x38;
	[tilespmem:$0x14400] =	vst v63  }
0x1ec: {  	s13 =	sadd.s32 s4, s23;
	s28 =	sand.u32 $0x1FFFFFF0, s26;
	s30 =	spop (v2sf)  }
0x1ed: {  	[tilespmem:s9], [sflag:$0x9] =	stream.linear.gather [hbm4b:s13+s3], $0x80, $0x38;
	[tilespmem:$0x14400] =	vst v63  }
0x1ee: {  	s8 =	sand.u32 $0x1FFFFFF0, s30;
	s7 =	sadd.s32 s4, s28;
	s31 =	spop (v2sf)  }
0x1ef: {  	[tilespmem:s0], [sflag:$0x9] =	stream.linear.gather [hbm4b:s7+s3], $0x80, $0x38;
	[tilespmem:$0x14400] =	vst v63  }
0x1f0: {  	s8 =	sadd.s32 s4, s8;
	s13 =	sand.u32 $0x1FFFFFF0, s31;
	s14 =	spop (v2sf)  }
0x1f1: {  	[tilespmem:s10], [sflag:$0x9] =	stream.linear.gather [hbm4b:s8+s3], $0x80, $0x38;
	[tilespmem:$0x14400] =	vst v63  }
0x1f2: {  	s0 =	sadd.s32 s4, s13;
	s7 =	sand.u32 $0x1FFFFFF0, s14;
	s15 =	spop (v2sf)  }
0x1f3: {  	[tilespmem:s12], [sflag:$0x9] =	stream.linear.gather [hbm4b:s0+s3], $0x80, $0x38;
	[tilespmem:$0x14400] =	vst v63  }
0x1f4: {  	s18 =	sand.u32 $0x1FFFFFF0, s15;
	s7 =	sadd.s32 s4, s7;
	s20 =	spop (v2sf)  }
0x1f5: {  	[tilespmem:s5], [sflag:$0x9] =	stream.linear.gather [hbm4b:s7+s3], $0x80, $0x38;
	[tilespmem:$0x14400] =	vst v63  }
0x1f6: {  	s22 =	sand.u32 $0x1FFFFFF0, s20;
	s23 =	spop (v2sf);
	s0 =	sadd.s32 s4, s18  }
0x1f7: {  	[tilespmem:s11], [sflag:$0x9] =	stream.linear.gather [hbm4b:s0+s3], $0x80, $0x38;
	[tilespmem:$0x14400] =	vst v63  }
0x1f8: {  	s28 =	sadd.s32 $0xCB00, s19;
	s26 =	sand.u32 $0x1FFFFFF0, s23;
	s5 =	sadd.s32 s4, s22  }
0x1f9: {  	[tilespmem:s28], [sflag:$0x9] =	stream.linear.gather [hbm4b:s5+s3], $0x80, $0x38;
	[tilespmem:$0x14400] =	vst v63  }
0x1fa: {  	s30 =	sadd.s32 $0xCB80, s19;
	s31 =	simm.s32 $0x8;
	s0 =	sadd.s32 s4, s26  }
0x1fb: {  	[tilespmem:s30], [sflag:$0x9] =	stream.linear.gather [hbm4b:s0+s3], $0x80, $0x38;
	[tilespmem:$0x14400] =	vst v63  }
0x1fc: {  	_ =	swait.ge [sflag:s31], $0x4000  }
0x1fd: {  	[sflag:s31] =	ssyncset.done $0x0  }
0x1fe: {  	s5 =	simm.s32 $0xFFFFC000;
	[sflag:s31] =	ssyncadd.s32 $0xFFFFC000  }
0x1ff: {  	v0 =	vld [tilespmem:s5+$0xC400]  }
0x200: {  	v2 =	vld [tilespmem:s5+$0xC410]  }
0x201: {  	s11 =	simm.s32 $0xFFFF0200;
	v1 =	vld [tilespmem:s5+$0xC420]  }
.LBB2_15:
0x202: {  	p1 =	sne.s32 s11, $0xFFFFFE00;
	v3 =	vld [tilespmem:s5+$0xC430];
	_ =	sdelay $0x1  }
0x203: {  	v0 =	vmul.f32 $8.000000000e+00, v0  }
.Ltmp6:
0x204: {  	v2 =	vmul.f32 $8.000000000e+00, v2;
	(pc) =	sbr.rel @p1 .LBB2_15-.Ltmp6, $4  }
0x205: {  	s0 =	sshra.s32 s11, $0x2;
	[tilespmem:s5+$0xC400] =	vst v0;
	v1 =	vmul.f32 $8.000000000e+00, v1  }
0x206: {  	v0 =	vld [tilespmem:s0+$0xC400];
	[tilespmem:s5+$0xC410] =	vst v2;
	v3 =	vmul.f32 $8.000000000e+00, v3  }
0x207: {  	v2 =	vld [tilespmem:s0+$0xC410];
	[tilespmem:s5+$0xC420] =	vst v1  }
0x208: {  	s11 =	sadd.s32 $0x200, s11;
	v1 =	vld [tilespmem:s0+$0xC420];
	[tilespmem:s5+$0xC430] =	vst v3;
	s5 =	smov.u32 s0  }
0x209: {  	v3 =	vld [tilespmem:s5+$0xC430];
	_ =	sdelay $0x1  }
0x20a: {  	v0 =	vmul.f32 $8.000000000e+00, v0  }
0x20b: {  	v2 =	vmul.f32 $8.000000000e+00, v2  }
0x20c: {  	s0 =	rddreg [dreg:$0xb];
	[tilespmem:s5+$0xC400] =	vst v0;
	v0 =	vmul.f32 $8.000000000e+00, v1  }
0x20d: {  	s0 =	sadd.s32 s0, s2;
	[tilespmem:s5+$0xC410] =	vst v2;
	v1 =	vmul.f32 $8.000000000e+00, v3  }
0x20e: {  	s0 =	sshrl.u32 s0, $0x3;
	[tilespmem:s5+$0xC420] =	vst v0  }
0x20f: {  	s30 =	simm.s32 $0x8400;
	s0 =	sadd.s32 s6, s0;
	[tilespmem:s5+$0xC430] =	vst v1  }
0x210: {  	[hbm4b:s0+s3] =	stream.linear.scatter [tilespmem:s30], [sflag:$0xD], $0x4000, $0x38;
	[tilespmem:$0x14400] =	vst v63  }
0x211: {  	s0 =	rddreg [dreg:$0x8]  }
0x212: {  	s0 =	sadd.s32 @!p0 s0, s17  }
0x213: {  	s0 =	sshrl.u32 @!p0 s0, $0x3  }
0x214: {  	s2 =	simm.s32 @!p0 $0x0;
	s5 =	simm.s32 @!p0 $0x80;
	s0 =	sadd.s32 @!p0 s1, s0  }
0x215: {  	[tilespmem:s5], [sflag:$0x2] =	stream.linear.gather @!p0 [hbm4b:s0+s2], $0x80, $0x38;
	[tilespmem:$0x14400] =	vst v63  }
0x216: {  	s0 =	sadd.s32 @!p0 $0xFFFFFFFF, s29  }
0x217: {  	p1 =	sgt.u32 @!p0 s0, $0x2C  }
0x218: {  	p1 =	por p0, !p1  }
0x219: {  	s0 =	simm.s32 @p1 $0xF  }
0x21a: {  	_ =	swait.ge @p1 [sflag:s0], $0x4000  }
0x21b: {  	[sflag:s0] =	ssyncset.done @p1 $0x0  }
0x21c: {  	s31 =	simm.s32 $0x5;
	[sflag:s0] =	ssyncadd.s32 @p1 $0xFFFFC000  }
0x21d: {  	_ =	swait.ge [sflag:s31], $0x80  }
0x21e: {  	[sflag:s31] =	ssyncset.done $0x0  }
0x21f: {  	s17 =	simm.s32 $0x200;
	[sflag:s31] =	ssyncadd.s32 $0xFFFFFF80  }
0x220: {  	v0 =	vld [tilespmem:s17+$0x0];
	_ =	sdelay $0x4  }
0x221: {  	v0 =	vshll.u32 v0, $0x4  }
0x222: {  	(v2sf) =	vpush v0, $0x0  }
0x223: {  	(v2sf) =	vpush v0, $0x1  }
0x224: {  	(v2sf) =	vpush v0, $0x2;
	_ =	sdelay $0x1  }
0x225: {  	(v2sf) =	vpush v0, $0x4;
	_ =	sdelay $0x1  }
0x226: {  	(v2sf) =	vpush v0, $0x3  }
0x227: {  	(v2sf) =	vpush v0, $0x5  }
0x228: {  	s19 =	simm.s32 $0x2000;
	s2 =	simm.s32 $0x0;
	(v2sf) =	vpush v0, $0x6  }
.LBB2_17:
0x229: {  	p1 =	sne.s32 s19, $0xE000  }
0x22a: {  	s0 =	sadd.s32 $0x10480, s2;
	s11 =	sadd.s32 $0x10980, s2;
	s18 =	smov.u32 s19  }
0x22b: {  	s19 =	sadd.s32 $0x2000, s19;
	s15 =	sadd.s32 $0x10780, s2;
	s5 =	sadd.s32 $0x10A00, s2;
	(v2sf) =	vpush v0, $0x7  }
0x22c: {  	s22 =	sadd.s32 $0x10680, s2;
	s14 =	sadd.s32 $0x10800, s2;
	s13 =	sadd.s32 $0x10A80, s2  }
0x22d: {  	s7 =	sadd.s32 $0x10400, s2;
	s8 =	sadd.s32 $0x10600, s2;
	(v2sf) =	vpush v0, $0x8  }
0x22e: {  	s9 =	sadd.s32 $0x10700, s2;
	s17 =	sadd.s32 $0x10, s17  }
0x22f: {  	s10 =	sadd.s32 $0x10500, s2;
	s12 =	sadd.s32 $0x10900, s2;
	s20 =	spop (v2sf);
	(v2sf) =	vpush v0, $0x9  }
0x230: {  	s23 =	sand.u32 $0x1FFFFFF0, s20;
	s20 =	sadd.s32 $0x10880, s2;
	s26 =	spop (v2sf)  }
0x231: {  	s23 =	sadd.s32 s4, s23;
	s26 =	sand.u32 $0x1FFFFFF0, s26;
	s28 =	spop (v2sf);
	(v2sf) =	vpush v0, $0xA  }
0x232: {  	[tilespmem:s7], [sflag:$0xA] =	stream.linear.gather [hbm4b:s23+s3], $0x80, $0x38;
	[tilespmem:$0x14400] =	vst v63  }
0x233: {  	s7 =	sadd.s32 s4, s26;
	s23 =	sadd.s32 $0x10580, s2;
	s26 =	spop (v2sf);
	(v2sf) =	vpush v0, $0xB  }
0x234: {  	[tilespmem:s0], [sflag:$0xA] =	stream.linear.gather [hbm4b:s7+s3], $0x80, $0x38;
	[tilespmem:$0x14400] =	vst v63  }
0x235: {  	s0 =	sand.u32 $0x1FFFFFF0, s28;
	s7 =	sand.u32 $0x1FFFFFF0, s26;
	s26 =	spop (v2sf);
	(v2sf) =	vpush v0, $0xC  }
0x236: {  	s0 =	sadd.s32 s4, s0;
	s26 =	sand.u32 $0x1FFFFFF0, s26;
	s28 =	spop (v2sf)  }
0x237: {  	[tilespmem:s10], [sflag:$0xA] =	stream.linear.gather [hbm4b:s0+s3], $0x80, $0x38;
	(v2sf) =	vpush v0, $0xD;
	[tilespmem:$0x14400] =	vst v63  }
0x238: {  	s0 =	sadd.s32 s4, s26;
	s10 =	sand.u32 $0x1FFFFFF0, s28;
	s26 =	spop (v2sf)  }
0x239: {  	[tilespmem:s23], [sflag:$0xA] =	stream.linear.gather [hbm4b:s0+s3], $0x80, $0x38;
	(v2sf) =	vpush v0, $0xE;
	[tilespmem:$0x14400] =	vst v63  }
0x23a: {  	s0 =	sadd.s32 s4, s7;
	s7 =	sand.u32 $0x1FFFFFF0, s26;
	s23 =	spop (v2sf)  }
0x23b: {  	[tilespmem:s8], [sflag:$0xA] =	stream.linear.gather [hbm4b:s0+s3], $0x80, $0x38;
	(v2sf) =	vpush v0, $0xF;
	[tilespmem:$0x14400] =	vst v63  }
0x23c: {  	s0 =	sadd.s32 s4, s10;
	s8 =	sand.u32 $0x1FFFFFF0, s23;
	s10 =	spop (v2sf)  }
0x23d: {  	[tilespmem:s22], [sflag:$0xA] =	stream.linear.gather [hbm4b:s0+s3], $0x80, $0x38;
	[tilespmem:$0x14400] =	vst v63  }
0x23e: {  	s0 =	sadd.s32 s4, s7;
	s7 =	sand.u32 $0x1FFFFFF0, s10;
	s10 =	spop (v2sf)  }
0x23f: {  	[tilespmem:s9], [sflag:$0xA] =	stream.linear.gather [hbm4b:s0+s3], $0x80, $0x38;
	[tilespmem:$0x14400] =	vst v63  }
0x240: {  	s0 =	sadd.s32 s4, s8;
	s8 =	sand.u32 $0x1FFFFFF0, s10;
	s9 =	spop (v2sf)  }
0x241: {  	[tilespmem:s15], [sflag:$0xA] =	stream.linear.gather [hbm4b:s0+s3], $0x80, $0x38;
	[tilespmem:$0x14400] =	vst v63  }
0x242: {  	s0 =	sadd.s32 s4, s7;
	s7 =	sand.u32 $0x1FFFFFF0, s9;
	s9 =	spop (v2sf)  }
0x243: {  	[tilespmem:s14], [sflag:$0xA] =	stream.linear.gather [hbm4b:s0+s3], $0x80, $0x38;
	[tilespmem:$0x14400] =	vst v63  }
0x244: {  	s0 =	sadd.s32 s4, s8;
	s8 =	sand.u32 $0x1FFFFFF0, s9;
	s9 =	spop (v2sf)  }
0x245: {  	[tilespmem:s20], [sflag:$0xA] =	stream.linear.gather [hbm4b:s0+s3], $0x80, $0x38;
	[tilespmem:$0x14400] =	vst v63  }
0x246: {  	s0 =	sadd.s32 s4, s7;
	s7 =	sand.u32 $0x1FFFFFF0, s9;
	s9 =	spop (v2sf)  }
0x247: {  	[tilespmem:s12], [sflag:$0xA] =	stream.linear.gather [hbm4b:s0+s3], $0x80, $0x38;
	[tilespmem:$0x14400] =	vst v63  }
0x248: {  	s0 =	sadd.s32 s4, s8;
	s8 =	sand.u32 $0x1FFFFFF0, s9;
	s9 =	spop (v2sf)  }
0x249: {  	[tilespmem:s11], [sflag:$0xA] =	stream.linear.gather [hbm4b:s0+s3], $0x80, $0x38;
	[tilespmem:$0x14400] =	vst v63  }
0x24a: {  	s0 =	sadd.s32 s4, s7;
	s7 =	sand.u32 $0x1FFFFFF0, s9;
	s9 =	spop (v2sf)  }
0x24b: {  	[tilespmem:s5], [sflag:$0xA] =	stream.linear.gather [hbm4b:s0+s3], $0x80, $0x38;
	[tilespmem:$0x14400] =	vst v63  }
0x24c: {  	s0 =	sadd.s32 s4, s8;
	s5 =	sand.u32 $0x1FFFFFF0, s9  }
0x24d: {  	[tilespmem:s13], [sflag:$0xA] =	stream.linear.gather [hbm4b:s0+s3], $0x80, $0x38;
	[tilespmem:$0x14400] =	vst v63  }
0x24e: {  	s7 =	sadd.s32 s4, s7;
	s0 =	sadd.s32 $0x10B00, s2  }
0x24f: {  	[tilespmem:s0], [sflag:$0xA] =	stream.linear.gather [hbm4b:s7+s3], $0x80, $0x38;
	[tilespmem:$0x14400] =	vst v63  }
0x250: {  	s0 =	sadd.s32 $0x10B80, s2;
	s2 =	sadd.s32 s4, s5  }
0x251: {  	[tilespmem:s0], [sflag:$0xA] =	stream.linear.gather [hbm4b:s2+s3], $0x80, $0x38;
	[tilespmem:$0x14400] =	vst v63  }
0x252: {  	v0 =	vld [tilespmem:s17+$0x0];
	_ =	sdelay $0x4  }
0x253: {  	v0 =	vshll.u32 v0, $0x4  }
0x254: {  	(v2sf) =	vpush v0, $0x0  }
0x255: {  	(v2sf) =	vpush v0, $0x1  }
0x256: {  	(v2sf) =	vpush v0, $0x2;
	_ =	sdelay $0x1  }
0x257: {  	(v2sf) =	vpush v0, $0x4  }
.Ltmp7:
0x258: {  	(pc) =	sbr.rel @p1 .LBB2_17-.Ltmp7, $3  }
0x259: {  	(v2sf) =	vpush v0, $0x3  }
0x25a: {  	(v2sf) =	vpush v0, $0x5;
	_ =	sdelay $0x1  }
0x25b: {  	s2 =	sshra.s32 s18, $0x2;
	(v2sf) =	vpush v0, $0x6  }
0x25c: {  	_ =	sdelay $0x1  }
0x25d: {  	s0 =	sadd.s32 $0x10480, s2;
	s12 =	sadd.s32 $0x10980, s2  }
0x25e: {  	s7 =	sadd.s32 $0x10780, s2;
	s5 =	sadd.s32 $0x10A00, s2;
	(v2sf) =	vpush v0, $0x7;
	s8 =	sadd.s32 $0x10680, s2  }
0x25f: {  	s9 =	sadd.s32 $0x10800, s2;
	s11 =	sadd.s32 $0x10A80, s2;
	s10 =	sadd.s32 $0x10400, s2  }
0x260: {  	s13 =	sadd.s32 $0x10600, s2;
	s14 =	sadd.s32 $0x10700, s2;
	(v2sf) =	vpush v0, $0x8;
	s15 =	spop (v2sf)  }
0x261: {  	s17 =	sadd.s32 $0x10500, s2;
	s15 =	sand.u32 $0x1FFFFFF0, s15;
	s18 =	spop (v2sf)  }
0x262: {  	(v2sf) =	vpush v0, $0x9;
	s15 =	sadd.s32 s4, s15;
	s18 =	sand.u32 $0x1FFFFFF0, s18;
	s19 =	spop (v2sf)  }
0x263: {  	[tilespmem:s10], [sflag:$0xA] =	stream.linear.gather [hbm4b:s15+s3], $0x80, $0x38;
	[tilespmem:$0x14400] =	vst v63  }
0x264: {  	s20 =	sadd.s32 $0x10580, s2;
	(v2sf) =	vpush v0, $0xA;
	s23 =	sadd.s32 s4, s18;
	s26 =	spop (v2sf)  }
0x265: {  	[tilespmem:s0], [sflag:$0xA] =	stream.linear.gather [hbm4b:s23+s3], $0x80, $0x38;
	[tilespmem:$0x14400] =	vst v63  }
0x266: {  	s10 =	sadd.s32 $0x10900, s2;
	s28 =	sand.u32 $0x1FFFFFF0, s19;
	(v2sf) =	vpush v0, $0xB;
	s29 =	spop (v2sf)  }
0x267: {  	s15 =	sadd.s32 s4, s28;
	s0 =	sadd.s32 $0x10880, s2;
	s19 =	sand.u32 $0x1FFFFFF0, s29  }
0x268: {  	(v2sf) =	vpush v0, $0xC;
	[tilespmem:s17], [sflag:$0xA] =	stream.linear.gather [hbm4b:s15+s3], $0x80, $0x38;
	[tilespmem:$0x14400] =	vst v63  }
0x269: {  	s30 =	sand.u32 $0x1FFFFFF0, s26;
	s31 =	spop (v2sf);
	s19 =	sadd.s32 s4, s19  }
0x26a: {  	(v2sf) =	vpush v0, $0xD;
	[tilespmem:s20], [sflag:$0xA] =	stream.linear.gather [hbm4b:s19+s3], $0x80, $0x38;
	[tilespmem:$0x14400] =	vst v63  }
0x26b: {  	s15 =	sadd.s32 s4, s30;
	s17 =	sand.u32 $0x1FFFFFF0, s31;
	s20 =	spop (v2sf)  }
0x26c: {  	(v2sf) =	vpush v0, $0xE;
	[tilespmem:s13], [sflag:$0xA] =	stream.linear.gather [hbm4b:s15+s3], $0x80, $0x38;
	[tilespmem:$0x14400] =	vst v63  }
0x26d: {  	s17 =	sadd.s32 s4, s17;
	s22 =	sand.u32 $0x1FFFFFF0, s20;
	s23 =	spop (v2sf)  }
0x26e: {  	(v2sf) =	vpush v0, $0xF;
	[tilespmem:s8], [sflag:$0xA] =	stream.linear.gather [hbm4b:s17+s3], $0x80, $0x38;
	[tilespmem:$0x14400] =	vst v63  }
0x26f: {  	s26 =	sand.u32 $0x1FFFFFF0, s23;
	s28 =	spop (v2sf);
	s13 =	sadd.s32 s4, s22  }
0x270: {  	[tilespmem:s14], [sflag:$0xA] =	stream.linear.gather [hbm4b:s13+s3], $0x80, $0x38;
	[tilespmem:$0x14400] =	vst v63  }
0x271: {  	s29 =	sand.u32 $0x1FFFFFF0, s28;
	s8 =	sadd.s32 s4, s26;
	s30 =	spop (v2sf)  }
0x272: {  	[tilespmem:s7], [sflag:$0xA] =	stream.linear.gather [hbm4b:s8+s3], $0x80, $0x38;
	[tilespmem:$0x14400] =	vst v63  }
0x273: {  	s13 =	sadd.s32 s4, s29;
	s31 =	sand.u32 $0x1FFFFFF0, s30;
	s14 =	spop (v2sf)  }
0x274: {  	[tilespmem:s9], [sflag:$0xA] =	stream.linear.gather [hbm4b:s13+s3], $0x80, $0x38;
	[tilespmem:$0x14400] =	vst v63  }
0x275: {  	s8 =	sand.u32 $0x1FFFFFF0, s14;
	s7 =	sadd.s32 s4, s31;
	s15 =	spop (v2sf)  }
0x276: {  	[tilespmem:s0], [sflag:$0xA] =	stream.linear.gather [hbm4b:s7+s3], $0x80, $0x38;
	[tilespmem:$0x14400] =	vst v63  }
0x277: {  	s8 =	sadd.s32 s4, s8;
	s17 =	sand.u32 $0x1FFFFFF0, s15;
	s18 =	spop (v2sf)  }
0x278: {  	[tilespmem:s10], [sflag:$0xA] =	stream.linear.gather [hbm4b:s8+s3], $0x80, $0x38;
	[tilespmem:$0x14400] =	vst v63  }
0x279: {  	s0 =	sadd.s32 s4, s17;
	s7 =	sand.u32 $0x1FFFFFF0, s18;
	s19 =	spop (v2sf)  }
0x27a: {  	[tilespmem:s12], [sflag:$0xA] =	stream.linear.gather [hbm4b:s0+s3], $0x80, $0x38;
	[tilespmem:$0x14400] =	vst v63  }
0x27b: {  	s20 =	sand.u32 $0x1FFFFFF0, s19;
	s7 =	sadd.s32 s4, s7;
	s22 =	spop (v2sf)  }
0x27c: {  	[tilespmem:s5], [sflag:$0xA] =	stream.linear.gather [hbm4b:s7+s3], $0x80, $0x38;
	[tilespmem:$0x14400] =	vst v63  }
0x27d: {  	s23 =	sand.u32 $0x1FFFFFF0, s22;
	s26 =	spop (v2sf);
	s0 =	sadd.s32 s4, s20  }
0x27e: {  	[tilespmem:s11], [sflag:$0xA] =	stream.linear.gather [hbm4b:s0+s3], $0x80, $0x38;
	[tilespmem:$0x14400] =	vst v63  }
0x27f: {  	s29 =	sadd.s32 $0x10B00, s2;
	s28 =	sand.u32 $0x1FFFFFF0, s26;
	s5 =	sadd.s32 s4, s23  }
0x280: {  	[tilespmem:s29], [sflag:$0xA] =	stream.linear.gather [hbm4b:s5+s3], $0x80, $0x38;
	[tilespmem:$0x14400] =	vst v63  }
0x281: {  	s30 =	sadd.s32 $0x10B80, s2;
	s31 =	simm.s32 $0x9;
	s0 =	sadd.s32 s4, s28  }
0x282: {  	[tilespmem:s30], [sflag:$0xA] =	stream.linear.gather [hbm4b:s0+s3], $0x80, $0x38;
	[tilespmem:$0x14400] =	vst v63  }
0x283: {  	_ =	swait.ge [sflag:s31], $0x4000  }
0x284: {  	[sflag:s31] =	ssyncset.done $0x0  }
0x285: {  	s2 =	simm.s32 $0xFFFFC000;
	[sflag:s31] =	ssyncadd.s32 $0xFFFFC000  }
0x286: {  	v0 =	vld [tilespmem:s2+$0x10400]  }
0x287: {  	v2 =	vld [tilespmem:s2+$0x10410]  }
0x288: {  	s5 =	simm.s32 $0xFFFF0200;
	v1 =	vld [tilespmem:s2+$0x10420]  }
.LBB2_19:
0x289: {  	p1 =	sne.s32 s5, $0xFFFFFE00;
	v3 =	vld [tilespmem:s2+$0x10430];
	_ =	sdelay $0x1  }
0x28a: {  	v0 =	vmul.f32 $8.000000000e+00, v0  }
.Ltmp8:
0x28b: {  	v2 =	vmul.f32 $8.000000000e+00, v2;
	(pc) =	sbr.rel @p1 .LBB2_19-.Ltmp8, $4  }
0x28c: {  	s0 =	sshra.s32 s5, $0x2;
	[tilespmem:s2+$0x10400] =	vst v0;
	v1 =	vmul.f32 $8.000000000e+00, v1  }
0x28d: {  	v0 =	vld [tilespmem:s0+$0x10400];
	[tilespmem:s2+$0x10410] =	vst v2;
	v3 =	vmul.f32 $8.000000000e+00, v3  }
0x28e: {  	v2 =	vld [tilespmem:s0+$0x10410];
	[tilespmem:s2+$0x10420] =	vst v1  }
0x28f: {  	s5 =	sadd.s32 $0x200, s5;
	v1 =	vld [tilespmem:s0+$0x10420];
	[tilespmem:s2+$0x10430] =	vst v3;
	s2 =	smov.u32 s0  }
0x290: {  	v3 =	vld [tilespmem:s2+$0x10430];
	_ =	sdelay $0x1  }
0x291: {  	v0 =	vmul.f32 $8.000000000e+00, v0  }
0x292: {  	v2 =	vmul.f32 $8.000000000e+00, v2  }
.Ltmp9:
0x293: {  	[tilespmem:s2+$0x10400] =	vst v0;
	v62 =	vmul.f32 $8.000000000e+00, v1;
	(pc) =	sbr.rel @p0 .LBB2_24-.Ltmp9, $4  }
0x294: {  	[tilespmem:s2+$0x10410] =	vst v2;
	v63 =	vmul.f32 $8.000000000e+00, v3  }
0x295: {  	s0 =	sshll.u32 s24, $0x10;
	s30 =	rddreg [dreg:$0xc];
	[tilespmem:s2+$0x10420] =	vst v62  }
0x296: {  	s31 =	simm.s32 $0xC400;
	s0 =	sadd.s32 s0, s30;
	[tilespmem:s2+$0x10430] =	vst v63  }
0x297: {  	[hbm4b:s0+s3] =	stream.linear.scatter [tilespmem:s31], [sflag:$0xE], $0x4000, $0x38;
	[tilespmem:$0x14400] =	vst v63  }
0x298: {  	s0 =	smul.u32 $0x5000, s21  }
0x299: {  	s2 =	rddreg [dreg:$0x9]  }
0x29a: {  	s0 =	sadd.s32 s2, s0  }
0x29b: {  	s17 =	simm.s32 $0x0;
	s0 =	sshrl.u32 s0, $0x3  }
0x29c: {  	s29 =	simm.s32 $0x100;
	s30 =	simm.s32 $0xB;
	s0 =	sadd.s32 s1, s0  }
0x29d: {  	[tilespmem:s29], [sflag:$0x3] =	stream.linear.gather [hbm4b:s0+s17], $0x80, $0x38;
	[tilespmem:$0x14400] =	vst v63  }
0x29e: {  	_ =	swait.ge [sflag:s30], $0x4000  }
0x29f: {  	[sflag:s30] =	ssyncset.done $0x0  }
0x2a0: {  	s31 =	simm.s32 $0x1;
	[sflag:s30] =	ssyncadd.s32 $0xFFFFC000  }
0x2a1: {  	_ =	swait.ge [sflag:s31], $0x80  }
0x2a2: {  	[sflag:s31] =	ssyncset.done $0x0  }
0x2a3: {  	[sflag:s31] =	ssyncadd.s32 $0xFFFFFF80  }
0x2a4: {  	v0 =	vld [tilespmem:s17+$0x0];
	_ =	sdelay $0x4  }
0x2a5: {  	v0 =	vshll.u32 v0, $0x4  }
0x2a6: {  	(v2sf) =	vpush v0, $0x0  }
0x2a7: {  	(v2sf) =	vpush v0, $0x1  }
0x2a8: {  	(v2sf) =	vpush v0, $0x2;
	_ =	sdelay $0x1  }
0x2a9: {  	(v2sf) =	vpush v0, $0x4;
	_ =	sdelay $0x1  }
0x2aa: {  	(v2sf) =	vpush v0, $0x3  }
0x2ab: {  	(v2sf) =	vpush v0, $0x5  }
0x2ac: {  	s19 =	simm.s32 $0x2000;
	s2 =	simm.s32 $0x0;
	(v2sf) =	vpush v0, $0x6  }
.LBB2_22:
0x2ad: {  	p0 =	sne.s32 s19, $0xE000  }
0x2ae: {  	s0 =	sadd.s32 $0x480, s2;
	s11 =	sadd.s32 $0x980, s2;
	s18 =	smov.u32 s19  }
0x2af: {  	s19 =	sadd.s32 $0x2000, s19;
	s15 =	sadd.s32 $0x780, s2;
	s5 =	sadd.s32 $0xA00, s2;
	(v2sf) =	vpush v0, $0x7  }
0x2b0: {  	s22 =	sadd.s32 $0x680, s2;
	s14 =	sadd.s32 $0x800, s2;
	s13 =	sadd.s32 $0xA80, s2  }
0x2b1: {  	s7 =	sadd.s32 $0x400, s2;
	s8 =	sadd.s32 $0x600, s2;
	(v2sf) =	vpush v0, $0x8  }
0x2b2: {  	s9 =	sadd.s32 $0x700, s2;
	s17 =	sadd.s32 $0x10, s17  }
0x2b3: {  	s10 =	sadd.s32 $0x500, s2;
	s12 =	sadd.s32 $0x900, s2;
	s20 =	spop (v2sf);
	(v2sf) =	vpush v0, $0x9  }
0x2b4: {  	s23 =	sand.u32 $0x1FFFFFF0, s20;
	s20 =	sadd.s32 $0x880, s2;
	s24 =	spop (v2sf)  }
0x2b5: {  	s23 =	sadd.s32 s4, s23;
	s24 =	sand.u32 $0x1FFFFFF0, s24;
	s26 =	spop (v2sf);
	(v2sf) =	vpush v0, $0xA  }
0x2b6: {  	[tilespmem:s7], [sflag:$0x6] =	stream.linear.gather [hbm4b:s23+s3], $0x80, $0x38;
	[tilespmem:$0x14400] =	vst v63  }
0x2b7: {  	s7 =	sadd.s32 s4, s24;
	s23 =	sadd.s32 $0x580, s2;
	s24 =	spop (v2sf);
	(v2sf) =	vpush v0, $0xB  }
0x2b8: {  	[tilespmem:s0], [sflag:$0x6] =	stream.linear.gather [hbm4b:s7+s3], $0x80, $0x38;
	[tilespmem:$0x14400] =	vst v63  }
0x2b9: {  	s0 =	sand.u32 $0x1FFFFFF0, s26;
	s7 =	sand.u32 $0x1FFFFFF0, s24;
	s24 =	spop (v2sf);
	(v2sf) =	vpush v0, $0xC  }
0x2ba: {  	s0 =	sadd.s32 s4, s0;
	s24 =	sand.u32 $0x1FFFFFF0, s24;
	s26 =	spop (v2sf)  }
0x2bb: {  	[tilespmem:s10], [sflag:$0x6] =	stream.linear.gather [hbm4b:s0+s3], $0x80, $0x38;
	(v2sf) =	vpush v0, $0xD;
	[tilespmem:$0x14400] =	vst v63  }
0x2bc: {  	s0 =	sadd.s32 s4, s24;
	s10 =	sand.u32 $0x1FFFFFF0, s26;
	s24 =	spop (v2sf)  }
0x2bd: {  	[tilespmem:s23], [sflag:$0x6] =	stream.linear.gather [hbm4b:s0+s3], $0x80, $0x38;
	(v2sf) =	vpush v0, $0xE;
	[tilespmem:$0x14400] =	vst v63  }
0x2be: {  	s0 =	sadd.s32 s4, s7;
	s7 =	sand.u32 $0x1FFFFFF0, s24;
	s23 =	spop (v2sf)  }
0x2bf: {  	[tilespmem:s8], [sflag:$0x6] =	stream.linear.gather [hbm4b:s0+s3], $0x80, $0x38;
	(v2sf) =	vpush v0, $0xF;
	[tilespmem:$0x14400] =	vst v63  }
0x2c0: {  	s0 =	sadd.s32 s4, s10;
	s8 =	sand.u32 $0x1FFFFFF0, s23;
	s10 =	spop (v2sf)  }
0x2c1: {  	[tilespmem:s22], [sflag:$0x6] =	stream.linear.gather [hbm4b:s0+s3], $0x80, $0x38;
	[tilespmem:$0x14400] =	vst v63  }
0x2c2: {  	s0 =	sadd.s32 s4, s7;
	s7 =	sand.u32 $0x1FFFFFF0, s10;
	s10 =	spop (v2sf)  }
0x2c3: {  	[tilespmem:s9], [sflag:$0x6] =	stream.linear.gather [hbm4b:s0+s3], $0x80, $0x38;
	[tilespmem:$0x14400] =	vst v63  }
0x2c4: {  	s0 =	sadd.s32 s4, s8;
	s8 =	sand.u32 $0x1FFFFFF0, s10;
	s9 =	spop (v2sf)  }
0x2c5: {  	[tilespmem:s15], [sflag:$0x6] =	stream.linear.gather [hbm4b:s0+s3], $0x80, $0x38;
	[tilespmem:$0x14400] =	vst v63  }
0x2c6: {  	s0 =	sadd.s32 s4, s7;
	s7 =	sand.u32 $0x1FFFFFF0, s9;
	s9 =	spop (v2sf)  }
0x2c7: {  	[tilespmem:s14], [sflag:$0x6] =	stream.linear.gather [hbm4b:s0+s3], $0x80, $0x38;
	[tilespmem:$0x14400] =	vst v63  }
0x2c8: {  	s0 =	sadd.s32 s4, s8;
	s8 =	sand.u32 $0x1FFFFFF0, s9;
	s9 =	spop (v2sf)  }
0x2c9: {  	[tilespmem:s20], [sflag:$0x6] =	stream.linear.gather [hbm4b:s0+s3], $0x80, $0x38;
	[tilespmem:$0x14400] =	vst v63  }
0x2ca: {  	s0 =	sadd.s32 s4, s7;
	s7 =	sand.u32 $0x1FFFFFF0, s9;
	s9 =	spop (v2sf)  }
0x2cb: {  	[tilespmem:s12], [sflag:$0x6] =	stream.linear.gather [hbm4b:s0+s3], $0x80, $0x38;
	[tilespmem:$0x14400] =	vst v63  }
0x2cc: {  	s0 =	sadd.s32 s4, s8;
	s8 =	sand.u32 $0x1FFFFFF0, s9;
	s9 =	spop (v2sf)  }
0x2cd: {  	[tilespmem:s11], [sflag:$0x6] =	stream.linear.gather [hbm4b:s0+s3], $0x80, $0x38;
	[tilespmem:$0x14400] =	vst v63  }
0x2ce: {  	s0 =	sadd.s32 s4, s7;
	s7 =	sand.u32 $0x1FFFFFF0, s9;
	s9 =	spop (v2sf)  }
0x2cf: {  	[tilespmem:s5], [sflag:$0x6] =	stream.linear.gather [hbm4b:s0+s3], $0x80, $0x38;
	[tilespmem:$0x14400] =	vst v63  }
0x2d0: {  	s0 =	sadd.s32 s4, s8;
	s5 =	sand.u32 $0x1FFFFFF0, s9  }
0x2d1: {  	[tilespmem:s13], [sflag:$0x6] =	stream.linear.gather [hbm4b:s0+s3], $0x80, $0x38;
	[tilespmem:$0x14400] =	vst v63  }
0x2d2: {  	s7 =	sadd.s32 s4, s7;
	s0 =	sadd.s32 $0xB00, s2  }
0x2d3: {  	[tilespmem:s0], [sflag:$0x6] =	stream.linear.gather [hbm4b:s7+s3], $0x80, $0x38;
	[tilespmem:$0x14400] =	vst v63  }
0x2d4: {  	s0 =	sadd.s32 $0xB80, s2;
	s2 =	sadd.s32 s4, s5  }
0x2d5: {  	[tilespmem:s0], [sflag:$0x6] =	stream.linear.gather [hbm4b:s2+s3], $0x80, $0x38;
	[tilespmem:$0x14400] =	vst v63  }
0x2d6: {  	v0 =	vld [tilespmem:s17+$0x0];
	_ =	sdelay $0x4  }
0x2d7: {  	v0 =	vshll.u32 v0, $0x4  }
0x2d8: {  	(v2sf) =	vpush v0, $0x0  }
0x2d9: {  	(v2sf) =	vpush v0, $0x1  }
0x2da: {  	(v2sf) =	vpush v0, $0x2;
	_ =	sdelay $0x1  }
0x2db: {  	(v2sf) =	vpush v0, $0x4  }
.Ltmp10:
0x2dc: {  	(pc) =	sbr.rel @p0 .LBB2_22-.Ltmp10, $3  }
0x2dd: {  	(v2sf) =	vpush v0, $0x3  }
0x2de: {  	(v2sf) =	vpush v0, $0x5;
	_ =	sdelay $0x1  }
0x2df: {  	s2 =	sshra.s32 s18, $0x2;
	(v2sf) =	vpush v0, $0x6  }
0x2e0: {  	_ =	sdelay $0x1  }
0x2e1: {  	s0 =	sadd.s32 $0x480, s2;
	s12 =	sadd.s32 $0x980, s2  }
0x2e2: {  	s7 =	sadd.s32 $0x780, s2;
	s5 =	sadd.s32 $0xA00, s2;
	(v2sf) =	vpush v0, $0x7;
	s8 =	sadd.s32 $0x680, s2  }
0x2e3: {  	s9 =	sadd.s32 $0x800, s2;
	s11 =	sadd.s32 $0xA80, s2;
	s10 =	sadd.s32 $0x400, s2  }
0x2e4: {  	s13 =	sadd.s32 $0x600, s2;
	s14 =	sadd.s32 $0x700, s2;
	(v2sf) =	vpush v0, $0x8;
	s15 =	spop (v2sf)  }
0x2e5: {  	s17 =	sadd.s32 $0x500, s2;
	s15 =	sand.u32 $0x1FFFFFF0, s15;
	s18 =	spop (v2sf)  }
0x2e6: {  	(v2sf) =	vpush v0, $0x9;
	s15 =	sadd.s32 s4, s15;
	s18 =	sand.u32 $0x1FFFFFF0, s18;
	s19 =	spop (v2sf)  }
0x2e7: {  	[tilespmem:s10], [sflag:$0x6] =	stream.linear.gather [hbm4b:s15+s3], $0x80, $0x38;
	[tilespmem:$0x14400] =	vst v63  }
0x2e8: {  	s20 =	sadd.s32 $0x580, s2;
	(v2sf) =	vpush v0, $0xA;
	s24 =	sadd.s32 s4, s18;
	s26 =	spop (v2sf)  }
0x2e9: {  	[tilespmem:s0], [sflag:$0x6] =	stream.linear.gather [hbm4b:s24+s3], $0x80, $0x38;
	[tilespmem:$0x14400] =	vst v63  }
0x2ea: {  	s10 =	sadd.s32 $0x900, s2;
	s28 =	sand.u32 $0x1FFFFFF0, s19;
	(v2sf) =	vpush v0, $0xB;
	s29 =	spop (v2sf)  }
0x2eb: {  	s15 =	sadd.s32 s4, s28;
	s0 =	sadd.s32 $0x880, s2;
	s19 =	sand.u32 $0x1FFFFFF0, s29  }
0x2ec: {  	(v2sf) =	vpush v0, $0xC;
	[tilespmem:s17], [sflag:$0x6] =	stream.linear.gather [hbm4b:s15+s3], $0x80, $0x38;
	[tilespmem:$0x14400] =	vst v63  }
0x2ed: {  	s30 =	sand.u32 $0x1FFFFFF0, s26;
	s31 =	spop (v2sf);
	s22 =	sadd.s32 s4, s19  }
0x2ee: {  	(v2sf) =	vpush v0, $0xD;
	[tilespmem:s20], [sflag:$0x6] =	stream.linear.gather [hbm4b:s22+s3], $0x80, $0x38;
	[tilespmem:$0x14400] =	vst v63  }
0x2ef: {  	s15 =	sadd.s32 s4, s30;
	s17 =	sand.u32 $0x1FFFFFF0, s31;
	s23 =	spop (v2sf)  }
0x2f0: {  	(v2sf) =	vpush v0, $0xE;
	[tilespmem:s13], [sflag:$0x6] =	stream.linear.gather [hbm4b:s15+s3], $0x80, $0x38;
	[tilespmem:$0x14400] =	vst v63  }
0x2f1: {  	s17 =	sadd.s32 s4, s17;
	s24 =	sand.u32 $0x1FFFFFF0, s23;
	s26 =	spop (v2sf)  }
0x2f2: {  	(v2sf) =	vpush v0, $0xF;
	[tilespmem:s8], [sflag:$0x6] =	stream.linear.gather [hbm4b:s17+s3], $0x80, $0x38;
	[tilespmem:$0x14400] =	vst v63  }
0x2f3: {  	s28 =	sand.u32 $0x1FFFFFF0, s26;
	s29 =	spop (v2sf);
	s13 =	sadd.s32 s4, s24  }
0x2f4: {  	[tilespmem:s14], [sflag:$0x6] =	stream.linear.gather [hbm4b:s13+s3], $0x80, $0x38;
	[tilespmem:$0x14400] =	vst v63  }
0x2f5: {  	s30 =	sand.u32 $0x1FFFFFF0, s29;
	s8 =	sadd.s32 s4, s28;
	s31 =	spop (v2sf)  }
0x2f6: {  	[tilespmem:s7], [sflag:$0x6] =	stream.linear.gather [hbm4b:s8+s3], $0x80, $0x38;
	[tilespmem:$0x14400] =	vst v63  }
0x2f7: {  	s13 =	sadd.s32 s4, s30;
	s15 =	sand.u32 $0x1FFFFFF0, s31;
	s17 =	spop (v2sf)  }
0x2f8: {  	[tilespmem:s9], [sflag:$0x6] =	stream.linear.gather [hbm4b:s13+s3], $0x80, $0x38;
	[tilespmem:$0x14400] =	vst v63  }
0x2f9: {  	s8 =	sand.u32 $0x1FFFFFF0, s17;
	s7 =	sadd.s32 s4, s15;
	s18 =	spop (v2sf)  }
0x2fa: {  	[tilespmem:s0], [sflag:$0x6] =	stream.linear.gather [hbm4b:s7+s3], $0x80, $0x38;
	[tilespmem:$0x14400] =	vst v63  }
0x2fb: {  	s8 =	sadd.s32 s4, s8;
	s19 =	sand.u32 $0x1FFFFFF0, s18;
	s20 =	spop (v2sf)  }
0x2fc: {  	[tilespmem:s10], [sflag:$0x6] =	stream.linear.gather [hbm4b:s8+s3], $0x80, $0x38;
	[tilespmem:$0x14400] =	vst v63  }
0x2fd: {  	s0 =	sadd.s32 s4, s19;
	s7 =	sand.u32 $0x1FFFFFF0, s20;
	s22 =	spop (v2sf)  }
0x2fe: {  	[tilespmem:s12], [sflag:$0x6] =	stream.linear.gather [hbm4b:s0+s3], $0x80, $0x38;
	[tilespmem:$0x14400] =	vst v63  }
0x2ff: {  	s23 =	sand.u32 $0x1FFFFFF0, s22;
	s7 =	sadd.s32 s4, s7;
	s24 =	spop (v2sf)  }
0x300: {  	[tilespmem:s5], [sflag:$0x6] =	stream.linear.gather [hbm4b:s7+s3], $0x80, $0x38;
	[tilespmem:$0x14400] =	vst v63  }
0x301: {  	s26 =	sand.u32 $0x1FFFFFF0, s24;
	s28 =	spop (v2sf);
	s0 =	sadd.s32 s4, s23  }
0x302: {  	[tilespmem:s11], [sflag:$0x6] =	stream.linear.gather [hbm4b:s0+s3], $0x80, $0x38;
	[tilespmem:$0x14400] =	vst v63  }
0x303: {  	s30 =	sadd.s32 $0xB00, s2;
	s29 =	sand.u32 $0x1FFFFFF0, s28;
	s5 =	sadd.s32 s4, s26  }
0x304: {  	[tilespmem:s30], [sflag:$0x6] =	stream.linear.gather [hbm4b:s5+s3], $0x80, $0x38;
	[tilespmem:$0x14400] =	vst v63  }
0x305: {  	s31 =	sadd.s32 $0xB80, s2;
	s0 =	sadd.s32 s4, s29  }
0x306: {  	[tilespmem:s31], [sflag:$0x6] =	stream.linear.gather [hbm4b:s0+s3], $0x80, $0x38;
	[tilespmem:$0x14400] =	vst v63  }
.LBB2_24:
0x307: {  	s0 =	simm.s32 $0xA  }
0x308: {  	_ =	swait.ge [sflag:s0], $0x4000  }
0x309: {  	[sflag:s0] =	ssyncset.done $0x0  }
0x30a: {  	s2 =	simm.s32 $0xFFFFC000;
	[sflag:s0] =	ssyncadd.s32 $0xFFFFC000  }
0x30b: {  	v0 =	vld [tilespmem:s2+$0x14400]  }
0x30c: {  	v2 =	vld [tilespmem:s2+$0x14410]  }
0x30d: {  	s5 =	simm.s32 $0xFFFF0200;
	v1 =	vld [tilespmem:s2+$0x14420]  }
.LBB2_25:
0x30e: {  	p0 =	sne.s32 s5, $0xFFFFFE00;
	v3 =	vld [tilespmem:s2+$0x14430];
	_ =	sdelay $0x1  }
0x30f: {  	v0 =	vmul.f32 $8.000000000e+00, v0  }
.Ltmp11:
0x310: {  	v2 =	vmul.f32 $8.000000000e+00, v2;
	(pc) =	sbr.rel @p0 .LBB2_25-.Ltmp11, $4  }
0x311: {  	s0 =	sshra.s32 s5, $0x2;
	[tilespmem:s2+$0x14400] =	vst v0;
	v1 =	vmul.f32 $8.000000000e+00, v1  }
0x312: {  	v0 =	vld [tilespmem:s0+$0x14400];
	[tilespmem:s2+$0x14410] =	vst v2;
	v3 =	vmul.f32 $8.000000000e+00, v3  }
0x313: {  	v2 =	vld [tilespmem:s0+$0x14410];
	[tilespmem:s2+$0x14420] =	vst v1  }
0x314: {  	s5 =	sadd.s32 $0x200, s5;
	v1 =	vld [tilespmem:s0+$0x14420];
	[tilespmem:s2+$0x14430] =	vst v3;
	s2 =	smov.u32 s0  }
0x315: {  	v3 =	vld [tilespmem:s2+$0x14430];
	_ =	sdelay $0x1  }
0x316: {  	s21 =	sadd.s32 $0x1, s21;
	v0 =	vmul.f32 $8.000000000e+00, v0  }
0x317: {  	p0 =	sne.s32 s21, $0xA;
	v2 =	vmul.f32 $8.000000000e+00, v2  }
.Ltmp12:
0x318: {  	[tilespmem:s2+$0x14400] =	vst v0;
	v62 =	vmul.f32 $8.000000000e+00, v1;
	(pc) =	sbr.rel @p0 .LBB2_4-.Ltmp12, $4  }
0x319: {  	[tilespmem:s2+$0x14410] =	vst v2;
	v63 =	vmul.f32 $8.000000000e+00, v3  }
0x31a: {  	s0 =	sshll.u32 s25, $0x10;
	s30 =	rddreg [dreg:$0xc];
	[tilespmem:s2+$0x14420] =	vst v62  }
0x31b: {  	s31 =	simm.s32 $0x10400;
	s0 =	sadd.s32 s0, s30;
	[tilespmem:s2+$0x14430] =	vst v63  }
0x31c: {  	[hbm4b:s0+s3] =	stream.linear.scatter [tilespmem:s31], [sflag:$0xF], $0x4000, $0x38;
	[tilespmem:$0x14400] =	vst v63  }
0x31d: {  	s0 =	simm.s32 $0xB  }
0x31e: {  	_ =	swait.ge [sflag:s0], $0x4000  }
0x31f: {  	[sflag:s0] =	ssyncset.done $0x0  }
0x320: {  	s28 =	simm.s32 $0xC;
	[sflag:s0] =	ssyncadd.s32 $0xFFFFC000  }
0x321: {  	_ =	swait.ge [sflag:s28], $0x4000  }
0x322: {  	[sflag:s28] =	ssyncset.done $0x0  }
0x323: {  	s29 =	simm.s32 $0xD;
	[sflag:s28] =	ssyncadd.s32 $0xFFFFC000  }
0x324: {  	_ =	swait.ge [sflag:s29], $0x4000  }
0x325: {  	[sflag:s29] =	ssyncset.done $0x0  }
0x326: {  	s30 =	simm.s32 $0xE;
	[sflag:s29] =	ssyncadd.s32 $0xFFFFC000  }
0x327: {  	_ =	swait.ge [sflag:s30], $0x4000  }
0x328: {  	[sflag:s30] =	ssyncset.done $0x0  }
0x329: {  	s2 =	simm.s32 $0xF;
	[sflag:s30] =	ssyncadd.s32 $0xFFFFC000  }
0x32a: {  	_ =	swait.ge [sflag:s2], $0x4000  }
0x32b: {  	s5 =	rddreg [dreg:$0xe]  }
0x32c: {  	s31 =	rddreg [dreg:$0xd];
	s5 =	sadd.s32 $0x1, s5  }
0x32d: {  	p0 =	sne.s32 s5, s31  }
.Ltmp13:
0x32e: {  	_ = 	snop;
	(pc) =	sbr.rel @p0 .LBB2_1-.Ltmp13, $3  }
0x32f: {  	_ =	sdelay $0x1  }
0x330: {  	[sflag:s2] =	ssyncset.done $0x0  }
0x331: {  	[sflag:s2] =	ssyncadd.s32 $0xFFFFC000  }
0x332: {  	_ =	sfence.sel $0x180000  }
0x333: {  	[bflag:$0x0] =	sbarrier.arrive $0xFFFF  }
0x334: {  	_ =	strace $0x90000047  }
0x335: {  	s0 =	stileid.u32;
	[bflag:$0x2] =	sbarrier.arrive $0xFFFF  }
0x336: {  	p0 =	sne.s32 s0, $0x0;
	s0 =	rddreg [dreg:$0x2]  }
0x337: {  	s0 =	sadd.s32 @!p0 $0x100000, s0  }
0x338: {  	[sflag:s0] =	ssyncadd.tile.s32 @!p0 $0x1;
	_ =	shalt  }
.Lfunc_end2:
_tile_overlayer_lowered:
.L_overlay_start_2:
0x339: {  	(tag) =	ssettag $0x2  }
0x33a: {  	s0 =	rddreg [dreg:$0x0];
	s2 =	stileid.u32  }
0x33b: {  	s1 =	rddreg [dreg:$0x1];
	p0 =	sne.s32 s2, $0x0  }
0x33c: {  	s3 =	rddreg [dreg:$0x2];
	[bflag:$0x3] =	sbarrier.arrive $0xFFFF;
	s2 =	simm.s32 @!p0 $0x1C10  }
0x33d: {  	[timem:s3], [sflag:s2] =	dma.local @!p0 [hbm:s0], s1  }
0x33e: {  	s0 =	simm.s32 @!p0 $0x10  }
0x33f: {  	_ =	swait.ge @!p0 [sflag:s0], s1  }
0x340: {  	s1 =	ssub.s32 @!p0 $0x0, s1;
	[sflag:s0] =	ssyncset.done @!p0 $0x0  }
0x341: {  	[sflag:s0] =	ssyncadd.s32 @!p0 s1  }
0x342: {  	[bflag:$0x3] =	sbarrier.arrive $0xFFFF  }
0x343: {  	_ =	shalt  }

</sc_bundles>
